<compile_context>
chip_gen: v7x
topology: tpu7x:2x2x1
jax: 0.10.2.dev20260603
libtpu: 0.0.44.dev20260713+nightly
codegen_flags: <defaults>
</compile_context>

<pallas_src>
import functools

import jax
import jax.numpy as jnp
from jax import lax
from jax.experimental import pallas as pl
from jax.experimental.pallas import tpu as pltpu
from jax.experimental.pallas import tpu_sc as plsc

N_V = 10000
N_F = 10000
DIM = 128
LANES = 16

CHUNK = 80
NCHUNKS = N_F // CHUNK
MAXT = 4
IPAD = 32 * MAXT * CHUNK


def _face_features_sc(primal, dual, i0, i1, i2):
    info = plsc.get_sparse_core_info()
    nc, ns = info.num_cores, info.num_subcores
    nw = nc * ns
    mesh = plsc.VectorSubcoreMesh(core_axis_name="c", subcore_axis_name="s")
    full = NCHUNKS - nw * (MAXT - 1)

    rows = pltpu.VMEM((CHUNK, DIM), jnp.float32)

    @functools.partial(
        pl.kernel,
        mesh=mesh,
        out_type=jax.ShapeDtypeStruct((N_F, DIM), jnp.float32),
        scratch_types=[
            pltpu.VMEM((MAXT * CHUNK,), jnp.int32),
            pltpu.VMEM((MAXT * CHUNK,), jnp.int32),
            pltpu.VMEM((MAXT * CHUNK,), jnp.int32),
            rows, rows, rows, rows, rows,
            rows, rows, rows, rows, rows,
            pltpu.SemaphoreType.DMA,
            pltpu.SemaphoreType.DMA,
            pltpu.SemaphoreType.DMA,
            pltpu.SemaphoreType.DMA,
        ],
    )
    def sc_kernel(primal_hbm, dual_hbm, i0_hbm, i1_hbm, i2_hbm, f_hbm,
                  iva, ivb, ivc,
                  p0a, p1a, p2a, dva, fva,
                  p0b, p1b, p2b, dvb, fvb,
                  sema, semb, wsema, wsemb):
        wid = lax.axis_index("s") * nc + lax.axis_index("c")
        start = wid * MAXT - jnp.maximum(wid - full, 0)
        count = jnp.where(wid < full, MAXT, MAXT - 1)
        base0 = start * CHUNK
        slots = [
            (p0a, p1a, p2a, dva, fva, sema, wsema),
            (p0b, p1b, p2b, dvb, fvb, semb, wsemb),
        ]

        pltpu.sync_copy(i0_hbm.at[pl.ds(base0, MAXT * CHUNK)], iva)
        pltpu.sync_copy(i1_hbm.at[pl.ds(base0, MAXT * CHUNK)], ivb)
        pltpu.sync_copy(i2_hbm.at[pl.ds(base0, MAXT * CHUNK)], ivc)

        def fire(t):
            p0, p1, p2, dv, fv, sem, wsem = slots[t % 2]
            isl = pl.ds(t * CHUNK, CHUNK)

            @pl.when(t < count)
            def _():
                pltpu.async_copy(primal_hbm.at[iva.at[isl]], p0, sem)
                pltpu.async_copy(primal_hbm.at[ivb.at[isl]], p1, sem)
                pltpu.async_copy(primal_hbm.at[ivc.at[isl]], p2, sem)
                pltpu.async_copy(
                    dual_hbm.at[pl.ds(base0 + t * CHUNK, CHUNK)], dv, sem)

        def drain(t):
            p0, p1, p2, dv, fv, sem, wsem = slots[t % 2]
            isl = pl.ds(t * CHUNK, CHUNK)

            @pl.when(t < count)
            def _():
                pltpu.make_async_copy(primal_hbm.at[iva.at[isl]], p0, sem).wait()
                pltpu.make_async_copy(primal_hbm.at[ivb.at[isl]], p1, sem).wait()
                pltpu.make_async_copy(primal_hbm.at[ivc.at[isl]], p2, sem).wait()
                pltpu.make_async_copy(
                    dual_hbm.at[pl.ds(base0 + t * CHUNK, CHUNK)], dv, sem).wait()

        def drain_write(t):
            p0, p1, p2, dv, fv, sem, wsem = slots[t % 2]

            @pl.when(t < count)
            def _():
                pltpu.make_async_copy(
                    fv, f_hbm.at[pl.ds(base0 + t * CHUNK, CHUNK)], wsem).wait()

        def compute_and_store(t):
            p0, p1, p2, dv, fv, sem, wsem = slots[t % 2]

            @pl.when(t < count)
            def _():
                @plsc.parallel_loop(0, CHUNK, 1, unroll=2)
                def body(r):
                    for d in range(DIM // LANES):
                        sl = pl.ds(d * LANES, LANES)
                        dd = dv[r, sl]
                        acc = (jnp.abs(p0[r, sl] - dd)
                               + jnp.abs(p1[r, sl] - dd)
                               + jnp.abs(p2[r, sl] - dd))
                        fv[r, sl] = acc * jnp.float32(1.0 / 3.0)
                pltpu.async_copy(
                    fv, f_hbm.at[pl.ds(base0 + t * CHUNK, CHUNK)], wsem)

        fire(0)
        for t in range(MAXT):
            if t + 1 < MAXT:
                fire(t + 1)
            drain(t)
            if t >= 2:
                drain_write(t - 2)
            compute_and_store(t)
        drain_write(MAXT - 2)
        drain_write(MAXT - 1)

    return sc_kernel(primal, dual, i0, i1, i2)


BI = 400
NBI = N_V // BI


def _tc_fused_body(a_ref, f_all_ref, primal_ref, dual_ref,
                   wp1_ref, wp2_ref, wd1_ref, wd2_ref, bp_ref, bd_ref,
                   outp_ref, outd_ref):
    i = pl.program_id(0)
    f_all = f_all_ref[...]
    mapped = jnp.dot(a_ref[...], f_all, preferred_element_type=jnp.float32)
    outp_ref[...] = jnp.maximum(
        jnp.dot(primal_ref[...], wp1_ref[...],
                preferred_element_type=jnp.float32)
        + jnp.dot(mapped, wp2_ref[...], preferred_element_type=jnp.float32)
        + bp_ref[...], 0.0)
    f_blk = f_all_ref[pl.ds(i * BI, BI), :]
    outd_ref[...] = jnp.maximum(
        jnp.dot(dual_ref[...], wd1_ref[...],
                preferred_element_type=jnp.float32)
        + jnp.dot(f_blk, wd2_ref[...], preferred_element_type=jnp.float32)
        + bd_ref[...], 0.0)


def _tc_fused(A, f, primal, dual, wp1, wp2, wd1, wd2, bp, bd):
    out_shape = (
        jax.ShapeDtypeStruct((N_V, DIM), jnp.float32),
        jax.ShapeDtypeStruct((N_F, DIM), jnp.float32),
    )
    dimdim = pl.BlockSpec((DIM, DIM), lambda i: (0, 0))
    rowblk = pl.BlockSpec((BI, DIM), lambda i: (i, 0))
    bias = pl.BlockSpec((1, DIM), lambda i: (0, 0))
    return pl.pallas_call(
        _tc_fused_body,
        grid=(NBI,),
        in_specs=[
            pl.BlockSpec((BI, N_F), lambda i: (i, 0)),
            pl.BlockSpec((N_F, DIM), lambda i: (0, 0)),
            rowblk,
            rowblk,
            dimdim, dimdim, dimdim, dimdim,
            bias, bias,
        ],
        out_specs=(rowblk, rowblk),
        out_shape=out_shape,
        compiler_params=pltpu.CompilerParams(
            dimension_semantics=("arbitrary",),
        ),
    )(A, f, primal, dual, wp1, wp2, wd1, wd2, bp, bd)


def kernel(primal, dual, A, faces, W_primal, b_primal, W_dual, b_dual):
    faces = faces.astype(jnp.int32)
    pad = IPAD - N_F
    i0 = jnp.pad(faces[:, 0], (0, pad))
    i1 = jnp.pad(faces[:, 1], (0, pad))
    i2 = jnp.pad(faces[:, 2], (0, pad))
    wp1 = W_primal[:, :DIM].T
    wp2 = W_primal[:, DIM:].T
    wd1 = W_dual[:, :DIM].T
    wd2 = W_dual[:, DIM:].T
    bp = b_primal.reshape(1, DIM)
    bd = b_dual.reshape(1, DIM)
    f = _face_features_sc(primal, dual, i0, i1, i2)
    out_primal, out_dual = _tc_fused(A, f, primal, dual,
                                     wp1, wp2, wd1, wd2, bp, bd)
    return (out_primal, out_dual)

# --- scband reference (transcript-rebuilt; emitter-appended) ---
"""Pipeline reference for scband-pdf-89000312308226 (READ-ONLY COPY).

The authoritative reference and input builder live on the scoring server;
editing this copy changes nothing except your own understanding.
"""

import jax, jax.numpy as jnp
import numpy as np

N_V = 10000
N_F = 10000
DIM = 128

def setup_inputs(seed: int = 0) -> dict:
    key = jax.random.key(seed)
    k_primal, k_dual, k_A, k_faces, k_wp, k_bp, k_wd, k_bd = jax.random.split(key, 8)
    primal = jax.random.normal(k_primal, (N_V, DIM), dtype=jnp.float32)
    dual = jax.random.normal(k_dual, (N_F, DIM), dtype=jnp.float32)
    # degree-normalized dense vertex-face adjacency
    A = jax.random.uniform(k_A, (N_V, N_F), dtype=jnp.float32) / jnp.float32(N_F)
    faces = jax.random.randint(k_faces, (N_F, 3), 0, N_V, dtype=jnp.int64)
    # Linear params, torch convention: W has shape (out_features, in_features)
    scale_in = 1.0 / np.sqrt(2 * DIM)
    W_primal = jax.random.uniform(k_wp, (DIM, 2 * DIM), dtype=jnp.float32, minval=-scale_in, maxval=scale_in)
    b_primal = jax.random.uniform(k_bp, (DIM,), dtype=jnp.float32, minval=-scale_in, maxval=scale_in)
    W_dual = jax.random.uniform(k_wd, (DIM, 2 * DIM), dtype=jnp.float32, minval=-scale_in, maxval=scale_in)
    b_dual = jax.random.uniform(k_bd, (DIM,), dtype=jnp.float32, minval=-scale_in, maxval=scale_in)
    return {"primal": primal, "dual": dual, "A": A, "faces": faces,
            "W_primal": W_primal, "b_primal": b_primal,
            "W_dual": W_dual, "b_dual": b_dual}

def dap(Xv, Xf, faces):
    P = Xv[faces]                 # (N_f, 3, dim) gather
    d = Xf[:, None, :]            # (N_f, 1, dim)
    L = jnp.abs(P - d)
    return jnp.mean(L, axis=1)    # (N_f, dim)

def reference(primal, dual, A, faces, W_primal, b_primal, W_dual, b_dual):
    f = dap(primal, dual, faces)
    dual_cat = jnp.concatenate([dual, f], axis=1)
    out_dual = jax.nn.relu(dual_cat @ W_dual.T + b_dual)
    mapped = A @ f                # dual -> primal mapping
    primal_cat = jnp.concatenate([primal, mapped], axis=1)
    out_primal = jax.nn.relu(primal_cat @ W_primal.T + b_primal)
    return (out_primal, out_dual)

if __name__ == "__main__":
    import jax
    _d = setup_inputs()
    print(jax.jit(kernel)(*tuple(_d.values())))

</pallas_src>

<mosaic_0001>
#map = affine_map<(d0, d1) -> (0, 0)>
#map1 = affine_map<(d0, d1) -> (0)>
module attributes {stable_mosaic.version = 14 : i64} {
  func.func @sc_kernel(%arg0: i32, %arg1: i32, %arg2: memref<10000x128xf32, #tpu.memory_space<hbm>>, %arg3: memref<10000x128xf32, #tpu.memory_space<hbm>>, %arg4: memref<10240xi32, #tpu.memory_space<hbm>>, %arg5: memref<10240xi32, #tpu.memory_space<hbm>>, %arg6: memref<10240xi32, #tpu.memory_space<hbm>>, %arg7: memref<10000x128xf32, #tpu.memory_space<hbm>>, %arg8: memref<320xi32, #tpu.memory_space<vmem>>, %arg9: memref<320xi32, #tpu.memory_space<vmem>>, %arg10: memref<320xi32, #tpu.memory_space<vmem>>, %arg11: memref<80x128xf32, #tpu.memory_space<vmem>>, %arg12: memref<80x128xf32, #tpu.memory_space<vmem>>, %arg13: memref<80x128xf32, #tpu.memory_space<vmem>>, %arg14: memref<80x128xf32, #tpu.memory_space<vmem>>, %arg15: memref<80x128xf32, #tpu.memory_space<vmem>>, %arg16: memref<80x128xf32, #tpu.memory_space<vmem>>, %arg17: memref<80x128xf32, #tpu.memory_space<vmem>>, %arg18: memref<80x128xf32, #tpu.memory_space<vmem>>, %arg19: memref<80x128xf32, #tpu.memory_space<vmem>>, %arg20: memref<80x128xf32, #tpu.memory_space<vmem>>, %arg21: memref<!tpu.dma_semaphore, #tpu.memory_space<semaphore_mem>>, %arg22: memref<!tpu.dma_semaphore, #tpu.memory_space<semaphore_mem>>, %arg23: memref<!tpu.dma_semaphore, #tpu.memory_space<semaphore_mem>>, %arg24: memref<!tpu.dma_semaphore, #tpu.memory_space<semaphore_mem>>) attributes {dimension_semantics = [#tpu.dimension_semantics<core_parallel>, #tpu.dimension_semantics<subcore_parallel>], iteration_bounds = array<i64: 2, 16>, scalar_prefetch = 0 : i64, scratch_operands = 17 : i64, tpu.core_type = #tpu.core_type<sc_vector_subcore>, window_params = [{transform_indices = #map}, {transform_indices = #map}, {transform_indices = #map1}, {transform_indices = #map1}, {transform_indices = #map1}, {transform_indices = #map}]} {
    %mul3A = arith.constant 2 : i32
    %mul3A_0 = arith.muli %arg1, %mul3A : i32
    %add3A = arith.addi %mul3A_0, %arg0 : i32
    %mul3A_1 = arith.constant 4 : i32
    %mul3A_2 = arith.muli %add3A, %mul3A_1 : i32
    %sub3A = arith.constant 29 : i32
    %sub3A_3 = arith.subi %add3A, %sub3A : i32
    %max3A = arith.constant 0 : i32
    %max3A_4 = arith.maxsi %sub3A_3, %max3A : i32
    %sub3A_5 = arith.subi %mul3A_2, %max3A_4 : i32
    %lt3A = arith.constant 29 : i32
    %lt3A_6 = arith.cmpi slt, %add3A, %lt3A : i32
    %jit3A = arith.constant 4 : i32
    %jit3A_7 = arith.constant 3 : i32
    %select_n3A = arith.select %lt3A_6, %jit3A, %jit3A_7 : i32
    %mul3A_8 = arith.constant 80 : i32
    %mul3A_9 = arith.muli %sub3A_5, %mul3A_8 : i32
    "tpu.region"() ({
      %run_scoped3A = tpu.sem_alloc : memref<!tpu.dma_semaphore, #tpu.memory_space<semaphore_mem>>
      %dma_start3A = tpu.memref_slice %arg4[%mul3A_9] : memref<10240xi32, #tpu.memory_space<hbm>> -> memref<320xi32, #tpu.memory_space<hbm>>
      %dma_start3A_87 = tpu.memref_slice %arg4[%mul3A_9] : memref<10240xi32, #tpu.memory_space<hbm>> -> memref<320xi32, #tpu.memory_space<hbm>>
      tpu.enqueue_dma source(%dma_start3A_87 : memref<320xi32, #tpu.memory_space<hbm>>) target(%arg8 : memref<320xi32, #tpu.memory_space<vmem>>) target_semaphore(%run_scoped3A : memref<!tpu.dma_semaphore, #tpu.memory_space<semaphore_mem>>)
      %dma_wait3A = tpu.memref_slice %arg4[%mul3A_9] : memref<10240xi32, #tpu.memory_space<hbm>> -> memref<320xi32, #tpu.memory_space<hbm>>
      %dma_wait3A_88 = tpu.memref_slice %arg4[%mul3A_9] : memref<10240xi32, #tpu.memory_space<hbm>> -> memref<320xi32, #tpu.memory_space<hbm>>
      tpu.wait_dma2 semaphore(%run_scoped3A : memref<!tpu.dma_semaphore, #tpu.memory_space<semaphore_mem>>) src(%dma_wait3A_88 : memref<320xi32, #tpu.memory_space<hbm>>) dst(%arg8 : memref<320xi32, #tpu.memory_space<vmem>>)
      tpu.yield
    }) : () -> ()
    "tpu.region"() ({
      %run_scoped3A = tpu.sem_alloc : memref<!tpu.dma_semaphore, #tpu.memory_space<semaphore_mem>>
      %dma_start3A = tpu.memref_slice %arg5[%mul3A_9] : memref<10240xi32, #tpu.memory_space<hbm>> -> memref<320xi32, #tpu.memory_space<hbm>>
      %dma_start3A_87 = tpu.memref_slice %arg5[%mul3A_9] : memref<10240xi32, #tpu.memory_space<hbm>> -> memref<320xi32, #tpu.memory_space<hbm>>
      tpu.enqueue_dma source(%dma_start3A_87 : memref<320xi32, #tpu.memory_space<hbm>>) target(%arg9 : memref<320xi32, #tpu.memory_space<vmem>>) target_semaphore(%run_scoped3A : memref<!tpu.dma_semaphore, #tpu.memory_space<semaphore_mem>>)
      %dma_wait3A = tpu.memref_slice %arg5[%mul3A_9] : memref<10240xi32, #tpu.memory_space<hbm>> -> memref<320xi32, #tpu.memory_space<hbm>>
      %dma_wait3A_88 = tpu.memref_slice %arg5[%mul3A_9] : memref<10240xi32, #tpu.memory_space<hbm>> -> memref<320xi32, #tpu.memory_space<hbm>>
      tpu.wait_dma2 semaphore(%run_scoped3A : memref<!tpu.dma_semaphore, #tpu.memory_space<semaphore_mem>>) src(%dma_wait3A_88 : memref<320xi32, #tpu.memory_space<hbm>>) dst(%arg9 : memref<320xi32, #tpu.memory_space<vmem>>)
      tpu.yield
    }) : () -> ()
    "tpu.region"() ({
      %run_scoped3A = tpu.sem_alloc : memref<!tpu.dma_semaphore, #tpu.memory_space<semaphore_mem>>
      %dma_start3A = tpu.memref_slice %arg6[%mul3A_9] : memref<10240xi32, #tpu.memory_space<hbm>> -> memref<320xi32, #tpu.memory_space<hbm>>
      %dma_start3A_87 = tpu.memref_slice %arg6[%mul3A_9] : memref<10240xi32, #tpu.memory_space<hbm>> -> memref<320xi32, #tpu.memory_space<hbm>>
      tpu.enqueue_dma source(%dma_start3A_87 : memref<320xi32, #tpu.memory_space<hbm>>) target(%arg10 : memref<320xi32, #tpu.memory_space<vmem>>) target_semaphore(%run_scoped3A : memref<!tpu.dma_semaphore, #tpu.memory_space<semaphore_mem>>)
      %dma_wait3A = tpu.memref_slice %arg6[%mul3A_9] : memref<10240xi32, #tpu.memory_space<hbm>> -> memref<320xi32, #tpu.memory_space<hbm>>
      %dma_wait3A_88 = tpu.memref_slice %arg6[%mul3A_9] : memref<10240xi32, #tpu.memory_space<hbm>> -> memref<320xi32, #tpu.memory_space<hbm>>
      tpu.wait_dma2 semaphore(%run_scoped3A : memref<!tpu.dma_semaphore, #tpu.memory_space<semaphore_mem>>) src(%dma_wait3A_88 : memref<320xi32, #tpu.memory_space<hbm>>) dst(%arg10 : memref<320xi32, #tpu.memory_space<vmem>>)
      tpu.yield
    }) : () -> ()
    %gt3A = arith.constant 0 : i32
    %gt3A_10 = arith.cmpi sgt, %select_n3A, %gt3A : i32
    %convert_element_type3A = arith.extui %gt3A_10 : i1 to i32
    %cond3A = arith.constant 0 : i32
    %cond3A_11 = arith.cmpi ne, %convert_element_type3A, %cond3A : i32
    scf.if %cond3A_11 {
      %dma_start3A = arith.constant 0 : i32
      %dma_start3A_87 = tpu.memref_slice %arg8[%dma_start3A] : memref<320xi32, #tpu.memory_space<vmem>> -> memref<80xi32, #tpu.memory_space<vmem>>
      %dma_start3A_88 = arith.constant 0 : i32
      %dma_start3A_89 = arith.constant 0 : i32
      %dma_start3A_90 = tpu.memref_slice %arg2[%dma_start3A_88, %dma_start3A_89] : memref<10000x128xf32, #tpu.memory_space<hbm>> -> memref<10000x128xf32, #tpu.memory_space<hbm>>
      tpu.enqueue_indirect_dma source(%dma_start3A_90 : memref<10000x128xf32, #tpu.memory_space<hbm>>) target(%arg11 : memref<80x128xf32, #tpu.memory_space<vmem>>) offsets(%dma_start3A_87 : memref<80xi32, #tpu.memory_space<vmem>>) semaphore(%arg21 : memref<!tpu.dma_semaphore, #tpu.memory_space<semaphore_mem>>)
      %dma_start3A_91 = arith.constant 0 : i32
      %dma_start3A_92 = tpu.memref_slice %arg9[%dma_start3A_91] : memref<320xi32, #tpu.memory_space<vmem>> -> memref<80xi32, #tpu.memory_space<vmem>>
      %dma_start3A_93 = arith.constant 0 : i32
      %dma_start3A_94 = arith.constant 0 : i32
      %dma_start3A_95 = tpu.memref_slice %arg2[%dma_start3A_93, %dma_start3A_94] : memref<10000x128xf32, #tpu.memory_space<hbm>> -> memref<10000x128xf32, #tpu.memory_space<hbm>>
      tpu.enqueue_indirect_dma source(%dma_start3A_95 : memref<10000x128xf32, #tpu.memory_space<hbm>>) target(%arg12 : memref<80x128xf32, #tpu.memory_space<vmem>>) offsets(%dma_start3A_92 : memref<80xi32, #tpu.memory_space<vmem>>) semaphore(%arg21 : memref<!tpu.dma_semaphore, #tpu.memory_space<semaphore_mem>>)
      %dma_start3A_96 = arith.constant 0 : i32
      %dma_start3A_97 = tpu.memref_slice %arg10[%dma_start3A_96] : memref<320xi32, #tpu.memory_space<vmem>> -> memref<80xi32, #tpu.memory_space<vmem>>
      %dma_start3A_98 = arith.constant 0 : i32
      %dma_start3A_99 = arith.constant 0 : i32
      %dma_start3A_100 = tpu.memref_slice %arg2[%dma_start3A_98, %dma_start3A_99] : memref<10000x128xf32, #tpu.memory_space<hbm>> -> memref<10000x128xf32, #tpu.memory_space<hbm>>
      tpu.enqueue_indirect_dma source(%dma_start3A_100 : memref<10000x128xf32, #tpu.memory_space<hbm>>) target(%arg13 : memref<80x128xf32, #tpu.memory_space<vmem>>) offsets(%dma_start3A_97 : memref<80xi32, #tpu.memory_space<vmem>>) semaphore(%arg21 : memref<!tpu.dma_semaphore, #tpu.memory_space<semaphore_mem>>)
      %add3A_101 = arith.constant 0 : i32
      %add3A_102 = arith.addi %mul3A_9, %add3A_101 : i32
      %dma_start3A_103 = arith.constant 0 : i32
      %dma_start3A_104 = tpu.memref_slice %arg3[%add3A_102, %dma_start3A_103] : memref<10000x128xf32, #tpu.memory_space<hbm>> -> memref<80x128xf32, #tpu.memory_space<hbm>>
      %dma_start3A_105 = arith.constant 0 : i32
      %dma_start3A_106 = tpu.memref_slice %arg3[%add3A_102, %dma_start3A_105] : memref<10000x128xf32, #tpu.memory_space<hbm>> -> memref<80x128xf32, #tpu.memory_space<hbm>>
      tpu.enqueue_dma source(%dma_start3A_106 : memref<80x128xf32, #tpu.memory_space<hbm>>) target(%arg14 : memref<80x128xf32, #tpu.memory_space<vmem>>) target_semaphore(%arg21 : memref<!tpu.dma_semaphore, #tpu.memory_space<semaphore_mem>>)
    } else {
    }
    %gt3A_12 = arith.constant 1 : i32
    %gt3A_13 = arith.cmpi sgt, %select_n3A, %gt3A_12 : i32
    %convert_element_type3A_14 = arith.extui %gt3A_13 : i1 to i32
    %cond3A_15 = arith.constant 0 : i32
    %cond3A_16 = arith.cmpi ne, %convert_element_type3A_14, %cond3A_15 : i32
    scf.if %cond3A_16 {
      %dma_start3A = arith.constant 80 : i32
      %dma_start3A_87 = tpu.memref_slice %arg8[%dma_start3A] : memref<320xi32, #tpu.memory_space<vmem>> -> memref<80xi32, #tpu.memory_space<vmem>>
      %dma_start3A_88 = arith.constant 0 : i32
      %dma_start3A_89 = arith.constant 0 : i32
      %dma_start3A_90 = tpu.memref_slice %arg2[%dma_start3A_88, %dma_start3A_89] : memref<10000x128xf32, #tpu.memory_space<hbm>> -> memref<10000x128xf32, #tpu.memory_space<hbm>>
      tpu.enqueue_indirect_dma source(%dma_start3A_90 : memref<10000x128xf32, #tpu.memory_space<hbm>>) target(%arg16 : memref<80x128xf32, #tpu.memory_space<vmem>>) offsets(%dma_start3A_87 : memref<80xi32, #tpu.memory_space<vmem>>) semaphore(%arg22 : memref<!tpu.dma_semaphore, #tpu.memory_space<semaphore_mem>>)
      %dma_start3A_91 = arith.constant 80 : i32
      %dma_start3A_92 = tpu.memref_slice %arg9[%dma_start3A_91] : memref<320xi32, #tpu.memory_space<vmem>> -> memref<80xi32, #tpu.memory_space<vmem>>
      %dma_start3A_93 = arith.constant 0 : i32
      %dma_start3A_94 = arith.constant 0 : i32
      %dma_start3A_95 = tpu.memref_slice %arg2[%dma_start3A_93, %dma_start3A_94] : memref<10000x128xf32, #tpu.memory_space<hbm>> -> memref<10000x128xf32, #tpu.memory_space<hbm>>
      tpu.enqueue_indirect_dma source(%dma_start3A_95 : memref<10000x128xf32, #tpu.memory_space<hbm>>) target(%arg17 : memref<80x128xf32, #tpu.memory_space<vmem>>) offsets(%dma_start3A_92 : memref<80xi32, #tpu.memory_space<vmem>>) semaphore(%arg22 : memref<!tpu.dma_semaphore, #tpu.memory_space<semaphore_mem>>)
      %dma_start3A_96 = arith.constant 80 : i32
      %dma_start3A_97 = tpu.memref_slice %arg10[%dma_start3A_96] : memref<320xi32, #tpu.memory_space<vmem>> -> memref<80xi32, #tpu.memory_space<vmem>>
      %dma_start3A_98 = arith.constant 0 : i32
      %dma_start3A_99 = arith.constant 0 : i32
      %dma_start3A_100 = tpu.memref_slice %arg2[%dma_start3A_98, %dma_start3A_99] : memref<10000x128xf32, #tpu.memory_space<hbm>> -> memref<10000x128xf32, #tpu.memory_space<hbm>>
      tpu.enqueue_indirect_dma source(%dma_start3A_100 : memref<10000x128xf32, #tpu.memory_space<hbm>>) target(%arg18 : memref<80x128xf32, #tpu.memory_space<vmem>>) offsets(%dma_start3A_97 : memref<80xi32, #tpu.memory_space<vmem>>) semaphore(%arg22 : memref<!tpu.dma_semaphore, #tpu.memory_space<semaphore_mem>>)
      %add3A_101 = arith.constant 80 : i32
      %add3A_102 = arith.addi %mul3A_9, %add3A_101 : i32
      %dma_start3A_103 = arith.constant 0 : i32
      %dma_start3A_104 = tpu.memref_slice %arg3[%add3A_102, %dma_start3A_103] : memref<10000x128xf32, #tpu.memory_space<hbm>> -> memref<80x128xf32, #tpu.memory_space<hbm>>
      %dma_start3A_105 = arith.constant 0 : i32
      %dma_start3A_106 = tpu.memref_slice %arg3[%add3A_102, %dma_start3A_105] : memref<10000x128xf32, #tpu.memory_space<hbm>> -> memref<80x128xf32, #tpu.memory_space<hbm>>
      tpu.enqueue_dma source(%dma_start3A_106 : memref<80x128xf32, #tpu.memory_space<hbm>>) target(%arg19 : memref<80x128xf32, #tpu.memory_space<vmem>>) target_semaphore(%arg22 : memref<!tpu.dma_semaphore, #tpu.memory_space<semaphore_mem>>)
    } else {
    }
    %gt3A_17 = arith.constant 0 : i32
    %gt3A_18 = arith.cmpi sgt, %select_n3A, %gt3A_17 : i32
    %convert_element_type3A_19 = arith.extui %gt3A_18 : i1 to i32
    %cond3A_20 = arith.constant 0 : i32
    %cond3A_21 = arith.cmpi ne, %convert_element_type3A_19, %cond3A_20 : i32
    scf.if %cond3A_21 {
      %dma_wait3A = arith.constant 0 : i32
      %dma_wait3A_87 = tpu.memref_slice %arg8[%dma_wait3A] : memref<320xi32, #tpu.memory_space<vmem>> -> memref<80xi32, #tpu.memory_space<vmem>>
      %dma_wait3A_88 = arith.constant 0 : i32
      %dma_wait3A_89 = arith.constant 0 : i32
      %dma_wait3A_90 = tpu.memref_slice %arg2[%dma_wait3A_88, %dma_wait3A_89] : memref<10000x128xf32, #tpu.memory_space<hbm>> -> memref<10000x128xf32, #tpu.memory_space<hbm>>
      tpu.wait_indirect_dma semaphore(%arg21 : memref<!tpu.dma_semaphore, #tpu.memory_space<semaphore_mem>>) src(%dma_wait3A_90 : memref<10000x128xf32, #tpu.memory_space<hbm>>) dst(%arg11 : memref<80x128xf32, #tpu.memory_space<vmem>>)
      %dma_wait3A_91 = arith.constant 0 : i32
      %dma_wait3A_92 = tpu.memref_slice %arg9[%dma_wait3A_91] : memref<320xi32, #tpu.memory_space<vmem>> -> memref<80xi32, #tpu.memory_space<vmem>>
      %dma_wait3A_93 = arith.constant 0 : i32
      %dma_wait3A_94 = arith.constant 0 : i32
      %dma_wait3A_95 = tpu.memref_slice %arg2[%dma_wait3A_93, %dma_wait3A_94] : memref<10000x128xf32, #tpu.memory_space<hbm>> -> memref<10000x128xf32, #tpu.memory_space<hbm>>
      tpu.wait_indirect_dma semaphore(%arg21 : memref<!tpu.dma_semaphore, #tpu.memory_space<semaphore_mem>>) src(%dma_wait3A_95 : memref<10000x128xf32, #tpu.memory_space<hbm>>) dst(%arg12 : memref<80x128xf32, #tpu.memory_space<vmem>>)
      %dma_wait3A_96 = arith.constant 0 : i32
      %dma_wait3A_97 = tpu.memref_slice %arg10[%dma_wait3A_96] : memref<320xi32, #tpu.memory_space<vmem>> -> memref<80xi32, #tpu.memory_space<vmem>>
      %dma_wait3A_98 = arith.constant 0 : i32
      %dma_wait3A_99 = arith.constant 0 : i32
      %dma_wait3A_100 = tpu.memref_slice %arg2[%dma_wait3A_98, %dma_wait3A_99] : memref<10000x128xf32, #tpu.memory_space<hbm>> -> memref<10000x128xf32, #tpu.memory_space<hbm>>
      tpu.wait_indirect_dma semaphore(%arg21 : memref<!tpu.dma_semaphore, #tpu.memory_space<semaphore_mem>>) src(%dma_wait3A_100 : memref<10000x128xf32, #tpu.memory_space<hbm>>) dst(%arg13 : memref<80x128xf32, #tpu.memory_space<vmem>>)
      %add3A_101 = arith.constant 0 : i32
      %add3A_102 = arith.addi %mul3A_9, %add3A_101 : i32
      %dma_wait3A_103 = arith.constant 0 : i32
      %dma_wait3A_104 = tpu.memref_slice %arg3[%add3A_102, %dma_wait3A_103] : memref<10000x128xf32, #tpu.memory_space<hbm>> -> memref<80x128xf32, #tpu.memory_space<hbm>>
      %dma_wait3A_105 = arith.constant 0 : i32
      %dma_wait3A_106 = tpu.memref_slice %arg3[%add3A_102, %dma_wait3A_105] : memref<10000x128xf32, #tpu.memory_space<hbm>> -> memref<80x128xf32, #tpu.memory_space<hbm>>
      tpu.wait_dma2 semaphore(%arg21 : memref<!tpu.dma_semaphore, #tpu.memory_space<semaphore_mem>>) src(%dma_wait3A_106 : memref<80x128xf32, #tpu.memory_space<hbm>>) dst(%arg14 : memref<80x128xf32, #tpu.memory_space<vmem>>)
    } else {
    }
    %gt3A_22 = arith.constant 0 : i32
    %gt3A_23 = arith.cmpi sgt, %select_n3A, %gt3A_22 : i32
    %convert_element_type3A_24 = arith.extui %gt3A_23 : i1 to i32
    %cond3A_25 = arith.constant 0 : i32
    %cond3A_26 = arith.cmpi ne, %convert_element_type3A_24, %cond3A_25 : i32
    scf.if %cond3A_26 {
      %parallel_loop3A = arith.constant 0 : i32
      %parallel_loop3A_87 = arith.constant 80 : i32
      %parallel_loop3A_88 = arith.constant 1 : i32
      scf.for %parallel_loop3A_94 = %parallel_loop3A to %parallel_loop3A_87 step %parallel_loop3A_88  : i32 {
        %parallel_loop3A_95 = arith.index_cast %parallel_loop3A_94 : i32 to index
        %parallel_loop3A_96 = arith.constant 0 : index
        %parallel_loop3A_97 = tpu.vector_load %arg14[%parallel_loop3A_95, %parallel_loop3A_96] {strides = array<i32>} : memref<80x128xf32, #tpu.memory_space<vmem>>, vector<1x16xf32>,
        %parallel_loop3A_98 = vector.shape_cast %parallel_loop3A_97 : vector<1x16xf32> to vector<16xf32>
        %parallel_loop3A_99 = arith.index_cast %parallel_loop3A_94 : i32 to index
        %parallel_loop3A_100 = arith.constant 0 : index
        %parallel_loop3A_101 = tpu.vector_load %arg11[%parallel_loop3A_99, %parallel_loop3A_100] {strides = array<i32>} : memref<80x128xf32, #tpu.memory_space<vmem>>, vector<1x16xf32>,
        %parallel_loop3A_102 = vector.shape_cast %parallel_loop3A_101 : vector<1x16xf32> to vector<16xf32>
        %parallel_loop3A_103 = arith.subf %parallel_loop3A_102, %parallel_loop3A_98 : vector<16xf32>
        %parallel_loop3A_104 = math.absf %parallel_loop3A_103 : vector<16xf32>
        %parallel_loop3A_105 = arith.index_cast %parallel_loop3A_94 : i32 to index
        %parallel_loop3A_106 = arith.constant 0 : index
        %parallel_loop3A_107 = tpu.vector_load %arg12[%parallel_loop3A_105, %parallel_loop3A_106] {strides = array<i32>} : memref<80x128xf32, #tpu.memory_space<vmem>>, vector<1x16xf32>,
        %parallel_loop3A_108 = vector.shape_cast %parallel_loop3A_107 : vector<1x16xf32> to vector<16xf32>
        %parallel_loop3A_109 = arith.subf %parallel_loop3A_108, %parallel_loop3A_98 : vector<16xf32>
        %parallel_loop3A_110 = math.absf %parallel_loop3A_109 : vector<16xf32>
        %parallel_loop3A_111 = arith.addf %parallel_loop3A_104, %parallel_loop3A_110 : vector<16xf32>
        %parallel_loop3A_112 = arith.index_cast %parallel_loop3A_94 : i32 to index
        %parallel_loop3A_113 = arith.constant 0 : index
        %parallel_loop3A_114 = tpu.vector_load %arg13[%parallel_loop3A_112, %parallel_loop3A_113] {strides = array<i32>} : memref<80x128xf32, #tpu.memory_space<vmem>>, vector<1x16xf32>,
        %parallel_loop3A_115 = vector.shape_cast %parallel_loop3A_114 : vector<1x16xf32> to vector<16xf32>
        %parallel_loop3A_116 = arith.subf %parallel_loop3A_115, %parallel_loop3A_98 : vector<16xf32>
        %parallel_loop3A_117 = math.absf %parallel_loop3A_116 : vector<16xf32>
        %parallel_loop3A_118 = arith.addf %parallel_loop3A_111, %parallel_loop3A_117 : vector<16xf32>
        %parallel_loop3A_119 = arith.constant 0.333333343 : f32
        %parallel_loop3A_120 = vector.broadcast %parallel_loop3A_119 : f32 to vector<16xf32>
        %parallel_loop3A_121 = arith.mulf %parallel_loop3A_118, %parallel_loop3A_120 : vector<16xf32>
        %parallel_loop3A_122 = arith.index_cast %parallel_loop3A_94 : i32 to index
        %parallel_loop3A_123 = arith.constant 0 : index
        %parallel_loop3A_124 = tpu.vector_load %arg15[%parallel_loop3A_122, %parallel_loop3A_123] {strides = array<i32>} : memref<80x128xf32, #tpu.memory_space<vmem>>, vector<1x16xf32>,
        %parallel_loop3A_125 = vector.shape_cast %parallel_loop3A_124 : vector<1x16xf32> to vector<16xf32>
        %parallel_loop3A_126 = vector.shape_cast %parallel_loop3A_121 : vector<16xf32> to vector<1x16xf32>
        tpu.vector_store %arg15[%parallel_loop3A_122, %parallel_loop3A_123], %parallel_loop3A_126 {strides = array<i32>} : memref<80x128xf32, #tpu.memory_space<vmem>>, vector<1x16xf32>,
        %parallel_loop3A_127 = arith.index_cast %parallel_loop3A_94 : i32 to index
        %parallel_loop3A_128 = arith.constant 16 : index
        %parallel_loop3A_129 = tpu.vector_load %arg14[%parallel_loop3A_127, %parallel_loop3A_128] {strides = array<i32>} : memref<80x128xf32, #tpu.memory_space<vmem>>, vector<1x16xf32>,
        %parallel_loop3A_130 = vector.shape_cast %parallel_loop3A_129 : vector<1x16xf32> to vector<16xf32>
        %parallel_loop3A_131 = arith.index_cast %parallel_loop3A_94 : i32 to index
        %parallel_loop3A_132 = arith.constant 16 : index
        %parallel_loop3A_133 = tpu.vector_load %arg11[%parallel_loop3A_131, %parallel_loop3A_132] {strides = array<i32>} : memref<80x128xf32, #tpu.memory_space<vmem>>, vector<1x16xf32>,
        %parallel_loop3A_134 = vector.shape_cast %parallel_loop3A_133 : vector<1x16xf32> to vector<16xf32>
        %parallel_loop3A_135 = arith.subf %parallel_loop3A_134, %parallel_loop3A_130 : vector<16xf32>
        %parallel_loop3A_136 = math.absf %parallel_loop3A_135 : vector<16xf32>
        %parallel_loop3A_137 = arith.index_cast %parallel_loop3A_94 : i32 to index
        %parallel_loop3A_138 = arith.constant 16 : index
        %parallel_loop3A_139 = tpu.vector_load %arg12[%parallel_loop3A_137, %parallel_loop3A_138] {strides = array<i32>} : memref<80x128xf32, #tpu.memory_space<vmem>>, vector<1x16xf32>,
        %parallel_loop3A_140 = vector.shape_cast %parallel_loop3A_139 : vector<1x16xf32> to vector<16xf32>
        %parallel_loop3A_141 = arith.subf %parallel_loop3A_140, %parallel_loop3A_130 : vector<16xf32>
        %parallel_loop3A_142 = math.absf %parallel_loop3A_141 : vector<16xf32>
        %parallel_loop3A_143 = arith.addf %parallel_loop3A_136, %parallel_loop3A_142 : vector<16xf32>
        %parallel_loop3A_144 = arith.index_cast %parallel_loop3A_94 : i32 to index
        %parallel_loop3A_145 = arith.constant 16 : index
        %parallel_loop3A_146 = tpu.vector_load %arg13[%parallel_loop3A_144, %parallel_loop3A_145] {strides = array<i32>} : memref<80x128xf32, #tpu.memory_space<vmem>>, vector<1x16xf32>,
        %parallel_loop3A_147 = vector.shape_cast %parallel_loop3A_146 : vector<1x16xf32> to vector<16xf32>
        %parallel_loop3A_148 = arith.subf %parallel_loop3A_147, %parallel_loop3A_130 : vector<16xf32>
        %parallel_loop3A_149 = math.absf %parallel_loop3A_148 : vector<16xf32>
        %parallel_loop3A_150 = arith.addf %parallel_loop3A_143, %parallel_loop3A_149 : vector<16xf32>
        %parallel_loop3A_151 = arith.constant 0.333333343 : f32
        %parallel_loop3A_152 = vector.broadcast %parallel_loop3A_151 : f32 to vector<16xf32>
        %parallel_loop3A_153 = arith.mulf %parallel_loop3A_150, %parallel_loop3A_152 : vector<16xf32>
        %parallel_loop3A_154 = arith.index_cast %parallel_loop3A_94 : i32 to index
        %parallel_loop3A_155 = arith.constant 16 : index
        %parallel_loop3A_156 = tpu.vector_load %arg15[%parallel_loop3A_154, %parallel_loop3A_155] {strides = array<i32>} : memref<80x128xf32, #tpu.memory_space<vmem>>, vector<1x16xf32>,
        %parallel_loop3A_157 = vector.shape_cast %parallel_loop3A_156 : vector<1x16xf32> to vector<16xf32>
        %parallel_loop3A_158 = vector.shape_cast %parallel_loop3A_153 : vector<16xf32> to vector<1x16xf32>
        tpu.vector_store %arg15[%parallel_loop3A_154, %parallel_loop3A_155], %parallel_loop3A_158 {strides = array<i32>} : memref<80x128xf32, #tpu.memory_space<vmem>>, vector<1x16xf32>,
        %parallel_loop3A_159 = arith.index_cast %parallel_loop3A_94 : i32 to index
        %parallel_loop3A_160 = arith.constant 32 : index
        %parallel_loop3A_161 = tpu.vector_load %arg14[%parallel_loop3A_159, %parallel_loop3A_160] {strides = array<i32>} : memref<80x128xf32, #tpu.memory_space<vmem>>, vector<1x16xf32>,
        %parallel_loop3A_162 = vector.shape_cast %parallel_loop3A_161 : vector<1x16xf32> to vector<16xf32>
        %parallel_loop3A_163 = arith.index_cast %parallel_loop3A_94 : i32 to index
        %parallel_loop3A_164 = arith.constant 32 : index
        %parallel_loop3A_165 = tpu.vector_load %arg11[%parallel_loop3A_163, %parallel_loop3A_164] {strides = array<i32>} : memref<80x128xf32, #tpu.memory_space<vmem>>, vector<1x16xf32>,
        %parallel_loop3A_166 = vector.shape_cast %parallel_loop3A_165 : vector<1x16xf32> to vector<16xf32>
        %parallel_loop3A_167 = arith.subf %parallel_loop3A_166, %parallel_loop3A_162 : vector<16xf32>
        %parallel_loop3A_168 = math.absf %parallel_loop3A_167 : vector<16xf32>
        %parallel_loop3A_169 = arith.index_cast %parallel_loop3A_94 : i32 to index
        %parallel_loop3A_170 = arith.constant 32 : index
        %parallel_loop3A_171 = tpu.vector_load %arg12[%parallel_loop3A_169, %parallel_loop3A_170] {strides = array<i32>} : memref<80x128xf32, #tpu.memory_space<vmem>>, vector<1x16xf32>,
        %parallel_loop3A_172 = vector.shape_cast %parallel_loop3A_171 : vector<1x16xf32> to vector<16xf32>
        %parallel_loop3A_173 = arith.subf %parallel_loop3A_172, %parallel_loop3A_162 : vector<16xf32>
        %parallel_loop3A_174 = math.absf %parallel_loop3A_173 : vector<16xf32>
        %parallel_loop3A_175 = arith.addf %parallel_loop3A_168, %parallel_loop3A_174 : vector<16xf32>
        %parallel_loop3A_176 = arith.index_cast %parallel_loop3A_94 : i32 to index
        %parallel_loop3A_177 = arith.constant 32 : index
        %parallel_loop3A_178 = tpu.vector_load %arg13[%parallel_loop3A_176, %parallel_loop3A_177] {strides = array<i32>} : memref<80x128xf32, #tpu.memory_space<vmem>>, vector<1x16xf32>,
        %parallel_loop3A_179 = vector.shape_cast %parallel_loop3A_178 : vector<1x16xf32> to vector<16xf32>
        %parallel_loop3A_180 = arith.subf %parallel_loop3A_179, %parallel_loop3A_162 : vector<16xf32>
        %parallel_loop3A_181 = math.absf %parallel_loop3A_180 : vector<16xf32>
        %parallel_loop3A_182 = arith.addf %parallel_loop3A_175, %parallel_loop3A_181 : vector<16xf32>
        %parallel_loop3A_183 = arith.constant 0.333333343 : f32
        %parallel_loop3A_184 = vector.broadcast %parallel_loop3A_183 : f32 to vector<16xf32>
        %parallel_loop3A_185 = arith.mulf %parallel_loop3A_182, %parallel_loop3A_184 : vector<16xf32>
        %parallel_loop3A_186 = arith.index_cast %parallel_loop3A_94 : i32 to index
        %parallel_loop3A_187 = arith.constant 32 : index
        %parallel_loop3A_188 = tpu.vector_load %arg15[%parallel_loop3A_186, %parallel_loop3A_187] {strides = array<i32>} : memref<80x128xf32, #tpu.memory_space<vmem>>, vector<1x16xf32>,
        %parallel_loop3A_189 = vector.shape_cast %parallel_loop3A_188 : vector<1x16xf32> to vector<16xf32>
        %parallel_loop3A_190 = vector.shape_cast %parallel_loop3A_185 : vector<16xf32> to vector<1x16xf32>
        tpu.vector_store %arg15[%parallel_loop3A_186, %parallel_loop3A_187], %parallel_loop3A_190 {strides = array<i32>} : memref<80x128xf32, #tpu.memory_space<vmem>>, vector<1x16xf32>,
        %parallel_loop3A_191 = arith.index_cast %parallel_loop3A_94 : i32 to index
        %parallel_loop3A_192 = arith.constant 48 : index
        %parallel_loop3A_193 = tpu.vector_load %arg14[%parallel_loop3A_191, %parallel_loop3A_192] {strides = array<i32>} : memref<80x128xf32, #tpu.memory_space<vmem>>, vector<1x16xf32>,
        %parallel_loop3A_194 = vector.shape_cast %parallel_loop3A_193 : vector<1x16xf32> to vector<16xf32>
        %parallel_loop3A_195 = arith.index_cast %parallel_loop3A_94 : i32 to index
        %parallel_loop3A_196 = arith.constant 48 : index
        %parallel_loop3A_197 = tpu.vector_load %arg11[%parallel_loop3A_195, %parallel_loop3A_196] {strides = array<i32>} : memref<80x128xf32, #tpu.memory_space<vmem>>, vector<1x16xf32>,
        %parallel_loop3A_198 = vector.shape_cast %parallel_loop3A_197 : vector<1x16xf32> to vector<16xf32>
        %parallel_loop3A_199 = arith.subf %parallel_loop3A_198, %parallel_loop3A_194 : vector<16xf32>
        %parallel_loop3A_200 = math.absf %parallel_loop3A_199 : vector<16xf32>
        %parallel_loop3A_201 = arith.index_cast %parallel_loop3A_94 : i32 to index
        %parallel_loop3A_202 = arith.constant 48 : index
        %parallel_loop3A_203 = tpu.vector_load %arg12[%parallel_loop3A_201, %parallel_loop3A_202] {strides = array<i32>} : memref<80x128xf32, #tpu.memory_space<vmem>>, vector<1x16xf32>,
        %parallel_loop3A_204 = vector.shape_cast %parallel_loop3A_203 : vector<1x16xf32> to vector<16xf32>
        %parallel_loop3A_205 = arith.subf %parallel_loop3A_204, %parallel_loop3A_194 : vector<16xf32>
        %parallel_loop3A_206 = math.absf %parallel_loop3A_205 : vector<16xf32>
        %parallel_loop3A_207 = arith.addf %parallel_loop3A_200, %parallel_loop3A_206 : vector<16xf32>
        %parallel_loop3A_208 = arith.index_cast %parallel_loop3A_94 : i32 to index
        %parallel_loop3A_209 = arith.constant 48 : index
        %parallel_loop3A_210 = tpu.vector_load %arg13[%parallel_loop3A_208, %parallel_loop3A_209] {strides = array<i32>} : memref<80x128xf32, #tpu.memory_space<vmem>>, vector<1x16xf32>,
        %parallel_loop3A_211 = vector.shape_cast %parallel_loop3A_210 : vector<1x16xf32> to vector<16xf32>
        %parallel_loop3A_212 = arith.subf %parallel_loop3A_211, %parallel_loop3A_194 : vector<16xf32>
        %parallel_loop3A_213 = math.absf %parallel_loop3A_212 : vector<16xf32>
        %parallel_loop3A_214 = arith.addf %parallel_loop3A_207, %parallel_loop3A_213 : vector<16xf32>
        %parallel_loop3A_215 = arith.constant 0.333333343 : f32
        %parallel_loop3A_216 = vector.broadcast %parallel_loop3A_215 : f32 to vector<16xf32>
        %parallel_loop3A_217 = arith.mulf %parallel_loop3A_214, %parallel_loop3A_216 : vector<16xf32>
        %parallel_loop3A_218 = arith.index_cast %parallel_loop3A_94 : i32 to index
        %parallel_loop3A_219 = arith.constant 48 : index
        %parallel_loop3A_220 = tpu.vector_load %arg15[%parallel_loop3A_218, %parallel_loop3A_219] {strides = array<i32>} : memref<80x128xf32, #tpu.memory_space<vmem>>, vector<1x16xf32>,
        %parallel_loop3A_221 = vector.shape_cast %parallel_loop3A_220 : vector<1x16xf32> to vector<16xf32>
        %parallel_loop3A_222 = vector.shape_cast %parallel_loop3A_217 : vector<16xf32> to vector<1x16xf32>
        tpu.vector_store %arg15[%parallel_loop3A_218, %parallel_loop3A_219], %parallel_loop3A_222 {strides = array<i32>} : memref<80x128xf32, #tpu.memory_space<vmem>>, vector<1x16xf32>,
        %parallel_loop3A_223 = arith.index_cast %parallel_loop3A_94 : i32 to index
        %parallel_loop3A_224 = arith.constant 64 : index
        %parallel_loop3A_225 = tpu.vector_load %arg14[%parallel_loop3A_223, %parallel_loop3A_224] {strides = array<i32>} : memref<80x128xf32, #tpu.memory_space<vmem>>, vector<1x16xf32>,
        %parallel_loop3A_226 = vector.shape_cast %parallel_loop3A_225 : vector<1x16xf32> to vector<16xf32>
        %parallel_loop3A_227 = arith.index_cast %parallel_loop3A_94 : i32 to index
        %parallel_loop3A_228 = arith.constant 64 : index
        %parallel_loop3A_229 = tpu.vector_load %arg11[%parallel_loop3A_227, %parallel_loop3A_228] {strides = array<i32>} : memref<80x128xf32, #tpu.memory_space<vmem>>, vector<1x16xf32>,
        %parallel_loop3A_230 = vector.shape_cast %parallel_loop3A_229 : vector<1x16xf32> to vector<16xf32>
        %parallel_loop3A_231 = arith.subf %parallel_loop3A_230, %parallel_loop3A_226 : vector<16xf32>
        %parallel_loop3A_232 = math.absf %parallel_loop3A_231 : vector<16xf32>
        %parallel_loop3A_233 = arith.index_cast %parallel_loop3A_94 : i32 to index
        %parallel_loop3A_234 = arith.constant 64 : index
        %parallel_loop3A_235 = tpu.vector_load %arg12[%parallel_loop3A_233, %parallel_loop3A_234] {strides = array<i32>} : memref<80x128xf32, #tpu.memory_space<vmem>>, vector<1x16xf32>,
        %parallel_loop3A_236 = vector.shape_cast %parallel_loop3A_235 : vector<1x16xf32> to vector<16xf32>
        %parallel_loop3A_237 = arith.subf %parallel_loop3A_236, %parallel_loop3A_226 : vector<16xf32>
        %parallel_loop3A_238 = math.absf %parallel_loop3A_237 : vector<16xf32>
        %parallel_loop3A_239 = arith.addf %parallel_loop3A_232, %parallel_loop3A_238 : vector<16xf32>
        %parallel_loop3A_240 = arith.index_cast %parallel_loop3A_94 : i32 to index
        %parallel_loop3A_241 = arith.constant 64 : index
        %parallel_loop3A_242 = tpu.vector_load %arg13[%parallel_loop3A_240, %parallel_loop3A_241] {strides = array<i32>} : memref<80x128xf32, #tpu.memory_space<vmem>>, vector<1x16xf32>,
        %parallel_loop3A_243 = vector.shape_cast %parallel_loop3A_242 : vector<1x16xf32> to vector<16xf32>
        %parallel_loop3A_244 = arith.subf %parallel_loop3A_243, %parallel_loop3A_226 : vector<16xf32>
        %parallel_loop3A_245 = math.absf %parallel_loop3A_244 : vector<16xf32>
        %parallel_loop3A_246 = arith.addf %parallel_loop3A_239, %parallel_loop3A_245 : vector<16xf32>
        %parallel_loop3A_247 = arith.constant 0.333333343 : f32
        %parallel_loop3A_248 = vector.broadcast %parallel_loop3A_247 : f32 to vector<16xf32>
        %parallel_loop3A_249 = arith.mulf %parallel_loop3A_246, %parallel_loop3A_248 : vector<16xf32>
        %parallel_loop3A_250 = arith.index_cast %parallel_loop3A_94 : i32 to index
        %parallel_loop3A_251 = arith.constant 64 : index
        %parallel_loop3A_252 = tpu.vector_load %arg15[%parallel_loop3A_250, %parallel_loop3A_251] {strides = array<i32>} : memref<80x128xf32, #tpu.memory_space<vmem>>, vector<1x16xf32>,
        %parallel_loop3A_253 = vector.shape_cast %parallel_loop3A_252 : vector<1x16xf32> to vector<16xf32>
        %parallel_loop3A_254 = vector.shape_cast %parallel_loop3A_249 : vector<16xf32> to vector<1x16xf32>
        tpu.vector_store %arg15[%parallel_loop3A_250, %parallel_loop3A_251], %parallel_loop3A_254 {strides = array<i32>} : memref<80x128xf32, #tpu.memory_space<vmem>>, vector<1x16xf32>,
        %parallel_loop3A_255 = arith.index_cast %parallel_loop3A_94 : i32 to index
        %parallel_loop3A_256 = arith.constant 80 : index
        %parallel_loop3A_257 = tpu.vector_load %arg14[%parallel_loop3A_255, %parallel_loop3A_256] {strides = array<i32>} : memref<80x128xf32, #tpu.memory_space<vmem>>, vector<1x16xf32>,
        %parallel_loop3A_258 = vector.shape_cast %parallel_loop3A_257 : vector<1x16xf32> to vector<16xf32>
        %parallel_loop3A_259 = arith.index_cast %parallel_loop3A_94 : i32 to index
        %parallel_loop3A_260 = arith.constant 80 : index
        %parallel_loop3A_261 = tpu.vector_load %arg11[%parallel_loop3A_259, %parallel_loop3A_260] {strides = array<i32>} : memref<80x128xf32, #tpu.memory_space<vmem>>, vector<1x16xf32>,
        %parallel_loop3A_262 = vector.shape_cast %parallel_loop3A_261 : vector<1x16xf32> to vector<16xf32>
        %parallel_loop3A_263 = arith.subf %parallel_loop3A_262, %parallel_loop3A_258 : vector<16xf32>
        %parallel_loop3A_264 = math.absf %parallel_loop3A_263 : vector<16xf32>
        %parallel_loop3A_265 = arith.index_cast %parallel_loop3A_94 : i32 to index
        %parallel_loop3A_266 = arith.constant 80 : index
        %parallel_loop3A_267 = tpu.vector_load %arg12[%parallel_loop3A_265, %parallel_loop3A_266] {strides = array<i32>} : memref<80x128xf32, #tpu.memory_space<vmem>>, vector<1x16xf32>,
        %parallel_loop3A_268 = vector.shape_cast %parallel_loop3A_267 : vector<1x16xf32> to vector<16xf32>
        %parallel_loop3A_269 = arith.subf %parallel_loop3A_268, %parallel_loop3A_258 : vector<16xf32>
        %parallel_loop3A_270 = math.absf %parallel_loop3A_269 : vector<16xf32>
        %parallel_loop3A_271 = arith.addf %parallel_loop3A_264, %parallel_loop3A_270 : vector<16xf32>
        %parallel_loop3A_272 = arith.index_cast %parallel_loop3A_94 : i32 to index
        %parallel_loop3A_273 = arith.constant 80 : index
        %parallel_loop3A_274 = tpu.vector_load %arg13[%parallel_loop3A_272, %parallel_loop3A_273] {strides = array<i32>} : memref<80x128xf32, #tpu.memory_space<vmem>>, vector<1x16xf32>,
        %parallel_loop3A_275 = vector.shape_cast %parallel_loop3A_274 : vector<1x16xf32> to vector<16xf32>
        %parallel_loop3A_276 = arith.subf %parallel_loop3A_275, %parallel_loop3A_258 : vector<16xf32>
        %parallel_loop3A_277 = math.absf %parallel_loop3A_276 : vector<16xf32>
        %parallel_loop3A_278 = arith.addf %parallel_loop3A_271, %parallel_loop3A_277 : vector<16xf32>
        %parallel_loop3A_279 = arith.constant 0.333333343 : f32
        %parallel_loop3A_280 = vector.broadcast %parallel_loop3A_279 : f32 to vector<16xf32>
        %parallel_loop3A_281 = arith.mulf %parallel_loop3A_278, %parallel_loop3A_280 : vector<16xf32>
        %parallel_loop3A_282 = arith.index_cast %parallel_loop3A_94 : i32 to index
        %parallel_loop3A_283 = arith.constant 80 : index
        %parallel_loop3A_284 = tpu.vector_load %arg15[%parallel_loop3A_282, %parallel_loop3A_283] {strides = array<i32>} : memref<80x128xf32, #tpu.memory_space<vmem>>, vector<1x16xf32>,
        %parallel_loop3A_285 = vector.shape_cast %parallel_loop3A_284 : vector<1x16xf32> to vector<16xf32>
        %parallel_loop3A_286 = vector.shape_cast %parallel_loop3A_281 : vector<16xf32> to vector<1x16xf32>
        tpu.vector_store %arg15[%parallel_loop3A_282, %parallel_loop3A_283], %parallel_loop3A_286 {strides = array<i32>} : memref<80x128xf32, #tpu.memory_space<vmem>>, vector<1x16xf32>,
        %parallel_loop3A_287 = arith.index_cast %parallel_loop3A_94 : i32 to index
        %parallel_loop3A_288 = arith.constant 96 : index
        %parallel_loop3A_289 = tpu.vector_load %arg14[%parallel_loop3A_287, %parallel_loop3A_288] {strides = array<i32>} : memref<80x128xf32, #tpu.memory_space<vmem>>, vector<1x16xf32>,
        %parallel_loop3A_290 = vector.shape_cast %parallel_loop3A_289 : vector<1x16xf32> to vector<16xf32>
        %parallel_loop3A_291 = arith.index_cast %parallel_loop3A_94 : i32 to index
        %parallel_loop3A_292 = arith.constant 96 : index
        %parallel_loop3A_293 = tpu.vector_load %arg11[%parallel_loop3A_291, %parallel_loop3A_292] {strides = array<i32>} : memref<80x128xf32, #tpu.memory_space<vmem>>, vector<1x16xf32>,
        %parallel_loop3A_294 = vector.shape_cast %parallel_loop3A_293 : vector<1x16xf32> to vector<16xf32>
        %parallel_loop3A_295 = arith.subf %parallel_loop3A_294, %parallel_loop3A_290 : vector<16xf32>
        %parallel_loop3A_296 = math.absf %parallel_loop3A_295 : vector<16xf32>
        %parallel_loop3A_297 = arith.index_cast %parallel_loop3A_94 : i32 to index
        %parallel_loop3A_298 = arith.constant 96 : index
        %parallel_loop3A_299 = tpu.vector_load %arg12[%parallel_loop3A_297, %parallel_loop3A_298] {strides = array<i32>} : memref<80x128xf32, #tpu.memory_space<vmem>>, vector<1x16xf32>,
        %parallel_loop3A_300 = vector.shape_cast %parallel_loop3A_299 : vector<1x16xf32> to vector<16xf32>
        %parallel_loop3A_301 = arith.subf %parallel_loop3A_300, %parallel_loop3A_290 : vector<16xf32>
        %parallel_loop3A_302 = math.absf %parallel_loop3A_301 : vector<16xf32>
        %parallel_loop3A_303 = arith.addf %parallel_loop3A_296, %parallel_loop3A_302 : vector<16xf32>
        %parallel_loop3A_304 = arith.index_cast %parallel_loop3A_94 : i32 to index
        %parallel_loop3A_305 = arith.constant 96 : index
        %parallel_loop3A_306 = tpu.vector_load %arg13[%parallel_loop3A_304, %parallel_loop3A_305] {strides = array<i32>} : memref<80x128xf32, #tpu.memory_space<vmem>>, vector<1x16xf32>,
        %parallel_loop3A_307 = vector.shape_cast %parallel_loop3A_306 : vector<1x16xf32> to vector<16xf32>
        %parallel_loop3A_308 = arith.subf %parallel_loop3A_307, %parallel_loop3A_290 : vector<16xf32>
        %parallel_loop3A_309 = math.absf %parallel_loop3A_308 : vector<16xf32>
        %parallel_loop3A_310 = arith.addf %parallel_loop3A_303, %parallel_loop3A_309 : vector<16xf32>
        %parallel_loop3A_311 = arith.constant 0.333333343 : f32
        %parallel_loop3A_312 = vector.broadcast %parallel_loop3A_311 : f32 to vector<16xf32>
        %parallel_loop3A_313 = arith.mulf %parallel_loop3A_310, %parallel_loop3A_312 : vector<16xf32>
        %parallel_loop3A_314 = arith.index_cast %parallel_loop3A_94 : i32 to index
        %parallel_loop3A_315 = arith.constant 96 : index
        %parallel_loop3A_316 = tpu.vector_load %arg15[%parallel_loop3A_314, %parallel_loop3A_315] {strides = array<i32>} : memref<80x128xf32, #tpu.memory_space<vmem>>, vector<1x16xf32>,
        %parallel_loop3A_317 = vector.shape_cast %parallel_loop3A_316 : vector<1x16xf32> to vector<16xf32>
        %parallel_loop3A_318 = vector.shape_cast %parallel_loop3A_313 : vector<16xf32> to vector<1x16xf32>
        tpu.vector_store %arg15[%parallel_loop3A_314, %parallel_loop3A_315], %parallel_loop3A_318 {strides = array<i32>} : memref<80x128xf32, #tpu.memory_space<vmem>>, vector<1x16xf32>,
        %parallel_loop3A_319 = arith.index_cast %parallel_loop3A_94 : i32 to index
        %parallel_loop3A_320 = arith.constant 112 : index
        %parallel_loop3A_321 = tpu.vector_load %arg14[%parallel_loop3A_319, %parallel_loop3A_320] {strides = array<i32>} : memref<80x128xf32, #tpu.memory_space<vmem>>, vector<1x16xf32>,
        %parallel_loop3A_322 = vector.shape_cast %parallel_loop3A_321 : vector<1x16xf32> to vector<16xf32>
        %parallel_loop3A_323 = arith.index_cast %parallel_loop3A_94 : i32 to index
        %parallel_loop3A_324 = arith.constant 112 : index
        %parallel_loop3A_325 = tpu.vector_load %arg11[%parallel_loop3A_323, %parallel_loop3A_324] {strides = array<i32>} : memref<80x128xf32, #tpu.memory_space<vmem>>, vector<1x16xf32>,
        %parallel_loop3A_326 = vector.shape_cast %parallel_loop3A_325 : vector<1x16xf32> to vector<16xf32>
        %parallel_loop3A_327 = arith.subf %parallel_loop3A_326, %parallel_loop3A_322 : vector<16xf32>
        %parallel_loop3A_328 = math.absf %parallel_loop3A_327 : vector<16xf32>
        %parallel_loop3A_329 = arith.index_cast %parallel_loop3A_94 : i32 to index
        %parallel_loop3A_330 = arith.constant 112 : index
        %parallel_loop3A_331 = tpu.vector_load %arg12[%parallel_loop3A_329, %parallel_loop3A_330] {strides = array<i32>} : memref<80x128xf32, #tpu.memory_space<vmem>>, vector<1x16xf32>,
        %parallel_loop3A_332 = vector.shape_cast %parallel_loop3A_331 : vector<1x16xf32> to vector<16xf32>
        %parallel_loop3A_333 = arith.subf %parallel_loop3A_332, %parallel_loop3A_322 : vector<16xf32>
        %parallel_loop3A_334 = math.absf %parallel_loop3A_333 : vector<16xf32>
        %parallel_loop3A_335 = arith.addf %parallel_loop3A_328, %parallel_loop3A_334 : vector<16xf32>
        %parallel_loop3A_336 = arith.index_cast %parallel_loop3A_94 : i32 to index
        %parallel_loop3A_337 = arith.constant 112 : index
        %parallel_loop3A_338 = tpu.vector_load %arg13[%parallel_loop3A_336, %parallel_loop3A_337] {strides = array<i32>} : memref<80x128xf32, #tpu.memory_space<vmem>>, vector<1x16xf32>,
        %parallel_loop3A_339 = vector.shape_cast %parallel_loop3A_338 : vector<1x16xf32> to vector<16xf32>
        %parallel_loop3A_340 = arith.subf %parallel_loop3A_339, %parallel_loop3A_322 : vector<16xf32>
        %parallel_loop3A_341 = math.absf %parallel_loop3A_340 : vector<16xf32>
        %parallel_loop3A_342 = arith.addf %parallel_loop3A_335, %parallel_loop3A_341 : vector<16xf32>
        %parallel_loop3A_343 = arith.constant 0.333333343 : f32
        %parallel_loop3A_344 = vector.broadcast %parallel_loop3A_343 : f32 to vector<16xf32>
        %parallel_loop3A_345 = arith.mulf %parallel_loop3A_342, %parallel_loop3A_344 : vector<16xf32>
        %parallel_loop3A_346 = arith.index_cast %parallel_loop3A_94 : i32 to index
        %parallel_loop3A_347 = arith.constant 112 : index
        %parallel_loop3A_348 = tpu.vector_load %arg15[%parallel_loop3A_346, %parallel_loop3A_347] {strides = array<i32>} : memref<80x128xf32, #tpu.memory_space<vmem>>, vector<1x16xf32>,
        %parallel_loop3A_349 = vector.shape_cast %parallel_loop3A_348 : vector<1x16xf32> to vector<16xf32>
        %parallel_loop3A_350 = vector.shape_cast %parallel_loop3A_345 : vector<16xf32> to vector<1x16xf32>
        tpu.vector_store %arg15[%parallel_loop3A_346, %parallel_loop3A_347], %parallel_loop3A_350 {strides = array<i32>} : memref<80x128xf32, #tpu.memory_space<vmem>>, vector<1x16xf32>,
      } {sc.loop_unroll_factor = 2 : i64, sc.parallel_access}
      %add3A_89 = arith.constant 0 : i32
      %add3A_90 = arith.addi %mul3A_9, %add3A_89 : i32
      %dma_start3A = arith.constant 0 : i32
      %dma_start3A_91 = tpu.memref_slice %arg7[%add3A_90, %dma_start3A] : memref<10000x128xf32, #tpu.memory_space<hbm>> -> memref<80x128xf32, #tpu.memory_space<hbm>>
      %dma_start3A_92 = arith.constant 0 : i32
      %dma_start3A_93 = tpu.memref_slice %arg7[%add3A_90, %dma_start3A_92] : memref<10000x128xf32, #tpu.memory_space<hbm>> -> memref<80x128xf32, #tpu.memory_space<hbm>>
      tpu.enqueue_dma source(%arg15 : memref<80x128xf32, #tpu.memory_space<vmem>>) target(%dma_start3A_93 : memref<80x128xf32, #tpu.memory_space<hbm>>) target_semaphore(%arg23 : memref<!tpu.dma_semaphore, #tpu.memory_space<semaphore_mem>>)
    } else {
    }
    %gt3A_27 = arith.constant 2 : i32
    %gt3A_28 = arith.cmpi sgt, %select_n3A, %gt3A_27 : i32
    %convert_element_type3A_29 = arith.extui %gt3A_28 : i1 to i32
    %cond3A_30 = arith.constant 0 : i32
    %cond3A_31 = arith.cmpi ne, %convert_element_type3A_29, %cond3A_30 : i32
    scf.if %cond3A_31 {
      %dma_start3A = arith.constant 160 : i32
      %dma_start3A_87 = tpu.memref_slice %arg8[%dma_start3A] : memref<320xi32, #tpu.memory_space<vmem>> -> memref<80xi32, #tpu.memory_space<vmem>>
      %dma_start3A_88 = arith.constant 0 : i32
      %dma_start3A_89 = arith.constant 0 : i32
      %dma_start3A_90 = tpu.memref_slice %arg2[%dma_start3A_88, %dma_start3A_89] : memref<10000x128xf32, #tpu.memory_space<hbm>> -> memref<10000x128xf32, #tpu.memory_space<hbm>>
      tpu.enqueue_indirect_dma source(%dma_start3A_90 : memref<10000x128xf32, #tpu.memory_space<hbm>>) target(%arg11 : memref<80x128xf32, #tpu.memory_space<vmem>>) offsets(%dma_start3A_87 : memref<80xi32, #tpu.memory_space<vmem>>) semaphore(%arg21 : memref<!tpu.dma_semaphore, #tpu.memory_space<semaphore_mem>>)
      %dma_start3A_91 = arith.constant 160 : i32
      %dma_start3A_92 = tpu.memref_slice %arg9[%dma_start3A_91] : memref<320xi32, #tpu.memory_space<vmem>> -> memref<80xi32, #tpu.memory_space<vmem>>
      %dma_start3A_93 = arith.constant 0 : i32
      %dma_start3A_94 = arith.constant 0 : i32
      %dma_start3A_95 = tpu.memref_slice %arg2[%dma_start3A_93, %dma_start3A_94] : memref<10000x128xf32, #tpu.memory_space<hbm>> -> memref<10000x128xf32, #tpu.memory_space<hbm>>
      tpu.enqueue_indirect_dma source(%dma_start3A_95 : memref<10000x128xf32, #tpu.memory_space<hbm>>) target(%arg12 : memref<80x128xf32, #tpu.memory_space<vmem>>) offsets(%dma_start3A_92 : memref<80xi32, #tpu.memory_space<vmem>>) semaphore(%arg21 : memref<!tpu.dma_semaphore, #tpu.memory_space<semaphore_mem>>)
      %dma_start3A_96 = arith.constant 160 : i32
      %dma_start3A_97 = tpu.memref_slice %arg10[%dma_start3A_96] : memref<320xi32, #tpu.memory_space<vmem>> -> memref<80xi32, #tpu.memory_space<vmem>>
      %dma_start3A_98 = arith.constant 0 : i32
      %dma_start3A_99 = arith.constant 0 : i32
      %dma_start3A_100 = tpu.memref_slice %arg2[%dma_start3A_98, %dma_start3A_99] : memref<10000x128xf32, #tpu.memory_space<hbm>> -> memref<10000x128xf32, #tpu.memory_space<hbm>>
      tpu.enqueue_indirect_dma source(%dma_start3A_100 : memref<10000x128xf32, #tpu.memory_space<hbm>>) target(%arg13 : memref<80x128xf32, #tpu.memory_space<vmem>>) offsets(%dma_start3A_97 : memref<80xi32, #tpu.memory_space<vmem>>) semaphore(%arg21 : memref<!tpu.dma_semaphore, #tpu.memory_space<semaphore_mem>>)
      %add3A_101 = arith.constant 160 : i32
      %add3A_102 = arith.addi %mul3A_9, %add3A_101 : i32
      %dma_start3A_103 = arith.constant 0 : i32
      %dma_start3A_104 = tpu.memref_slice %arg3[%add3A_102, %dma_start3A_103] : memref<10000x128xf32, #tpu.memory_space<hbm>> -> memref<80x128xf32, #tpu.memory_space<hbm>>
      %dma_start3A_105 = arith.constant 0 : i32
      %dma_start3A_106 = tpu.memref_slice %arg3[%add3A_102, %dma_start3A_105] : memref<10000x128xf32, #tpu.memory_space<hbm>> -> memref<80x128xf32, #tpu.memory_space<hbm>>
      tpu.enqueue_dma source(%dma_start3A_106 : memref<80x128xf32, #tpu.memory_space<hbm>>) target(%arg14 : memref<80x128xf32, #tpu.memory_space<vmem>>) target_semaphore(%arg21 : memref<!tpu.dma_semaphore, #tpu.memory_space<semaphore_mem>>)
    } else {
    }
    %gt3A_32 = arith.constant 1 : i32
    %gt3A_33 = arith.cmpi sgt, %select_n3A, %gt3A_32 : i32
    %convert_element_type3A_34 = arith.extui %gt3A_33 : i1 to i32
    %cond3A_35 = arith.constant 0 : i32
    %cond3A_36 = arith.cmpi ne, %convert_element_type3A_34, %cond3A_35 : i32
    scf.if %cond3A_36 {
      %dma_wait3A = arith.constant 80 : i32
      %dma_wait3A_87 = tpu.memref_slice %arg8[%dma_wait3A] : memref<320xi32, #tpu.memory_space<vmem>> -> memref<80xi32, #tpu.memory_space<vmem>>
      %dma_wait3A_88 = arith.constant 0 : i32
      %dma_wait3A_89 = arith.constant 0 : i32
      %dma_wait3A_90 = tpu.memref_slice %arg2[%dma_wait3A_88, %dma_wait3A_89] : memref<10000x128xf32, #tpu.memory_space<hbm>> -> memref<10000x128xf32, #tpu.memory_space<hbm>>
      tpu.wait_indirect_dma semaphore(%arg22 : memref<!tpu.dma_semaphore, #tpu.memory_space<semaphore_mem>>) src(%dma_wait3A_90 : memref<10000x128xf32, #tpu.memory_space<hbm>>) dst(%arg16 : memref<80x128xf32, #tpu.memory_space<vmem>>)
      %dma_wait3A_91 = arith.constant 80 : i32
      %dma_wait3A_92 = tpu.memref_slice %arg9[%dma_wait3A_91] : memref<320xi32, #tpu.memory_space<vmem>> -> memref<80xi32, #tpu.memory_space<vmem>>
      %dma_wait3A_93 = arith.constant 0 : i32
      %dma_wait3A_94 = arith.constant 0 : i32
      %dma_wait3A_95 = tpu.memref_slice %arg2[%dma_wait3A_93, %dma_wait3A_94] : memref<10000x128xf32, #tpu.memory_space<hbm>> -> memref<10000x128xf32, #tpu.memory_space<hbm>>
      tpu.wait_indirect_dma semaphore(%arg22 : memref<!tpu.dma_semaphore, #tpu.memory_space<semaphore_mem>>) src(%dma_wait3A_95 : memref<10000x128xf32, #tpu.memory_space<hbm>>) dst(%arg17 : memref<80x128xf32, #tpu.memory_space<vmem>>)
      %dma_wait3A_96 = arith.constant 80 : i32
      %dma_wait3A_97 = tpu.memref_slice %arg10[%dma_wait3A_96] : memref<320xi32, #tpu.memory_space<vmem>> -> memref<80xi32, #tpu.memory_space<vmem>>
      %dma_wait3A_98 = arith.constant 0 : i32
      %dma_wait3A_99 = arith.constant 0 : i32
      %dma_wait3A_100 = tpu.memref_slice %arg2[%dma_wait3A_98, %dma_wait3A_99] : memref<10000x128xf32, #tpu.memory_space<hbm>> -> memref<10000x128xf32, #tpu.memory_space<hbm>>
      tpu.wait_indirect_dma semaphore(%arg22 : memref<!tpu.dma_semaphore, #tpu.memory_space<semaphore_mem>>) src(%dma_wait3A_100 : memref<10000x128xf32, #tpu.memory_space<hbm>>) dst(%arg18 : memref<80x128xf32, #tpu.memory_space<vmem>>)
      %add3A_101 = arith.constant 80 : i32
      %add3A_102 = arith.addi %mul3A_9, %add3A_101 : i32
      %dma_wait3A_103 = arith.constant 0 : i32
      %dma_wait3A_104 = tpu.memref_slice %arg3[%add3A_102, %dma_wait3A_103] : memref<10000x128xf32, #tpu.memory_space<hbm>> -> memref<80x128xf32, #tpu.memory_space<hbm>>
      %dma_wait3A_105 = arith.constant 0 : i32
      %dma_wait3A_106 = tpu.memref_slice %arg3[%add3A_102, %dma_wait3A_105] : memref<10000x128xf32, #tpu.memory_space<hbm>> -> memref<80x128xf32, #tpu.memory_space<hbm>>
      tpu.wait_dma2 semaphore(%arg22 : memref<!tpu.dma_semaphore, #tpu.memory_space<semaphore_mem>>) src(%dma_wait3A_106 : memref<80x128xf32, #tpu.memory_space<hbm>>) dst(%arg19 : memref<80x128xf32, #tpu.memory_space<vmem>>)
    } else {
    }
    %gt3A_37 = arith.constant 1 : i32
    %gt3A_38 = arith.cmpi sgt, %select_n3A, %gt3A_37 : i32
    %convert_element_type3A_39 = arith.extui %gt3A_38 : i1 to i32
    %cond3A_40 = arith.constant 0 : i32
    %cond3A_41 = arith.cmpi ne, %convert_element_type3A_39, %cond3A_40 : i32
    scf.if %cond3A_41 {
      %parallel_loop3A = arith.constant 0 : i32
      %parallel_loop3A_87 = arith.constant 80 : i32
      %parallel_loop3A_88 = arith.constant 1 : i32
      scf.for %parallel_loop3A_94 = %parallel_loop3A to %parallel_loop3A_87 step %parallel_loop3A_88  : i32 {
        %parallel_loop3A_95 = arith.index_cast %parallel_loop3A_94 : i32 to index
        %parallel_loop3A_96 = arith.constant 0 : index
        %parallel_loop3A_97 = tpu.vector_load %arg19[%parallel_loop3A_95, %parallel_loop3A_96] {strides = array<i32>} : memref<80x128xf32, #tpu.memory_space<vmem>>, vector<1x16xf32>,
        %parallel_loop3A_98 = vector.shape_cast %parallel_loop3A_97 : vector<1x16xf32> to vector<16xf32>
        %parallel_loop3A_99 = arith.index_cast %parallel_loop3A_94 : i32 to index
        %parallel_loop3A_100 = arith.constant 0 : index
        %parallel_loop3A_101 = tpu.vector_load %arg16[%parallel_loop3A_99, %parallel_loop3A_100] {strides = array<i32>} : memref<80x128xf32, #tpu.memory_space<vmem>>, vector<1x16xf32>,
        %parallel_loop3A_102 = vector.shape_cast %parallel_loop3A_101 : vector<1x16xf32> to vector<16xf32>
        %parallel_loop3A_103 = arith.subf %parallel_loop3A_102, %parallel_loop3A_98 : vector<16xf32>
        %parallel_loop3A_104 = math.absf %parallel_loop3A_103 : vector<16xf32>
        %parallel_loop3A_105 = arith.index_cast %parallel_loop3A_94 : i32 to index
        %parallel_loop3A_106 = arith.constant 0 : index
        %parallel_loop3A_107 = tpu.vector_load %arg17[%parallel_loop3A_105, %parallel_loop3A_106] {strides = array<i32>} : memref<80x128xf32, #tpu.memory_space<vmem>>, vector<1x16xf32>,
        %parallel_loop3A_108 = vector.shape_cast %parallel_loop3A_107 : vector<1x16xf32> to vector<16xf32>
        %parallel_loop3A_109 = arith.subf %parallel_loop3A_108, %parallel_loop3A_98 : vector<16xf32>
        %parallel_loop3A_110 = math.absf %parallel_loop3A_109 : vector<16xf32>
        %parallel_loop3A_111 = arith.addf %parallel_loop3A_104, %parallel_loop3A_110 : vector<16xf32>
        %parallel_loop3A_112 = arith.index_cast %parallel_loop3A_94 : i32 to index
        %parallel_loop3A_113 = arith.constant 0 : index
        %parallel_loop3A_114 = tpu.vector_load %arg18[%parallel_loop3A_112, %parallel_loop3A_113] {strides = array<i32>} : memref<80x128xf32, #tpu.memory_space<vmem>>, vector<1x16xf32>,
        %parallel_loop3A_115 = vector.shape_cast %parallel_loop3A_114 : vector<1x16xf32> to vector<16xf32>
        %parallel_loop3A_116 = arith.subf %parallel_loop3A_115, %parallel_loop3A_98 : vector<16xf32>
        %parallel_loop3A_117 = math.absf %parallel_loop3A_116 : vector<16xf32>
        %parallel_loop3A_118 = arith.addf %parallel_loop3A_111, %parallel_loop3A_117 : vector<16xf32>
        %parallel_loop3A_119 = arith.constant 0.333333343 : f32
        %parallel_loop3A_120 = vector.broadcast %parallel_loop3A_119 : f32 to vector<16xf32>
        %parallel_loop3A_121 = arith.mulf %parallel_loop3A_118, %parallel_loop3A_120 : vector<16xf32>
        %parallel_loop3A_122 = arith.index_cast %parallel_loop3A_94 : i32 to index
        %parallel_loop3A_123 = arith.constant 0 : index
        %parallel_loop3A_124 = tpu.vector_load %arg20[%parallel_loop3A_122, %parallel_loop3A_123] {strides = array<i32>} : memref<80x128xf32, #tpu.memory_space<vmem>>, vector<1x16xf32>,
        %parallel_loop3A_125 = vector.shape_cast %parallel_loop3A_124 : vector<1x16xf32> to vector<16xf32>
        %parallel_loop3A_126 = vector.shape_cast %parallel_loop3A_121 : vector<16xf32> to vector<1x16xf32>
        tpu.vector_store %arg20[%parallel_loop3A_122, %parallel_loop3A_123], %parallel_loop3A_126 {strides = array<i32>} : memref<80x128xf32, #tpu.memory_space<vmem>>, vector<1x16xf32>,
        %parallel_loop3A_127 = arith.index_cast %parallel_loop3A_94 : i32 to index
        %parallel_loop3A_128 = arith.constant 16 : index
        %parallel_loop3A_129 = tpu.vector_load %arg19[%parallel_loop3A_127, %parallel_loop3A_128] {strides = array<i32>} : memref<80x128xf32, #tpu.memory_space<vmem>>, vector<1x16xf32>,
        %parallel_loop3A_130 = vector.shape_cast %parallel_loop3A_129 : vector<1x16xf32> to vector<16xf32>
        %parallel_loop3A_131 = arith.index_cast %parallel_loop3A_94 : i32 to index
        %parallel_loop3A_132 = arith.constant 16 : index
        %parallel_loop3A_133 = tpu.vector_load %arg16[%parallel_loop3A_131, %parallel_loop3A_132] {strides = array<i32>} : memref<80x128xf32, #tpu.memory_space<vmem>>, vector<1x16xf32>,
        %parallel_loop3A_134 = vector.shape_cast %parallel_loop3A_133 : vector<1x16xf32> to vector<16xf32>
        %parallel_loop3A_135 = arith.subf %parallel_loop3A_134, %parallel_loop3A_130 : vector<16xf32>
        %parallel_loop3A_136 = math.absf %parallel_loop3A_135 : vector<16xf32>
        %parallel_loop3A_137 = arith.index_cast %parallel_loop3A_94 : i32 to index
        %parallel_loop3A_138 = arith.constant 16 : index
        %parallel_loop3A_139 = tpu.vector_load %arg17[%parallel_loop3A_137, %parallel_loop3A_138] {strides = array<i32>} : memref<80x128xf32, #tpu.memory_space<vmem>>, vector<1x16xf32>,
        %parallel_loop3A_140 = vector.shape_cast %parallel_loop3A_139 : vector<1x16xf32> to vector<16xf32>
        %parallel_loop3A_141 = arith.subf %parallel_loop3A_140, %parallel_loop3A_130 : vector<16xf32>
        %parallel_loop3A_142 = math.absf %parallel_loop3A_141 : vector<16xf32>
        %parallel_loop3A_143 = arith.addf %parallel_loop3A_136, %parallel_loop3A_142 : vector<16xf32>
        %parallel_loop3A_144 = arith.index_cast %parallel_loop3A_94 : i32 to index
        %parallel_loop3A_145 = arith.constant 16 : index
        %parallel_loop3A_146 = tpu.vector_load %arg18[%parallel_loop3A_144, %parallel_loop3A_145] {strides = array<i32>} : memref<80x128xf32, #tpu.memory_space<vmem>>, vector<1x16xf32>,
        %parallel_loop3A_147 = vector.shape_cast %parallel_loop3A_146 : vector<1x16xf32> to vector<16xf32>
        %parallel_loop3A_148 = arith.subf %parallel_loop3A_147, %parallel_loop3A_130 : vector<16xf32>
        %parallel_loop3A_149 = math.absf %parallel_loop3A_148 : vector<16xf32>
        %parallel_loop3A_150 = arith.addf %parallel_loop3A_143, %parallel_loop3A_149 : vector<16xf32>
        %parallel_loop3A_151 = arith.constant 0.333333343 : f32
        %parallel_loop3A_152 = vector.broadcast %parallel_loop3A_151 : f32 to vector<16xf32>
        %parallel_loop3A_153 = arith.mulf %parallel_loop3A_150, %parallel_loop3A_152 : vector<16xf32>
        %parallel_loop3A_154 = arith.index_cast %parallel_loop3A_94 : i32 to index
        %parallel_loop3A_155 = arith.constant 16 : index
        %parallel_loop3A_156 = tpu.vector_load %arg20[%parallel_loop3A_154, %parallel_loop3A_155] {strides = array<i32>} : memref<80x128xf32, #tpu.memory_space<vmem>>, vector<1x16xf32>,
        %parallel_loop3A_157 = vector.shape_cast %parallel_loop3A_156 : vector<1x16xf32> to vector<16xf32>
        %parallel_loop3A_158 = vector.shape_cast %parallel_loop3A_153 : vector<16xf32> to vector<1x16xf32>
        tpu.vector_store %arg20[%parallel_loop3A_154, %parallel_loop3A_155], %parallel_loop3A_158 {strides = array<i32>} : memref<80x128xf32, #tpu.memory_space<vmem>>, vector<1x16xf32>,
        %parallel_loop3A_159 = arith.index_cast %parallel_loop3A_94 : i32 to index
        %parallel_loop3A_160 = arith.constant 32 : index
        %parallel_loop3A_161 = tpu.vector_load %arg19[%parallel_loop3A_159, %parallel_loop3A_160] {strides = array<i32>} : memref<80x128xf32, #tpu.memory_space<vmem>>, vector<1x16xf32>,
        %parallel_loop3A_162 = vector.shape_cast %parallel_loop3A_161 : vector<1x16xf32> to vector<16xf32>
        %parallel_loop3A_163 = arith.index_cast %parallel_loop3A_94 : i32 to index
        %parallel_loop3A_164 = arith.constant 32 : index
        %parallel_loop3A_165 = tpu.vector_load %arg16[%parallel_loop3A_163, %parallel_loop3A_164] {strides = array<i32>} : memref<80x128xf32, #tpu.memory_space<vmem>>, vector<1x16xf32>,
        %parallel_loop3A_166 = vector.shape_cast %parallel_loop3A_165 : vector<1x16xf32> to vector<16xf32>
        %parallel_loop3A_167 = arith.subf %parallel_loop3A_166, %parallel_loop3A_162 : vector<16xf32>
        %parallel_loop3A_168 = math.absf %parallel_loop3A_167 : vector<16xf32>
        %parallel_loop3A_169 = arith.index_cast %parallel_loop3A_94 : i32 to index
        %parallel_loop3A_170 = arith.constant 32 : index
        %parallel_loop3A_171 = tpu.vector_load %arg17[%parallel_loop3A_169, %parallel_loop3A_170] {strides = array<i32>} : memref<80x128xf32, #tpu.memory_space<vmem>>, vector<1x16xf32>,
        %parallel_loop3A_172 = vector.shape_cast %parallel_loop3A_171 : vector<1x16xf32> to vector<16xf32>
        %parallel_loop3A_173 = arith.subf %parallel_loop3A_172, %parallel_loop3A_162 : vector<16xf32>
        %parallel_loop3A_174 = math.absf %parallel_loop3A_173 : vector<16xf32>
        %parallel_loop3A_175 = arith.addf %parallel_loop3A_168, %parallel_loop3A_174 : vector<16xf32>
        %parallel_loop3A_176 = arith.index_cast %parallel_loop3A_94 : i32 to index
        %parallel_loop3A_177 = arith.constant 32 : index
        %parallel_loop3A_178 = tpu.vector_load %arg18[%parallel_loop3A_176, %parallel_loop3A_177] {strides = array<i32>} : memref<80x128xf32, #tpu.memory_space<vmem>>, vector<1x16xf32>,
        %parallel_loop3A_179 = vector.shape_cast %parallel_loop3A_178 : vector<1x16xf32> to vector<16xf32>
        %parallel_loop3A_180 = arith.subf %parallel_loop3A_179, %parallel_loop3A_162 : vector<16xf32>
        %parallel_loop3A_181 = math.absf %parallel_loop3A_180 : vector<16xf32>
        %parallel_loop3A_182 = arith.addf %parallel_loop3A_175, %parallel_loop3A_181 : vector<16xf32>
        %parallel_loop3A_183 = arith.constant 0.333333343 : f32
        %parallel_loop3A_184 = vector.broadcast %parallel_loop3A_183 : f32 to vector<16xf32>
        %parallel_loop3A_185 = arith.mulf %parallel_loop3A_182, %parallel_loop3A_184 : vector<16xf32>
        %parallel_loop3A_186 = arith.index_cast %parallel_loop3A_94 : i32 to index
        %parallel_loop3A_187 = arith.constant 32 : index
        %parallel_loop3A_188 = tpu.vector_load %arg20[%parallel_loop3A_186, %parallel_loop3A_187] {strides = array<i32>} : memref<80x128xf32, #tpu.memory_space<vmem>>, vector<1x16xf32>,
        %parallel_loop3A_189 = vector.shape_cast %parallel_loop3A_188 : vector<1x16xf32> to vector<16xf32>
        %parallel_loop3A_190 = vector.shape_cast %parallel_loop3A_185 : vector<16xf32> to vector<1x16xf32>
        tpu.vector_store %arg20[%parallel_loop3A_186, %parallel_loop3A_187], %parallel_loop3A_190 {strides = array<i32>} : memref<80x128xf32, #tpu.memory_space<vmem>>, vector<1x16xf32>,
        %parallel_loop3A_191 = arith.index_cast %parallel_loop3A_94 : i32 to index
        %parallel_loop3A_192 = arith.constant 48 : index
        %parallel_loop3A_193 = tpu.vector_load %arg19[%parallel_loop3A_191, %parallel_loop3A_192] {strides = array<i32>} : memref<80x128xf32, #tpu.memory_space<vmem>>, vector<1x16xf32>,
        %parallel_loop3A_194 = vector.shape_cast %parallel_loop3A_193 : vector<1x16xf32> to vector<16xf32>
        %parallel_loop3A_195 = arith.index_cast %parallel_loop3A_94 : i32 to index
        %parallel_loop3A_196 = arith.constant 48 : index
        %parallel_loop3A_197 = tpu.vector_load %arg16[%parallel_loop3A_195, %parallel_loop3A_196] {strides = array<i32>} : memref<80x128xf32, #tpu.memory_space<vmem>>, vector<1x16xf32>,
        %parallel_loop3A_198 = vector.shape_cast %parallel_loop3A_197 : vector<1x16xf32> to vector<16xf32>
        %parallel_loop3A_199 = arith.subf %parallel_loop3A_198, %parallel_loop3A_194 : vector<16xf32>
        %parallel_loop3A_200 = math.absf %parallel_loop3A_199 : vector<16xf32>
        %parallel_loop3A_201 = arith.index_cast %parallel_loop3A_94 : i32 to index
        %parallel_loop3A_202 = arith.constant 48 : index
        %parallel_loop3A_203 = tpu.vector_load %arg17[%parallel_loop3A_201, %parallel_loop3A_202] {strides = array<i32>} : memref<80x128xf32, #tpu.memory_space<vmem>>, vector<1x16xf32>,
        %parallel_loop3A_204 = vector.shape_cast %parallel_loop3A_203 : vector<1x16xf32> to vector<16xf32>
        %parallel_loop3A_205 = arith.subf %parallel_loop3A_204, %parallel_loop3A_194 : vector<16xf32>
        %parallel_loop3A_206 = math.absf %parallel_loop3A_205 : vector<16xf32>
        %parallel_loop3A_207 = arith.addf %parallel_loop3A_200, %parallel_loop3A_206 : vector<16xf32>
        %parallel_loop3A_208 = arith.index_cast %parallel_loop3A_94 : i32 to index
        %parallel_loop3A_209 = arith.constant 48 : index
        %parallel_loop3A_210 = tpu.vector_load %arg18[%parallel_loop3A_208, %parallel_loop3A_209] {strides = array<i32>} : memref<80x128xf32, #tpu.memory_space<vmem>>, vector<1x16xf32>,
        %parallel_loop3A_211 = vector.shape_cast %parallel_loop3A_210 : vector<1x16xf32> to vector<16xf32>
        %parallel_loop3A_212 = arith.subf %parallel_loop3A_211, %parallel_loop3A_194 : vector<16xf32>
        %parallel_loop3A_213 = math.absf %parallel_loop3A_212 : vector<16xf32>
        %parallel_loop3A_214 = arith.addf %parallel_loop3A_207, %parallel_loop3A_213 : vector<16xf32>
        %parallel_loop3A_215 = arith.constant 0.333333343 : f32
        %parallel_loop3A_216 = vector.broadcast %parallel_loop3A_215 : f32 to vector<16xf32>
        %parallel_loop3A_217 = arith.mulf %parallel_loop3A_214, %parallel_loop3A_216 : vector<16xf32>
        %parallel_loop3A_218 = arith.index_cast %parallel_loop3A_94 : i32 to index
        %parallel_loop3A_219 = arith.constant 48 : index
        %parallel_loop3A_220 = tpu.vector_load %arg20[%parallel_loop3A_218, %parallel_loop3A_219] {strides = array<i32>} : memref<80x128xf32, #tpu.memory_space<vmem>>, vector<1x16xf32>,
        %parallel_loop3A_221 = vector.shape_cast %parallel_loop3A_220 : vector<1x16xf32> to vector<16xf32>
        %parallel_loop3A_222 = vector.shape_cast %parallel_loop3A_217 : vector<16xf32> to vector<1x16xf32>
        tpu.vector_store %arg20[%parallel_loop3A_218, %parallel_loop3A_219], %parallel_loop3A_222 {strides = array<i32>} : memref<80x128xf32, #tpu.memory_space<vmem>>, vector<1x16xf32>,
        %parallel_loop3A_223 = arith.index_cast %parallel_loop3A_94 : i32 to index
        %parallel_loop3A_224 = arith.constant 64 : index
        %parallel_loop3A_225 = tpu.vector_load %arg19[%parallel_loop3A_223, %parallel_loop3A_224] {strides = array<i32>} : memref<80x128xf32, #tpu.memory_space<vmem>>, vector<1x16xf32>,
        %parallel_loop3A_226 = vector.shape_cast %parallel_loop3A_225 : vector<1x16xf32> to vector<16xf32>
        %parallel_loop3A_227 = arith.index_cast %parallel_loop3A_94 : i32 to index
        %parallel_loop3A_228 = arith.constant 64 : index
        %parallel_loop3A_229 = tpu.vector_load %arg16[%parallel_loop3A_227, %parallel_loop3A_228] {strides = array<i32>} : memref<80x128xf32, #tpu.memory_space<vmem>>, vector<1x16xf32>,
        %parallel_loop3A_230 = vector.shape_cast %parallel_loop3A_229 : vector<1x16xf32> to vector<16xf32>
        %parallel_loop3A_231 = arith.subf %parallel_loop3A_230, %parallel_loop3A_226 : vector<16xf32>
        %parallel_loop3A_232 = math.absf %parallel_loop3A_231 : vector<16xf32>
        %parallel_loop3A_233 = arith.index_cast %parallel_loop3A_94 : i32 to index
        %parallel_loop3A_234 = arith.constant 64 : index
        %parallel_loop3A_235 = tpu.vector_load %arg17[%parallel_loop3A_233, %parallel_loop3A_234] {strides = array<i32>} : memref<80x128xf32, #tpu.memory_space<vmem>>, vector<1x16xf32>,
        %parallel_loop3A_236 = vector.shape_cast %parallel_loop3A_235 : vector<1x16xf32> to vector<16xf32>
        %parallel_loop3A_237 = arith.subf %parallel_loop3A_236, %parallel_loop3A_226 : vector<16xf32>
        %parallel_loop3A_238 = math.absf %parallel_loop3A_237 : vector<16xf32>
        %parallel_loop3A_239 = arith.addf %parallel_loop3A_232, %parallel_loop3A_238 : vector<16xf32>
        %parallel_loop3A_240 = arith.index_cast %parallel_loop3A_94 : i32 to index
        %parallel_loop3A_241 = arith.constant 64 : index
        %parallel_loop3A_242 = tpu.vector_load %arg18[%parallel_loop3A_240, %parallel_loop3A_241] {strides = array<i32>} : memref<80x128xf32, #tpu.memory_space<vmem>>, vector<1x16xf32>,
        %parallel_loop3A_243 = vector.shape_cast %parallel_loop3A_242 : vector<1x16xf32> to vector<16xf32>
        %parallel_loop3A_244 = arith.subf %parallel_loop3A_243, %parallel_loop3A_226 : vector<16xf32>
        %parallel_loop3A_245 = math.absf %parallel_loop3A_244 : vector<16xf32>
        %parallel_loop3A_246 = arith.addf %parallel_loop3A_239, %parallel_loop3A_245 : vector<16xf32>
        %parallel_loop3A_247 = arith.constant 0.333333343 : f32
        %parallel_loop3A_248 = vector.broadcast %parallel_loop3A_247 : f32 to vector<16xf32>
        %parallel_loop3A_249 = arith.mulf %parallel_loop3A_246, %parallel_loop3A_248 : vector<16xf32>
        %parallel_loop3A_250 = arith.index_cast %parallel_loop3A_94 : i32 to index
        %parallel_loop3A_251 = arith.constant 64 : index
        %parallel_loop3A_252 = tpu.vector_load %arg20[%parallel_loop3A_250, %parallel_loop3A_251] {strides = array<i32>} : memref<80x128xf32, #tpu.memory_space<vmem>>, vector<1x16xf32>,
        %parallel_loop3A_253 = vector.shape_cast %parallel_loop3A_252 : vector<1x16xf32> to vector<16xf32>
        %parallel_loop3A_254 = vector.shape_cast %parallel_loop3A_249 : vector<16xf32> to vector<1x16xf32>
        tpu.vector_store %arg20[%parallel_loop3A_250, %parallel_loop3A_251], %parallel_loop3A_254 {strides = array<i32>} : memref<80x128xf32, #tpu.memory_space<vmem>>, vector<1x16xf32>,
        %parallel_loop3A_255 = arith.index_cast %parallel_loop3A_94 : i32 to index
        %parallel_loop3A_256 = arith.constant 80 : index
        %parallel_loop3A_257 = tpu.vector_load %arg19[%parallel_loop3A_255, %parallel_loop3A_256] {strides = array<i32>} : memref<80x128xf32, #tpu.memory_space<vmem>>, vector<1x16xf32>,
        %parallel_loop3A_258 = vector.shape_cast %parallel_loop3A_257 : vector<1x16xf32> to vector<16xf32>
        %parallel_loop3A_259 = arith.index_cast %parallel_loop3A_94 : i32 to index
        %parallel_loop3A_260 = arith.constant 80 : index
        %parallel_loop3A_261 = tpu.vector_load %arg16[%parallel_loop3A_259, %parallel_loop3A_260] {strides = array<i32>} : memref<80x128xf32, #tpu.memory_space<vmem>>, vector<1x16xf32>,
        %parallel_loop3A_262 = vector.shape_cast %parallel_loop3A_261 : vector<1x16xf32> to vector<16xf32>
        %parallel_loop3A_263 = arith.subf %parallel_loop3A_262, %parallel_loop3A_258 : vector<16xf32>
        %parallel_loop3A_264 = math.absf %parallel_loop3A_263 : vector<16xf32>
        %parallel_loop3A_265 = arith.index_cast %parallel_loop3A_94 : i32 to index
        %parallel_loop3A_266 = arith.constant 80 : index
        %parallel_loop3A_267 = tpu.vector_load %arg17[%parallel_loop3A_265, %parallel_loop3A_266] {strides = array<i32>} : memref<80x128xf32, #tpu.memory_space<vmem>>, vector<1x16xf32>,
        %parallel_loop3A_268 = vector.shape_cast %parallel_loop3A_267 : vector<1x16xf32> to vector<16xf32>
        %parallel_loop3A_269 = arith.subf %parallel_loop3A_268, %parallel_loop3A_258 : vector<16xf32>
        %parallel_loop3A_270 = math.absf %parallel_loop3A_269 : vector<16xf32>
        %parallel_loop3A_271 = arith.addf %parallel_loop3A_264, %parallel_loop3A_270 : vector<16xf32>
        %parallel_loop3A_272 = arith.index_cast %parallel_loop3A_94 : i32 to index
        %parallel_loop3A_273 = arith.constant 80 : index
        %parallel_loop3A_274 = tpu.vector_load %arg18[%parallel_loop3A_272, %parallel_loop3A_273] {strides = array<i32>} : memref<80x128xf32, #tpu.memory_space<vmem>>, vector<1x16xf32>,
        %parallel_loop3A_275 = vector.shape_cast %parallel_loop3A_274 : vector<1x16xf32> to vector<16xf32>
        %parallel_loop3A_276 = arith.subf %parallel_loop3A_275, %parallel_loop3A_258 : vector<16xf32>
        %parallel_loop3A_277 = math.absf %parallel_loop3A_276 : vector<16xf32>
        %parallel_loop3A_278 = arith.addf %parallel_loop3A_271, %parallel_loop3A_277 : vector<16xf32>
        %parallel_loop3A_279 = arith.constant 0.333333343 : f32
        %parallel_loop3A_280 = vector.broadcast %parallel_loop3A_279 : f32 to vector<16xf32>
        %parallel_loop3A_281 = arith.mulf %parallel_loop3A_278, %parallel_loop3A_280 : vector<16xf32>
        %parallel_loop3A_282 = arith.index_cast %parallel_loop3A_94 : i32 to index
        %parallel_loop3A_283 = arith.constant 80 : index
        %parallel_loop3A_284 = tpu.vector_load %arg20[%parallel_loop3A_282, %parallel_loop3A_283] {strides = array<i32>} : memref<80x128xf32, #tpu.memory_space<vmem>>, vector<1x16xf32>,
        %parallel_loop3A_285 = vector.shape_cast %parallel_loop3A_284 : vector<1x16xf32> to vector<16xf32>
        %parallel_loop3A_286 = vector.shape_cast %parallel_loop3A_281 : vector<16xf32> to vector<1x16xf32>
        tpu.vector_store %arg20[%parallel_loop3A_282, %parallel_loop3A_283], %parallel_loop3A_286 {strides = array<i32>} : memref<80x128xf32, #tpu.memory_space<vmem>>, vector<1x16xf32>,
        %parallel_loop3A_287 = arith.index_cast %parallel_loop3A_94 : i32 to index
        %parallel_loop3A_288 = arith.constant 96 : index
        %parallel_loop3A_289 = tpu.vector_load %arg19[%parallel_loop3A_287, %parallel_loop3A_288] {strides = array<i32>} : memref<80x128xf32, #tpu.memory_space<vmem>>, vector<1x16xf32>,
        %parallel_loop3A_290 = vector.shape_cast %parallel_loop3A_289 : vector<1x16xf32> to vector<16xf32>
        %parallel_loop3A_291 = arith.index_cast %parallel_loop3A_94 : i32 to index
        %parallel_loop3A_292 = arith.constant 96 : index
        %parallel_loop3A_293 = tpu.vector_load %arg16[%parallel_loop3A_291, %parallel_loop3A_292] {strides = array<i32>} : memref<80x128xf32, #tpu.memory_space<vmem>>, vector<1x16xf32>,
        %parallel_loop3A_294 = vector.shape_cast %parallel_loop3A_293 : vector<1x16xf32> to vector<16xf32>
        %parallel_loop3A_295 = arith.subf %parallel_loop3A_294, %parallel_loop3A_290 : vector<16xf32>
        %parallel_loop3A_296 = math.absf %parallel_loop3A_295 : vector<16xf32>
        %parallel_loop3A_297 = arith.index_cast %parallel_loop3A_94 : i32 to index
        %parallel_loop3A_298 = arith.constant 96 : index
        %parallel_loop3A_299 = tpu.vector_load %arg17[%parallel_loop3A_297, %parallel_loop3A_298] {strides = array<i32>} : memref<80x128xf32, #tpu.memory_space<vmem>>, vector<1x16xf32>,
        %parallel_loop3A_300 = vector.shape_cast %parallel_loop3A_299 : vector<1x16xf32> to vector<16xf32>
        %parallel_loop3A_301 = arith.subf %parallel_loop3A_300, %parallel_loop3A_290 : vector<16xf32>
        %parallel_loop3A_302 = math.absf %parallel_loop3A_301 : vector<16xf32>
        %parallel_loop3A_303 = arith.addf %parallel_loop3A_296, %parallel_loop3A_302 : vector<16xf32>
        %parallel_loop3A_304 = arith.index_cast %parallel_loop3A_94 : i32 to index
        %parallel_loop3A_305 = arith.constant 96 : index
        %parallel_loop3A_306 = tpu.vector_load %arg18[%parallel_loop3A_304, %parallel_loop3A_305] {strides = array<i32>} : memref<80x128xf32, #tpu.memory_space<vmem>>, vector<1x16xf32>,
        %parallel_loop3A_307 = vector.shape_cast %parallel_loop3A_306 : vector<1x16xf32> to vector<16xf32>
        %parallel_loop3A_308 = arith.subf %parallel_loop3A_307, %parallel_loop3A_290 : vector<16xf32>
        %parallel_loop3A_309 = math.absf %parallel_loop3A_308 : vector<16xf32>
        %parallel_loop3A_310 = arith.addf %parallel_loop3A_303, %parallel_loop3A_309 : vector<16xf32>
        %parallel_loop3A_311 = arith.constant 0.333333343 : f32
        %parallel_loop3A_312 = vector.broadcast %parallel_loop3A_311 : f32 to vector<16xf32>
        %parallel_loop3A_313 = arith.mulf %parallel_loop3A_310, %parallel_loop3A_312 : vector<16xf32>
        %parallel_loop3A_314 = arith.index_cast %parallel_loop3A_94 : i32 to index
        %parallel_loop3A_315 = arith.constant 96 : index
        %parallel_loop3A_316 = tpu.vector_load %arg20[%parallel_loop3A_314, %parallel_loop3A_315] {strides = array<i32>} : memref<80x128xf32, #tpu.memory_space<vmem>>, vector<1x16xf32>,
        %parallel_loop3A_317 = vector.shape_cast %parallel_loop3A_316 : vector<1x16xf32> to vector<16xf32>
        %parallel_loop3A_318 = vector.shape_cast %parallel_loop3A_313 : vector<16xf32> to vector<1x16xf32>
        tpu.vector_store %arg20[%parallel_loop3A_314, %parallel_loop3A_315], %parallel_loop3A_318 {strides = array<i32>} : memref<80x128xf32, #tpu.memory_space<vmem>>, vector<1x16xf32>,
        %parallel_loop3A_319 = arith.index_cast %parallel_loop3A_94 : i32 to index
        %parallel_loop3A_320 = arith.constant 112 : index
        %parallel_loop3A_321 = tpu.vector_load %arg19[%parallel_loop3A_319, %parallel_loop3A_320] {strides = array<i32>} : memref<80x128xf32, #tpu.memory_space<vmem>>, vector<1x16xf32>,
        %parallel_loop3A_322 = vector.shape_cast %parallel_loop3A_321 : vector<1x16xf32> to vector<16xf32>
        %parallel_loop3A_323 = arith.index_cast %parallel_loop3A_94 : i32 to index
        %parallel_loop3A_324 = arith.constant 112 : index
        %parallel_loop3A_325 = tpu.vector_load %arg16[%parallel_loop3A_323, %parallel_loop3A_324] {strides = array<i32>} : memref<80x128xf32, #tpu.memory_space<vmem>>, vector<1x16xf32>,
        %parallel_loop3A_326 = vector.shape_cast %parallel_loop3A_325 : vector<1x16xf32> to vector<16xf32>
        %parallel_loop3A_327 = arith.subf %parallel_loop3A_326, %parallel_loop3A_322 : vector<16xf32>
        %parallel_loop3A_328 = math.absf %parallel_loop3A_327 : vector<16xf32>
        %parallel_loop3A_329 = arith.index_cast %parallel_loop3A_94 : i32 to index
        %parallel_loop3A_330 = arith.constant 112 : index
        %parallel_loop3A_331 = tpu.vector_load %arg17[%parallel_loop3A_329, %parallel_loop3A_330] {strides = array<i32>} : memref<80x128xf32, #tpu.memory_space<vmem>>, vector<1x16xf32>,
        %parallel_loop3A_332 = vector.shape_cast %parallel_loop3A_331 : vector<1x16xf32> to vector<16xf32>
        %parallel_loop3A_333 = arith.subf %parallel_loop3A_332, %parallel_loop3A_322 : vector<16xf32>
        %parallel_loop3A_334 = math.absf %parallel_loop3A_333 : vector<16xf32>
        %parallel_loop3A_335 = arith.addf %parallel_loop3A_328, %parallel_loop3A_334 : vector<16xf32>
        %parallel_loop3A_336 = arith.index_cast %parallel_loop3A_94 : i32 to index
        %parallel_loop3A_337 = arith.constant 112 : index
        %parallel_loop3A_338 = tpu.vector_load %arg18[%parallel_loop3A_336, %parallel_loop3A_337] {strides = array<i32>} : memref<80x128xf32, #tpu.memory_space<vmem>>, vector<1x16xf32>,
        %parallel_loop3A_339 = vector.shape_cast %parallel_loop3A_338 : vector<1x16xf32> to vector<16xf32>
        %parallel_loop3A_340 = arith.subf %parallel_loop3A_339, %parallel_loop3A_322 : vector<16xf32>
        %parallel_loop3A_341 = math.absf %parallel_loop3A_340 : vector<16xf32>
        %parallel_loop3A_342 = arith.addf %parallel_loop3A_335, %parallel_loop3A_341 : vector<16xf32>
        %parallel_loop3A_343 = arith.constant 0.333333343 : f32
        %parallel_loop3A_344 = vector.broadcast %parallel_loop3A_343 : f32 to vector<16xf32>
        %parallel_loop3A_345 = arith.mulf %parallel_loop3A_342, %parallel_loop3A_344 : vector<16xf32>
        %parallel_loop3A_346 = arith.index_cast %parallel_loop3A_94 : i32 to index
        %parallel_loop3A_347 = arith.constant 112 : index
        %parallel_loop3A_348 = tpu.vector_load %arg20[%parallel_loop3A_346, %parallel_loop3A_347] {strides = array<i32>} : memref<80x128xf32, #tpu.memory_space<vmem>>, vector<1x16xf32>,
        %parallel_loop3A_349 = vector.shape_cast %parallel_loop3A_348 : vector<1x16xf32> to vector<16xf32>
        %parallel_loop3A_350 = vector.shape_cast %parallel_loop3A_345 : vector<16xf32> to vector<1x16xf32>
        tpu.vector_store %arg20[%parallel_loop3A_346, %parallel_loop3A_347], %parallel_loop3A_350 {strides = array<i32>} : memref<80x128xf32, #tpu.memory_space<vmem>>, vector<1x16xf32>,
      } {sc.loop_unroll_factor = 2 : i64, sc.parallel_access}
      %add3A_89 = arith.constant 80 : i32
      %add3A_90 = arith.addi %mul3A_9, %add3A_89 : i32
      %dma_start3A = arith.constant 0 : i32
      %dma_start3A_91 = tpu.memref_slice %arg7[%add3A_90, %dma_start3A] : memref<10000x128xf32, #tpu.memory_space<hbm>> -> memref<80x128xf32, #tpu.memory_space<hbm>>
      %dma_start3A_92 = arith.constant 0 : i32
      %dma_start3A_93 = tpu.memref_slice %arg7[%add3A_90, %dma_start3A_92] : memref<10000x128xf32, #tpu.memory_space<hbm>> -> memref<80x128xf32, #tpu.memory_space<hbm>>
      tpu.enqueue_dma source(%arg20 : memref<80x128xf32, #tpu.memory_space<vmem>>) target(%dma_start3A_93 : memref<80x128xf32, #tpu.memory_space<hbm>>) target_semaphore(%arg24 : memref<!tpu.dma_semaphore, #tpu.memory_space<semaphore_mem>>)
    } else {
    }
    %gt3A_42 = arith.constant 3 : i32
    %gt3A_43 = arith.cmpi sgt, %select_n3A, %gt3A_42 : i32
    %convert_element_type3A_44 = arith.extui %gt3A_43 : i1 to i32
    %cond3A_45 = arith.constant 0 : i32
    %cond3A_46 = arith.cmpi ne, %convert_element_type3A_44, %cond3A_45 : i32
    scf.if %cond3A_46 {
      %dma_start3A = arith.constant 240 : i32
      %dma_start3A_87 = tpu.memref_slice %arg8[%dma_start3A] : memref<320xi32, #tpu.memory_space<vmem>> -> memref<80xi32, #tpu.memory_space<vmem>>
      %dma_start3A_88 = arith.constant 0 : i32
      %dma_start3A_89 = arith.constant 0 : i32
      %dma_start3A_90 = tpu.memref_slice %arg2[%dma_start3A_88, %dma_start3A_89] : memref<10000x128xf32, #tpu.memory_space<hbm>> -> memref<10000x128xf32, #tpu.memory_space<hbm>>
      tpu.enqueue_indirect_dma source(%dma_start3A_90 : memref<10000x128xf32, #tpu.memory_space<hbm>>) target(%arg16 : memref<80x128xf32, #tpu.memory_space<vmem>>) offsets(%dma_start3A_87 : memref<80xi32, #tpu.memory_space<vmem>>) semaphore(%arg22 : memref<!tpu.dma_semaphore, #tpu.memory_space<semaphore_mem>>)
      %dma_start3A_91 = arith.constant 240 : i32
      %dma_start3A_92 = tpu.memref_slice %arg9[%dma_start3A_91] : memref<320xi32, #tpu.memory_space<vmem>> -> memref<80xi32, #tpu.memory_space<vmem>>
      %dma_start3A_93 = arith.constant 0 : i32
      %dma_start3A_94 = arith.constant 0 : i32
      %dma_start3A_95 = tpu.memref_slice %arg2[%dma_start3A_93, %dma_start3A_94] : memref<10000x128xf32, #tpu.memory_space<hbm>> -> memref<10000x128xf32, #tpu.memory_space<hbm>>
      tpu.enqueue_indirect_dma source(%dma_start3A_95 : memref<10000x128xf32, #tpu.memory_space<hbm>>) target(%arg17 : memref<80x128xf32, #tpu.memory_space<vmem>>) offsets(%dma_start3A_92 : memref<80xi32, #tpu.memory_space<vmem>>) semaphore(%arg22 : memref<!tpu.dma_semaphore, #tpu.memory_space<semaphore_mem>>)
      %dma_start3A_96 = arith.constant 240 : i32
      %dma_start3A_97 = tpu.memref_slice %arg10[%dma_start3A_96] : memref<320xi32, #tpu.memory_space<vmem>> -> memref<80xi32, #tpu.memory_space<vmem>>
      %dma_start3A_98 = arith.constant 0 : i32
      %dma_start3A_99 = arith.constant 0 : i32
      %dma_start3A_100 = tpu.memref_slice %arg2[%dma_start3A_98, %dma_start3A_99] : memref<10000x128xf32, #tpu.memory_space<hbm>> -> memref<10000x128xf32, #tpu.memory_space<hbm>>
      tpu.enqueue_indirect_dma source(%dma_start3A_100 : memref<10000x128xf32, #tpu.memory_space<hbm>>) target(%arg18 : memref<80x128xf32, #tpu.memory_space<vmem>>) offsets(%dma_start3A_97 : memref<80xi32, #tpu.memory_space<vmem>>) semaphore(%arg22 : memref<!tpu.dma_semaphore, #tpu.memory_space<semaphore_mem>>)
      %add3A_101 = arith.constant 240 : i32
      %add3A_102 = arith.addi %mul3A_9, %add3A_101 : i32
      %dma_start3A_103 = arith.constant 0 : i32
      %dma_start3A_104 = tpu.memref_slice %arg3[%add3A_102, %dma_start3A_103] : memref<10000x128xf32, #tpu.memory_space<hbm>> -> memref<80x128xf32, #tpu.memory_space<hbm>>
      %dma_start3A_105 = arith.constant 0 : i32
      %dma_start3A_106 = tpu.memref_slice %arg3[%add3A_102, %dma_start3A_105] : memref<10000x128xf32, #tpu.memory_space<hbm>> -> memref<80x128xf32, #tpu.memory_space<hbm>>
      tpu.enqueue_dma source(%dma_start3A_106 : memref<80x128xf32, #tpu.memory_space<hbm>>) target(%arg19 : memref<80x128xf32, #tpu.memory_space<vmem>>) target_semaphore(%arg22 : memref<!tpu.dma_semaphore, #tpu.memory_space<semaphore_mem>>)
    } else {
    }
    %gt3A_47 = arith.constant 2 : i32
    %gt3A_48 = arith.cmpi sgt, %select_n3A, %gt3A_47 : i32
    %convert_element_type3A_49 = arith.extui %gt3A_48 : i1 to i32
    %cond3A_50 = arith.constant 0 : i32
    %cond3A_51 = arith.cmpi ne, %convert_element_type3A_49, %cond3A_50 : i32
    scf.if %cond3A_51 {
      %dma_wait3A = arith.constant 160 : i32
      %dma_wait3A_87 = tpu.memref_slice %arg8[%dma_wait3A] : memref<320xi32, #tpu.memory_space<vmem>> -> memref<80xi32, #tpu.memory_space<vmem>>
      %dma_wait3A_88 = arith.constant 0 : i32
      %dma_wait3A_89 = arith.constant 0 : i32
      %dma_wait3A_90 = tpu.memref_slice %arg2[%dma_wait3A_88, %dma_wait3A_89] : memref<10000x128xf32, #tpu.memory_space<hbm>> -> memref<10000x128xf32, #tpu.memory_space<hbm>>
      tpu.wait_indirect_dma semaphore(%arg21 : memref<!tpu.dma_semaphore, #tpu.memory_space<semaphore_mem>>) src(%dma_wait3A_90 : memref<10000x128xf32, #tpu.memory_space<hbm>>) dst(%arg11 : memref<80x128xf32, #tpu.memory_space<vmem>>)
      %dma_wait3A_91 = arith.constant 160 : i32
      %dma_wait3A_92 = tpu.memref_slice %arg9[%dma_wait3A_91] : memref<320xi32, #tpu.memory_space<vmem>> -> memref<80xi32, #tpu.memory_space<vmem>>
      %dma_wait3A_93 = arith.constant 0 : i32
      %dma_wait3A_94 = arith.constant 0 : i32
      %dma_wait3A_95 = tpu.memref_slice %arg2[%dma_wait3A_93, %dma_wait3A_94] : memref<10000x128xf32, #tpu.memory_space<hbm>> -> memref<10000x128xf32, #tpu.memory_space<hbm>>
      tpu.wait_indirect_dma semaphore(%arg21 : memref<!tpu.dma_semaphore, #tpu.memory_space<semaphore_mem>>) src(%dma_wait3A_95 : memref<10000x128xf32, #tpu.memory_space<hbm>>) dst(%arg12 : memref<80x128xf32, #tpu.memory_space<vmem>>)
      %dma_wait3A_96 = arith.constant 160 : i32
      %dma_wait3A_97 = tpu.memref_slice %arg10[%dma_wait3A_96] : memref<320xi32, #tpu.memory_space<vmem>> -> memref<80xi32, #tpu.memory_space<vmem>>
      %dma_wait3A_98 = arith.constant 0 : i32
      %dma_wait3A_99 = arith.constant 0 : i32
      %dma_wait3A_100 = tpu.memref_slice %arg2[%dma_wait3A_98, %dma_wait3A_99] : memref<10000x128xf32, #tpu.memory_space<hbm>> -> memref<10000x128xf32, #tpu.memory_space<hbm>>
      tpu.wait_indirect_dma semaphore(%arg21 : memref<!tpu.dma_semaphore, #tpu.memory_space<semaphore_mem>>) src(%dma_wait3A_100 : memref<10000x128xf32, #tpu.memory_space<hbm>>) dst(%arg13 : memref<80x128xf32, #tpu.memory_space<vmem>>)
      %add3A_101 = arith.constant 160 : i32
      %add3A_102 = arith.addi %mul3A_9, %add3A_101 : i32
      %dma_wait3A_103 = arith.constant 0 : i32
      %dma_wait3A_104 = tpu.memref_slice %arg3[%add3A_102, %dma_wait3A_103] : memref<10000x128xf32, #tpu.memory_space<hbm>> -> memref<80x128xf32, #tpu.memory_space<hbm>>
      %dma_wait3A_105 = arith.constant 0 : i32
      %dma_wait3A_106 = tpu.memref_slice %arg3[%add3A_102, %dma_wait3A_105] : memref<10000x128xf32, #tpu.memory_space<hbm>> -> memref<80x128xf32, #tpu.memory_space<hbm>>
      tpu.wait_dma2 semaphore(%arg21 : memref<!tpu.dma_semaphore, #tpu.memory_space<semaphore_mem>>) src(%dma_wait3A_106 : memref<80x128xf32, #tpu.memory_space<hbm>>) dst(%arg14 : memref<80x128xf32, #tpu.memory_space<vmem>>)
    } else {
    }
    %gt3A_52 = arith.constant 0 : i32
    %gt3A_53 = arith.cmpi sgt, %select_n3A, %gt3A_52 : i32
    %convert_element_type3A_54 = arith.extui %gt3A_53 : i1 to i32
    %cond3A_55 = arith.constant 0 : i32
    %cond3A_56 = arith.cmpi ne, %convert_element_type3A_54, %cond3A_55 : i32
    scf.if %cond3A_56 {
      %add3A_87 = arith.constant 0 : i32
      %add3A_88 = arith.addi %mul3A_9, %add3A_87 : i32
      %dma_wait3A = arith.constant 0 : i32
      %dma_wait3A_89 = tpu.memref_slice %arg7[%add3A_88, %dma_wait3A] : memref<10000x128xf32, #tpu.memory_space<hbm>> -> memref<80x128xf32, #tpu.memory_space<hbm>>
      %dma_wait3A_90 = arith.constant 0 : i32
      %dma_wait3A_91 = tpu.memref_slice %arg7[%add3A_88, %dma_wait3A_90] : memref<10000x128xf32, #tpu.memory_space<hbm>> -> memref<80x128xf32, #tpu.memory_space<hbm>>
      tpu.wait_dma2 semaphore(%arg23 : memref<!tpu.dma_semaphore, #tpu.memory_space<semaphore_mem>>) src(%arg15 : memref<80x128xf32, #tpu.memory_space<vmem>>) dst(%dma_wait3A_91 : memref<80x128xf32, #tpu.memory_space<hbm>>)
    } else {
    }
    %gt3A_57 = arith.constant 2 : i32
    %gt3A_58 = arith.cmpi sgt, %select_n3A, %gt3A_57 : i32
    %convert_element_type3A_59 = arith.extui %gt3A_58 : i1 to i32
    %cond3A_60 = arith.constant 0 : i32
    %cond3A_61 = arith.cmpi ne, %convert_element_type3A_59, %cond3A_60 : i32
    scf.if %cond3A_61 {
      %parallel_loop3A = arith.constant 0 : i32
      %parallel_loop3A_87 = arith.constant 80 : i32
      %parallel_loop3A_88 = arith.constant 1 : i32
      scf.for %parallel_loop3A_94 = %parallel_loop3A to %parallel_loop3A_87 step %parallel_loop3A_88  : i32 {
        %parallel_loop3A_95 = arith.index_cast %parallel_loop3A_94 : i32 to index
        %parallel_loop3A_96 = arith.constant 0 : index
        %parallel_loop3A_97 = tpu.vector_load %arg14[%parallel_loop3A_95, %parallel_loop3A_96] {strides = array<i32>} : memref<80x128xf32, #tpu.memory_space<vmem>>, vector<1x16xf32>,
        %parallel_loop3A_98 = vector.shape_cast %parallel_loop3A_97 : vector<1x16xf32> to vector<16xf32>
        %parallel_loop3A_99 = arith.index_cast %parallel_loop3A_94 : i32 to index
        %parallel_loop3A_100 = arith.constant 0 : index
        %parallel_loop3A_101 = tpu.vector_load %arg11[%parallel_loop3A_99, %parallel_loop3A_100] {strides = array<i32>} : memref<80x128xf32, #tpu.memory_space<vmem>>, vector<1x16xf32>,
        %parallel_loop3A_102 = vector.shape_cast %parallel_loop3A_101 : vector<1x16xf32> to vector<16xf32>
        %parallel_loop3A_103 = arith.subf %parallel_loop3A_102, %parallel_loop3A_98 : vector<16xf32>
        %parallel_loop3A_104 = math.absf %parallel_loop3A_103 : vector<16xf32>
        %parallel_loop3A_105 = arith.index_cast %parallel_loop3A_94 : i32 to index
        %parallel_loop3A_106 = arith.constant 0 : index
        %parallel_loop3A_107 = tpu.vector_load %arg12[%parallel_loop3A_105, %parallel_loop3A_106] {strides = array<i32>} : memref<80x128xf32, #tpu.memory_space<vmem>>, vector<1x16xf32>,
        %parallel_loop3A_108 = vector.shape_cast %parallel_loop3A_107 : vector<1x16xf32> to vector<16xf32>
        %parallel_loop3A_109 = arith.subf %parallel_loop3A_108, %parallel_loop3A_98 : vector<16xf32>
        %parallel_loop3A_110 = math.absf %parallel_loop3A_109 : vector<16xf32>
        %parallel_loop3A_111 = arith.addf %parallel_loop3A_104, %parallel_loop3A_110 : vector<16xf32>
        %parallel_loop3A_112 = arith.index_cast %parallel_loop3A_94 : i32 to index
        %parallel_loop3A_113 = arith.constant 0 : index
        %parallel_loop3A_114 = tpu.vector_load %arg13[%parallel_loop3A_112, %parallel_loop3A_113] {strides = array<i32>} : memref<80x128xf32, #tpu.memory_space<vmem>>, vector<1x16xf32>,
        %parallel_loop3A_115 = vector.shape_cast %parallel_loop3A_114 : vector<1x16xf32> to vector<16xf32>
        %parallel_loop3A_116 = arith.subf %parallel_loop3A_115, %parallel_loop3A_98 : vector<16xf32>
        %parallel_loop3A_117 = math.absf %parallel_loop3A_116 : vector<16xf32>
        %parallel_loop3A_118 = arith.addf %parallel_loop3A_111, %parallel_loop3A_117 : vector<16xf32>
        %parallel_loop3A_119 = arith.constant 0.333333343 : f32
        %parallel_loop3A_120 = vector.broadcast %parallel_loop3A_119 : f32 to vector<16xf32>
        %parallel_loop3A_121 = arith.mulf %parallel_loop3A_118, %parallel_loop3A_120 : vector<16xf32>
        %parallel_loop3A_122 = arith.index_cast %parallel_loop3A_94 : i32 to index
        %parallel_loop3A_123 = arith.constant 0 : index
        %parallel_loop3A_124 = tpu.vector_load %arg15[%parallel_loop3A_122, %parallel_loop3A_123] {strides = array<i32>} : memref<80x128xf32, #tpu.memory_space<vmem>>, vector<1x16xf32>,
        %parallel_loop3A_125 = vector.shape_cast %parallel_loop3A_124 : vector<1x16xf32> to vector<16xf32>
        %parallel_loop3A_126 = vector.shape_cast %parallel_loop3A_121 : vector<16xf32> to vector<1x16xf32>
        tpu.vector_store %arg15[%parallel_loop3A_122, %parallel_loop3A_123], %parallel_loop3A_126 {strides = array<i32>} : memref<80x128xf32, #tpu.memory_space<vmem>>, vector<1x16xf32>,
        %parallel_loop3A_127 = arith.index_cast %parallel_loop3A_94 : i32 to index
        %parallel_loop3A_128 = arith.constant 16 : index
        %parallel_loop3A_129 = tpu.vector_load %arg14[%parallel_loop3A_127, %parallel_loop3A_128] {strides = array<i32>} : memref<80x128xf32, #tpu.memory_space<vmem>>, vector<1x16xf32>,
        %parallel_loop3A_130 = vector.shape_cast %parallel_loop3A_129 : vector<1x16xf32> to vector<16xf32>
        %parallel_loop3A_131 = arith.index_cast %parallel_loop3A_94 : i32 to index
        %parallel_loop3A_132 = arith.constant 16 : index
        %parallel_loop3A_133 = tpu.vector_load %arg11[%parallel_loop3A_131, %parallel_loop3A_132] {strides = array<i32>} : memref<80x128xf32, #tpu.memory_space<vmem>>, vector<1x16xf32>,
        %parallel_loop3A_134 = vector.shape_cast %parallel_loop3A_133 : vector<1x16xf32> to vector<16xf32>
        %parallel_loop3A_135 = arith.subf %parallel_loop3A_134, %parallel_loop3A_130 : vector<16xf32>
        %parallel_loop3A_136 = math.absf %parallel_loop3A_135 : vector<16xf32>
        %parallel_loop3A_137 = arith.index_cast %parallel_loop3A_94 : i32 to index
        %parallel_loop3A_138 = arith.constant 16 : index
        %parallel_loop3A_139 = tpu.vector_load %arg12[%parallel_loop3A_137, %parallel_loop3A_138] {strides = array<i32>} : memref<80x128xf32, #tpu.memory_space<vmem>>, vector<1x16xf32>,
        %parallel_loop3A_140 = vector.shape_cast %parallel_loop3A_139 : vector<1x16xf32> to vector<16xf32>
        %parallel_loop3A_141 = arith.subf %parallel_loop3A_140, %parallel_loop3A_130 : vector<16xf32>
        %parallel_loop3A_142 = math.absf %parallel_loop3A_141 : vector<16xf32>
        %parallel_loop3A_143 = arith.addf %parallel_loop3A_136, %parallel_loop3A_142 : vector<16xf32>
        %parallel_loop3A_144 = arith.index_cast %parallel_loop3A_94 : i32 to index
        %parallel_loop3A_145 = arith.constant 16 : index
        %parallel_loop3A_146 = tpu.vector_load %arg13[%parallel_loop3A_144, %parallel_loop3A_145] {strides = array<i32>} : memref<80x128xf32, #tpu.memory_space<vmem>>, vector<1x16xf32>,
        %parallel_loop3A_147 = vector.shape_cast %parallel_loop3A_146 : vector<1x16xf32> to vector<16xf32>
        %parallel_loop3A_148 = arith.subf %parallel_loop3A_147, %parallel_loop3A_130 : vector<16xf32>
        %parallel_loop3A_149 = math.absf %parallel_loop3A_148 : vector<16xf32>
        %parallel_loop3A_150 = arith.addf %parallel_loop3A_143, %parallel_loop3A_149 : vector<16xf32>
        %parallel_loop3A_151 = arith.constant 0.333333343 : f32
        %parallel_loop3A_152 = vector.broadcast %parallel_loop3A_151 : f32 to vector<16xf32>
        %parallel_loop3A_153 = arith.mulf %parallel_loop3A_150, %parallel_loop3A_152 : vector<16xf32>
        %parallel_loop3A_154 = arith.index_cast %parallel_loop3A_94 : i32 to index
        %parallel_loop3A_155 = arith.constant 16 : index
        %parallel_loop3A_156 = tpu.vector_load %arg15[%parallel_loop3A_154, %parallel_loop3A_155] {strides = array<i32>} : memref<80x128xf32, #tpu.memory_space<vmem>>, vector<1x16xf32>,
        %parallel_loop3A_157 = vector.shape_cast %parallel_loop3A_156 : vector<1x16xf32> to vector<16xf32>
        %parallel_loop3A_158 = vector.shape_cast %parallel_loop3A_153 : vector<16xf32> to vector<1x16xf32>
        tpu.vector_store %arg15[%parallel_loop3A_154, %parallel_loop3A_155], %parallel_loop3A_158 {strides = array<i32>} : memref<80x128xf32, #tpu.memory_space<vmem>>, vector<1x16xf32>,
        %parallel_loop3A_159 = arith.index_cast %parallel_loop3A_94 : i32 to index
        %parallel_loop3A_160 = arith.constant 32 : index
        %parallel_loop3A_161 = tpu.vector_load %arg14[%parallel_loop3A_159, %parallel_loop3A_160] {strides = array<i32>} : memref<80x128xf32, #tpu.memory_space<vmem>>, vector<1x16xf32>,
        %parallel_loop3A_162 = vector.shape_cast %parallel_loop3A_161 : vector<1x16xf32> to vector<16xf32>
        %parallel_loop3A_163 = arith.index_cast %parallel_loop3A_94 : i32 to index
        %parallel_loop3A_164 = arith.constant 32 : index
        %parallel_loop3A_165 = tpu.vector_load %arg11[%parallel_loop3A_163, %parallel_loop3A_164] {strides = array<i32>} : memref<80x128xf32, #tpu.memory_space<vmem>>, vector<1x16xf32>,
        %parallel_loop3A_166 = vector.shape_cast %parallel_loop3A_165 : vector<1x16xf32> to vector<16xf32>
        %parallel_loop3A_167 = arith.subf %parallel_loop3A_166, %parallel_loop3A_162 : vector<16xf32>
        %parallel_loop3A_168 = math.absf %parallel_loop3A_167 : vector<16xf32>
        %parallel_loop3A_169 = arith.index_cast %parallel_loop3A_94 : i32 to index
        %parallel_loop3A_170 = arith.constant 32 : index
        %parallel_loop3A_171 = tpu.vector_load %arg12[%parallel_loop3A_169, %parallel_loop3A_170] {strides = array<i32>} : memref<80x128xf32, #tpu.memory_space<vmem>>, vector<1x16xf32>,
        %parallel_loop3A_172 = vector.shape_cast %parallel_loop3A_171 : vector<1x16xf32> to vector<16xf32>
        %parallel_loop3A_173 = arith.subf %parallel_loop3A_172, %parallel_loop3A_162 : vector<16xf32>
        %parallel_loop3A_174 = math.absf %parallel_loop3A_173 : vector<16xf32>
        %parallel_loop3A_175 = arith.addf %parallel_loop3A_168, %parallel_loop3A_174 : vector<16xf32>
        %parallel_loop3A_176 = arith.index_cast %parallel_loop3A_94 : i32 to index
        %parallel_loop3A_177 = arith.constant 32 : index
        %parallel_loop3A_178 = tpu.vector_load %arg13[%parallel_loop3A_176, %parallel_loop3A_177] {strides = array<i32>} : memref<80x128xf32, #tpu.memory_space<vmem>>, vector<1x16xf32>,
        %parallel_loop3A_179 = vector.shape_cast %parallel_loop3A_178 : vector<1x16xf32> to vector<16xf32>
        %parallel_loop3A_180 = arith.subf %parallel_loop3A_179, %parallel_loop3A_162 : vector<16xf32>
        %parallel_loop3A_181 = math.absf %parallel_loop3A_180 : vector<16xf32>
        %parallel_loop3A_182 = arith.addf %parallel_loop3A_175, %parallel_loop3A_181 : vector<16xf32>
        %parallel_loop3A_183 = arith.constant 0.333333343 : f32
        %parallel_loop3A_184 = vector.broadcast %parallel_loop3A_183 : f32 to vector<16xf32>
        %parallel_loop3A_185 = arith.mulf %parallel_loop3A_182, %parallel_loop3A_184 : vector<16xf32>
        %parallel_loop3A_186 = arith.index_cast %parallel_loop3A_94 : i32 to index
        %parallel_loop3A_187 = arith.constant 32 : index
        %parallel_loop3A_188 = tpu.vector_load %arg15[%parallel_loop3A_186, %parallel_loop3A_187] {strides = array<i32>} : memref<80x128xf32, #tpu.memory_space<vmem>>, vector<1x16xf32>,
        %parallel_loop3A_189 = vector.shape_cast %parallel_loop3A_188 : vector<1x16xf32> to vector<16xf32>
        %parallel_loop3A_190 = vector.shape_cast %parallel_loop3A_185 : vector<16xf32> to vector<1x16xf32>
        tpu.vector_store %arg15[%parallel_loop3A_186, %parallel_loop3A_187], %parallel_loop3A_190 {strides = array<i32>} : memref<80x128xf32, #tpu.memory_space<vmem>>, vector<1x16xf32>,
        %parallel_loop3A_191 = arith.index_cast %parallel_loop3A_94 : i32 to index
        %parallel_loop3A_192 = arith.constant 48 : index
        %parallel_loop3A_193 = tpu.vector_load %arg14[%parallel_loop3A_191, %parallel_loop3A_192] {strides = array<i32>} : memref<80x128xf32, #tpu.memory_space<vmem>>, vector<1x16xf32>,
        %parallel_loop3A_194 = vector.shape_cast %parallel_loop3A_193 : vector<1x16xf32> to vector<16xf32>
        %parallel_loop3A_195 = arith.index_cast %parallel_loop3A_94 : i32 to index
        %parallel_loop3A_196 = arith.constant 48 : index
        %parallel_loop3A_197 = tpu.vector_load %arg11[%parallel_loop3A_195, %parallel_loop3A_196] {strides = array<i32>} : memref<80x128xf32, #tpu.memory_space<vmem>>, vector<1x16xf32>,
        %parallel_loop3A_198 = vector.shape_cast %parallel_loop3A_197 : vector<1x16xf32> to vector<16xf32>
        %parallel_loop3A_199 = arith.subf %parallel_loop3A_198, %parallel_loop3A_194 : vector<16xf32>
        %parallel_loop3A_200 = math.absf %parallel_loop3A_199 : vector<16xf32>
        %parallel_loop3A_201 = arith.index_cast %parallel_loop3A_94 : i32 to index
        %parallel_loop3A_202 = arith.constant 48 : index
        %parallel_loop3A_203 = tpu.vector_load %arg12[%parallel_loop3A_201, %parallel_loop3A_202] {strides = array<i32>} : memref<80x128xf32, #tpu.memory_space<vmem>>, vector<1x16xf32>,
        %parallel_loop3A_204 = vector.shape_cast %parallel_loop3A_203 : vector<1x16xf32> to vector<16xf32>
        %parallel_loop3A_205 = arith.subf %parallel_loop3A_204, %parallel_loop3A_194 : vector<16xf32>
        %parallel_loop3A_206 = math.absf %parallel_loop3A_205 : vector<16xf32>
        %parallel_loop3A_207 = arith.addf %parallel_loop3A_200, %parallel_loop3A_206 : vector<16xf32>
        %parallel_loop3A_208 = arith.index_cast %parallel_loop3A_94 : i32 to index
        %parallel_loop3A_209 = arith.constant 48 : index
        %parallel_loop3A_210 = tpu.vector_load %arg13[%parallel_loop3A_208, %parallel_loop3A_209] {strides = array<i32>} : memref<80x128xf32, #tpu.memory_space<vmem>>, vector<1x16xf32>,
        %parallel_loop3A_211 = vector.shape_cast %parallel_loop3A_210 : vector<1x16xf32> to vector<16xf32>
        %parallel_loop3A_212 = arith.subf %parallel_loop3A_211, %parallel_loop3A_194 : vector<16xf32>
        %parallel_loop3A_213 = math.absf %parallel_loop3A_212 : vector<16xf32>
        %parallel_loop3A_214 = arith.addf %parallel_loop3A_207, %parallel_loop3A_213 : vector<16xf32>
        %parallel_loop3A_215 = arith.constant 0.333333343 : f32
        %parallel_loop3A_216 = vector.broadcast %parallel_loop3A_215 : f32 to vector<16xf32>
        %parallel_loop3A_217 = arith.mulf %parallel_loop3A_214, %parallel_loop3A_216 : vector<16xf32>
        %parallel_loop3A_218 = arith.index_cast %parallel_loop3A_94 : i32 to index
        %parallel_loop3A_219 = arith.constant 48 : index
        %parallel_loop3A_220 = tpu.vector_load %arg15[%parallel_loop3A_218, %parallel_loop3A_219] {strides = array<i32>} : memref<80x128xf32, #tpu.memory_space<vmem>>, vector<1x16xf32>,
        %parallel_loop3A_221 = vector.shape_cast %parallel_loop3A_220 : vector<1x16xf32> to vector<16xf32>
        %parallel_loop3A_222 = vector.shape_cast %parallel_loop3A_217 : vector<16xf32> to vector<1x16xf32>
        tpu.vector_store %arg15[%parallel_loop3A_218, %parallel_loop3A_219], %parallel_loop3A_222 {strides = array<i32>} : memref<80x128xf32, #tpu.memory_space<vmem>>, vector<1x16xf32>,
        %parallel_loop3A_223 = arith.index_cast %parallel_loop3A_94 : i32 to index
        %parallel_loop3A_224 = arith.constant 64 : index
        %parallel_loop3A_225 = tpu.vector_load %arg14[%parallel_loop3A_223, %parallel_loop3A_224] {strides = array<i32>} : memref<80x128xf32, #tpu.memory_space<vmem>>, vector<1x16xf32>,
        %parallel_loop3A_226 = vector.shape_cast %parallel_loop3A_225 : vector<1x16xf32> to vector<16xf32>
        %parallel_loop3A_227 = arith.index_cast %parallel_loop3A_94 : i32 to index
        %parallel_loop3A_228 = arith.constant 64 : index
        %parallel_loop3A_229 = tpu.vector_load %arg11[%parallel_loop3A_227, %parallel_loop3A_228] {strides = array<i32>} : memref<80x128xf32, #tpu.memory_space<vmem>>, vector<1x16xf32>,
        %parallel_loop3A_230 = vector.shape_cast %parallel_loop3A_229 : vector<1x16xf32> to vector<16xf32>
        %parallel_loop3A_231 = arith.subf %parallel_loop3A_230, %parallel_loop3A_226 : vector<16xf32>
        %parallel_loop3A_232 = math.absf %parallel_loop3A_231 : vector<16xf32>
        %parallel_loop3A_233 = arith.index_cast %parallel_loop3A_94 : i32 to index
        %parallel_loop3A_234 = arith.constant 64 : index
        %parallel_loop3A_235 = tpu.vector_load %arg12[%parallel_loop3A_233, %parallel_loop3A_234] {strides = array<i32>} : memref<80x128xf32, #tpu.memory_space<vmem>>, vector<1x16xf32>,
        %parallel_loop3A_236 = vector.shape_cast %parallel_loop3A_235 : vector<1x16xf32> to vector<16xf32>
        %parallel_loop3A_237 = arith.subf %parallel_loop3A_236, %parallel_loop3A_226 : vector<16xf32>
        %parallel_loop3A_238 = math.absf %parallel_loop3A_237 : vector<16xf32>
        %parallel_loop3A_239 = arith.addf %parallel_loop3A_232, %parallel_loop3A_238 : vector<16xf32>
        %parallel_loop3A_240 = arith.index_cast %parallel_loop3A_94 : i32 to index
        %parallel_loop3A_241 = arith.constant 64 : index
        %parallel_loop3A_242 = tpu.vector_load %arg13[%parallel_loop3A_240, %parallel_loop3A_241] {strides = array<i32>} : memref<80x128xf32, #tpu.memory_space<vmem>>, vector<1x16xf32>,
        %parallel_loop3A_243 = vector.shape_cast %parallel_loop3A_242 : vector<1x16xf32> to vector<16xf32>
        %parallel_loop3A_244 = arith.subf %parallel_loop3A_243, %parallel_loop3A_226 : vector<16xf32>
        %parallel_loop3A_245 = math.absf %parallel_loop3A_244 : vector<16xf32>
        %parallel_loop3A_246 = arith.addf %parallel_loop3A_239, %parallel_loop3A_245 : vector<16xf32>
        %parallel_loop3A_247 = arith.constant 0.333333343 : f32
        %parallel_loop3A_248 = vector.broadcast %parallel_loop3A_247 : f32 to vector<16xf32>
        %parallel_loop3A_249 = arith.mulf %parallel_loop3A_246, %parallel_loop3A_248 : vector<16xf32>
        %parallel_loop3A_250 = arith.index_cast %parallel_loop3A_94 : i32 to index
        %parallel_loop3A_251 = arith.constant 64 : index
        %parallel_loop3A_252 = tpu.vector_load %arg15[%parallel_loop3A_250, %parallel_loop3A_251] {strides = array<i32>} : memref<80x128xf32, #tpu.memory_space<vmem>>, vector<1x16xf32>,
        %parallel_loop3A_253 = vector.shape_cast %parallel_loop3A_252 : vector<1x16xf32> to vector<16xf32>
        %parallel_loop3A_254 = vector.shape_cast %parallel_loop3A_249 : vector<16xf32> to vector<1x16xf32>
        tpu.vector_store %arg15[%parallel_loop3A_250, %parallel_loop3A_251], %parallel_loop3A_254 {strides = array<i32>} : memref<80x128xf32, #tpu.memory_space<vmem>>, vector<1x16xf32>,
        %parallel_loop3A_255 = arith.index_cast %parallel_loop3A_94 : i32 to index
        %parallel_loop3A_256 = arith.constant 80 : index
        %parallel_loop3A_257 = tpu.vector_load %arg14[%parallel_loop3A_255, %parallel_loop3A_256] {strides = array<i32>} : memref<80x128xf32, #tpu.memory_space<vmem>>, vector<1x16xf32>,
        %parallel_loop3A_258 = vector.shape_cast %parallel_loop3A_257 : vector<1x16xf32> to vector<16xf32>
        %parallel_loop3A_259 = arith.index_cast %parallel_loop3A_94 : i32 to index
        %parallel_loop3A_260 = arith.constant 80 : index
        %parallel_loop3A_261 = tpu.vector_load %arg11[%parallel_loop3A_259, %parallel_loop3A_260] {strides = array<i32>} : memref<80x128xf32, #tpu.memory_space<vmem>>, vector<1x16xf32>,
        %parallel_loop3A_262 = vector.shape_cast %parallel_loop3A_261 : vector<1x16xf32> to vector<16xf32>
        %parallel_loop3A_263 = arith.subf %parallel_loop3A_262, %parallel_loop3A_258 : vector<16xf32>
        %parallel_loop3A_264 = math.absf %parallel_loop3A_263 : vector<16xf32>
        %parallel_loop3A_265 = arith.index_cast %parallel_loop3A_94 : i32 to index
        %parallel_loop3A_266 = arith.constant 80 : index
        %parallel_loop3A_267 = tpu.vector_load %arg12[%parallel_loop3A_265, %parallel_loop3A_266] {strides = array<i32>} : memref<80x128xf32, #tpu.memory_space<vmem>>, vector<1x16xf32>,
        %parallel_loop3A_268 = vector.shape_cast %parallel_loop3A_267 : vector<1x16xf32> to vector<16xf32>
        %parallel_loop3A_269 = arith.subf %parallel_loop3A_268, %parallel_loop3A_258 : vector<16xf32>
        %parallel_loop3A_270 = math.absf %parallel_loop3A_269 : vector<16xf32>
        %parallel_loop3A_271 = arith.addf %parallel_loop3A_264, %parallel_loop3A_270 : vector<16xf32>
        %parallel_loop3A_272 = arith.index_cast %parallel_loop3A_94 : i32 to index
        %parallel_loop3A_273 = arith.constant 80 : index
        %parallel_loop3A_274 = tpu.vector_load %arg13[%parallel_loop3A_272, %parallel_loop3A_273] {strides = array<i32>} : memref<80x128xf32, #tpu.memory_space<vmem>>, vector<1x16xf32>,
        %parallel_loop3A_275 = vector.shape_cast %parallel_loop3A_274 : vector<1x16xf32> to vector<16xf32>
        %parallel_loop3A_276 = arith.subf %parallel_loop3A_275, %parallel_loop3A_258 : vector<16xf32>
        %parallel_loop3A_277 = math.absf %parallel_loop3A_276 : vector<16xf32>
        %parallel_loop3A_278 = arith.addf %parallel_loop3A_271, %parallel_loop3A_277 : vector<16xf32>
        %parallel_loop3A_279 = arith.constant 0.333333343 : f32
        %parallel_loop3A_280 = vector.broadcast %parallel_loop3A_279 : f32 to vector<16xf32>
        %parallel_loop3A_281 = arith.mulf %parallel_loop3A_278, %parallel_loop3A_280 : vector<16xf32>
        %parallel_loop3A_282 = arith.index_cast %parallel_loop3A_94 : i32 to index
        %parallel_loop3A_283 = arith.constant 80 : index
        %parallel_loop3A_284 = tpu.vector_load %arg15[%parallel_loop3A_282, %parallel_loop3A_283] {strides = array<i32>} : memref<80x128xf32, #tpu.memory_space<vmem>>, vector<1x16xf32>,
        %parallel_loop3A_285 = vector.shape_cast %parallel_loop3A_284 : vector<1x16xf32> to vector<16xf32>
        %parallel_loop3A_286 = vector.shape_cast %parallel_loop3A_281 : vector<16xf32> to vector<1x16xf32>
        tpu.vector_store %arg15[%parallel_loop3A_282, %parallel_loop3A_283], %parallel_loop3A_286 {strides = array<i32>} : memref<80x128xf32, #tpu.memory_space<vmem>>, vector<1x16xf32>,
        %parallel_loop3A_287 = arith.index_cast %parallel_loop3A_94 : i32 to index
        %parallel_loop3A_288 = arith.constant 96 : index
        %parallel_loop3A_289 = tpu.vector_load %arg14[%parallel_loop3A_287, %parallel_loop3A_288] {strides = array<i32>} : memref<80x128xf32, #tpu.memory_space<vmem>>, vector<1x16xf32>,
        %parallel_loop3A_290 = vector.shape_cast %parallel_loop3A_289 : vector<1x16xf32> to vector<16xf32>
        %parallel_loop3A_291 = arith.index_cast %parallel_loop3A_94 : i32 to index
        %parallel_loop3A_292 = arith.constant 96 : index
        %parallel_loop3A_293 = tpu.vector_load %arg11[%parallel_loop3A_291, %parallel_loop3A_292] {strides = array<i32>} : memref<80x128xf32, #tpu.memory_space<vmem>>, vector<1x16xf32>,
        %parallel_loop3A_294 = vector.shape_cast %parallel_loop3A_293 : vector<1x16xf32> to vector<16xf32>
        %parallel_loop3A_295 = arith.subf %parallel_loop3A_294, %parallel_loop3A_290 : vector<16xf32>
        %parallel_loop3A_296 = math.absf %parallel_loop3A_295 : vector<16xf32>
        %parallel_loop3A_297 = arith.index_cast %parallel_loop3A_94 : i32 to index
        %parallel_loop3A_298 = arith.constant 96 : index
        %parallel_loop3A_299 = tpu.vector_load %arg12[%parallel_loop3A_297, %parallel_loop3A_298] {strides = array<i32>} : memref<80x128xf32, #tpu.memory_space<vmem>>, vector<1x16xf32>,
        %parallel_loop3A_300 = vector.shape_cast %parallel_loop3A_299 : vector<1x16xf32> to vector<16xf32>
        %parallel_loop3A_301 = arith.subf %parallel_loop3A_300, %parallel_loop3A_290 : vector<16xf32>
        %parallel_loop3A_302 = math.absf %parallel_loop3A_301 : vector<16xf32>
        %parallel_loop3A_303 = arith.addf %parallel_loop3A_296, %parallel_loop3A_302 : vector<16xf32>
        %parallel_loop3A_304 = arith.index_cast %parallel_loop3A_94 : i32 to index
        %parallel_loop3A_305 = arith.constant 96 : index
        %parallel_loop3A_306 = tpu.vector_load %arg13[%parallel_loop3A_304, %parallel_loop3A_305] {strides = array<i32>} : memref<80x128xf32, #tpu.memory_space<vmem>>, vector<1x16xf32>,
        %parallel_loop3A_307 = vector.shape_cast %parallel_loop3A_306 : vector<1x16xf32> to vector<16xf32>
        %parallel_loop3A_308 = arith.subf %parallel_loop3A_307, %parallel_loop3A_290 : vector<16xf32>
        %parallel_loop3A_309 = math.absf %parallel_loop3A_308 : vector<16xf32>
        %parallel_loop3A_310 = arith.addf %parallel_loop3A_303, %parallel_loop3A_309 : vector<16xf32>
        %parallel_loop3A_311 = arith.constant 0.333333343 : f32
        %parallel_loop3A_312 = vector.broadcast %parallel_loop3A_311 : f32 to vector<16xf32>
        %parallel_loop3A_313 = arith.mulf %parallel_loop3A_310, %parallel_loop3A_312 : vector<16xf32>
        %parallel_loop3A_314 = arith.index_cast %parallel_loop3A_94 : i32 to index
        %parallel_loop3A_315 = arith.constant 96 : index
        %parallel_loop3A_316 = tpu.vector_load %arg15[%parallel_loop3A_314, %parallel_loop3A_315] {strides = array<i32>} : memref<80x128xf32, #tpu.memory_space<vmem>>, vector<1x16xf32>,
        %parallel_loop3A_317 = vector.shape_cast %parallel_loop3A_316 : vector<1x16xf32> to vector<16xf32>
        %parallel_loop3A_318 = vector.shape_cast %parallel_loop3A_313 : vector<16xf32> to vector<1x16xf32>
        tpu.vector_store %arg15[%parallel_loop3A_314, %parallel_loop3A_315], %parallel_loop3A_318 {strides = array<i32>} : memref<80x128xf32, #tpu.memory_space<vmem>>, vector<1x16xf32>,
        %parallel_loop3A_319 = arith.index_cast %parallel_loop3A_94 : i32 to index
        %parallel_loop3A_320 = arith.constant 112 : index
        %parallel_loop3A_321 = tpu.vector_load %arg14[%parallel_loop3A_319, %parallel_loop3A_320] {strides = array<i32>} : memref<80x128xf32, #tpu.memory_space<vmem>>, vector<1x16xf32>,
        %parallel_loop3A_322 = vector.shape_cast %parallel_loop3A_321 : vector<1x16xf32> to vector<16xf32>
        %parallel_loop3A_323 = arith.index_cast %parallel_loop3A_94 : i32 to index
        %parallel_loop3A_324 = arith.constant 112 : index
        %parallel_loop3A_325 = tpu.vector_load %arg11[%parallel_loop3A_323, %parallel_loop3A_324] {strides = array<i32>} : memref<80x128xf32, #tpu.memory_space<vmem>>, vector<1x16xf32>,
        %parallel_loop3A_326 = vector.shape_cast %parallel_loop3A_325 : vector<1x16xf32> to vector<16xf32>
        %parallel_loop3A_327 = arith.subf %parallel_loop3A_326, %parallel_loop3A_322 : vector<16xf32>
        %parallel_loop3A_328 = math.absf %parallel_loop3A_327 : vector<16xf32>
        %parallel_loop3A_329 = arith.index_cast %parallel_loop3A_94 : i32 to index
        %parallel_loop3A_330 = arith.constant 112 : index
        %parallel_loop3A_331 = tpu.vector_load %arg12[%parallel_loop3A_329, %parallel_loop3A_330] {strides = array<i32>} : memref<80x128xf32, #tpu.memory_space<vmem>>, vector<1x16xf32>,
        %parallel_loop3A_332 = vector.shape_cast %parallel_loop3A_331 : vector<1x16xf32> to vector<16xf32>
        %parallel_loop3A_333 = arith.subf %parallel_loop3A_332, %parallel_loop3A_322 : vector<16xf32>
        %parallel_loop3A_334 = math.absf %parallel_loop3A_333 : vector<16xf32>
        %parallel_loop3A_335 = arith.addf %parallel_loop3A_328, %parallel_loop3A_334 : vector<16xf32>
        %parallel_loop3A_336 = arith.index_cast %parallel_loop3A_94 : i32 to index
        %parallel_loop3A_337 = arith.constant 112 : index
        %parallel_loop3A_338 = tpu.vector_load %arg13[%parallel_loop3A_336, %parallel_loop3A_337] {strides = array<i32>} : memref<80x128xf32, #tpu.memory_space<vmem>>, vector<1x16xf32>,
        %parallel_loop3A_339 = vector.shape_cast %parallel_loop3A_338 : vector<1x16xf32> to vector<16xf32>
        %parallel_loop3A_340 = arith.subf %parallel_loop3A_339, %parallel_loop3A_322 : vector<16xf32>
        %parallel_loop3A_341 = math.absf %parallel_loop3A_340 : vector<16xf32>
        %parallel_loop3A_342 = arith.addf %parallel_loop3A_335, %parallel_loop3A_341 : vector<16xf32>
        %parallel_loop3A_343 = arith.constant 0.333333343 : f32
        %parallel_loop3A_344 = vector.broadcast %parallel_loop3A_343 : f32 to vector<16xf32>
        %parallel_loop3A_345 = arith.mulf %parallel_loop3A_342, %parallel_loop3A_344 : vector<16xf32>
        %parallel_loop3A_346 = arith.index_cast %parallel_loop3A_94 : i32 to index
        %parallel_loop3A_347 = arith.constant 112 : index
        %parallel_loop3A_348 = tpu.vector_load %arg15[%parallel_loop3A_346, %parallel_loop3A_347] {strides = array<i32>} : memref<80x128xf32, #tpu.memory_space<vmem>>, vector<1x16xf32>,
        %parallel_loop3A_349 = vector.shape_cast %parallel_loop3A_348 : vector<1x16xf32> to vector<16xf32>
        %parallel_loop3A_350 = vector.shape_cast %parallel_loop3A_345 : vector<16xf32> to vector<1x16xf32>
        tpu.vector_store %arg15[%parallel_loop3A_346, %parallel_loop3A_347], %parallel_loop3A_350 {strides = array<i32>} : memref<80x128xf32, #tpu.memory_space<vmem>>, vector<1x16xf32>,
      } {sc.loop_unroll_factor = 2 : i64, sc.parallel_access}
      %add3A_89 = arith.constant 160 : i32
      %add3A_90 = arith.addi %mul3A_9, %add3A_89 : i32
      %dma_start3A = arith.constant 0 : i32
      %dma_start3A_91 = tpu.memref_slice %arg7[%add3A_90, %dma_start3A] : memref<10000x128xf32, #tpu.memory_space<hbm>> -> memref<80x128xf32, #tpu.memory_space<hbm>>
      %dma_start3A_92 = arith.constant 0 : i32
      %dma_start3A_93 = tpu.memref_slice %arg7[%add3A_90, %dma_start3A_92] : memref<10000x128xf32, #tpu.memory_space<hbm>> -> memref<80x128xf32, #tpu.memory_space<hbm>>
      tpu.enqueue_dma source(%arg15 : memref<80x128xf32, #tpu.memory_space<vmem>>) target(%dma_start3A_93 : memref<80x128xf32, #tpu.memory_space<hbm>>) target_semaphore(%arg23 : memref<!tpu.dma_semaphore, #tpu.memory_space<semaphore_mem>>)
    } else {
    }
    %gt3A_62 = arith.constant 3 : i32
    %gt3A_63 = arith.cmpi sgt, %select_n3A, %gt3A_62 : i32
    %convert_element_type3A_64 = arith.extui %gt3A_63 : i1 to i32
    %cond3A_65 = arith.constant 0 : i32
    %cond3A_66 = arith.cmpi ne, %convert_element_type3A_64, %cond3A_65 : i32
    scf.if %cond3A_66 {
      %dma_wait3A = arith.constant 240 : i32
      %dma_wait3A_87 = tpu.memref_slice %arg8[%dma_wait3A] : memref<320xi32, #tpu.memory_space<vmem>> -> memref<80xi32, #tpu.memory_space<vmem>>
      %dma_wait3A_88 = arith.constant 0 : i32
      %dma_wait3A_89 = arith.constant 0 : i32
      %dma_wait3A_90 = tpu.memref_slice %arg2[%dma_wait3A_88, %dma_wait3A_89] : memref<10000x128xf32, #tpu.memory_space<hbm>> -> memref<10000x128xf32, #tpu.memory_space<hbm>>
      tpu.wait_indirect_dma semaphore(%arg22 : memref<!tpu.dma_semaphore, #tpu.memory_space<semaphore_mem>>) src(%dma_wait3A_90 : memref<10000x128xf32, #tpu.memory_space<hbm>>) dst(%arg16 : memref<80x128xf32, #tpu.memory_space<vmem>>)
      %dma_wait3A_91 = arith.constant 240 : i32
      %dma_wait3A_92 = tpu.memref_slice %arg9[%dma_wait3A_91] : memref<320xi32, #tpu.memory_space<vmem>> -> memref<80xi32, #tpu.memory_space<vmem>>
      %dma_wait3A_93 = arith.constant 0 : i32
      %dma_wait3A_94 = arith.constant 0 : i32
      %dma_wait3A_95 = tpu.memref_slice %arg2[%dma_wait3A_93, %dma_wait3A_94] : memref<10000x128xf32, #tpu.memory_space<hbm>> -> memref<10000x128xf32, #tpu.memory_space<hbm>>
      tpu.wait_indirect_dma semaphore(%arg22 : memref<!tpu.dma_semaphore, #tpu.memory_space<semaphore_mem>>) src(%dma_wait3A_95 : memref<10000x128xf32, #tpu.memory_space<hbm>>) dst(%arg17 : memref<80x128xf32, #tpu.memory_space<vmem>>)
      %dma_wait3A_96 = arith.constant 240 : i32
      %dma_wait3A_97 = tpu.memref_slice %arg10[%dma_wait3A_96] : memref<320xi32, #tpu.memory_space<vmem>> -> memref<80xi32, #tpu.memory_space<vmem>>
      %dma_wait3A_98 = arith.constant 0 : i32
      %dma_wait3A_99 = arith.constant 0 : i32
      %dma_wait3A_100 = tpu.memref_slice %arg2[%dma_wait3A_98, %dma_wait3A_99] : memref<10000x128xf32, #tpu.memory_space<hbm>> -> memref<10000x128xf32, #tpu.memory_space<hbm>>
      tpu.wait_indirect_dma semaphore(%arg22 : memref<!tpu.dma_semaphore, #tpu.memory_space<semaphore_mem>>) src(%dma_wait3A_100 : memref<10000x128xf32, #tpu.memory_space<hbm>>) dst(%arg18 : memref<80x128xf32, #tpu.memory_space<vmem>>)
      %add3A_101 = arith.constant 240 : i32
      %add3A_102 = arith.addi %mul3A_9, %add3A_101 : i32
      %dma_wait3A_103 = arith.constant 0 : i32
      %dma_wait3A_104 = tpu.memref_slice %arg3[%add3A_102, %dma_wait3A_103] : memref<10000x128xf32, #tpu.memory_space<hbm>> -> memref<80x128xf32, #tpu.memory_space<hbm>>
      %dma_wait3A_105 = arith.constant 0 : i32
      %dma_wait3A_106 = tpu.memref_slice %arg3[%add3A_102, %dma_wait3A_105] : memref<10000x128xf32, #tpu.memory_space<hbm>> -> memref<80x128xf32, #tpu.memory_space<hbm>>
      tpu.wait_dma2 semaphore(%arg22 : memref<!tpu.dma_semaphore, #tpu.memory_space<semaphore_mem>>) src(%dma_wait3A_106 : memref<80x128xf32, #tpu.memory_space<hbm>>) dst(%arg19 : memref<80x128xf32, #tpu.memory_space<vmem>>)
    } else {
    }
    %gt3A_67 = arith.constant 1 : i32
    %gt3A_68 = arith.cmpi sgt, %select_n3A, %gt3A_67 : i32
    %convert_element_type3A_69 = arith.extui %gt3A_68 : i1 to i32
    %cond3A_70 = arith.constant 0 : i32
    %cond3A_71 = arith.cmpi ne, %convert_element_type3A_69, %cond3A_70 : i32
    scf.if %cond3A_71 {
      %add3A_87 = arith.constant 80 : i32
      %add3A_88 = arith.addi %mul3A_9, %add3A_87 : i32
      %dma_wait3A = arith.constant 0 : i32
      %dma_wait3A_89 = tpu.memref_slice %arg7[%add3A_88, %dma_wait3A] : memref<10000x128xf32, #tpu.memory_space<hbm>> -> memref<80x128xf32, #tpu.memory_space<hbm>>
      %dma_wait3A_90 = arith.constant 0 : i32
      %dma_wait3A_91 = tpu.memref_slice %arg7[%add3A_88, %dma_wait3A_90] : memref<10000x128xf32, #tpu.memory_space<hbm>> -> memref<80x128xf32, #tpu.memory_space<hbm>>
      tpu.wait_dma2 semaphore(%arg24 : memref<!tpu.dma_semaphore, #tpu.memory_space<semaphore_mem>>) src(%arg20 : memref<80x128xf32, #tpu.memory_space<vmem>>) dst(%dma_wait3A_91 : memref<80x128xf32, #tpu.memory_space<hbm>>)
    } else {
    }
    %gt3A_72 = arith.constant 3 : i32
    %gt3A_73 = arith.cmpi sgt, %select_n3A, %gt3A_72 : i32
    %convert_element_type3A_74 = arith.extui %gt3A_73 : i1 to i32
    %cond3A_75 = arith.constant 0 : i32
    %cond3A_76 = arith.cmpi ne, %convert_element_type3A_74, %cond3A_75 : i32
    scf.if %cond3A_76 {
      %parallel_loop3A = arith.constant 0 : i32
      %parallel_loop3A_87 = arith.constant 80 : i32
      %parallel_loop3A_88 = arith.constant 1 : i32
      scf.for %parallel_loop3A_94 = %parallel_loop3A to %parallel_loop3A_87 step %parallel_loop3A_88  : i32 {
        %parallel_loop3A_95 = arith.index_cast %parallel_loop3A_94 : i32 to index
        %parallel_loop3A_96 = arith.constant 0 : index
        %parallel_loop3A_97 = tpu.vector_load %arg19[%parallel_loop3A_95, %parallel_loop3A_96] {strides = array<i32>} : memref<80x128xf32, #tpu.memory_space<vmem>>, vector<1x16xf32>,
        %parallel_loop3A_98 = vector.shape_cast %parallel_loop3A_97 : vector<1x16xf32> to vector<16xf32>
        %parallel_loop3A_99 = arith.index_cast %parallel_loop3A_94 : i32 to index
        %parallel_loop3A_100 = arith.constant 0 : index
        %parallel_loop3A_101 = tpu.vector_load %arg16[%parallel_loop3A_99, %parallel_loop3A_100] {strides = array<i32>} : memref<80x128xf32, #tpu.memory_space<vmem>>, vector<1x16xf32>,
        %parallel_loop3A_102 = vector.shape_cast %parallel_loop3A_101 : vector<1x16xf32> to vector<16xf32>
        %parallel_loop3A_103 = arith.subf %parallel_loop3A_102, %parallel_loop3A_98 : vector<16xf32>
        %parallel_loop3A_104 = math.absf %parallel_loop3A_103 : vector<16xf32>
        %parallel_loop3A_105 = arith.index_cast %parallel_loop3A_94 : i32 to index
        %parallel_loop3A_106 = arith.constant 0 : index
        %parallel_loop3A_107 = tpu.vector_load %arg17[%parallel_loop3A_105, %parallel_loop3A_106] {strides = array<i32>} : memref<80x128xf32, #tpu.memory_space<vmem>>, vector<1x16xf32>,
        %parallel_loop3A_108 = vector.shape_cast %parallel_loop3A_107 : vector<1x16xf32> to vector<16xf32>
        %parallel_loop3A_109 = arith.subf %parallel_loop3A_108, %parallel_loop3A_98 : vector<16xf32>
        %parallel_loop3A_110 = math.absf %parallel_loop3A_109 : vector<16xf32>
        %parallel_loop3A_111 = arith.addf %parallel_loop3A_104, %parallel_loop3A_110 : vector<16xf32>
        %parallel_loop3A_112 = arith.index_cast %parallel_loop3A_94 : i32 to index
        %parallel_loop3A_113 = arith.constant 0 : index
        %parallel_loop3A_114 = tpu.vector_load %arg18[%parallel_loop3A_112, %parallel_loop3A_113] {strides = array<i32>} : memref<80x128xf32, #tpu.memory_space<vmem>>, vector<1x16xf32>,
        %parallel_loop3A_115 = vector.shape_cast %parallel_loop3A_114 : vector<1x16xf32> to vector<16xf32>
        %parallel_loop3A_116 = arith.subf %parallel_loop3A_115, %parallel_loop3A_98 : vector<16xf32>
        %parallel_loop3A_117 = math.absf %parallel_loop3A_116 : vector<16xf32>
        %parallel_loop3A_118 = arith.addf %parallel_loop3A_111, %parallel_loop3A_117 : vector<16xf32>
        %parallel_loop3A_119 = arith.constant 0.333333343 : f32
        %parallel_loop3A_120 = vector.broadcast %parallel_loop3A_119 : f32 to vector<16xf32>
        %parallel_loop3A_121 = arith.mulf %parallel_loop3A_118, %parallel_loop3A_120 : vector<16xf32>
        %parallel_loop3A_122 = arith.index_cast %parallel_loop3A_94 : i32 to index
        %parallel_loop3A_123 = arith.constant 0 : index
        %parallel_loop3A_124 = tpu.vector_load %arg20[%parallel_loop3A_122, %parallel_loop3A_123] {strides = array<i32>} : memref<80x128xf32, #tpu.memory_space<vmem>>, vector<1x16xf32>,
        %parallel_loop3A_125 = vector.shape_cast %parallel_loop3A_124 : vector<1x16xf32> to vector<16xf32>
        %parallel_loop3A_126 = vector.shape_cast %parallel_loop3A_121 : vector<16xf32> to vector<1x16xf32>
        tpu.vector_store %arg20[%parallel_loop3A_122, %parallel_loop3A_123], %parallel_loop3A_126 {strides = array<i32>} : memref<80x128xf32, #tpu.memory_space<vmem>>, vector<1x16xf32>,
        %parallel_loop3A_127 = arith.index_cast %parallel_loop3A_94 : i32 to index
        %parallel_loop3A_128 = arith.constant 16 : index
        %parallel_loop3A_129 = tpu.vector_load %arg19[%parallel_loop3A_127, %parallel_loop3A_128] {strides = array<i32>} : memref<80x128xf32, #tpu.memory_space<vmem>>, vector<1x16xf32>,
        %parallel_loop3A_130 = vector.shape_cast %parallel_loop3A_129 : vector<1x16xf32> to vector<16xf32>
        %parallel_loop3A_131 = arith.index_cast %parallel_loop3A_94 : i32 to index
        %parallel_loop3A_132 = arith.constant 16 : index
        %parallel_loop3A_133 = tpu.vector_load %arg16[%parallel_loop3A_131, %parallel_loop3A_132] {strides = array<i32>} : memref<80x128xf32, #tpu.memory_space<vmem>>, vector<1x16xf32>,
        %parallel_loop3A_134 = vector.shape_cast %parallel_loop3A_133 : vector<1x16xf32> to vector<16xf32>
        %parallel_loop3A_135 = arith.subf %parallel_loop3A_134, %parallel_loop3A_130 : vector<16xf32>
        %parallel_loop3A_136 = math.absf %parallel_loop3A_135 : vector<16xf32>
        %parallel_loop3A_137 = arith.index_cast %parallel_loop3A_94 : i32 to index
        %parallel_loop3A_138 = arith.constant 16 : index
        %parallel_loop3A_139 = tpu.vector_load %arg17[%parallel_loop3A_137, %parallel_loop3A_138] {strides = array<i32>} : memref<80x128xf32, #tpu.memory_space<vmem>>, vector<1x16xf32>,
        %parallel_loop3A_140 = vector.shape_cast %parallel_loop3A_139 : vector<1x16xf32> to vector<16xf32>
        %parallel_loop3A_141 = arith.subf %parallel_loop3A_140, %parallel_loop3A_130 : vector<16xf32>
        %parallel_loop3A_142 = math.absf %parallel_loop3A_141 : vector<16xf32>
        %parallel_loop3A_143 = arith.addf %parallel_loop3A_136, %parallel_loop3A_142 : vector<16xf32>
        %parallel_loop3A_144 = arith.index_cast %parallel_loop3A_94 : i32 to index
        %parallel_loop3A_145 = arith.constant 16 : index
        %parallel_loop3A_146 = tpu.vector_load %arg18[%parallel_loop3A_144, %parallel_loop3A_145] {strides = array<i32>} : memref<80x128xf32, #tpu.memory_space<vmem>>, vector<1x16xf32>,
        %parallel_loop3A_147 = vector.shape_cast %parallel_loop3A_146 : vector<1x16xf32> to vector<16xf32>
        %parallel_loop3A_148 = arith.subf %parallel_loop3A_147, %parallel_loop3A_130 : vector<16xf32>
        %parallel_loop3A_149 = math.absf %parallel_loop3A_148 : vector<16xf32>
        %parallel_loop3A_150 = arith.addf %parallel_loop3A_143, %parallel_loop3A_149 : vector<16xf32>
        %parallel_loop3A_151 = arith.constant 0.333333343 : f32
        %parallel_loop3A_152 = vector.broadcast %parallel_loop3A_151 : f32 to vector<16xf32>
        %parallel_loop3A_153 = arith.mulf %parallel_loop3A_150, %parallel_loop3A_152 : vector<16xf32>
        %parallel_loop3A_154 = arith.index_cast %parallel_loop3A_94 : i32 to index
        %parallel_loop3A_155 = arith.constant 16 : index
        %parallel_loop3A_156 = tpu.vector_load %arg20[%parallel_loop3A_154, %parallel_loop3A_155] {strides = array<i32>} : memref<80x128xf32, #tpu.memory_space<vmem>>, vector<1x16xf32>,
        %parallel_loop3A_157 = vector.shape_cast %parallel_loop3A_156 : vector<1x16xf32> to vector<16xf32>
        %parallel_loop3A_158 = vector.shape_cast %parallel_loop3A_153 : vector<16xf32> to vector<1x16xf32>
        tpu.vector_store %arg20[%parallel_loop3A_154, %parallel_loop3A_155], %parallel_loop3A_158 {strides = array<i32>} : memref<80x128xf32, #tpu.memory_space<vmem>>, vector<1x16xf32>,
        %parallel_loop3A_159 = arith.index_cast %parallel_loop3A_94 : i32 to index
        %parallel_loop3A_160 = arith.constant 32 : index
        %parallel_loop3A_161 = tpu.vector_load %arg19[%parallel_loop3A_159, %parallel_loop3A_160] {strides = array<i32>} : memref<80x128xf32, #tpu.memory_space<vmem>>, vector<1x16xf32>,
        %parallel_loop3A_162 = vector.shape_cast %parallel_loop3A_161 : vector<1x16xf32> to vector<16xf32>
        %parallel_loop3A_163 = arith.index_cast %parallel_loop3A_94 : i32 to index
        %parallel_loop3A_164 = arith.constant 32 : index
        %parallel_loop3A_165 = tpu.vector_load %arg16[%parallel_loop3A_163, %parallel_loop3A_164] {strides = array<i32>} : memref<80x128xf32, #tpu.memory_space<vmem>>, vector<1x16xf32>,
        %parallel_loop3A_166 = vector.shape_cast %parallel_loop3A_165 : vector<1x16xf32> to vector<16xf32>
        %parallel_loop3A_167 = arith.subf %parallel_loop3A_166, %parallel_loop3A_162 : vector<16xf32>
        %parallel_loop3A_168 = math.absf %parallel_loop3A_167 : vector<16xf32>
        %parallel_loop3A_169 = arith.index_cast %parallel_loop3A_94 : i32 to index
        %parallel_loop3A_170 = arith.constant 32 : index
        %parallel_loop3A_171 = tpu.vector_load %arg17[%parallel_loop3A_169, %parallel_loop3A_170] {strides = array<i32>} : memref<80x128xf32, #tpu.memory_space<vmem>>, vector<1x16xf32>,
        %parallel_loop3A_172 = vector.shape_cast %parallel_loop3A_171 : vector<1x16xf32> to vector<16xf32>
        %parallel_loop3A_173 = arith.subf %parallel_loop3A_172, %parallel_loop3A_162 : vector<16xf32>
        %parallel_loop3A_174 = math.absf %parallel_loop3A_173 : vector<16xf32>
        %parallel_loop3A_175 = arith.addf %parallel_loop3A_168, %parallel_loop3A_174 : vector<16xf32>
        %parallel_loop3A_176 = arith.index_cast %parallel_loop3A_94 : i32 to index
        %parallel_loop3A_177 = arith.constant 32 : index
        %parallel_loop3A_178 = tpu.vector_load %arg18[%parallel_loop3A_176, %parallel_loop3A_177] {strides = array<i32>} : memref<80x128xf32, #tpu.memory_space<vmem>>, vector<1x16xf32>,
        %parallel_loop3A_179 = vector.shape_cast %parallel_loop3A_178 : vector<1x16xf32> to vector<16xf32>
        %parallel_loop3A_180 = arith.subf %parallel_loop3A_179, %parallel_loop3A_162 : vector<16xf32>
        %parallel_loop3A_181 = math.absf %parallel_loop3A_180 : vector<16xf32>
        %parallel_loop3A_182 = arith.addf %parallel_loop3A_175, %parallel_loop3A_181 : vector<16xf32>
        %parallel_loop3A_183 = arith.constant 0.333333343 : f32
        %parallel_loop3A_184 = vector.broadcast %parallel_loop3A_183 : f32 to vector<16xf32>
        %parallel_loop3A_185 = arith.mulf %parallel_loop3A_182, %parallel_loop3A_184 : vector<16xf32>
        %parallel_loop3A_186 = arith.index_cast %parallel_loop3A_94 : i32 to index
        %parallel_loop3A_187 = arith.constant 32 : index
        %parallel_loop3A_188 = tpu.vector_load %arg20[%parallel_loop3A_186, %parallel_loop3A_187] {strides = array<i32>} : memref<80x128xf32, #tpu.memory_space<vmem>>, vector<1x16xf32>,
        %parallel_loop3A_189 = vector.shape_cast %parallel_loop3A_188 : vector<1x16xf32> to vector<16xf32>
        %parallel_loop3A_190 = vector.shape_cast %parallel_loop3A_185 : vector<16xf32> to vector<1x16xf32>
        tpu.vector_store %arg20[%parallel_loop3A_186, %parallel_loop3A_187], %parallel_loop3A_190 {strides = array<i32>} : memref<80x128xf32, #tpu.memory_space<vmem>>, vector<1x16xf32>,
        %parallel_loop3A_191 = arith.index_cast %parallel_loop3A_94 : i32 to index
        %parallel_loop3A_192 = arith.constant 48 : index
        %parallel_loop3A_193 = tpu.vector_load %arg19[%parallel_loop3A_191, %parallel_loop3A_192] {strides = array<i32>} : memref<80x128xf32, #tpu.memory_space<vmem>>, vector<1x16xf32>,
        %parallel_loop3A_194 = vector.shape_cast %parallel_loop3A_193 : vector<1x16xf32> to vector<16xf32>
        %parallel_loop3A_195 = arith.index_cast %parallel_loop3A_94 : i32 to index
        %parallel_loop3A_196 = arith.constant 48 : index
        %parallel_loop3A_197 = tpu.vector_load %arg16[%parallel_loop3A_195, %parallel_loop3A_196] {strides = array<i32>} : memref<80x128xf32, #tpu.memory_space<vmem>>, vector<1x16xf32>,
        %parallel_loop3A_198 = vector.shape_cast %parallel_loop3A_197 : vector<1x16xf32> to vector<16xf32>
        %parallel_loop3A_199 = arith.subf %parallel_loop3A_198, %parallel_loop3A_194 : vector<16xf32>
        %parallel_loop3A_200 = math.absf %parallel_loop3A_199 : vector<16xf32>
        %parallel_loop3A_201 = arith.index_cast %parallel_loop3A_94 : i32 to index
        %parallel_loop3A_202 = arith.constant 48 : index
        %parallel_loop3A_203 = tpu.vector_load %arg17[%parallel_loop3A_201, %parallel_loop3A_202] {strides = array<i32>} : memref<80x128xf32, #tpu.memory_space<vmem>>, vector<1x16xf32>,
        %parallel_loop3A_204 = vector.shape_cast %parallel_loop3A_203 : vector<1x16xf32> to vector<16xf32>
        %parallel_loop3A_205 = arith.subf %parallel_loop3A_204, %parallel_loop3A_194 : vector<16xf32>
        %parallel_loop3A_206 = math.absf %parallel_loop3A_205 : vector<16xf32>
        %parallel_loop3A_207 = arith.addf %parallel_loop3A_200, %parallel_loop3A_206 : vector<16xf32>
        %parallel_loop3A_208 = arith.index_cast %parallel_loop3A_94 : i32 to index
        %parallel_loop3A_209 = arith.constant 48 : index
        %parallel_loop3A_210 = tpu.vector_load %arg18[%parallel_loop3A_208, %parallel_loop3A_209] {strides = array<i32>} : memref<80x128xf32, #tpu.memory_space<vmem>>, vector<1x16xf32>,
        %parallel_loop3A_211 = vector.shape_cast %parallel_loop3A_210 : vector<1x16xf32> to vector<16xf32>
        %parallel_loop3A_212 = arith.subf %parallel_loop3A_211, %parallel_loop3A_194 : vector<16xf32>
        %parallel_loop3A_213 = math.absf %parallel_loop3A_212 : vector<16xf32>
        %parallel_loop3A_214 = arith.addf %parallel_loop3A_207, %parallel_loop3A_213 : vector<16xf32>
        %parallel_loop3A_215 = arith.constant 0.333333343 : f32
        %parallel_loop3A_216 = vector.broadcast %parallel_loop3A_215 : f32 to vector<16xf32>
        %parallel_loop3A_217 = arith.mulf %parallel_loop3A_214, %parallel_loop3A_216 : vector<16xf32>
        %parallel_loop3A_218 = arith.index_cast %parallel_loop3A_94 : i32 to index
        %parallel_loop3A_219 = arith.constant 48 : index
        %parallel_loop3A_220 = tpu.vector_load %arg20[%parallel_loop3A_218, %parallel_loop3A_219] {strides = array<i32>} : memref<80x128xf32, #tpu.memory_space<vmem>>, vector<1x16xf32>,
        %parallel_loop3A_221 = vector.shape_cast %parallel_loop3A_220 : vector<1x16xf32> to vector<16xf32>
        %parallel_loop3A_222 = vector.shape_cast %parallel_loop3A_217 : vector<16xf32> to vector<1x16xf32>
        tpu.vector_store %arg20[%parallel_loop3A_218, %parallel_loop3A_219], %parallel_loop3A_222 {strides = array<i32>} : memref<80x128xf32, #tpu.memory_space<vmem>>, vector<1x16xf32>,
        %parallel_loop3A_223 = arith.index_cast %parallel_loop3A_94 : i32 to index
        %parallel_loop3A_224 = arith.constant 64 : index
        %parallel_loop3A_225 = tpu.vector_load %arg19[%parallel_loop3A_223, %parallel_loop3A_224] {strides = array<i32>} : memref<80x128xf32, #tpu.memory_space<vmem>>, vector<1x16xf32>,
        %parallel_loop3A_226 = vector.shape_cast %parallel_loop3A_225 : vector<1x16xf32> to vector<16xf32>
        %parallel_loop3A_227 = arith.index_cast %parallel_loop3A_94 : i32 to index
        %parallel_loop3A_228 = arith.constant 64 : index
        %parallel_loop3A_229 = tpu.vector_load %arg16[%parallel_loop3A_227, %parallel_loop3A_228] {strides = array<i32>} : memref<80x128xf32, #tpu.memory_space<vmem>>, vector<1x16xf32>,
        %parallel_loop3A_230 = vector.shape_cast %parallel_loop3A_229 : vector<1x16xf32> to vector<16xf32>
        %parallel_loop3A_231 = arith.subf %parallel_loop3A_230, %parallel_loop3A_226 : vector<16xf32>
        %parallel_loop3A_232 = math.absf %parallel_loop3A_231 : vector<16xf32>
        %parallel_loop3A_233 = arith.index_cast %parallel_loop3A_94 : i32 to index
        %parallel_loop3A_234 = arith.constant 64 : index
        %parallel_loop3A_235 = tpu.vector_load %arg17[%parallel_loop3A_233, %parallel_loop3A_234] {strides = array<i32>} : memref<80x128xf32, #tpu.memory_space<vmem>>, vector<1x16xf32>,
        %parallel_loop3A_236 = vector.shape_cast %parallel_loop3A_235 : vector<1x16xf32> to vector<16xf32>
        %parallel_loop3A_237 = arith.subf %parallel_loop3A_236, %parallel_loop3A_226 : vector<16xf32>
        %parallel_loop3A_238 = math.absf %parallel_loop3A_237 : vector<16xf32>
        %parallel_loop3A_239 = arith.addf %parallel_loop3A_232, %parallel_loop3A_238 : vector<16xf32>
        %parallel_loop3A_240 = arith.index_cast %parallel_loop3A_94 : i32 to index
        %parallel_loop3A_241 = arith.constant 64 : index
        %parallel_loop3A_242 = tpu.vector_load %arg18[%parallel_loop3A_240, %parallel_loop3A_241] {strides = array<i32>} : memref<80x128xf32, #tpu.memory_space<vmem>>, vector<1x16xf32>,
        %parallel_loop3A_243 = vector.shape_cast %parallel_loop3A_242 : vector<1x16xf32> to vector<16xf32>
        %parallel_loop3A_244 = arith.subf %parallel_loop3A_243, %parallel_loop3A_226 : vector<16xf32>
        %parallel_loop3A_245 = math.absf %parallel_loop3A_244 : vector<16xf32>
        %parallel_loop3A_246 = arith.addf %parallel_loop3A_239, %parallel_loop3A_245 : vector<16xf32>
        %parallel_loop3A_247 = arith.constant 0.333333343 : f32
        %parallel_loop3A_248 = vector.broadcast %parallel_loop3A_247 : f32 to vector<16xf32>
        %parallel_loop3A_249 = arith.mulf %parallel_loop3A_246, %parallel_loop3A_248 : vector<16xf32>
        %parallel_loop3A_250 = arith.index_cast %parallel_loop3A_94 : i32 to index
        %parallel_loop3A_251 = arith.constant 64 : index
        %parallel_loop3A_252 = tpu.vector_load %arg20[%parallel_loop3A_250, %parallel_loop3A_251] {strides = array<i32>} : memref<80x128xf32, #tpu.memory_space<vmem>>, vector<1x16xf32>,
        %parallel_loop3A_253 = vector.shape_cast %parallel_loop3A_252 : vector<1x16xf32> to vector<16xf32>
        %parallel_loop3A_254 = vector.shape_cast %parallel_loop3A_249 : vector<16xf32> to vector<1x16xf32>
        tpu.vector_store %arg20[%parallel_loop3A_250, %parallel_loop3A_251], %parallel_loop3A_254 {strides = array<i32>} : memref<80x128xf32, #tpu.memory_space<vmem>>, vector<1x16xf32>,
        %parallel_loop3A_255 = arith.index_cast %parallel_loop3A_94 : i32 to index
        %parallel_loop3A_256 = arith.constant 80 : index
        %parallel_loop3A_257 = tpu.vector_load %arg19[%parallel_loop3A_255, %parallel_loop3A_256] {strides = array<i32>} : memref<80x128xf32, #tpu.memory_space<vmem>>, vector<1x16xf32>,
        %parallel_loop3A_258 = vector.shape_cast %parallel_loop3A_257 : vector<1x16xf32> to vector<16xf32>
        %parallel_loop3A_259 = arith.index_cast %parallel_loop3A_94 : i32 to index
        %parallel_loop3A_260 = arith.constant 80 : index
        %parallel_loop3A_261 = tpu.vector_load %arg16[%parallel_loop3A_259, %parallel_loop3A_260] {strides = array<i32>} : memref<80x128xf32, #tpu.memory_space<vmem>>, vector<1x16xf32>,
        %parallel_loop3A_262 = vector.shape_cast %parallel_loop3A_261 : vector<1x16xf32> to vector<16xf32>
        %parallel_loop3A_263 = arith.subf %parallel_loop3A_262, %parallel_loop3A_258 : vector<16xf32>
        %parallel_loop3A_264 = math.absf %parallel_loop3A_263 : vector<16xf32>
        %parallel_loop3A_265 = arith.index_cast %parallel_loop3A_94 : i32 to index
        %parallel_loop3A_266 = arith.constant 80 : index
        %parallel_loop3A_267 = tpu.vector_load %arg17[%parallel_loop3A_265, %parallel_loop3A_266] {strides = array<i32>} : memref<80x128xf32, #tpu.memory_space<vmem>>, vector<1x16xf32>,
        %parallel_loop3A_268 = vector.shape_cast %parallel_loop3A_267 : vector<1x16xf32> to vector<16xf32>
        %parallel_loop3A_269 = arith.subf %parallel_loop3A_268, %parallel_loop3A_258 : vector<16xf32>
        %parallel_loop3A_270 = math.absf %parallel_loop3A_269 : vector<16xf32>
        %parallel_loop3A_271 = arith.addf %parallel_loop3A_264, %parallel_loop3A_270 : vector<16xf32>
        %parallel_loop3A_272 = arith.index_cast %parallel_loop3A_94 : i32 to index
        %parallel_loop3A_273 = arith.constant 80 : index
        %parallel_loop3A_274 = tpu.vector_load %arg18[%parallel_loop3A_272, %parallel_loop3A_273] {strides = array<i32>} : memref<80x128xf32, #tpu.memory_space<vmem>>, vector<1x16xf32>,
        %parallel_loop3A_275 = vector.shape_cast %parallel_loop3A_274 : vector<1x16xf32> to vector<16xf32>
        %parallel_loop3A_276 = arith.subf %parallel_loop3A_275, %parallel_loop3A_258 : vector<16xf32>
        %parallel_loop3A_277 = math.absf %parallel_loop3A_276 : vector<16xf32>
        %parallel_loop3A_278 = arith.addf %parallel_loop3A_271, %parallel_loop3A_277 : vector<16xf32>
        %parallel_loop3A_279 = arith.constant 0.333333343 : f32
        %parallel_loop3A_280 = vector.broadcast %parallel_loop3A_279 : f32 to vector<16xf32>
        %parallel_loop3A_281 = arith.mulf %parallel_loop3A_278, %parallel_loop3A_280 : vector<16xf32>
        %parallel_loop3A_282 = arith.index_cast %parallel_loop3A_94 : i32 to index
        %parallel_loop3A_283 = arith.constant 80 : index
        %parallel_loop3A_284 = tpu.vector_load %arg20[%parallel_loop3A_282, %parallel_loop3A_283] {strides = array<i32>} : memref<80x128xf32, #tpu.memory_space<vmem>>, vector<1x16xf32>,
        %parallel_loop3A_285 = vector.shape_cast %parallel_loop3A_284 : vector<1x16xf32> to vector<16xf32>
        %parallel_loop3A_286 = vector.shape_cast %parallel_loop3A_281 : vector<16xf32> to vector<1x16xf32>
        tpu.vector_store %arg20[%parallel_loop3A_282, %parallel_loop3A_283], %parallel_loop3A_286 {strides = array<i32>} : memref<80x128xf32, #tpu.memory_space<vmem>>, vector<1x16xf32>,
        %parallel_loop3A_287 = arith.index_cast %parallel_loop3A_94 : i32 to index
        %parallel_loop3A_288 = arith.constant 96 : index
        %parallel_loop3A_289 = tpu.vector_load %arg19[%parallel_loop3A_287, %parallel_loop3A_288] {strides = array<i32>} : memref<80x128xf32, #tpu.memory_space<vmem>>, vector<1x16xf32>,
        %parallel_loop3A_290 = vector.shape_cast %parallel_loop3A_289 : vector<1x16xf32> to vector<16xf32>
        %parallel_loop3A_291 = arith.index_cast %parallel_loop3A_94 : i32 to index
        %parallel_loop3A_292 = arith.constant 96 : index
        %parallel_loop3A_293 = tpu.vector_load %arg16[%parallel_loop3A_291, %parallel_loop3A_292] {strides = array<i32>} : memref<80x128xf32, #tpu.memory_space<vmem>>, vector<1x16xf32>,
        %parallel_loop3A_294 = vector.shape_cast %parallel_loop3A_293 : vector<1x16xf32> to vector<16xf32>
        %parallel_loop3A_295 = arith.subf %parallel_loop3A_294, %parallel_loop3A_290 : vector<16xf32>
        %parallel_loop3A_296 = math.absf %parallel_loop3A_295 : vector<16xf32>
        %parallel_loop3A_297 = arith.index_cast %parallel_loop3A_94 : i32 to index
        %parallel_loop3A_298 = arith.constant 96 : index
        %parallel_loop3A_299 = tpu.vector_load %arg17[%parallel_loop3A_297, %parallel_loop3A_298] {strides = array<i32>} : memref<80x128xf32, #tpu.memory_space<vmem>>, vector<1x16xf32>,
        %parallel_loop3A_300 = vector.shape_cast %parallel_loop3A_299 : vector<1x16xf32> to vector<16xf32>
        %parallel_loop3A_301 = arith.subf %parallel_loop3A_300, %parallel_loop3A_290 : vector<16xf32>
        %parallel_loop3A_302 = math.absf %parallel_loop3A_301 : vector<16xf32>
        %parallel_loop3A_303 = arith.addf %parallel_loop3A_296, %parallel_loop3A_302 : vector<16xf32>
        %parallel_loop3A_304 = arith.index_cast %parallel_loop3A_94 : i32 to index
        %parallel_loop3A_305 = arith.constant 96 : index
        %parallel_loop3A_306 = tpu.vector_load %arg18[%parallel_loop3A_304, %parallel_loop3A_305] {strides = array<i32>} : memref<80x128xf32, #tpu.memory_space<vmem>>, vector<1x16xf32>,
        %parallel_loop3A_307 = vector.shape_cast %parallel_loop3A_306 : vector<1x16xf32> to vector<16xf32>
        %parallel_loop3A_308 = arith.subf %parallel_loop3A_307, %parallel_loop3A_290 : vector<16xf32>
        %parallel_loop3A_309 = math.absf %parallel_loop3A_308 : vector<16xf32>
        %parallel_loop3A_310 = arith.addf %parallel_loop3A_303, %parallel_loop3A_309 : vector<16xf32>
        %parallel_loop3A_311 = arith.constant 0.333333343 : f32
        %parallel_loop3A_312 = vector.broadcast %parallel_loop3A_311 : f32 to vector<16xf32>
        %parallel_loop3A_313 = arith.mulf %parallel_loop3A_310, %parallel_loop3A_312 : vector<16xf32>
        %parallel_loop3A_314 = arith.index_cast %parallel_loop3A_94 : i32 to index
        %parallel_loop3A_315 = arith.constant 96 : index
        %parallel_loop3A_316 = tpu.vector_load %arg20[%parallel_loop3A_314, %parallel_loop3A_315] {strides = array<i32>} : memref<80x128xf32, #tpu.memory_space<vmem>>, vector<1x16xf32>,
        %parallel_loop3A_317 = vector.shape_cast %parallel_loop3A_316 : vector<1x16xf32> to vector<16xf32>
        %parallel_loop3A_318 = vector.shape_cast %parallel_loop3A_313 : vector<16xf32> to vector<1x16xf32>
        tpu.vector_store %arg20[%parallel_loop3A_314, %parallel_loop3A_315], %parallel_loop3A_318 {strides = array<i32>} : memref<80x128xf32, #tpu.memory_space<vmem>>, vector<1x16xf32>,
        %parallel_loop3A_319 = arith.index_cast %parallel_loop3A_94 : i32 to index
        %parallel_loop3A_320 = arith.constant 112 : index
        %parallel_loop3A_321 = tpu.vector_load %arg19[%parallel_loop3A_319, %parallel_loop3A_320] {strides = array<i32>} : memref<80x128xf32, #tpu.memory_space<vmem>>, vector<1x16xf32>,
        %parallel_loop3A_322 = vector.shape_cast %parallel_loop3A_321 : vector<1x16xf32> to vector<16xf32>
        %parallel_loop3A_323 = arith.index_cast %parallel_loop3A_94 : i32 to index
        %parallel_loop3A_324 = arith.constant 112 : index
        %parallel_loop3A_325 = tpu.vector_load %arg16[%parallel_loop3A_323, %parallel_loop3A_324] {strides = array<i32>} : memref<80x128xf32, #tpu.memory_space<vmem>>, vector<1x16xf32>,
        %parallel_loop3A_326 = vector.shape_cast %parallel_loop3A_325 : vector<1x16xf32> to vector<16xf32>
        %parallel_loop3A_327 = arith.subf %parallel_loop3A_326, %parallel_loop3A_322 : vector<16xf32>
        %parallel_loop3A_328 = math.absf %parallel_loop3A_327 : vector<16xf32>
        %parallel_loop3A_329 = arith.index_cast %parallel_loop3A_94 : i32 to index
        %parallel_loop3A_330 = arith.constant 112 : index
        %parallel_loop3A_331 = tpu.vector_load %arg17[%parallel_loop3A_329, %parallel_loop3A_330] {strides = array<i32>} : memref<80x128xf32, #tpu.memory_space<vmem>>, vector<1x16xf32>,
        %parallel_loop3A_332 = vector.shape_cast %parallel_loop3A_331 : vector<1x16xf32> to vector<16xf32>
        %parallel_loop3A_333 = arith.subf %parallel_loop3A_332, %parallel_loop3A_322 : vector<16xf32>
        %parallel_loop3A_334 = math.absf %parallel_loop3A_333 : vector<16xf32>
        %parallel_loop3A_335 = arith.addf %parallel_loop3A_328, %parallel_loop3A_334 : vector<16xf32>
        %parallel_loop3A_336 = arith.index_cast %parallel_loop3A_94 : i32 to index
        %parallel_loop3A_337 = arith.constant 112 : index
        %parallel_loop3A_338 = tpu.vector_load %arg18[%parallel_loop3A_336, %parallel_loop3A_337] {strides = array<i32>} : memref<80x128xf32, #tpu.memory_space<vmem>>, vector<1x16xf32>,
        %parallel_loop3A_339 = vector.shape_cast %parallel_loop3A_338 : vector<1x16xf32> to vector<16xf32>
        %parallel_loop3A_340 = arith.subf %parallel_loop3A_339, %parallel_loop3A_322 : vector<16xf32>
        %parallel_loop3A_341 = math.absf %parallel_loop3A_340 : vector<16xf32>
        %parallel_loop3A_342 = arith.addf %parallel_loop3A_335, %parallel_loop3A_341 : vector<16xf32>
        %parallel_loop3A_343 = arith.constant 0.333333343 : f32
        %parallel_loop3A_344 = vector.broadcast %parallel_loop3A_343 : f32 to vector<16xf32>
        %parallel_loop3A_345 = arith.mulf %parallel_loop3A_342, %parallel_loop3A_344 : vector<16xf32>
        %parallel_loop3A_346 = arith.index_cast %parallel_loop3A_94 : i32 to index
        %parallel_loop3A_347 = arith.constant 112 : index
        %parallel_loop3A_348 = tpu.vector_load %arg20[%parallel_loop3A_346, %parallel_loop3A_347] {strides = array<i32>} : memref<80x128xf32, #tpu.memory_space<vmem>>, vector<1x16xf32>,
        %parallel_loop3A_349 = vector.shape_cast %parallel_loop3A_348 : vector<1x16xf32> to vector<16xf32>
        %parallel_loop3A_350 = vector.shape_cast %parallel_loop3A_345 : vector<16xf32> to vector<1x16xf32>
        tpu.vector_store %arg20[%parallel_loop3A_346, %parallel_loop3A_347], %parallel_loop3A_350 {strides = array<i32>} : memref<80x128xf32, #tpu.memory_space<vmem>>, vector<1x16xf32>,
      } {sc.loop_unroll_factor = 2 : i64, sc.parallel_access}
      %add3A_89 = arith.constant 240 : i32
      %add3A_90 = arith.addi %mul3A_9, %add3A_89 : i32
      %dma_start3A = arith.constant 0 : i32
      %dma_start3A_91 = tpu.memref_slice %arg7[%add3A_90, %dma_start3A] : memref<10000x128xf32, #tpu.memory_space<hbm>> -> memref<80x128xf32, #tpu.memory_space<hbm>>
      %dma_start3A_92 = arith.constant 0 : i32
      %dma_start3A_93 = tpu.memref_slice %arg7[%add3A_90, %dma_start3A_92] : memref<10000x128xf32, #tpu.memory_space<hbm>> -> memref<80x128xf32, #tpu.memory_space<hbm>>
      tpu.enqueue_dma source(%arg20 : memref<80x128xf32, #tpu.memory_space<vmem>>) target(%dma_start3A_93 : memref<80x128xf32, #tpu.memory_space<hbm>>) target_semaphore(%arg24 : memref<!tpu.dma_semaphore, #tpu.memory_space<semaphore_mem>>)
    } else {
    }
    %gt3A_77 = arith.constant 2 : i32
    %gt3A_78 = arith.cmpi sgt, %select_n3A, %gt3A_77 : i32
    %convert_element_type3A_79 = arith.extui %gt3A_78 : i1 to i32
    %cond3A_80 = arith.constant 0 : i32
    %cond3A_81 = arith.cmpi ne, %convert_element_type3A_79, %cond3A_80 : i32
    scf.if %cond3A_81 {
      %add3A_87 = arith.constant 160 : i32
      %add3A_88 = arith.addi %mul3A_9, %add3A_87 : i32
      %dma_wait3A = arith.constant 0 : i32
      %dma_wait3A_89 = tpu.memref_slice %arg7[%add3A_88, %dma_wait3A] : memref<10000x128xf32, #tpu.memory_space<hbm>> -> memref<80x128xf32, #tpu.memory_space<hbm>>
      %dma_wait3A_90 = arith.constant 0 : i32
      %dma_wait3A_91 = tpu.memref_slice %arg7[%add3A_88, %dma_wait3A_90] : memref<10000x128xf32, #tpu.memory_space<hbm>> -> memref<80x128xf32, #tpu.memory_space<hbm>>
      tpu.wait_dma2 semaphore(%arg23 : memref<!tpu.dma_semaphore, #tpu.memory_space<semaphore_mem>>) src(%arg15 : memref<80x128xf32, #tpu.memory_space<vmem>>) dst(%dma_wait3A_91 : memref<80x128xf32, #tpu.memory_space<hbm>>)
    } else {
    }
    %gt3A_82 = arith.constant 3 : i32
    %gt3A_83 = arith.cmpi sgt, %select_n3A, %gt3A_82 : i32
    %convert_element_type3A_84 = arith.extui %gt3A_83 : i1 to i32
    %cond3A_85 = arith.constant 0 : i32
    %cond3A_86 = arith.cmpi ne, %convert_element_type3A_84, %cond3A_85 : i32
    scf.if %cond3A_86 {
      %add3A_87 = arith.constant 240 : i32
      %add3A_88 = arith.addi %mul3A_9, %add3A_87 : i32
      %dma_wait3A = arith.constant 0 : i32
      %dma_wait3A_89 = tpu.memref_slice %arg7[%add3A_88, %dma_wait3A] : memref<10000x128xf32, #tpu.memory_space<hbm>> -> memref<80x128xf32, #tpu.memory_space<hbm>>
      %dma_wait3A_90 = arith.constant 0 : i32
      %dma_wait3A_91 = tpu.memref_slice %arg7[%add3A_88, %dma_wait3A_90] : memref<10000x128xf32, #tpu.memory_space<hbm>> -> memref<80x128xf32, #tpu.memory_space<hbm>>
      tpu.wait_dma2 semaphore(%arg24 : memref<!tpu.dma_semaphore, #tpu.memory_space<semaphore_mem>>) src(%arg20 : memref<80x128xf32, #tpu.memory_space<vmem>>) dst(%dma_wait3A_91 : memref<80x128xf32, #tpu.memory_space<hbm>>)
    } else {
    }
    return
  }
}

module attributes {stable_mosaic.version = 14 : i64} {
  func.func @_tc_fused_body(%arg0: i32, %arg1: memref<400x10000xf32, #tpu.memory_space<vmem>>, %arg2: memref<10000x128xf32, #tpu.memory_space<vmem>>, %arg3: memref<400x128xf32, #tpu.memory_space<vmem>>, %arg4: memref<400x128xf32, #tpu.memory_space<vmem>>, %arg5: memref<128x128xf32, #tpu.memory_space<vmem>>, %arg6: memref<128x128xf32, #tpu.memory_space<vmem>>, %arg7: memref<128x128xf32, #tpu.memory_space<vmem>>, %arg8: memref<128x128xf32, #tpu.memory_space<vmem>>, %arg9: memref<1x128xf32, #tpu.memory_space<vmem>>, %arg10: memref<1x128xf32, #tpu.memory_space<vmem>>, %arg11: memref<400x128xf32, #tpu.memory_space<vmem>>, %arg12: memref<400x128xf32, #tpu.memory_space<vmem>>) attributes {dimension_semantics = [#tpu.dimension_semantics<arbitrary>], iteration_bounds = array<i64: 25>, scalar_prefetch = 0 : i64, scratch_operands = 0 : i64, tpu.core_type = #tpu.core_type<tc>, window_params = [{transform_indices = @transform_0, window_bounds = array<i64: 400, 10000>}, {pipeline_mode = #tpu.pipeline_mode<synchronous>, transform_indices = @transform_1, window_bounds = array<i64: 10000, 128>}, {transform_indices = @transform_2, window_bounds = array<i64: 400, 128>}, {transform_indices = @transform_3, window_bounds = array<i64: 400, 128>}, {pipeline_mode = #tpu.pipeline_mode<synchronous>, transform_indices = @transform_4, window_bounds = array<i64: 128, 128>}, {pipeline_mode = #tpu.pipeline_mode<synchronous>, transform_indices = @transform_5, window_bounds = array<i64: 128, 128>}, {pipeline_mode = #tpu.pipeline_mode<synchronous>, transform_indices = @transform_6, window_bounds = array<i64: 128, 128>}, {pipeline_mode = #tpu.pipeline_mode<synchronous>, transform_indices = @transform_7, window_bounds = array<i64: 128, 128>}, {pipeline_mode = #tpu.pipeline_mode<synchronous>, transform_indices = @transform_8, window_bounds = array<i64: 1, 128>}, {pipeline_mode = #tpu.pipeline_mode<synchronous>, transform_indices = @transform_9, window_bounds = array<i64: 1, 128>}, {transform_indices = @transform_10, window_bounds = array<i64: 400, 128>}, {transform_indices = @transform_11, window_bounds = array<i64: 400, 128>}]} {
    %get3A = arith.constant 0 : index
    %get3A_0 = arith.constant 0 : index
    %get3A_1 = vector.load %arg2[%get3A, %get3A_0] : memref<10000x128xf32, #tpu.memory_space<vmem>>, vector<10000x128xf32>
    %get3A_2 = arith.constant 0 : index
    %get3A_3 = arith.constant 0 : index
    %get3A_4 = vector.load %arg1[%get3A_2, %get3A_3] : memref<400x10000xf32, #tpu.memory_space<vmem>>, vector<400x10000xf32>
    %dot_general3A = arith.constant dense<0.000000e+00> : vector<400x128xf32>
    %dot_general3A_5 = tpu.matmul %get3A_4, %get3A_1, %dot_general3A {dimension_numbers = #tpu.dot_dimension_numbers<[1], [0], [0], [1], [0, 0, 1, 1], [], []>, transpose_lhs_hint = false} : vector<400x10000xf32>, vector<10000x128xf32>, vector<400x128xf32> -> vector<400x128xf32>
    %get3A_6 = arith.constant 0 : index
    %get3A_7 = arith.constant 0 : index
    %get3A_8 = vector.load %arg3[%get3A_6, %get3A_7] : memref<400x128xf32, #tpu.memory_space<vmem>>, vector<400x128xf32>
    %get3A_9 = arith.constant 0 : index
    %get3A_10 = arith.constant 0 : index
    %get3A_11 = vector.load %arg5[%get3A_9, %get3A_10] : memref<128x128xf32, #tpu.memory_space<vmem>>, vector<128x128xf32>
    %dot_general3A_12 = arith.constant dense<0.000000e+00> : vector<400x128xf32>
    %dot_general3A_13 = tpu.matmul %get3A_8, %get3A_11, %dot_general3A_12 {dimension_numbers = #tpu.dot_dimension_numbers<[1], [0], [0], [1], [0, 0, 1, 1], [], []>, transpose_lhs_hint = false} : vector<400x128xf32>, vector<128x128xf32>, vector<400x128xf32> -> vector<400x128xf32>
    %get3A_14 = arith.constant 0 : index
    %get3A_15 = arith.constant 0 : index
    %get3A_16 = vector.load %arg6[%get3A_14, %get3A_15] : memref<128x128xf32, #tpu.memory_space<vmem>>, vector<128x128xf32>
    %dot_general3A_17 = arith.constant dense<0.000000e+00> : vector<400x128xf32>
    %dot_general3A_18 = tpu.matmul %dot_general3A_5, %get3A_16, %dot_general3A_17 {dimension_numbers = #tpu.dot_dimension_numbers<[1], [0], [0], [1], [0, 0, 1, 1], [], []>, transpose_lhs_hint = false} : vector<400x128xf32>, vector<128x128xf32>, vector<400x128xf32> -> vector<400x128xf32>
    %add3A = arith.addf %dot_general3A_13, %dot_general3A_18 : vector<400x128xf32>
    %get3A_19 = arith.constant 0 : index
    %get3A_20 = arith.constant 0 : index
    %get3A_21 = vector.load %arg9[%get3A_19, %get3A_20] : memref<1x128xf32, #tpu.memory_space<vmem>>, vector<1x128xf32>
    %add3A_22 = vector.broadcast %get3A_21 : vector<1x128xf32> to vector<400x128xf32>
    %add3A_23 = arith.addf %add3A, %add3A_22 : vector<400x128xf32>
    %max3A = arith.constant 0.000000e+00 : f32
    %max3A_24 = vector.broadcast %max3A : f32 to vector<400x128xf32>
    %max3A_25 = arith.maximumf %add3A_23, %max3A_24 : vector<400x128xf32>
    %swap3A = arith.constant 0 : index
    %swap3A_26 = arith.constant 0 : index
    %swap3A_27 = vector.load %arg11[%swap3A, %swap3A_26] : memref<400x128xf32, #tpu.memory_space<vmem>>, vector<400x128xf32>
    tpu.vector_store %arg11[%swap3A, %swap3A_26], %max3A_25 {strides = array<i32>} : memref<400x128xf32, #tpu.memory_space<vmem>>, vector<400x128xf32>,
    %mul3A = arith.constant 400 : i32
    %mul3A_28 = arith.muli %arg0, %mul3A : i32
    %get3A_29 = arith.index_cast %mul3A_28 : i32 to index
    %get3A_30 = arith.constant 0 : index
    %get3A_31 = vector.load %arg2[%get3A_29, %get3A_30] : memref<10000x128xf32, #tpu.memory_space<vmem>>, vector<400x128xf32>
    %get3A_32 = arith.constant 0 : index
    %get3A_33 = arith.constant 0 : index
    %get3A_34 = vector.load %arg4[%get3A_32, %get3A_33] : memref<400x128xf32, #tpu.memory_space<vmem>>, vector<400x128xf32>
    %get3A_35 = arith.constant 0 : index
    %get3A_36 = arith.constant 0 : index
    %get3A_37 = vector.load %arg7[%get3A_35, %get3A_36] : memref<128x128xf32, #tpu.memory_space<vmem>>, vector<128x128xf32>
    %dot_general3A_38 = arith.constant dense<0.000000e+00> : vector<400x128xf32>
    %dot_general3A_39 = tpu.matmul %get3A_34, %get3A_37, %dot_general3A_38 {dimension_numbers = #tpu.dot_dimension_numbers<[1], [0], [0], [1], [0, 0, 1, 1], [], []>, transpose_lhs_hint = false} : vector<400x128xf32>, vector<128x128xf32>, vector<400x128xf32> -> vector<400x128xf32>
    %get3A_40 = arith.constant 0 : index
    %get3A_41 = arith.constant 0 : index
    %get3A_42 = vector.load %arg8[%get3A_40, %get3A_41] : memref<128x128xf32, #tpu.memory_space<vmem>>, vector<128x128xf32>
    %dot_general3A_43 = arith.constant dense<0.000000e+00> : vector<400x128xf32>
    %dot_general3A_44 = tpu.matmul %get3A_31, %get3A_42, %dot_general3A_43 {dimension_numbers = #tpu.dot_dimension_numbers<[1], [0], [0], [1], [0, 0, 1, 1], [], []>, transpose_lhs_hint = false} : vector<400x128xf32>, vector<128x128xf32>, vector<400x128xf32> -> vector<400x128xf32>
    %add3A_45 = arith.addf %dot_general3A_39, %dot_general3A_44 : vector<400x128xf32>
    %get3A_46 = arith.constant 0 : index
    %get3A_47 = arith.constant 0 : index
    %get3A_48 = vector.load %arg10[%get3A_46, %get3A_47] : memref<1x128xf32, #tpu.memory_space<vmem>>, vector<1x128xf32>
    %add3A_49 = vector.broadcast %get3A_48 : vector<1x128xf32> to vector<400x128xf32>
    %add3A_50 = arith.addf %add3A_45, %add3A_49 : vector<400x128xf32>
    %max3A_51 = arith.constant 0.000000e+00 : f32
    %max3A_52 = vector.broadcast %max3A_51 : f32 to vector<400x128xf32>
    %max3A_53 = arith.maximumf %add3A_50, %max3A_52 : vector<400x128xf32>
    %swap3A_54 = arith.constant 0 : index
    %swap3A_55 = arith.constant 0 : index
    %swap3A_56 = vector.load %arg12[%swap3A_54, %swap3A_55] : memref<400x128xf32, #tpu.memory_space<vmem>>, vector<400x128xf32>
    tpu.vector_store %arg12[%swap3A_54, %swap3A_55], %max3A_53 {strides = array<i32>} : memref<400x128xf32, #tpu.memory_space<vmem>>, vector<400x128xf32>,
    return
  }
  func.func @transform_0(%arg0: i32) -> (i32, i32) {
    %c0_i32 = arith.constant 0 : i32
    %c0_i32_0 = arith.constant 0 : i32
    return %arg0, %c0_i32 : i32, i32
  }
  func.func @transform_1(%arg0: i32) -> (i32, i32) {
    %c0_i32 = arith.constant 0 : i32
    %c0_i32_0 = arith.constant 0 : i32
    %c0_i32_1 = arith.constant 0 : i32
    return %c0_i32, %c0_i32_0 : i32, i32
  }
  func.func @transform_2(%arg0: i32) -> (i32, i32) {
    %c0_i32 = arith.constant 0 : i32
    %c0_i32_0 = arith.constant 0 : i32
    return %arg0, %c0_i32 : i32, i32
  }
  func.func @transform_3(%arg0: i32) -> (i32, i32) {
    %c0_i32 = arith.constant 0 : i32
    %c0_i32_0 = arith.constant 0 : i32
    return %arg0, %c0_i32 : i32, i32
  }
  func.func @transform_4(%arg0: i32) -> (i32, i32) {
    %c0_i32 = arith.constant 0 : i32
    %c0_i32_0 = arith.constant 0 : i32
    %c0_i32_1 = arith.constant 0 : i32
    return %c0_i32, %c0_i32_0 : i32, i32
  }
  func.func @transform_5(%arg0: i32) -> (i32, i32) {
    %c0_i32 = arith.constant 0 : i32
    %c0_i32_0 = arith.constant 0 : i32
    %c0_i32_1 = arith.constant 0 : i32
    return %c0_i32, %c0_i32_0 : i32, i32
  }
  func.func @transform_6(%arg0: i32) -> (i32, i32) {
    %c0_i32 = arith.constant 0 : i32
    %c0_i32_0 = arith.constant 0 : i32
    %c0_i32_1 = arith.constant 0 : i32
    return %c0_i32, %c0_i32_0 : i32, i32
  }
  func.func @transform_7(%arg0: i32) -> (i32, i32) {
    %c0_i32 = arith.constant 0 : i32
    %c0_i32_0 = arith.constant 0 : i32
    %c0_i32_1 = arith.constant 0 : i32
    return %c0_i32, %c0_i32_0 : i32, i32
  }
  func.func @transform_8(%arg0: i32) -> (i32, i32) {
    %c0_i32 = arith.constant 0 : i32
    %c0_i32_0 = arith.constant 0 : i32
    %c0_i32_1 = arith.constant 0 : i32
    return %c0_i32, %c0_i32_0 : i32, i32
  }
  func.func @transform_9(%arg0: i32) -> (i32, i32) {
    %c0_i32 = arith.constant 0 : i32
    %c0_i32_0 = arith.constant 0 : i32
    %c0_i32_1 = arith.constant 0 : i32
    return %c0_i32, %c0_i32_0 : i32, i32
  }
  func.func @transform_10(%arg0: i32) -> (i32, i32) {
    %c0_i32 = arith.constant 0 : i32
    %c0_i32_0 = arith.constant 0 : i32
    return %arg0, %c0_i32 : i32, i32
  }
  func.func @transform_11(%arg0: i32) -> (i32, i32) {
    %c0_i32 = arith.constant 0 : i32
    %c0_i32_0 = arith.constant 0 : i32
    return %arg0, %c0_i32 : i32, i32
  }
}

</mosaic_0001>

<sc_bundles>
// kernel: kernel.4.cloned.1.call-start
scs
__scs_entry_jumppad:
0x0: {  	(pc) =	sbr.rel $0x88, $3  }
0x1: {  	(tag) =	ssettag $0x0;
	lr =	simm.s32 $0x1  }
0x2: {  	[smem:$0x3F99] =	sst lr;
	_ =	strace $0xD0000000  }
0x3: {  	_ = 	snop  }
0x4: {  	_ = 	snop  }
0x5: {  	_ = 	snop  }
0x6: {  	_ = 	snop  }
0x7: {  	_ = 	snop  }
__scs_overlays_trampoline_lowered:
0x8: {  	[smem:$0x3FA8] =	sst s0  }
0x9: {  	[smem:$0x3FA9] =	sst s1  }
0xa: {  	[smem:$0x3FAA] =	sst s2  }
0xb: {  	[smem:$0x3FAB] =	sst s3  }
0xc: {  	[smem:$0x3FAC] =	sst s4  }
0xd: {  	[smem:$0x3FAD] =	sst s5  }
0xe: {  	[smem:$0x3FAE] =	sst s6  }
0xf: {  	[smem:$0x3FAF] =	sst s7  }
0x10: {  	[smem:$0x3FB0] =	sst s8  }
0x11: {  	[smem:$0x3FB1] =	sst s9;
	s0 =	simm.s32 @!p0 $0x0  }
0x12: {  	s1 =	sld [smem:$0x3F97];
	s0 =	simm.s32 @p0 $0x1  }
0x13: {  	[smem:$0x3FB2] =	sst s0;
	s0 =	simm.s32 @!p1 $0x0  }
0x14: {  	s2 =	sld [smem:$0x3F96];
	s0 =	simm.s32 @p1 $0x1  }
0x15: {  	[smem:$0x3FB3] =	sst s0;
	s0 =	simm.s32 @!p2 $0x0  }
0x16: {  	s3 =	sld [smem:$0x3FDB];
	s0 =	simm.s32 @p2 $0x1  }
0x17: {  	s4 =	simm.s32 $0x1BF5;
	[smem:$0x3FB5] =	sst s0  }
0x18: {  	s0 =	sld [smem:$0x3F98];
	_ =	swait.ge [sflag:s4], $0x0  }
0x19: {  	s7 =	sld [smem:$0x3F99]  }
0x1a: {  	s8 =	sadd.s32 $0xFFFFE003, lr  }
0x1b: {  	s9 =	sadd.s32 $0xFFFFFEF7, lr;
	s5 =	simm.s32 $0xFFFFFFFF;
	p2 =	slt.u32 s8, $0xFFFFF086  }
0x1c: {  	p1 =	slt.u32 s9, $0xF7A;
	s5 =	simm.s32 @!p2 $0x0  }
0x1d: {  	s5 =	simm.s32 @p1 $0x1;
	p0 =	seq.s32 s7, s2  }
0x1e: {  	s7 =	smul.u32 @!p0 $0xF7A, s2;
	p2 =	seq.s32 @!p0 s5, $0x0  }
0x1f: {  	s9 =	smul.u32 $0xF7A, s1;
	s8 =	simm.s32 @!p0 $0x1BF5;
	p2 =	por !p2, p0  }
0x20: {  	[sflag:s8] =	ssyncset.s32 @!p0 $0xFFFFF086;
	s6 =	sadd.s32 @!p0 s3, s7;
	s7 =	simm.s32 @!p0 $0x108  }
0x21: {  	s3 =	sadd.s32 s3, s9;
	s6 =	sadd.s32 @!p0 $0x88, s6;
	s7 =	simm.s32 @p2 $0x1082  }
0x22: {  	[simem:s7], [sflag:s8] =	dma.local @!p0 [hbm:s6], $0xF7A  }
0x23: {  	s9 =	sor.u32 $0xD0000000, s2;
	s6 =	simm.s32 $0x108;
	_ =	swait.ge @!p0 [sflag:s8], $0x0  }
0x24: {  	s3 =	sadd.s32 $0x88, s3;
	s6 =	simm.s32 @!p1 $0x1082;
	[sflag:s4] =	ssyncset.s32 $0xFFFFF086  }
0x25: {  	[simem:s6], [sflag:s4] =	dma.local [hbm:s3], $0xF7A  }
0x26: {  	[smem:$0x3F99] =	sst s1;
	(tag) =	ssettag s2;
	_ =	strace s9  }
0x27: {  	s1 =	sld [smem:$0x3FA9]  }
0x28: {  	s2 =	sld [smem:$0x3FAA]  }
0x29: {  	s4 =	sld [smem:$0x3FAC]  }
0x2a: {  	p0 =	seq.s32 s5, $0x0;
	s5 =	sld [smem:$0x3FAD]  }
0x2b: {  	s6 =	sld [smem:$0x3FAE]  }
0x2c: {  	s7 =	sld [smem:$0x3FAF]  }
0x2d: {  	s3 =	simm.s32 $0x108;
	s8 =	sld [smem:$0x3FB0]  }
0x2e: {  	s3 =	simm.s32 @!p0 $0x1082;
	s9 =	sld [smem:$0x3FB1]  }
0x2f: {  	lr =	sadd.s32 s0, s3;
	s0 =	sld [smem:$0x3FA8]  }
0x30: {  	s3 =	sld [smem:$0x3FAB]  }
0x31: {  	[smem:$0x3FB4] =	sst s10  }
0x32: {  	s10 =	sld [smem:$0x3FB2];
	_ =	sdelay $0x3  }
0x33: {  	p0 =	seq.s32 s10, $0x1;
	s10 =	sld [smem:$0x3FB4];
	_ =	sdelay $0x3  }
0x34: {  	[smem:$0x3FB4] =	sst s10  }
0x35: {  	s10 =	sld [smem:$0x3FB3];
	_ =	sdelay $0x3  }
0x36: {  	p1 =	seq.s32 s10, $0x1;
	s10 =	sld [smem:$0x3FB4];
	_ =	sdelay $0x3  }
0x37: {  	[smem:$0x3FB4] =	sst s10  }
0x38: {  	s10 =	sld [smem:$0x3FB5]  }
0x39: {  	_ = 	snop;
	(pc) =	sbr.ind lr, $3  }
0x3a: {  	_ = 	snop  }
0x3b: {  	_ = 	snop  }
0x3c: {  	p2 =	seq.s32 s10, $0x1;
	s10 =	sld [smem:$0x3FB4]  }
0x3d: {  	_ =	shalt  }
0x3e: {  	_ =	shalt  }
0x3f: {  	_ =	shalt  }
0x40: {  	_ =	shalt  }
0x41: {  	_ =	shalt  }
0x42: {  	_ =	shalt  }
0x43: {  	_ =	shalt  }
0x44: {  	_ =	shalt  }
0x45: {  	_ =	shalt  }
0x46: {  	_ =	shalt  }
0x47: {  	_ =	shalt  }
0x48: {  	_ =	shalt  }
0x49: {  	_ =	shalt  }
0x4a: {  	_ =	shalt  }
0x4b: {  	_ =	shalt  }
0x4c: {  	_ =	shalt  }
0x4d: {  	_ =	shalt  }
0x4e: {  	_ =	shalt  }
0x4f: {  	_ =	shalt  }
0x50: {  	_ =	shalt  }
0x51: {  	_ =	shalt  }
0x52: {  	_ =	shalt  }
0x53: {  	_ =	shalt  }
0x54: {  	_ =	shalt  }
0x55: {  	_ =	shalt  }
0x56: {  	_ =	shalt  }
0x57: {  	_ =	shalt  }
0x58: {  	_ =	shalt  }
0x59: {  	_ =	shalt  }
0x5a: {  	_ =	shalt  }
0x5b: {  	_ =	shalt  }
0x5c: {  	_ =	shalt  }
0x5d: {  	_ =	shalt  }
0x5e: {  	_ =	shalt  }
0x5f: {  	_ =	shalt  }
0x60: {  	_ =	shalt  }
0x61: {  	_ =	shalt  }
0x62: {  	_ =	shalt  }
0x63: {  	_ =	shalt  }
0x64: {  	_ =	shalt  }
0x65: {  	_ =	shalt  }
0x66: {  	_ =	shalt  }
0x67: {  	_ =	shalt  }
0x68: {  	_ =	shalt  }
0x69: {  	_ =	shalt  }
0x6a: {  	_ =	shalt  }
0x6b: {  	_ =	shalt  }
0x6c: {  	_ =	shalt  }
0x6d: {  	_ =	shalt  }
0x6e: {  	_ =	shalt  }
0x6f: {  	_ =	shalt  }
0x70: {  	_ =	shalt  }
0x71: {  	_ =	shalt  }
0x72: {  	_ =	shalt  }
0x73: {  	_ =	shalt  }
0x74: {  	_ =	shalt  }
0x75: {  	_ =	shalt  }
0x76: {  	_ =	shalt  }
0x77: {  	_ =	shalt  }
0x78: {  	_ =	shalt  }
0x79: {  	_ =	shalt  }
0x7a: {  	_ =	shalt  }
0x7b: {  	_ =	shalt  }
0x7c: {  	_ =	shalt  }
0x7d: {  	_ =	shalt  }
0x7e: {  	_ =	shalt  }
0x7f: {  	_ =	shalt  }
0x80: {  	_ =	shalt  }
0x81: {  	_ =	shalt  }
0x82: {  	_ =	shalt  }
0x83: {  	_ =	shalt  }
0x84: {  	_ =	shalt  }
0x85: {  	_ =	shalt  }
0x86: {  	_ =	shalt  }
0x87: {  	_ =	shalt  }
.Lfunc_end0:
.L_simem_size_0:
called_computation_lowered:
.L_overlay_start_0:
0x88: {  	s2 =	sld [smem:$0x3FD9]  }
0x89: {  	s3 =	sld [smem:$0x3FFE];
	_ =	sdelay $0x1  }
0x8a: {  	s1 =	srdreg.scid  }
0x8b: {  	s0 =	sand.u32 $0x1, s1  }
0x8c: {  	s14 =	sshll.u32 s0, $0xA;
	s2 =	sadd.s32 s3, s2  }
0x8d: {  	s2 =	sadd.s32 s2, s14  }
0x8e: {  	[smem:$0x3FC0] =	sst s2  }
0x8f: {  	_ = 	snop  }
0x90: {  	s2 =	sld [smem:$0x3FD0];
	_ =	sdelay $0x1  }
0x91: {  	s15 =	sld [smem:$0x3FC9]  }
0x92: {  	s5 =	simm.s32 $0xA;
	s6 =	simm.s32 $0x10;
	s4 =	sld [smem:$0x3FC8]  }
0x93: {  	[smem:s6], [sflag:s5] =	dma.local [hbm:s2], $0x1  }
0x94: {  	_ =	swait.eq [sflag:s5], $0x1  }
0x95: {  	[sflag:s5] =	ssyncset.done $0x0  }
0x96: {  	s16 =	sld [smem:$0x10];
	[sflag:s5] =	ssyncadd.s32 $0xFFFFFFFF  }
0x97: {  	s17 =	sld [smem:$0x11];
	(tm) =	ssettm $0x1  }
0x98: {  	s18 =	sld [smem:$0x3FFB];
	_ =	sdelay $0x3  }
0x99: {  	_ =	strace s18  }
0x9a: {  	s6 =	sld [smem:$0x3FFC];
	_ =	sdelay $0x3  }
0x9b: {  	_ =	strace s6  }
0x9c: {  	s6 =	sld [smem:$0x3FFD];
	_ =	sdelay $0x3  }
0x9d: {  	_ =	strace s6  }
0x9e: {  	_ =	strace $0x8FFFFFFF  }
0x9f: {  	s19 =	sld [smem:$0x3FDB];
	_ =	sdelay $0x1  }
0xa0: {  	s7 =	simm.s32 $_scs_section_size  }
0xa1: {  	s8 =	simm.s32 $_size__tile_overlayer_lowered;
	s9 =	simm.s32 $_tile_overlayer_lowered  }
0xa2: {  	s22 =	simm.s32 $0x1BFF;
	s21 =	sshll.u32 s9, $0x1;
	s6 =	sadd.s32 s7, s19  }
0xa3: {  	s10 =	simm.s32 $0x0;
	s20 =	sshll.u32 s8, $0x1;
	s8 =	sadd.s32 s21, s6  }
0xa4: {  	[timem:s10], [sflag:s22] =	dma.local [hbm:s8], s20  }
0xa5: {  	_ =	swait.ge [sflag:s22], s20  }
0xa6: {  	s7 =	ssub.s32 $0x0, s20;
	[sflag:s22] =	ssyncset.done $0x0  }
0xa7: {  	[sflag:s22] =	ssyncadd.s32 s7;
	_ =	sdelay $0x1  }
0xa8: {  	s23 =	simm.s32 $0x1B8B  }
0xa9: {  	_ =	swait.ge [sflag:s23], $0x1  }
0xaa: {  	[sflag:s23] =	ssyncset.done $0x0  }
0xab: {  	s25 =	simm.s32 $0x1B8E;
	s24 =	sld [smem:$0x3FFE];
	[sflag:s23] =	ssyncadd.s32 $0xFFFFFFFF  }
0xac: {  	s26 =	simm.s32 $execute0_lowered;
	[smem:$0x3FD2] =	sst s25  }
0xad: {  	s8 =	sshll.u32 s26, $0x1;
	_ =	strace $0x80000046;
	[dreg:$0x1] =	wrdreg $0xFFFFFFFF  }
0xae: {  	s28 =	simm.s32 $_size_execute0_lowered;
	s6 =	sadd.s32 s6, s8;
	[dreg:$0x0] =	wrdreg $0x0  }
0xaf: {  	s8 =	sshll.u32 s28, $0x1;
	[dreg:$0x2] =	wrdreg s6  }
0xb0: {  	[dreg:$0x3] =	wrdreg s8  }
0xb1: {  	[dreg:$0x4] =	wrdreg $0xC0  }
0xb2: {  	_ =	task [dreg:s10], $0x5FFFF  }
0xb3: {  	[dreg:$0x1] =	wrdreg $0xFFFFFFFF  }
0xb4: {  	[dreg:$0x0] =	wrdreg $0x60  }
0xb5: {  	[dreg:$0x2] =	wrdreg s15  }
0xb6: {  	[dreg:$0x3] =	wrdreg s4  }
0xb7: {  	[dreg:$0x4] =	wrdreg s16  }
0xb8: {  	[dreg:$0x5] =	wrdreg s24  }
0xb9: {  	[dreg:$0x6] =	wrdreg s17  }
0xba: {  	[dreg:$0x7] =	wrdreg $0x9  }
0xbb: {  	_ =	task.clear_ibuf [dreg:s10], $0x8FFFF;
	_ =	strace $0x90000046  }
0xbc: {  	s29 =	simm.s32 $0x9;
	_ =	strace $0x80000048  }
0xbd: {  	_ =	swait.ge [sflag:s29], $0x1  }
0xbe: {  	[sflag:s29] =	ssyncadd.s32 $0xFFFFFFFF  }
0xbf: {  	_ =	strace $0x90000048  }
0xc0: {  	_ =	sfence  }
0xc1: {  	s30 =	sld [smem:$0x0];
	_ =	sdelay $0x2  }
0xc2: {  	s31 =	sshll.u32 s1, $0xD;
	s1 =	sshrl.u32 s1, $0x2  }
0xc3: {  	s3 =	sand.u32 $0x4000, s31;
	s1 =	sadd.s32 s1, s30  }
0xc4: {  	s0 =	sor.u32 s3, s0;
	s1 =	sshll.u32 s1, $0x11  }
0xc5: {  	s0 =	sor.u32 s1, s0  }
0xc6: {  	s0 =	sadd.s32 $0x8F2B, s0  }
0xc7: {  	[sflag:s0] =	ssyncadd.remote.s32 $0x1  }
0xc8: {  	_ =	sfence.sel $0xFFFF  }
0xc9: {  	[dreg:$0x0] =	wrdreg $0xFFFFFFFF;
	(pc) =	sbr.abs _section_cstart, $3  }
0xca: {  	[dreg:$0x1] =	wrdreg $0xFFFFFFFF  }
0xcb: {  	_ =	task.clear_ibuf [dreg:s10], $0x2FFFF;
	_ =	strace $0x9FFFFFFF  }
0xcc: {  	(tm) =	ssettm $0x7FFFFFFF  }
0xcd: {  	_ =	shalt  }
tec
execute0_lowered:
.L_overlay_start_1:
0x0: {  	(tag) =	ssettag $0x1  }
0x1: {  	s1 =	rddreg [dreg:$0x0]  }
0x2: {  	s0 =	srdreg.scid;
	s4 =	rddreg [dreg:$0x1]  }
0x3: {  	s2 =	stileid.u32;
	s5 =	rddreg [dreg:$0x2]  }
0x4: {  	s7 =	rddreg [dreg:$0x3];
	s0 =	sand.u32 $0x1, s0;
	s2 =	sshll.u32 s2, $0x1  }
0x5: {  	s20 =	rddreg [dreg:$0x4];
	s16 =	simm.s32 $0x5;
	s2 =	sor.u32 s0, s2  }
0x6: {  	s19 =	simm.s32 $0x50;
	s3 =	sshll.u32 s2, $0x2;
	s6 =	smax.u32 s2, $0x1D  }
0x7: {  	s31 =	simm.s32 $0x1;
	s0 =	ssub.s32 $0x2, s0;
	s3 =	ssub.s32 s3, s6  }
0x8: {  	s29 =	simm.s32 $0x3;
	s10 =	sshrl.u32 s0, $0x1;
	s8 =	sadd.s32 $0x1D, s3  }
0x9: {  	p0 =	sgt.u32 s2, $0x1C;
	s3 =	simm.s32 $0x0;
	s9 =	smul.u32 $0x50, s8  }
0xa: {  	s0 =	ssub.s32 s0, s10;
	[smem:$0x7FF] =	sst s3;
	s11 =	smul.u32 $0x2800, s8  }
0xb: {  	s15 =	smax.u32 s0, $0x1;
	s0 =	simm.s32 $0x0;
	_ =	strace $0x80000047  }
0xc: {  	s9 =	sshrl.u32 s9, $0x3;
	s23 =	sshrl.u32 s11, $0x3;
	s24 =	sadd.s32 $0x2800, s11  }
0xd: {  	s26 =	sadd.s32 $0x5000, s11;
	s11 =	sadd.s32 $0x7800, s11;
	s7 =	sadd.s32 s9, s7  }
0xe: {  	s5 =	sadd.s32 s5, s9;
	s25 =	sadd.s32 s4, s23;
	s13 =	sshrl.u32 s26, $0x3  }
0xf: {  	s9 =	sadd.s32 s20, s23;
	s28 =	sshrl.u32 s11, $0x3;
	s26 =	simm.s32 $0x2  }
.Ltmp0:
0x10: {  	[dreg:$0x6] =	wrdreg s5;
	s21 =	sadd.s32 $0xE00, s7;
	(pc) =	sbr.rel .LBB2_1-.Ltmp0, $4  }
0x11: {  	s22 =	sadd.s32 $0x800, s7;
	[dreg:$0x9] =	wrdreg s25;
	s7 =	sshrl.u32 s24, $0x3  }
0x12: {  	s10 =	sadd.s32 s4, s13;
	s12 =	sadd.s32 s4, s28;
	[dreg:$0x7] =	wrdreg s21  }
0x13: {  	s13 =	sadd.s32 s20, s13;
	s30 =	sadd.s32 s20, s28;
	[dreg:$0x8] =	wrdreg s22  }
0x14: {  	s8 =	sadd.s32 s4, s7;
	s11 =	sadd.s32 s20, s7;
	[dreg:$0xa] =	wrdreg s30  }
.LBB2_8:
0x15: {  	s2 =	simm.s32 $0x3;
	s4 =	simm.s32 $0x4  }
.LBB2_12:
0x16: {  	s0 =	sadd.s32 $0x1, s0  }
0x17: {  	_ =	swait.ge [sflag:s4], $0x2800;
	p1 =	sne.s32 s0, s15  }
.Ltmp1:
0x18: {  	[sflag:s4] =	ssyncset.done $0x0;
	(pc) =	sbr.rel @!p1 .LBB2_13-.Ltmp1, $4  }
0x19: {  	[sflag:s4] =	ssyncadd.s32 $0xFFFFD800  }
0x1a: {  	_ =	swait.ge [sflag:s2], $0x2800  }
0x1b: {  	[sflag:s2] =	ssyncset.done $0x0  }
0x1c: {  	[sflag:s2] =	ssyncadd.s32 $0xFFFFD800  }
.LBB2_1:
0x1d: {  	s2 =	rddreg [dreg:$0x6]  }
0x1e: {  	[tilespmem:s3], [sflag:$0x5] =	stream.linear.gather [hbm4b:s2+s3], $0x140, $0x38;
	[tilespmem:$0x19480] =	vst v63  }
0x1f: {  	_ =	swait.ge [sflag:s16], $0x140  }
0x20: {  	[sflag:s16] =	ssyncset.done $0x0  }
0x21: {  	s4 =	simm.s32 $0x180;
	s24 =	rddreg [dreg:$0x7];
	[sflag:s16] =	ssyncadd.s32 $0xFFFFFEC0  }
0x22: {  	[tilespmem:s4], [sflag:$0x5] =	stream.linear.gather [hbm4b:s24+s3], $0x140, $0x38;
	[tilespmem:$0x19480] =	vst v63  }
0x23: {  	_ =	swait.ge [sflag:s16], $0x140  }
0x24: {  	[sflag:s16] =	ssyncset.done $0x0  }
0x25: {  	s5 =	simm.s32 $0x300;
	s25 =	rddreg [dreg:$0x8];
	[sflag:s16] =	ssyncadd.s32 $0xFFFFFEC0  }
0x26: {  	[tilespmem:s5], [sflag:$0x5] =	stream.linear.gather [hbm4b:s25+s3], $0x140, $0x38;
	[tilespmem:$0x19480] =	vst v63  }
0x27: {  	_ =	swait.ge [sflag:s16], $0x140  }
0x28: {  	[sflag:s16] =	ssyncset.done $0x0  }
0x29: {  	s6 =	simm.s32 $0x480;
	[sflag:s16] =	ssyncadd.s32 $0xFFFFFEC0  }
0x2a: {  	[tilespmem:s6], [sflag:$0x1] =	stream.indirect.gather [hbm4b:s1+s19], $0x80, s3, s19, $0xb8;
	[tilespmem:$0x19480] =	vst v63  }
0x2b: {  	s7 =	simm.s32 $0x2C80  }
0x2c: {  	[tilespmem:s7], [sflag:$0x1] =	stream.indirect.gather [hbm4b:s1+s19], $0x80, s4, s19, $0xb8;
	[tilespmem:$0x19480] =	vst v63  }
0x2d: {  	s14 =	simm.s32 $0x5480  }
0x2e: {  	[tilespmem:s14], [sflag:$0x1] =	stream.indirect.gather [hbm4b:s1+s19], $0x80, s5, s19, $0xb8;
	[tilespmem:$0x19480] =	vst v63  }
0x2f: {  	s18 =	simm.s32 $0x7C80;
	s17 =	rddreg [dreg:$0x9]  }
0x30: {  	[tilespmem:s18], [sflag:$0x1] =	stream.linear.gather [hbm4b:s17+s3], $0x2800, $0x38;
	[tilespmem:$0x19480] =	vst v63  }
0x31: {  	s20 =	simm.s32 $0xCC80  }
0x32: {  	[tilespmem:s20], [sflag:$0x2] =	stream.indirect.gather [hbm4b:s1+s19], $0x80, s19, s19, $0xb8;
	[tilespmem:$0x19480] =	vst v63  }
0x33: {  	s21 =	simm.s32 $0x1D0;
	s22 =	simm.s32 $0xF480  }
0x34: {  	[tilespmem:s22], [sflag:$0x2] =	stream.indirect.gather [hbm4b:s1+s19], $0x80, s21, s19, $0xb8;
	[tilespmem:$0x19480] =	vst v63  }
0x35: {  	s23 =	simm.s32 $0x350;
	s24 =	simm.s32 $0x11C80  }
0x36: {  	[tilespmem:s24], [sflag:$0x2] =	stream.indirect.gather [hbm4b:s1+s19], $0x80, s23, s19, $0xb8;
	[tilespmem:$0x19480] =	vst v63  }
0x37: {  	s25 =	simm.s32 $0x14480  }
0x38: {  	[tilespmem:s25], [sflag:$0x2] =	stream.linear.gather [hbm4b:s8+s3], $0x2800, $0x38;
	[tilespmem:$0x19480] =	vst v63  }
0x39: {  	_ =	swait.ge [sflag:s31], $0x2800  }
0x3a: {  	[sflag:s31] =	ssyncset.done $0x0  }
0x3b: {  	[sflag:s31] =	ssyncadd.s32 $0xFFFFD800  }
0x3c: {  	_ =	swait.ge [sflag:s31], $0x2800  }
0x3d: {  	[sflag:s31] =	ssyncset.done $0x0  }
0x3e: {  	[sflag:s31] =	ssyncadd.s32 $0xFFFFD800  }
0x3f: {  	_ =	swait.ge [sflag:s31], $0x2800  }
0x40: {  	[sflag:s31] =	ssyncset.done $0x0  }
0x41: {  	[sflag:s31] =	ssyncadd.s32 $0xFFFFD800  }
0x42: {  	_ =	swait.ge [sflag:s31], $0x2800  }
0x43: {  	[sflag:s31] =	ssyncset.done $0x0  }
0x44: {  	s6 =	simm.s32 $0x7D00;
	[sflag:s31] =	ssyncadd.s32 $0xFFFFD800  }
0x45: {  	s4 =	simm.s32 $0x500;
	v0 =	vld [tilespmem:s6+$0x0]  }
0x46: {  	s2 =	simm.s32 $0x2D00;
	v1 =	vld [tilespmem:s4+$0x0]  }
0x47: {  	v2 =	vld [tilespmem:s2+$0x0]  }
0x48: {  	s7 =	simm.s32 $0x5500  }
0x49: {  	v3 =	vld [tilespmem:s7+$0x0];
	_ =	sdelay $0x2  }
0x4a: {  	v1 =	vsub.f32 v1, v0;
	v2 =	vsub.f32 v2, v0;
	_ =	sdelay $0x1  }
0x4b: {  	v4 =	vld [tilespmem:s4+$0xFFFFFF80];
	v0 =	vsub.f32 v3, v0;
	v1 =	vand.u32 $0x7FFFFFFF, v1;
	v2 =	vand.u32 $0x7FFFFFFF, v2  }
0x4c: {  	v3 =	vld [tilespmem:s2+$0xFFFFFF80];
	v1 =	vadd.f32 v2, v1  }
0x4d: {  	v0 =	vand.u32 $0x7FFFFFFF, v0;
	v2 =	vld [tilespmem:s6+$0xFFFFFF80]  }
0x4e: {  	v0 =	vadd.f32 v0, v1  }
0x4f: {  	v1 =	vld [tilespmem:s7+$0xFFFFFF80]  }
0x50: {  	v0 =	vmul.f32 $3.333333430e-01, v0  }
0x51: {  	s24 =	simm.s32 $0xA500  }
0x52: {  	v4 =	vsub.f32 v4, v2;
	v3 =	vsub.f32 v3, v2;
	[tilespmem:s24+$0x0] =	vst v0  }
0x53: {  	v0 =	vld [tilespmem:s6+$0x10]  }
0x54: {  	v1 =	vsub.f32 v1, v2;
	v2 =	vand.u32 $0x7FFFFFFF, v4;
	v3 =	vand.u32 $0x7FFFFFFF, v3;
	v4 =	vld [tilespmem:s4+$0x10]  }
0x55: {  	v2 =	vadd.f32 v3, v2;
	v3 =	vld [tilespmem:s2+$0x10]  }
0x56: {  	v1 =	vand.u32 $0x7FFFFFFF, v1  }
0x57: {  	v1 =	vadd.f32 v1, v2;
	v2 =	vld [tilespmem:s7+$0x10];
	_ =	sdelay $0x1  }
0x58: {  	v1 =	vmul.f32 $3.333333430e-01, v1  }
0x59: {  	v4 =	vsub.f32 v4, v0;
	v3 =	vsub.f32 v3, v0  }
0x5a: {  	[tilespmem:s24+$0xFFFFFF80] =	vst v1  }
0x5b: {  	v4 =	vand.u32 $0x7FFFFFFF, v4;
	v1 =	vld [tilespmem:s6+$0xFFFFFF90];
	v3 =	vand.u32 $0x7FFFFFFF, v3;
	v0 =	vsub.f32 v2, v0  }
0x5c: {  	v2 =	vld [tilespmem:s4+$0xFFFFFF90];
	v3 =	vadd.f32 v3, v4  }
0x5d: {  	v4 =	vld [tilespmem:s2+$0xFFFFFF90];
	v0 =	vand.u32 $0x7FFFFFFF, v0  }
0x5e: {  	v0 =	vadd.f32 v0, v3  }
0x5f: {  	v3 =	vld [tilespmem:s7+$0xFFFFFF90]  }
0x60: {  	v0 =	vmul.f32 $3.333333430e-01, v0;
	_ =	sdelay $0x1  }
0x61: {  	v2 =	vsub.f32 v2, v1;
	v4 =	vsub.f32 v4, v1;
	[tilespmem:s24+$0x10] =	vst v0  }
0x62: {  	v0 =	vld [tilespmem:s6+$0x20]  }
0x63: {  	v2 =	vand.u32 $0x7FFFFFFF, v2;
	v1 =	vsub.f32 v3, v1;
	v3 =	vand.u32 $0x7FFFFFFF, v4;
	v4 =	vld [tilespmem:s4+$0x20]  }
0x64: {  	v2 =	vadd.f32 v3, v2;
	v3 =	vld [tilespmem:s2+$0x20]  }
0x65: {  	v1 =	vand.u32 $0x7FFFFFFF, v1  }
0x66: {  	v5 =	vld [tilespmem:s7+$0x20];
	v1 =	vadd.f32 v1, v2;
	_ =	sdelay $0x1  }
0x67: {  	v1 =	vmul.f32 $3.333333430e-01, v1  }
0x68: {  	v2 =	vsub.f32 v4, v0;
	v3 =	vsub.f32 v3, v0  }
0x69: {  	[tilespmem:s24+$0xFFFFFF90] =	vst v1  }
0x6a: {  	v0 =	vsub.f32 v5, v0;
	v2 =	vand.u32 $0x7FFFFFFF, v2;
	v1 =	vld [tilespmem:s6+$0xFFFFFFA0];
	v3 =	vand.u32 $0x7FFFFFFF, v3  }
0x6b: {  	v4 =	vld [tilespmem:s4+$0xFFFFFFA0];
	v2 =	vadd.f32 v3, v2  }
0x6c: {  	v0 =	vand.u32 $0x7FFFFFFF, v0;
	v3 =	vld [tilespmem:s2+$0xFFFFFFA0]  }
0x6d: {  	v0 =	vadd.f32 v0, v2  }
0x6e: {  	v2 =	vld [tilespmem:s7+$0xFFFFFFA0]  }
0x6f: {  	v0 =	vmul.f32 $3.333333430e-01, v0;
	_ =	sdelay $0x1  }
0x70: {  	v4 =	vsub.f32 v4, v1;
	v3 =	vsub.f32 v3, v1;
	[tilespmem:s24+$0x20] =	vst v0  }
0x71: {  	v0 =	vld [tilespmem:s6+$0x30]  }
0x72: {  	v4 =	vand.u32 $0x7FFFFFFF, v4;
	v1 =	vsub.f32 v2, v1;
	v2 =	vand.u32 $0x7FFFFFFF, v3;
	v3 =	vld [tilespmem:s4+$0x30]  }
0x73: {  	v2 =	vadd.f32 v2, v4;
	v4 =	vld [tilespmem:s2+$0x30]  }
0x74: {  	v1 =	vand.u32 $0x7FFFFFFF, v1  }
0x75: {  	v5 =	vld [tilespmem:s7+$0x30];
	v1 =	vadd.f32 v1, v2;
	_ =	sdelay $0x1  }
0x76: {  	v1 =	vmul.f32 $3.333333430e-01, v1  }
0x77: {  	v2 =	vsub.f32 v3, v0;
	v3 =	vsub.f32 v4, v0  }
0x78: {  	[tilespmem:s24+$0xFFFFFFA0] =	vst v1  }
0x79: {  	v0 =	vsub.f32 v5, v0;
	v2 =	vand.u32 $0x7FFFFFFF, v2;
	v1 =	vld [tilespmem:s6+$0xFFFFFFB0];
	v3 =	vand.u32 $0x7FFFFFFF, v3  }
0x7a: {  	v4 =	vld [tilespmem:s4+$0xFFFFFFB0];
	v2 =	vadd.f32 v3, v2  }
0x7b: {  	s28 =	simm.s32 $0x600;
	v0 =	vand.u32 $0x7FFFFFFF, v0;
	v3 =	vld [tilespmem:s2+$0xFFFFFFB0]  }
0x7c: {  	v6 =	vld [tilespmem:s28+$0x0];
	v0 =	vadd.f32 v0, v2  }
0x7d: {  	s17 =	simm.s32 $0x2E00;
	v5 =	vld [tilespmem:s7+$0xFFFFFFB0]  }
0x7e: {  	s30 =	simm.s32 $0x7E00;
	v7 =	vld [tilespmem:s17+$0x0];
	v0 =	vmul.f32 $3.333333430e-01, v0  }
0x7f: {  	s14 =	simm.s32 $0x5600;
	v2 =	vld [tilespmem:s30+$0x0]  }
0x80: {  	v8 =	vld [tilespmem:s14+$0x0];
	v4 =	vsub.f32 v4, v1;
	v3 =	vsub.f32 v3, v1;
	[tilespmem:s24+$0x30] =	vst v0  }
0x81: {  	v0 =	vld [tilespmem:s6+$0x40]  }
0x82: {  	v1 =	vsub.f32 v5, v1;
	v4 =	vand.u32 $0x7FFFFFFF, v4;
	v3 =	vand.u32 $0x7FFFFFFF, v3;
	v5 =	vld [tilespmem:s4+$0x40]  }
0x83: {  	v3 =	vadd.f32 v3, v4;
	v4 =	vld [tilespmem:s2+$0x40]  }
0x84: {  	v9 =	vld [tilespmem:s28+$0xFFFFFF80];
	v1 =	vand.u32 $0x7FFFFFFF, v1;
	v6 =	vsub.f32 v6, v2;
	v7 =	vsub.f32 v7, v2  }
0x85: {  	v1 =	vadd.f32 v1, v3;
	v3 =	vld [tilespmem:s7+$0x40]  }
0x86: {  	v10 =	vld [tilespmem:s17+$0xFFFFFF80];
	v2 =	vsub.f32 v8, v2;
	v6 =	vand.u32 $0x7FFFFFFF, v6;
	v7 =	vand.u32 $0x7FFFFFFF, v7  }
0x87: {  	v8 =	vld [tilespmem:s30+$0xFFFFFF80];
	v6 =	vadd.f32 v7, v6;
	v1 =	vmul.f32 $3.333333430e-01, v1  }
0x88: {  	v2 =	vand.u32 $0x7FFFFFFF, v2;
	v5 =	vsub.f32 v5, v0;
	v4 =	vsub.f32 v4, v0  }
0x89: {  	v7 =	vld [tilespmem:s14+$0xFFFFFF80];
	v2 =	vadd.f32 v2, v6;
	[tilespmem:s24+$0xFFFFFFB0] =	vst v1  }
0x8a: {  	v5 =	vand.u32 $0x7FFFFFFF, v5;
	v1 =	vld [tilespmem:s6+$0xFFFFFFC0];
	v4 =	vand.u32 $0x7FFFFFFF, v4;
	v0 =	vsub.f32 v3, v0  }
0x8b: {  	v2 =	vmul.f32 $3.333333430e-01, v2;
	v3 =	vld [tilespmem:s4+$0xFFFFFFC0];
	v4 =	vadd.f32 v4, v5  }
0x8c: {  	s25 =	simm.s32 $0xA600;
	v6 =	vsub.f32 v10, v8;
	v5 =	vsub.f32 v9, v8;
	v9 =	vld [tilespmem:s2+$0xFFFFFFC0];
	v0 =	vand.u32 $0x7FFFFFFF, v0  }
0x8d: {  	[tilespmem:s25+$0x0] =	vst v2;
	v2 =	vld [tilespmem:s7+$0xFFFFFFC0];
	v0 =	vadd.f32 v0, v4  }
0x8e: {  	v6 =	vand.u32 $0x7FFFFFFF, v6;
	v4 =	vsub.f32 v7, v8;
	v5 =	vand.u32 $0x7FFFFFFF, v5;
	v7 =	vld [tilespmem:s30+$0x10]  }
0x8f: {  	v8 =	vld [tilespmem:s17+$0x10];
	v5 =	vadd.f32 v6, v5;
	v0 =	vmul.f32 $3.333333430e-01, v0  }
0x90: {  	v6 =	vld [tilespmem:s28+$0x10];
	v4 =	vand.u32 $0x7FFFFFFF, v4;
	v3 =	vsub.f32 v3, v1  }
0x91: {  	v4 =	vadd.f32 v4, v5;
	v5 =	vld [tilespmem:s14+$0x10];
	v9 =	vsub.f32 v9, v1;
	[tilespmem:s24+$0x40] =	vst v0  }
0x92: {  	v0 =	vand.u32 $0x7FFFFFFF, v3;
	v3 =	vld [tilespmem:s6+$0x50]  }
0x93: {  	v1 =	vsub.f32 v2, v1;
	v2 =	vmul.f32 $3.333333430e-01, v4;
	v4 =	vand.u32 $0x7FFFFFFF, v9;
	v9 =	vld [tilespmem:s4+$0x50]  }
0x94: {  	v0 =	vadd.f32 v4, v0;
	v4 =	vld [tilespmem:s2+$0x50]  }
0x95: {  	v1 =	vand.u32 $0x7FFFFFFF, v1;
	[tilespmem:s25+$0xFFFFFF80] =	vst v2;
	v2 =	vsub.f32 v6, v7;
	v6 =	vsub.f32 v8, v7;
	v8 =	vld [tilespmem:s7+$0x50]  }
0x96: {  	v0 =	vadd.f32 v1, v0;
	v1 =	vld [tilespmem:s30+$0xFFFFFF90]  }
0x97: {  	v5 =	vsub.f32 v5, v7;
	v7 =	vld [tilespmem:s28+$0xFFFFFF90];
	v2 =	vand.u32 $0x7FFFFFFF, v2;
	v6 =	vand.u32 $0x7FFFFFFF, v6  }
0x98: {  	v2 =	vadd.f32 v6, v2;
	v0 =	vmul.f32 $3.333333430e-01, v0;
	v6 =	vld [tilespmem:s17+$0xFFFFFF90]  }
0x99: {  	v5 =	vand.u32 $0x7FFFFFFF, v5;
	v9 =	vsub.f32 v9, v3;
	v4 =	vsub.f32 v4, v3  }
0x9a: {  	v10 =	vld [tilespmem:s14+$0xFFFFFF90];
	v2 =	vadd.f32 v5, v2;
	[tilespmem:s24+$0xFFFFFFC0] =	vst v0  }
0x9b: {  	v5 =	vand.u32 $0x7FFFFFFF, v9;
	v3 =	vsub.f32 v8, v3;
	v0 =	vld [tilespmem:s6+$0xFFFFFFD0];
	v4 =	vand.u32 $0x7FFFFFFF, v4  }
0x9c: {  	v8 =	vld [tilespmem:s4+$0xFFFFFFD0];
	v2 =	vmul.f32 $3.333333430e-01, v2;
	v4 =	vadd.f32 v4, v5  }
0x9d: {  	v5 =	vsub.f32 v7, v1;
	v7 =	vld [tilespmem:s2+$0xFFFFFFD0];
	v3 =	vand.u32 $0x7FFFFFFF, v3;
	v6 =	vsub.f32 v6, v1  }
0x9e: {  	[tilespmem:s25+$0x10] =	vst v2;
	v2 =	vld [tilespmem:s7+$0xFFFFFFD0];
	v3 =	vadd.f32 v3, v4  }
0x9f: {  	v1 =	vsub.f32 v10, v1;
	v4 =	vand.u32 $0x7FFFFFFF, v5;
	v5 =	vld [tilespmem:s30+$0x20];
	v6 =	vand.u32 $0x7FFFFFFF, v6  }
0xa0: {  	v9 =	vld [tilespmem:s28+$0x20];
	v3 =	vmul.f32 $3.333333430e-01, v3;
	v4 =	vadd.f32 v6, v4  }
0xa1: {  	v1 =	vand.u32 $0x7FFFFFFF, v1;
	v6 =	vld [tilespmem:s17+$0x20]  }
0xa2: {  	v10 =	vld [tilespmem:s14+$0x20];
	[tilespmem:s24+$0x50] =	vst v3;
	v1 =	vadd.f32 v1, v4  }
0xa3: {  	v7 =	vsub.f32 v7, v0;
	v4 =	vld [tilespmem:s6+$0x60]  }
0xa4: {  	v3 =	vsub.f32 v8, v0;
	v8 =	vld [tilespmem:s4+$0x60];
	v1 =	vmul.f32 $3.333333430e-01, v1  }
0xa5: {  	v0 =	vsub.f32 v2, v0;
	v2 =	vld [tilespmem:s2+$0x60];
	v7 =	vand.u32 $0x7FFFFFFF, v7  }
0xa6: {  	v3 =	vand.u32 $0x7FFFFFFF, v3;
	v9 =	vsub.f32 v9, v5;
	v6 =	vsub.f32 v6, v5;
	[tilespmem:s25+$0xFFFFFF90] =	vst v1;
	v1 =	vld [tilespmem:s7+$0x60]  }
0xa7: {  	v3 =	vadd.f32 v7, v3;
	v0 =	vand.u32 $0x7FFFFFFF, v0;
	v7 =	vld [tilespmem:s30+$0xFFFFFFA0]  }
0xa8: {  	v5 =	vsub.f32 v10, v5;
	v9 =	vand.u32 $0x7FFFFFFF, v9;
	v6 =	vand.u32 $0x7FFFFFFF, v6;
	v10 =	vld [tilespmem:s28+$0xFFFFFFA0]  }
0xa9: {  	v0 =	vadd.f32 v0, v3;
	v3 =	vadd.f32 v6, v9;
	v6 =	vld [tilespmem:s17+$0xFFFFFFA0]  }
0xaa: {  	v5 =	vand.u32 $0x7FFFFFFF, v5  }
0xab: {  	v9 =	vld [tilespmem:s14+$0xFFFFFFA0];
	v2 =	vsub.f32 v2, v4;
	v3 =	vadd.f32 v5, v3  }
0xac: {  	v8 =	vsub.f32 v8, v4;
	v0 =	vmul.f32 $3.333333430e-01, v0  }
0xad: {  	s21 =	simm.s32 $0x700;
	v2 =	vand.u32 $0x7FFFFFFF, v2;
	v1 =	vsub.f32 v1, v4;
	v4 =	vmul.f32 $3.333333430e-01, v3  }
0xae: {  	s22 =	simm.s32 $0x2F00;
	v12 =	vld [tilespmem:s21+$0x0];
	[tilespmem:s24+$0xFFFFFFD0] =	vst v0;
	v0 =	vand.u32 $0x7FFFFFFF, v8;
	v5 =	vsub.f32 v10, v7;
	v6 =	vsub.f32 v6, v7  }
0xaf: {  	v14 =	vld [tilespmem:s22+$0x0];
	v0 =	vadd.f32 v2, v0;
	v1 =	vand.u32 $0x7FFFFFFF, v1;
	[tilespmem:s25+$0x20] =	vst v4  }
0xb0: {  	v2 =	vand.u32 $0x7FFFFFFF, v5;
	v4 =	vsub.f32 v9, v7;
	v5 =	vld [tilespmem:s30+$0x30];
	v6 =	vand.u32 $0x7FFFFFFF, v6  }
0xb1: {  	v0 =	vadd.f32 v1, v0;
	v7 =	vld [tilespmem:s28+$0x30];
	v1 =	vadd.f32 v6, v2  }
0xb2: {  	s23 =	simm.s32 $0x5700;
	v2 =	vand.u32 $0x7FFFFFFF, v4;
	v4 =	vld [tilespmem:s17+$0x30]  }
0xb3: {  	v15 =	vld [tilespmem:s23+$0x0];
	v1 =	vadd.f32 v2, v1  }
0xb4: {  	v2 =	vld [tilespmem:s14+$0x30]  }
0xb5: {  	v16 =	vld [tilespmem:s21+$0xFFFFFF80];
	v10 =	vmul.f32 $3.333333430e-01, v1  }
0xb6: {  	s18 =	simm.s32 $0x7F00;
	v39 =	vld [tilespmem:s22+$0xFFFFFF80]  }
0xb7: {  	v40 =	vld [tilespmem:s18+$0xFFFFFF80];
	v7 =	vsub.f32 v7, v5;
	v4 =	vsub.f32 v4, v5;
	[tilespmem:s25+$0xFFFFFFA0] =	vst v10  }
0xb8: {  	v10 =	vld [tilespmem:s30+$0xFFFFFFB0]  }
0xb9: {  	v7 =	vand.u32 $0x7FFFFFFF, v7;
	v4 =	vand.u32 $0x7FFFFFFF, v4;
	v2 =	vsub.f32 v2, v5;
	v5 =	vld [tilespmem:s28+$0xFFFFFFB0]  }
0xba: {  	v4 =	vadd.f32 v4, v7;
	v7 =	vld [tilespmem:s17+$0xFFFFFFB0]  }
0xbb: {  	v17 =	vld [tilespmem:s23+$0xFFFFFF80];
	v2 =	vand.u32 $0x7FFFFFFF, v2  }
0xbc: {  	v11 =	vld [tilespmem:s14+$0xFFFFFFB0];
	v2 =	vadd.f32 v2, v4  }
0xbd: {  	v3 =	vld [tilespmem:s6+$0xFFFFFFE0]  }
0xbe: {  	v4 =	vld [tilespmem:s18+$0x0];
	v13 =	vmul.f32 $3.333333430e-01, v2  }
0xbf: {  	v8 =	vld [tilespmem:s4+$0xFFFFFFE0];
	v5 =	vsub.f32 v5, v10;
	v7 =	vsub.f32 v7, v10  }
0xc0: {  	v9 =	vld [tilespmem:s7+$0xFFFFFFE0];
	[tilespmem:s25+$0x30] =	vst v13  }
0xc1: {  	v10 =	vsub.f32 v11, v10;
	v5 =	vand.u32 $0x7FFFFFFF, v5;
	v11 =	vld [tilespmem:s30+$0x40];
	v7 =	vand.u32 $0x7FFFFFFF, v7  }
0xc2: {  	v0 =	vmul.f32 $3.333333430e-01, v0;
	v13 =	vld [tilespmem:s28+$0x40];
	v5 =	vadd.f32 v7, v5  }
0xc3: {  	v6 =	vld [tilespmem:s2+$0xFFFFFFE0];
	v12 =	vsub.f32 v12, v4;
	v14 =	vsub.f32 v14, v4;
	v7 =	vand.u32 $0x7FFFFFFF, v10  }
0xc4: {  	v10 =	vld [tilespmem:s17+$0x40];
	v5 =	vadd.f32 v7, v5  }
0xc5: {  	[tilespmem:s24+$0x60] =	vst v0;
	v4 =	vsub.f32 v15, v4;
	v12 =	vand.u32 $0x7FFFFFFF, v12;
	v14 =	vand.u32 $0x7FFFFFFF, v14;
	v7 =	vld [tilespmem:s14+$0x40]  }
0xc6: {  	v0 =	vld [tilespmem:s6+$0x70];
	v15 =	vsub.f32 v39, v40;
	v12 =	vadd.f32 v14, v12;
	v5 =	vmul.f32 $3.333333430e-01, v5  }
0xc7: {  	v46 =	vld [tilespmem:s7+$0x70];
	v4 =	vand.u32 $0x7FFFFFFF, v4;
	v13 =	vsub.f32 v13, v11  }
0xc8: {  	v43 =	vsub.f32 v16, v40;
	v1 =	vld [tilespmem:s4+$0x70];
	v15 =	vand.u32 $0x7FFFFFFF, v15;
	v4 =	vadd.f32 v4, v12;
	[tilespmem:s25+$0xFFFFFFB0] =	vst v5  }
0xc9: {  	v14 =	vsub.f32 v17, v40;
	v10 =	vsub.f32 v10, v11;
	v41 =	vand.u32 $0x7FFFFFFF, v13;
	v5 =	vld [tilespmem:s30+$0xFFFFFFC0]  }
0xca: {  	v4 =	vmul.f32 $3.333333430e-01, v4;
	v13 =	vand.u32 $0x7FFFFFFF, v43;
	v7 =	vsub.f32 v7, v11;
	v11 =	vld [tilespmem:s28+$0xFFFFFFC0]  }
0xcb: {  	s20 =	simm.s32 $0xA700;
	v10 =	vand.u32 $0x7FFFFFFF, v10;
	v42 =	vld [tilespmem:s17+$0xFFFFFFC0];
	v13 =	vadd.f32 v15, v13  }
0xcc: {  	v14 =	vand.u32 $0x7FFFFFFF, v14;
	v10 =	vadd.f32 v10, v41;
	[tilespmem:s20+$0x0] =	vst v4;
	v4 =	vld [tilespmem:s14+$0xFFFFFFC0]  }
0xcd: {  	v7 =	vand.u32 $0x7FFFFFFF, v7;
	v44 =	vld [tilespmem:s21+$0x10];
	v13 =	vadd.f32 v14, v13  }
0xce: {  	v45 =	vld [tilespmem:s22+$0x10];
	v7 =	vadd.f32 v7, v10  }
0xcf: {  	v10 =	vld [tilespmem:s18+$0x10];
	v48 =	vmul.f32 $3.333333430e-01, v13  }
0xd0: {  	v2 =	vld [tilespmem:s2+$0x70];
	v7 =	vmul.f32 $3.333333430e-01, v7;
	v11 =	vsub.f32 v11, v5;
	v12 =	vsub.f32 v42, v5  }
0xd1: {  	v47 =	vld [tilespmem:s23+$0x10];
	[tilespmem:s20+$0xFFFFFF80] =	vst v48  }
0xd2: {  	v4 =	vsub.f32 v4, v5;
	[tilespmem:s25+$0x40] =	vst v7;
	v7 =	vand.u32 $0x7FFFFFFF, v11;
	v11 =	vand.u32 $0x7FFFFFFF, v12;
	v12 =	vld [tilespmem:s18+$0xFFFFFF90]  }
0xd3: {  	v8 =	vsub.f32 v8, v3;
	v5 =	vld [tilespmem:s30+$0x50];
	v7 =	vadd.f32 v11, v7  }
0xd4: {  	v49 =	vld [tilespmem:s28+$0x50];
	v4 =	vand.u32 $0x7FFFFFFF, v4;
	v16 =	vsub.f32 v44, v10;
	v15 =	vsub.f32 v45, v10  }
0xd5: {  	v6 =	vsub.f32 v6, v3;
	v11 =	vld [tilespmem:s17+$0x50];
	v4 =	vadd.f32 v4, v7  }
0xd6: {  	v51 =	vld [tilespmem:s21+$0xFFFFFF90];
	v10 =	vsub.f32 v47, v10;
	v50 =	vand.u32 $0x7FFFFFFF, v16;
	v15 =	vand.u32 $0x7FFFFFFF, v15  }
0xd7: {  	v8 =	vand.u32 $0x7FFFFFFF, v8;
	v7 =	vld [tilespmem:s14+$0x50];
	v14 =	vadd.f32 v15, v50;
	v4 =	vmul.f32 $3.333333430e-01, v4  }
0xd8: {  	v3 =	vsub.f32 v9, v3;
	v6 =	vand.u32 $0x7FFFFFFF, v6;
	v9 =	vld [tilespmem:s22+$0xFFFFFF90];
	v10 =	vand.u32 $0x7FFFFFFF, v10  }
0xd9: {  	v6 =	vadd.f32 v6, v8;
	v8 =	vadd.f32 v10, v14;
	v10 =	vld [tilespmem:s23+$0xFFFFFF90];
	[tilespmem:s25+$0xFFFFFFC0] =	vst v4  }
0xda: {  	v3 =	vand.u32 $0x7FFFFFFF, v3;
	v11 =	vsub.f32 v11, v5;
	v4 =	vsub.f32 v49, v5;
	v52 =	vld [tilespmem:s30+$0xFFFFFFD0]  }
0xdb: {  	v3 =	vadd.f32 v3, v6;
	v6 =	vmul.f32 $3.333333430e-01, v8;
	v8 =	vld [tilespmem:s28+$0xFFFFFFD0]  }
0xdc: {  	v11 =	vand.u32 $0x7FFFFFFF, v11;
	v5 =	vsub.f32 v7, v5;
	v7 =	vld [tilespmem:s17+$0xFFFFFFD0];
	v4 =	vand.u32 $0x7FFFFFFF, v4  }
0xdd: {  	v3 =	vmul.f32 $3.333333430e-01, v3;
	v4 =	vadd.f32 v11, v4;
	[tilespmem:s20+$0x10] =	vst v6;
	v6 =	vld [tilespmem:s14+$0xFFFFFFD0]  }
0xde: {  	v9 =	vsub.f32 v9, v12;
	v11 =	vsub.f32 v51, v12;
	v5 =	vand.u32 $0x7FFFFFFF, v5;
	v53 =	vld [tilespmem:s18+$0x20]  }
0xdf: {  	[tilespmem:s24+$0xFFFFFFE0] =	vst v3;
	v3 =	vsub.f32 v10, v12;
	v10 =	vld [tilespmem:s22+$0x20];
	v4 =	vadd.f32 v5, v4  }
0xe0: {  	v5 =	vld [tilespmem:s21+$0x20]  }
0xe1: {  	v54 =	vld [tilespmem:s6+$0xFFFFFFF0];
	v9 =	vand.u32 $0x7FFFFFFF, v9;
	v11 =	vand.u32 $0x7FFFFFFF, v11;
	v4 =	vmul.f32 $3.333333430e-01, v4  }
0xe2: {  	v9 =	vadd.f32 v9, v11;
	v8 =	vsub.f32 v8, v52;
	v11 =	vld [tilespmem:s23+$0x20]  }
0xe3: {  	v56 =	vld [tilespmem:s2+$0xFFFFFFF0];
	v3 =	vand.u32 $0x7FFFFFFF, v3;
	v7 =	vsub.f32 v7, v52;
	[tilespmem:s25+$0x50] =	vst v4  }
0xe4: {  	v3 =	vadd.f32 v3, v9;
	v8 =	vand.u32 $0x7FFFFFFF, v8;
	v6 =	vsub.f32 v6, v52;
	v9 =	vld [tilespmem:s30+$0x60]  }
0xe5: {  	v7 =	vand.u32 $0x7FFFFFFF, v7;
	v10 =	vsub.f32 v10, v53;
	v55 =	vld [tilespmem:s28+$0x60];
	v5 =	vsub.f32 v5, v53  }
0xe6: {  	v7 =	vadd.f32 v7, v8;
	v3 =	vmul.f32 $3.333333430e-01, v3;
	v6 =	vand.u32 $0x7FFFFFFF, v6;
	v8 =	vld [tilespmem:s17+$0x60]  }
0xe7: {  	v4 =	vld [tilespmem:s4+$0xFFFFFFF0];
	v11 =	vsub.f32 v11, v53;
	v10 =	vand.u32 $0x7FFFFFFF, v10;
	v5 =	vand.u32 $0x7FFFFFFF, v5  }
0xe8: {  	[tilespmem:s20+$0xFFFFFF90] =	vst v3;
	v3 =	vadd.f32 v6, v7;
	v6 =	vld [tilespmem:s14+$0x60];
	v5 =	vadd.f32 v10, v5  }
0xe9: {  	v7 =	vld [tilespmem:s18+$0xFFFFFFA0];
	v10 =	vand.u32 $0x7FFFFFFF, v11  }
0xea: {  	v1 =	vsub.f32 v1, v0;
	v11 =	vld [tilespmem:s21+$0xFFFFFFA0];
	v3 =	vmul.f32 $3.333333430e-01, v3;
	v5 =	vadd.f32 v10, v5  }
0xeb: {  	v10 =	vld [tilespmem:s22+$0xFFFFFFA0];
	v13 =	vsub.f32 v55, v9;
	v8 =	vsub.f32 v8, v9  }
0xec: {  	v1 =	vand.u32 $0x7FFFFFFF, v1;
	[tilespmem:s25+$0xFFFFFFD0] =	vst v3;
	v3 =	vld [tilespmem:s23+$0xFFFFFFA0]  }
0xed: {  	v6 =	vsub.f32 v6, v9;
	v9 =	vld [tilespmem:s30+$0xFFFFFFE0];
	v13 =	vand.u32 $0x7FFFFFFF, v13;
	v8 =	vand.u32 $0x7FFFFFFF, v8  }
0xee: {  	v2 =	vsub.f32 v2, v0;
	v5 =	vmul.f32 $3.333333430e-01, v5;
	v57 =	vld [tilespmem:s28+$0xFFFFFFE0];
	v8 =	vadd.f32 v8, v13  }
0xef: {  	v0 =	vsub.f32 v46, v0;
	v58 =	vld [tilespmem:s17+$0xFFFFFFE0];
	v11 =	vsub.f32 v11, v7;
	v6 =	vand.u32 $0x7FFFFFFF, v6  }
0xf0: {  	v2 =	vand.u32 $0x7FFFFFFF, v2;
	[tilespmem:s20+$0x20] =	vst v5;
	v5 =	vsub.f32 v10, v7;
	v6 =	vadd.f32 v6, v8;
	v8 =	vld [tilespmem:s14+$0xFFFFFFE0]  }
0xf1: {  	v0 =	vand.u32 $0x7FFFFFFF, v0;
	v1 =	vadd.f32 v2, v1;
	v2 =	vand.u32 $0x7FFFFFFF, v11;
	v10 =	vld [tilespmem:s18+$0x30]  }
0xf2: {  	v3 =	vsub.f32 v3, v7;
	v7 =	vld [tilespmem:s21+$0x30];
	v5 =	vand.u32 $0x7FFFFFFF, v5;
	v6 =	vmul.f32 $3.333333430e-01, v6  }
0xf3: {  	v0 =	vadd.f32 v0, v1;
	v1 =	vadd.f32 v5, v2;
	v5 =	vld [tilespmem:s22+$0x30]  }
0xf4: {  	v11 =	vld [tilespmem:s23+$0x30];
	v59 =	vsub.f32 v58, v9;
	v2 =	vand.u32 $0x7FFFFFFF, v3;
	v3 =	vsub.f32 v57, v9;
	[tilespmem:s25+$0x60] =	vst v6  }
0xf5: {  	v60 =	vsub.f32 v56, v54;
	v0 =	vmul.f32 $3.333333430e-01, v0;
	v1 =	vadd.f32 v2, v1;
	v2 =	vld [tilespmem:s30+$0x70]  }
0xf6: {  	v3 =	vand.u32 $0x7FFFFFFF, v3;
	v6 =	vsub.f32 v8, v9;
	v8 =	vand.u32 $0x7FFFFFFF, v59;
	v9 =	vld [tilespmem:s28+$0x70]  }
0xf7: {  	v61 =	vld [tilespmem:s17+$0x70];
	v3 =	vadd.f32 v8, v3;
	v7 =	vsub.f32 v7, v10;
	v1 =	vmul.f32 $3.333333430e-01, v1  }
0xf8: {  	v62 =	vld [tilespmem:s7+$0xFFFFFFF0];
	v4 =	vsub.f32 v4, v54;
	v6 =	vand.u32 $0x7FFFFFFF, v6;
	v5 =	vsub.f32 v5, v10  }
0xf9: {  	v8 =	vadd.f32 v6, v3;
	v3 =	vld [tilespmem:s14+$0x70];
	v10 =	vsub.f32 v11, v10;
	v11 =	vand.u32 $0x7FFFFFFF, v7;
	[tilespmem:s20+$0xFFFFFFA0] =	vst v1  }
0xfa: {  	v1 =	vand.u32 $0x7FFFFFFF, v4;
	v4 =	vand.u32 $0x7FFFFFFF, v60;
	v6 =	vld [tilespmem:s18+$0xFFFFFFB0];
	v5 =	vand.u32 $0x7FFFFFFF, v5  }
0xfb: {  	v1 =	vadd.f32 v4, v1;
	v7 =	vld [tilespmem:s21+$0xFFFFFFB0];
	v63 =	vmul.f32 $3.333333430e-01, v8;
	v11 =	vadd.f32 v5, v11  }
0xfc: {  	s5 =	simm.s32 $0x700;
	s6 =	simm.s32 $0x4;
	[tilespmem:s24+$0x70] =	vst v0;
	v8 =	vld [tilespmem:s22+$0xFFFFFFB0];
	v0 =	vand.u32 $0x7FFFFFFF, v10;
	v4 =	vsub.f32 v61, v2;
	v5 =	vsub.f32 v9, v2  }
0xfd: {  	s7 =	simm.s32 $0x8000;
	s2 =	simm.s32 $0x5700;
	s4 =	simm.s32 $0x2F00;
	v9 =	vld [tilespmem:s23+$0xFFFFFFB0];
	[tilespmem:s25+$0xFFFFFFE0] =	vst v63;
	v10 =	vadd.f32 v0, v11;
	v0 =	vsub.f32 v62, v54  }
.LBB2_2:
0xfe: {  	v11 =	vld [tilespmem:s7+$0x0];
	s21 =	sadd.s32 $0x100, s21;
	v5 =	vand.u32 $0x7FFFFFFF, v5;
	v4 =	vand.u32 $0x7FFFFFFF, v4;
	v2 =	vsub.f32 v3, v2  }
0xff: {  	s22 =	sadd.s32 $0x100, s22;
	v3 =	vld [tilespmem:s21+$0x0];
	v10 =	vmul.f32 $3.333333430e-01, v10;
	v4 =	vadd.f32 v4, v5;
	v0 =	vand.u32 $0x7FFFFFFF, v0  }
0x100: {  	s23 =	sadd.s32 $0x100, s23;
	v5 =	vld [tilespmem:s22+$0x0];
	v7 =	vsub.f32 v7, v6;
	v2 =	vand.u32 $0x7FFFFFFF, v2;
	v0 =	vadd.f32 v0, v1  }
0x101: {  	v1 =	vld [tilespmem:s23+$0x0];
	v8 =	vsub.f32 v8, v6;
	[tilespmem:s20+$0x30] =	vst v10;
	v2 =	vadd.f32 v2, v4  }
0x102: {  	v4 =	vand.u32 $0x7FFFFFFF, v7;
	v6 =	vsub.f32 v9, v6;
	v7 =	vld [tilespmem:s18+$0x40];
	v0 =	vmul.f32 $3.333333430e-01, v0  }
0x103: {  	v8 =	vand.u32 $0x7FFFFFFF, v8;
	v9 =	vld [tilespmem:s5+$0x40];
	v2 =	vmul.f32 $3.333333430e-01, v2  }
0x104: {  	v4 =	vadd.f32 v8, v4;
	v6 =	vand.u32 $0x7FFFFFFF, v6;
	v8 =	vld [tilespmem:s4+$0x40];
	[tilespmem:s24+$0xFFFFFFF0] =	vst v0;
	s24 =	smov.u32 s25;
	s25 =	smov.u32 s20  }
0x105: {  	v0 =	vsub.f32 v3, v11;
	v10 =	vld [tilespmem:s21+$0xFFFFFF80];
	v3 =	vsub.f32 v5, v11;
	[tilespmem:s24+$0x70] =	vst v2  }
0x106: {  	v2 =	vadd.f32 v6, v4;
	v4 =	vld [tilespmem:s2+$0x40]  }
0x107: {  	v0 =	vand.u32 $0x7FFFFFFF, v0;
	v1 =	vsub.f32 v1, v11;
	v5 =	vld [tilespmem:s22+$0xFFFFFF80];
	v3 =	vand.u32 $0x7FFFFFFF, v3  }
0x108: {  	v6 =	vld [tilespmem:s7+$0xFFFFFF80];
	v0 =	vadd.f32 v3, v0;
	v2 =	vmul.f32 $3.333333430e-01, v2  }
0x109: {  	v1 =	vand.u32 $0x7FFFFFFF, v1;
	v9 =	vsub.f32 v9, v7;
	v3 =	vld [tilespmem:s23+$0xFFFFFF80];
	v8 =	vsub.f32 v8, v7  }
0x10a: {  	v1 =	vadd.f32 v1, v0;
	[tilespmem:s20+$0xFFFFFFB0] =	vst v2;
	v0 =	vld [tilespmem:s30+$0xFFFFFFF0];
	s30 =	smov.u32 s18;
	s18 =	smov.u32 s7  }
0x10b: {  	v9 =	vand.u32 $0x7FFFFFFF, v9;
	v2 =	vld [tilespmem:s30+$0xFFFFFFC0];
	v8 =	vand.u32 $0x7FFFFFFF, v8;
	v4 =	vsub.f32 v4, v7  }
0x10c: {  	v1 =	vmul.f32 $3.333333430e-01, v1;
	v7 =	vld [tilespmem:s5+$0xFFFFFFC0];
	v8 =	vadd.f32 v8, v9  }
0x10d: {  	s20 =	sadd.s32 $0x100, s20;
	v9 =	vsub.f32 v10, v6;
	v5 =	vsub.f32 v5, v6;
	v10 =	vld [tilespmem:s4+$0xFFFFFFC0];
	v4 =	vand.u32 $0x7FFFFFFF, v4  }
0x10e: {  	s6 =	sadd.s32 $0x2, s6;
	v3 =	vsub.f32 v3, v6;
	[tilespmem:s20+$0x0] =	vst v1;
	v1 =	vld [tilespmem:s2+$0xFFFFFFC0];
	v4 =	vadd.f32 v4, v8  }
0x10f: {  	p1 =	slt.u32 s6, $0x4E;
	v6 =	vand.u32 $0x7FFFFFFF, v9;
	v5 =	vand.u32 $0x7FFFFFFF, v5;
	v8 =	vld [tilespmem:s7+$0x10]  }
0x110: {  	v5 =	vadd.f32 v5, v6;
	v3 =	vand.u32 $0x7FFFFFFF, v3;
	v6 =	vld [tilespmem:s21+$0x10];
	v4 =	vmul.f32 $3.333333430e-01, v4  }
0x111: {  	v9 =	vld [tilespmem:s22+$0x10];
	v7 =	vsub.f32 v7, v2  }
0x112: {  	v3 =	vadd.f32 v3, v5;
	v5 =	vld [tilespmem:s23+$0x10];
	v10 =	vsub.f32 v10, v2;
	[tilespmem:s25+$0x40] =	vst v4  }
0x113: {  	v4 =	vand.u32 $0x7FFFFFFF, v7;
	v1 =	vsub.f32 v1, v2;
	v2 =	vld [tilespmem:s30+$0x50]  }
0x114: {  	v3 =	vmul.f32 $3.333333430e-01, v3;
	v7 =	vand.u32 $0x7FFFFFFF, v10;
	v10 =	vld [tilespmem:s5+$0x50]  }
0x115: {  	v4 =	vadd.f32 v7, v4;
	v1 =	vand.u32 $0x7FFFFFFF, v1;
	v7 =	vld [tilespmem:s4+$0x50]  }
0x116: {  	[tilespmem:s20+$0xFFFFFF80] =	vst v3;
	v3 =	vsub.f32 v6, v8;
	v6 =	vsub.f32 v9, v8;
	v9 =	vld [tilespmem:s28+$0xFFFFFFF0];
	s28 =	smov.u32 s5;
	s5 =	smov.u32 s21  }
0x117: {  	v1 =	vadd.f32 v1, v4;
	v4 =	vld [tilespmem:s2+$0x50]  }
0x118: {  	v5 =	vsub.f32 v5, v8;
	v11 =	vld [tilespmem:s7+$0xFFFFFF90];
	v3 =	vand.u32 $0x7FFFFFFF, v3;
	v6 =	vand.u32 $0x7FFFFFFF, v6  }
0x119: {  	v8 =	vld [tilespmem:s21+$0xFFFFFF90];
	v3 =	vadd.f32 v6, v3;
	v1 =	vmul.f32 $3.333333430e-01, v1  }
0x11a: {  	v5 =	vand.u32 $0x7FFFFFFF, v5;
	v10 =	vsub.f32 v10, v2;
	v6 =	vld [tilespmem:s22+$0xFFFFFF90];
	v7 =	vsub.f32 v7, v2  }
0x11b: {  	v12 =	vld [tilespmem:s23+$0xFFFFFF90];
	v3 =	vadd.f32 v5, v3;
	[tilespmem:s25+$0xFFFFFFC0] =	vst v1;
	v1 =	vsub.f32 v9, v0  }
0x11c: {  	v9 =	vand.u32 $0x7FFFFFFF, v10;
	v5 =	vld [tilespmem:s30+$0xFFFFFFD0];
	v7 =	vand.u32 $0x7FFFFFFF, v7;
	v2 =	vsub.f32 v4, v2  }
0x11d: {  	v3 =	vmul.f32 $3.333333430e-01, v3;
	v4 =	vld [tilespmem:s28+$0xFFFFFFD0];
	v7 =	vadd.f32 v7, v9;
	v1 =	vand.u32 $0x7FFFFFFF, v1  }
0x11e: {  	v8 =	vsub.f32 v8, v11;
	v9 =	vld [tilespmem:s4+$0xFFFFFFD0];
	v2 =	vand.u32 $0x7FFFFFFF, v2  }
0x11f: {  	v6 =	vsub.f32 v6, v11;
	[tilespmem:s20+$0x10] =	vst v3;
	v3 =	vld [tilespmem:s2+$0xFFFFFFD0];
	v2 =	vadd.f32 v2, v7  }
0x120: {  	v7 =	vand.u32 $0x7FFFFFFF, v8;
	v8 =	vsub.f32 v12, v11;
	v10 =	vld [tilespmem:s7+$0x20]  }
0x121: {  	v6 =	vand.u32 $0x7FFFFFFF, v6;
	v11 =	vld [tilespmem:s21+$0x20];
	v2 =	vmul.f32 $3.333333430e-01, v2  }
0x122: {  	v6 =	vadd.f32 v6, v7;
	v7 =	vand.u32 $0x7FFFFFFF, v8;
	v8 =	vld [tilespmem:s22+$0x20];
	v4 =	vsub.f32 v4, v5  }
0x123: {  	v12 =	vld [tilespmem:s23+$0x20];
	v9 =	vsub.f32 v9, v5;
	[tilespmem:s25+$0x50] =	vst v2  }
0x124: {  	v2 =	vadd.f32 v7, v6;
	v4 =	vand.u32 $0x7FFFFFFF, v4;
	v3 =	vsub.f32 v3, v5;
	v5 =	vld [tilespmem:s30+$0x60]  }
0x125: {  	v6 =	vand.u32 $0x7FFFFFFF, v9;
	v7 =	vld [tilespmem:s28+$0x60]  }
0x126: {  	v2 =	vmul.f32 $3.333333430e-01, v2;
	v4 =	vadd.f32 v6, v4;
	v3 =	vand.u32 $0x7FFFFFFF, v3;
	v6 =	vld [tilespmem:s4+$0x60]  }
0x127: {  	v9 =	vsub.f32 v11, v10;
	v8 =	vsub.f32 v8, v10;
	v11 =	vld [tilespmem:s17+$0xFFFFFFF0];
	s17 =	smov.u32 s4;
	s4 =	smov.u32 s22  }
0x128: {  	[tilespmem:s20+$0xFFFFFF90] =	vst v2;
	v2 =	vadd.f32 v3, v4;
	v3 =	vld [tilespmem:s2+$0x60]  }
0x129: {  	v9 =	vand.u32 $0x7FFFFFFF, v9;
	v10 =	vsub.f32 v12, v10;
	v4 =	vld [tilespmem:s7+$0xFFFFFFA0];
	v8 =	vand.u32 $0x7FFFFFFF, v8  }
0x12a: {  	v12 =	vld [tilespmem:s21+$0xFFFFFFA0];
	v8 =	vadd.f32 v8, v9;
	v2 =	vmul.f32 $3.333333430e-01, v2  }
0x12b: {  	v10 =	vand.u32 $0x7FFFFFFF, v10;
	v7 =	vsub.f32 v7, v5;
	v9 =	vld [tilespmem:s22+$0xFFFFFFA0];
	v6 =	vsub.f32 v6, v5  }
0x12c: {  	v13 =	vld [tilespmem:s23+$0xFFFFFFA0];
	v8 =	vadd.f32 v10, v8;
	[tilespmem:s25+$0xFFFFFFD0] =	vst v2;
	v2 =	vsub.f32 v11, v0  }
0x12d: {  	v7 =	vand.u32 $0x7FFFFFFF, v7;
	v10 =	vld [tilespmem:s30+$0xFFFFFFE0];
	v6 =	vand.u32 $0x7FFFFFFF, v6;
	v3 =	vsub.f32 v3, v5  }
0x12e: {  	v5 =	vmul.f32 $3.333333430e-01, v8;
	v8 =	vld [tilespmem:s28+$0xFFFFFFE0];
	v6 =	vadd.f32 v6, v7;
	v2 =	vand.u32 $0x7FFFFFFF, v2  }
0x12f: {  	v7 =	vsub.f32 v12, v4;
	v11 =	vld [tilespmem:s17+$0xFFFFFFE0];
	v3 =	vand.u32 $0x7FFFFFFF, v3;
	v1 =	vadd.f32 v2, v1  }
0x130: {  	v2 =	vsub.f32 v9, v4;
	[tilespmem:s20+$0x20] =	vst v5;
	v5 =	vld [tilespmem:s2+$0xFFFFFFE0];
	v3 =	vadd.f32 v3, v6  }
0x131: {  	v6 =	vand.u32 $0x7FFFFFFF, v7;
	v4 =	vsub.f32 v13, v4;
	v7 =	vld [tilespmem:s7+$0x30]  }
0x132: {  	v2 =	vand.u32 $0x7FFFFFFF, v2;
	v9 =	vld [tilespmem:s21+$0x30];
	v3 =	vmul.f32 $3.333333430e-01, v3  }
0x133: {  	v2 =	vadd.f32 v2, v6;
	v4 =	vand.u32 $0x7FFFFFFF, v4;
	v6 =	vld [tilespmem:s22+$0x30];
	v8 =	vsub.f32 v8, v10  }
0x134: {  	v12 =	vld [tilespmem:s23+$0x30];
	v11 =	vsub.f32 v11, v10;
	[tilespmem:s25+$0x60] =	vst v3  }
0x135: {  	v3 =	vadd.f32 v4, v2;
	v4 =	vand.u32 $0x7FFFFFFF, v8;
	v5 =	vsub.f32 v5, v10;
	v2 =	vld [tilespmem:s30+$0x70]  }
0x136: {  	v8 =	vand.u32 $0x7FFFFFFF, v11;
	v10 =	vld [tilespmem:s28+$0x70]  }
0x137: {  	v3 =	vmul.f32 $3.333333430e-01, v3;
	v4 =	vadd.f32 v8, v4;
	v5 =	vand.u32 $0x7FFFFFFF, v5;
	v11 =	vld [tilespmem:s17+$0x70]  }
0x138: {  	v8 =	vsub.f32 v9, v7;
	v9 =	vsub.f32 v6, v7;
	v13 =	vld [tilespmem:s14+$0xFFFFFFF0];
	s14 =	smov.u32 s2;
	s2 =	smov.u32 s23  }
.Ltmp2:
0x139: {  	[tilespmem:s20+$0xFFFFFFA0] =	vst v3;
	v4 =	vadd.f32 v5, v4;
	v3 =	vld [tilespmem:s14+$0x70];
	(pc) =	sbr.rel @p1 .LBB2_2-.Ltmp2, $4  }
0x13a: {  	v5 =	vand.u32 $0x7FFFFFFF, v8;
	v6 =	vld [tilespmem:s7+$0xFFFFFFB0];
	v8 =	vand.u32 $0x7FFFFFFF, v9;
	v9 =	vsub.f32 v12, v7  }
0x13b: {  	v7 =	vld [tilespmem:s21+$0xFFFFFFB0];
	v12 =	vadd.f32 v8, v5;
	v14 =	vmul.f32 $3.333333430e-01, v4  }
0x13c: {  	v5 =	vsub.f32 v10, v2;
	v8 =	vld [tilespmem:s22+$0xFFFFFFB0];
	v15 =	vand.u32 $0x7FFFFFFF, v9;
	v4 =	vsub.f32 v11, v2  }
0x13d: {  	s7 =	sadd.s32 $0x100, s7;
	v9 =	vld [tilespmem:s23+$0xFFFFFFB0];
	v10 =	vadd.f32 v15, v12;
	[tilespmem:s25+$0xFFFFFFE0] =	vst v14;
	v0 =	vsub.f32 v13, v0  }
0x13e: {  	_ =	sdelay $0x2  }
0x13f: {  	v7 =	vsub.f32 v7, v6;
	v8 =	vsub.f32 v8, v6;
	_ =	sdelay $0x1  }
0x140: {  	v7 =	vand.u32 $0x7FFFFFFF, v7;
	v6 =	vsub.f32 v9, v6;
	v8 =	vand.u32 $0x7FFFFFFF, v8  }
0x141: {  	v9 =	vmul.f32 $3.333333430e-01, v10;
	v7 =	vadd.f32 v8, v7  }
0x142: {  	v6 =	vand.u32 $0x7FFFFFFF, v6  }
0x143: {  	[tilespmem:s20+$0x30] =	vst v9;
	v6 =	vadd.f32 v6, v7  }
0x144: {  	v8 =	vld [tilespmem:s5+$0x40]  }
0x145: {  	v9 =	vld [tilespmem:s4+$0x40];
	v6 =	vmul.f32 $3.333333430e-01, v6  }
0x146: {  	v7 =	vld [tilespmem:s18+$0x40]  }
0x147: {  	v10 =	vld [tilespmem:s2+$0x40];
	[tilespmem:s20+$0xFFFFFFB0] =	vst v6  }
0x148: {  	v6 =	vld [tilespmem:s18+$0xFFFFFFC0]  }
0x149: {  	v11 =	vld [tilespmem:s5+$0xFFFFFFC0]  }
0x14a: {  	v12 =	vld [tilespmem:s4+$0xFFFFFFC0]  }
0x14b: {  	v8 =	vsub.f32 v8, v7;
	v9 =	vsub.f32 v9, v7  }
0x14c: {  	v13 =	vld [tilespmem:s2+$0xFFFFFFC0]  }
0x14d: {  	v7 =	vsub.f32 v10, v7;
	v8 =	vand.u32 $0x7FFFFFFF, v8;
	v9 =	vand.u32 $0x7FFFFFFF, v9  }
0x14e: {  	v8 =	vadd.f32 v9, v8  }
0x14f: {  	v7 =	vand.u32 $0x7FFFFFFF, v7;
	v9 =	vsub.f32 v11, v6;
	v10 =	vsub.f32 v12, v6  }
0x150: {  	v7 =	vadd.f32 v7, v8  }
0x151: {  	v6 =	vsub.f32 v13, v6;
	v8 =	vand.u32 $0x7FFFFFFF, v9;
	v9 =	vand.u32 $0x7FFFFFFF, v10  }
0x152: {  	v7 =	vmul.f32 $3.333333430e-01, v7;
	v8 =	vadd.f32 v9, v8  }
0x153: {  	v6 =	vand.u32 $0x7FFFFFFF, v6  }
0x154: {  	[tilespmem:s20+$0x40] =	vst v7;
	v6 =	vadd.f32 v6, v8  }
0x155: {  	v7 =	vld [tilespmem:s18+$0x50]  }
0x156: {  	v8 =	vld [tilespmem:s5+$0x50];
	v6 =	vmul.f32 $3.333333430e-01, v6  }
0x157: {  	v9 =	vld [tilespmem:s4+$0x50]  }
0x158: {  	v10 =	vld [tilespmem:s2+$0x50];
	[tilespmem:s20+$0xFFFFFFC0] =	vst v6  }
0x159: {  	v6 =	vld [tilespmem:s18+$0xFFFFFFD0]  }
0x15a: {  	v11 =	vld [tilespmem:s5+$0xFFFFFFD0]  }
0x15b: {  	v31 =	vld [tilespmem:s4+$0xFFFFFFD0]  }
0x15c: {  	v8 =	vsub.f32 v8, v7;
	v9 =	vsub.f32 v9, v7  }
0x15d: {  	v32 =	vld [tilespmem:s2+$0xFFFFFFD0]  }
0x15e: {  	v7 =	vsub.f32 v10, v7;
	v8 =	vand.u32 $0x7FFFFFFF, v8;
	v9 =	vand.u32 $0x7FFFFFFF, v9  }
0x15f: {  	v8 =	vadd.f32 v9, v8  }
0x160: {  	v7 =	vand.u32 $0x7FFFFFFF, v7;
	v9 =	vsub.f32 v11, v6;
	v10 =	vsub.f32 v31, v6  }
0x161: {  	v7 =	vadd.f32 v7, v8  }
0x162: {  	v6 =	vsub.f32 v32, v6;
	v8 =	vand.u32 $0x7FFFFFFF, v9;
	v9 =	vand.u32 $0x7FFFFFFF, v10  }
0x163: {  	v7 =	vmul.f32 $3.333333430e-01, v7;
	v8 =	vadd.f32 v9, v8  }
0x164: {  	v6 =	vand.u32 $0x7FFFFFFF, v6  }
0x165: {  	[tilespmem:s20+$0x50] =	vst v7;
	v6 =	vadd.f32 v6, v8  }
0x166: {  	v7 =	vld [tilespmem:s18+$0x60]  }
0x167: {  	v8 =	vld [tilespmem:s5+$0x60];
	v6 =	vmul.f32 $3.333333430e-01, v6  }
0x168: {  	v9 =	vld [tilespmem:s4+$0x60]  }
0x169: {  	v10 =	vld [tilespmem:s2+$0x60];
	[tilespmem:s20+$0xFFFFFFD0] =	vst v6  }
0x16a: {  	v6 =	vld [tilespmem:s18+$0xFFFFFFE0]  }
0x16b: {  	v11 =	vld [tilespmem:s5+$0xFFFFFFE0]  }
0x16c: {  	v33 =	vld [tilespmem:s4+$0xFFFFFFE0]  }
0x16d: {  	v8 =	vsub.f32 v8, v7;
	v9 =	vsub.f32 v9, v7  }
0x16e: {  	v34 =	vld [tilespmem:s2+$0xFFFFFFE0]  }
0x16f: {  	v7 =	vsub.f32 v10, v7;
	v8 =	vand.u32 $0x7FFFFFFF, v8;
	v9 =	vand.u32 $0x7FFFFFFF, v9  }
0x170: {  	v8 =	vadd.f32 v9, v8  }
0x171: {  	v7 =	vand.u32 $0x7FFFFFFF, v7;
	v9 =	vsub.f32 v11, v6;
	v10 =	vsub.f32 v33, v6  }
0x172: {  	v7 =	vadd.f32 v7, v8  }
0x173: {  	v6 =	vsub.f32 v34, v6;
	v8 =	vand.u32 $0x7FFFFFFF, v9;
	v9 =	vand.u32 $0x7FFFFFFF, v10  }
0x174: {  	v36 =	vld [tilespmem:s14+$0xFFFFFFF0];
	v8 =	vadd.f32 v9, v8  }
0x175: {  	v11 =	vld [tilespmem:s17+$0xFFFFFFF0];
	v7 =	vmul.f32 $3.333333430e-01, v7;
	v6 =	vand.u32 $0x7FFFFFFF, v6  }
0x176: {  	v10 =	vld [tilespmem:s30+$0xFFFFFFF0];
	v6 =	vadd.f32 v6, v8  }
0x177: {  	v9 =	vld [tilespmem:s28+$0xFFFFFFF0];
	[tilespmem:s20+$0x60] =	vst v7  }
0x178: {  	v7 =	vld [tilespmem:s18+$0x70];
	v6 =	vmul.f32 $3.333333430e-01, v6  }
0x179: {  	v8 =	vld [tilespmem:s5+$0x70]  }
0x17a: {  	v35 =	vld [tilespmem:s4+$0x70];
	[tilespmem:s20+$0xFFFFFFE0] =	vst v6  }
0x17b: {  	v5 =	vand.u32 $0x7FFFFFFF, v5;
	v6 =	vld [tilespmem:s18+$0xFFFFFFF0]  }
0x17c: {  	v4 =	vand.u32 $0x7FFFFFFF, v4;
	v2 =	vsub.f32 v3, v2;
	v0 =	vand.u32 $0x7FFFFFFF, v0;
	v3 =	vld [tilespmem:s5+$0xFFFFFFF0]  }
0x17d: {  	v4 =	vadd.f32 v4, v5;
	v0 =	vadd.f32 v0, v1;
	v1 =	vld [tilespmem:s4+$0xFFFFFFF0]  }
0x17e: {  	v2 =	vand.u32 $0x7FFFFFFF, v2;
	v5 =	vsub.f32 v9, v10;
	v9 =	vsub.f32 v11, v10;
	v11 =	vld [tilespmem:s2+$0x70]  }
0x17f: {  	v2 =	vadd.f32 v2, v4;
	v0 =	vmul.f32 $3.333333430e-01, v0;
	v4 =	vsub.f32 v8, v7;
	v8 =	vld [tilespmem:s2+$0xFFFFFFF0]  }
0x180: {  	v5 =	vand.u32 $0x7FFFFFFF, v5;
	v9 =	vand.u32 $0x7FFFFFFF, v9;
	v12 =	vsub.f32 v35, v7  }
0x181: {  	v5 =	vadd.f32 v9, v5;
	v9 =	vsub.f32 v36, v10;
	v4 =	vand.u32 $0x7FFFFFFF, v4  }
0x182: {  	v10 =	vand.u32 $0x7FFFFFFF, v12;
	v3 =	vsub.f32 v3, v6;
	v1 =	vsub.f32 v1, v6  }
0x183: {  	v7 =	vsub.f32 v11, v7;
	v4 =	vadd.f32 v10, v4;
	v9 =	vand.u32 $0x7FFFFFFF, v9  }
0x184: {  	v6 =	vsub.f32 v8, v6;
	v3 =	vand.u32 $0x7FFFFFFF, v3;
	v1 =	vand.u32 $0x7FFFFFFF, v1  }
0x185: {  	v5 =	vadd.f32 v9, v5;
	v7 =	vand.u32 $0x7FFFFFFF, v7;
	v1 =	vadd.f32 v1, v3  }
0x186: {  	v2 =	vmul.f32 $3.333333430e-01, v2;
	v3 =	vadd.f32 v7, v4;
	v4 =	vand.u32 $0x7FFFFFFF, v6  }
0x187: {  	[tilespmem:s24+$0xFFFFFFF0] =	vst v0;
	v0 =	vmul.f32 $3.333333430e-01, v5;
	v1 =	vadd.f32 v4, v1  }
0x188: {  	[tilespmem:s25+$0x70] =	vst v2;
	v2 =	vmul.f32 $3.333333430e-01, v3  }
0x189: {  	[tilespmem:s25+$0xFFFFFFF0] =	vst v0;
	v0 =	vmul.f32 $3.333333430e-01, v1  }
0x18a: {  	[tilespmem:s20+$0x70] =	vst v2  }
0x18b: {  	s17 =	simm.s32 $0xA480;
	[tilespmem:s20+$0xFFFFFFF0] =	vst v0  }
0x18c: {  	[hbm4b:s9+s3] =	stream.linear.scatter [tilespmem:s17], [sflag:$0x3], $0x2800, $0x38;
	[tilespmem:$0x19480] =	vst v63  }
0x18d: {  	s18 =	simm.s32 $0x480;
	s20 =	simm.s32 $0xA0  }
0x18e: {  	[tilespmem:s18], [sflag:$0x1] =	stream.indirect.gather [hbm4b:s1+s19], $0x80, s20, s19, $0xb8;
	[tilespmem:$0x19480] =	vst v63  }
0x18f: {  	s21 =	simm.s32 $0x2C80;
	s22 =	simm.s32 $0x220  }
0x190: {  	[tilespmem:s21], [sflag:$0x1] =	stream.indirect.gather [hbm4b:s1+s19], $0x80, s22, s19, $0xb8;
	[tilespmem:$0x19480] =	vst v63  }
0x191: {  	s23 =	simm.s32 $0x5480;
	s24 =	simm.s32 $0x3A0  }
0x192: {  	[tilespmem:s23], [sflag:$0x1] =	stream.indirect.gather [hbm4b:s1+s19], $0x80, s24, s19, $0xb8;
	[tilespmem:$0x19480] =	vst v63  }
0x193: {  	s25 =	simm.s32 $0x7C80  }
0x194: {  	[tilespmem:s25], [sflag:$0x1] =	stream.linear.gather [hbm4b:s10+s3], $0x2800, $0x38;
	[tilespmem:$0x19480] =	vst v63  }
0x195: {  	_ =	swait.ge [sflag:s26], $0x2800  }
0x196: {  	[sflag:s26] =	ssyncset.done $0x0  }
0x197: {  	[sflag:s26] =	ssyncadd.s32 $0xFFFFD800  }
0x198: {  	_ =	swait.ge [sflag:s26], $0x2800  }
0x199: {  	[sflag:s26] =	ssyncset.done $0x0  }
0x19a: {  	[sflag:s26] =	ssyncadd.s32 $0xFFFFD800  }
0x19b: {  	_ =	swait.ge [sflag:s26], $0x2800  }
0x19c: {  	[sflag:s26] =	ssyncset.done $0x0  }
0x19d: {  	[sflag:s26] =	ssyncadd.s32 $0xFFFFD800  }
0x19e: {  	_ =	swait.ge [sflag:s26], $0x2800  }
0x19f: {  	[sflag:s26] =	ssyncset.done $0x0  }
0x1a0: {  	s6 =	simm.s32 $0x14500;
	[sflag:s26] =	ssyncadd.s32 $0xFFFFD800  }
0x1a1: {  	s4 =	simm.s32 $0xCD00;
	v0 =	vld [tilespmem:s6+$0x0]  }
0x1a2: {  	s2 =	simm.s32 $0xF500;
	v1 =	vld [tilespmem:s4+$0x0]  }
0x1a3: {  	v2 =	vld [tilespmem:s2+$0x0]  }
0x1a4: {  	s7 =	simm.s32 $0x11D00  }
0x1a5: {  	v3 =	vld [tilespmem:s7+$0x0];
	_ =	sdelay $0x2  }
0x1a6: {  	v1 =	vsub.f32 v1, v0;
	v2 =	vsub.f32 v2, v0;
	_ =	sdelay $0x1  }
0x1a7: {  	v4 =	vld [tilespmem:s4+$0xFFFFFF80];
	v0 =	vsub.f32 v3, v0;
	v1 =	vand.u32 $0x7FFFFFFF, v1;
	v2 =	vand.u32 $0x7FFFFFFF, v2  }
0x1a8: {  	v3 =	vld [tilespmem:s2+$0xFFFFFF80];
	v1 =	vadd.f32 v2, v1  }
0x1a9: {  	v0 =	vand.u32 $0x7FFFFFFF, v0;
	v2 =	vld [tilespmem:s6+$0xFFFFFF80]  }
0x1aa: {  	v0 =	vadd.f32 v0, v1  }
0x1ab: {  	v1 =	vld [tilespmem:s7+$0xFFFFFF80]  }
0x1ac: {  	v0 =	vmul.f32 $3.333333430e-01, v0  }
0x1ad: {  	s24 =	simm.s32 $0x16D00  }
0x1ae: {  	v4 =	vsub.f32 v4, v2;
	v3 =	vsub.f32 v3, v2;
	[tilespmem:s24+$0x0] =	vst v0  }
0x1af: {  	v0 =	vld [tilespmem:s6+$0x10]  }
0x1b0: {  	v1 =	vsub.f32 v1, v2;
	v2 =	vand.u32 $0x7FFFFFFF, v4;
	v3 =	vand.u32 $0x7FFFFFFF, v3;
	v4 =	vld [tilespmem:s4+$0x10]  }
0x1b1: {  	v2 =	vadd.f32 v3, v2;
	v3 =	vld [tilespmem:s2+$0x10]  }
0x1b2: {  	v1 =	vand.u32 $0x7FFFFFFF, v1  }
0x1b3: {  	v1 =	vadd.f32 v1, v2;
	v2 =	vld [tilespmem:s7+$0x10];
	_ =	sdelay $0x1  }
0x1b4: {  	v1 =	vmul.f32 $3.333333430e-01, v1  }
0x1b5: {  	v4 =	vsub.f32 v4, v0;
	v3 =	vsub.f32 v3, v0  }
0x1b6: {  	[tilespmem:s24+$0xFFFFFF80] =	vst v1  }
0x1b7: {  	v4 =	vand.u32 $0x7FFFFFFF, v4;
	v1 =	vld [tilespmem:s6+$0xFFFFFF90];
	v3 =	vand.u32 $0x7FFFFFFF, v3;
	v0 =	vsub.f32 v2, v0  }
0x1b8: {  	v2 =	vld [tilespmem:s4+$0xFFFFFF90];
	v3 =	vadd.f32 v3, v4  }
0x1b9: {  	v4 =	vld [tilespmem:s2+$0xFFFFFF90];
	v0 =	vand.u32 $0x7FFFFFFF, v0  }
0x1ba: {  	v0 =	vadd.f32 v0, v3  }
0x1bb: {  	v3 =	vld [tilespmem:s7+$0xFFFFFF90]  }
0x1bc: {  	v0 =	vmul.f32 $3.333333430e-01, v0;
	_ =	sdelay $0x1  }
0x1bd: {  	v2 =	vsub.f32 v2, v1;
	v4 =	vsub.f32 v4, v1;
	[tilespmem:s24+$0x10] =	vst v0  }
0x1be: {  	v0 =	vld [tilespmem:s6+$0x20]  }
0x1bf: {  	v2 =	vand.u32 $0x7FFFFFFF, v2;
	v1 =	vsub.f32 v3, v1;
	v3 =	vand.u32 $0x7FFFFFFF, v4;
	v4 =	vld [tilespmem:s4+$0x20]  }
0x1c0: {  	v2 =	vadd.f32 v3, v2;
	v3 =	vld [tilespmem:s2+$0x20]  }
0x1c1: {  	v1 =	vand.u32 $0x7FFFFFFF, v1  }
0x1c2: {  	v5 =	vld [tilespmem:s7+$0x20];
	v1 =	vadd.f32 v1, v2;
	_ =	sdelay $0x1  }
0x1c3: {  	v1 =	vmul.f32 $3.333333430e-01, v1  }
0x1c4: {  	v2 =	vsub.f32 v4, v0;
	v3 =	vsub.f32 v3, v0  }
0x1c5: {  	[tilespmem:s24+$0xFFFFFF90] =	vst v1  }
0x1c6: {  	v0 =	vsub.f32 v5, v0;
	v2 =	vand.u32 $0x7FFFFFFF, v2;
	v1 =	vld [tilespmem:s6+$0xFFFFFFA0];
	v3 =	vand.u32 $0x7FFFFFFF, v3  }
0x1c7: {  	v4 =	vld [tilespmem:s4+$0xFFFFFFA0];
	v2 =	vadd.f32 v3, v2  }
0x1c8: {  	v0 =	vand.u32 $0x7FFFFFFF, v0;
	v3 =	vld [tilespmem:s2+$0xFFFFFFA0]  }
0x1c9: {  	v0 =	vadd.f32 v0, v2  }
0x1ca: {  	v2 =	vld [tilespmem:s7+$0xFFFFFFA0]  }
0x1cb: {  	v0 =	vmul.f32 $3.333333430e-01, v0;
	_ =	sdelay $0x1  }
0x1cc: {  	v4 =	vsub.f32 v4, v1;
	v3 =	vsub.f32 v3, v1;
	[tilespmem:s24+$0x20] =	vst v0  }
0x1cd: {  	v0 =	vld [tilespmem:s6+$0x30]  }
0x1ce: {  	v4 =	vand.u32 $0x7FFFFFFF, v4;
	v1 =	vsub.f32 v2, v1;
	v2 =	vand.u32 $0x7FFFFFFF, v3;
	v3 =	vld [tilespmem:s4+$0x30]  }
0x1cf: {  	v2 =	vadd.f32 v2, v4;
	v4 =	vld [tilespmem:s2+$0x30]  }
0x1d0: {  	v1 =	vand.u32 $0x7FFFFFFF, v1  }
0x1d1: {  	v5 =	vld [tilespmem:s7+$0x30];
	v1 =	vadd.f32 v1, v2;
	_ =	sdelay $0x1  }
0x1d2: {  	v1 =	vmul.f32 $3.333333430e-01, v1  }
0x1d3: {  	v2 =	vsub.f32 v3, v0;
	v3 =	vsub.f32 v4, v0  }
0x1d4: {  	[tilespmem:s24+$0xFFFFFFA0] =	vst v1  }
0x1d5: {  	v0 =	vsub.f32 v5, v0;
	v2 =	vand.u32 $0x7FFFFFFF, v2;
	v1 =	vld [tilespmem:s6+$0xFFFFFFB0];
	v3 =	vand.u32 $0x7FFFFFFF, v3  }
0x1d6: {  	v4 =	vld [tilespmem:s4+$0xFFFFFFB0];
	v2 =	vadd.f32 v3, v2  }
0x1d7: {  	s28 =	simm.s32 $0xCE00;
	v0 =	vand.u32 $0x7FFFFFFF, v0;
	v3 =	vld [tilespmem:s2+$0xFFFFFFB0]  }
0x1d8: {  	v6 =	vld [tilespmem:s28+$0x0];
	v0 =	vadd.f32 v0, v2  }
0x1d9: {  	s30 =	simm.s32 $0xF600;
	v5 =	vld [tilespmem:s7+$0xFFFFFFB0]  }
0x1da: {  	s17 =	simm.s32 $0x14600;
	v7 =	vld [tilespmem:s30+$0x0];
	v0 =	vmul.f32 $3.333333430e-01, v0  }
0x1db: {  	s14 =	simm.s32 $0x11E00;
	v2 =	vld [tilespmem:s17+$0x0]  }
0x1dc: {  	v8 =	vld [tilespmem:s14+$0x0];
	v4 =	vsub.f32 v4, v1;
	v3 =	vsub.f32 v3, v1;
	[tilespmem:s24+$0x30] =	vst v0  }
0x1dd: {  	v0 =	vld [tilespmem:s6+$0x40]  }
0x1de: {  	v1 =	vsub.f32 v5, v1;
	v4 =	vand.u32 $0x7FFFFFFF, v4;
	v3 =	vand.u32 $0x7FFFFFFF, v3;
	v5 =	vld [tilespmem:s4+$0x40]  }
0x1df: {  	v3 =	vadd.f32 v3, v4;
	v4 =	vld [tilespmem:s2+$0x40]  }
0x1e0: {  	v9 =	vld [tilespmem:s28+$0xFFFFFF80];
	v1 =	vand.u32 $0x7FFFFFFF, v1;
	v6 =	vsub.f32 v6, v2;
	v7 =	vsub.f32 v7, v2  }
0x1e1: {  	v1 =	vadd.f32 v1, v3;
	v3 =	vld [tilespmem:s7+$0x40]  }
0x1e2: {  	v10 =	vld [tilespmem:s30+$0xFFFFFF80];
	v2 =	vsub.f32 v8, v2;
	v6 =	vand.u32 $0x7FFFFFFF, v6;
	v7 =	vand.u32 $0x7FFFFFFF, v7  }
0x1e3: {  	v8 =	vld [tilespmem:s17+$0xFFFFFF80];
	v6 =	vadd.f32 v7, v6;
	v1 =	vmul.f32 $3.333333430e-01, v1  }
0x1e4: {  	v2 =	vand.u32 $0x7FFFFFFF, v2;
	v5 =	vsub.f32 v5, v0;
	v4 =	vsub.f32 v4, v0  }
0x1e5: {  	v7 =	vld [tilespmem:s14+$0xFFFFFF80];
	v2 =	vadd.f32 v2, v6;
	[tilespmem:s24+$0xFFFFFFB0] =	vst v1  }
0x1e6: {  	v5 =	vand.u32 $0x7FFFFFFF, v5;
	v1 =	vld [tilespmem:s6+$0xFFFFFFC0];
	v4 =	vand.u32 $0x7FFFFFFF, v4;
	v0 =	vsub.f32 v3, v0  }
0x1e7: {  	v2 =	vmul.f32 $3.333333430e-01, v2;
	v3 =	vld [tilespmem:s4+$0xFFFFFFC0];
	v4 =	vadd.f32 v4, v5  }
0x1e8: {  	s25 =	simm.s32 $0x16E00;
	v6 =	vsub.f32 v10, v8;
	v5 =	vsub.f32 v9, v8;
	v9 =	vld [tilespmem:s2+$0xFFFFFFC0];
	v0 =	vand.u32 $0x7FFFFFFF, v0  }
0x1e9: {  	[tilespmem:s25+$0x0] =	vst v2;
	v2 =	vld [tilespmem:s7+$0xFFFFFFC0];
	v0 =	vadd.f32 v0, v4  }
0x1ea: {  	v6 =	vand.u32 $0x7FFFFFFF, v6;
	v4 =	vsub.f32 v7, v8;
	v5 =	vand.u32 $0x7FFFFFFF, v5;
	v7 =	vld [tilespmem:s17+$0x10]  }
0x1eb: {  	v8 =	vld [tilespmem:s30+$0x10];
	v5 =	vadd.f32 v6, v5;
	v0 =	vmul.f32 $3.333333430e-01, v0  }
0x1ec: {  	v6 =	vld [tilespmem:s28+$0x10];
	v4 =	vand.u32 $0x7FFFFFFF, v4;
	v3 =	vsub.f32 v3, v1  }
0x1ed: {  	v4 =	vadd.f32 v4, v5;
	v5 =	vld [tilespmem:s14+$0x10];
	v9 =	vsub.f32 v9, v1;
	[tilespmem:s24+$0x40] =	vst v0  }
0x1ee: {  	v0 =	vand.u32 $0x7FFFFFFF, v3;
	v3 =	vld [tilespmem:s6+$0x50]  }
0x1ef: {  	v1 =	vsub.f32 v2, v1;
	v2 =	vmul.f32 $3.333333430e-01, v4;
	v4 =	vand.u32 $0x7FFFFFFF, v9;
	v9 =	vld [tilespmem:s4+$0x50]  }
0x1f0: {  	v0 =	vadd.f32 v4, v0;
	v4 =	vld [tilespmem:s2+$0x50]  }
0x1f1: {  	v1 =	vand.u32 $0x7FFFFFFF, v1;
	[tilespmem:s25+$0xFFFFFF80] =	vst v2;
	v2 =	vsub.f32 v6, v7;
	v6 =	vsub.f32 v8, v7;
	v8 =	vld [tilespmem:s7+$0x50]  }
0x1f2: {  	v0 =	vadd.f32 v1, v0;
	v1 =	vld [tilespmem:s17+$0xFFFFFF90]  }
0x1f3: {  	v5 =	vsub.f32 v5, v7;
	v7 =	vld [tilespmem:s28+$0xFFFFFF90];
	v2 =	vand.u32 $0x7FFFFFFF, v2;
	v6 =	vand.u32 $0x7FFFFFFF, v6  }
0x1f4: {  	v2 =	vadd.f32 v6, v2;
	v0 =	vmul.f32 $3.333333430e-01, v0;
	v6 =	vld [tilespmem:s30+$0xFFFFFF90]  }
0x1f5: {  	v5 =	vand.u32 $0x7FFFFFFF, v5;
	v9 =	vsub.f32 v9, v3;
	v4 =	vsub.f32 v4, v3  }
0x1f6: {  	v10 =	vld [tilespmem:s14+$0xFFFFFF90];
	v2 =	vadd.f32 v5, v2;
	[tilespmem:s24+$0xFFFFFFC0] =	vst v0  }
0x1f7: {  	v5 =	vand.u32 $0x7FFFFFFF, v9;
	v3 =	vsub.f32 v8, v3;
	v0 =	vld [tilespmem:s6+$0xFFFFFFD0];
	v4 =	vand.u32 $0x7FFFFFFF, v4  }
0x1f8: {  	v8 =	vld [tilespmem:s4+$0xFFFFFFD0];
	v2 =	vmul.f32 $3.333333430e-01, v2;
	v4 =	vadd.f32 v4, v5  }
0x1f9: {  	v5 =	vsub.f32 v7, v1;
	v7 =	vld [tilespmem:s2+$0xFFFFFFD0];
	v3 =	vand.u32 $0x7FFFFFFF, v3;
	v6 =	vsub.f32 v6, v1  }
0x1fa: {  	[tilespmem:s25+$0x10] =	vst v2;
	v2 =	vld [tilespmem:s7+$0xFFFFFFD0];
	v3 =	vadd.f32 v3, v4  }
0x1fb: {  	v1 =	vsub.f32 v10, v1;
	v4 =	vand.u32 $0x7FFFFFFF, v5;
	v5 =	vld [tilespmem:s17+$0x20];
	v6 =	vand.u32 $0x7FFFFFFF, v6  }
0x1fc: {  	v9 =	vld [tilespmem:s28+$0x20];
	v3 =	vmul.f32 $3.333333430e-01, v3;
	v4 =	vadd.f32 v6, v4  }
0x1fd: {  	v1 =	vand.u32 $0x7FFFFFFF, v1;
	v6 =	vld [tilespmem:s30+$0x20]  }
0x1fe: {  	v10 =	vld [tilespmem:s14+$0x20];
	[tilespmem:s24+$0x50] =	vst v3;
	v1 =	vadd.f32 v1, v4  }
0x1ff: {  	v7 =	vsub.f32 v7, v0;
	v4 =	vld [tilespmem:s6+$0x60]  }
0x200: {  	v3 =	vsub.f32 v8, v0;
	v8 =	vld [tilespmem:s4+$0x60];
	v1 =	vmul.f32 $3.333333430e-01, v1  }
0x201: {  	v0 =	vsub.f32 v2, v0;
	v2 =	vld [tilespmem:s2+$0x60];
	v7 =	vand.u32 $0x7FFFFFFF, v7  }
0x202: {  	v3 =	vand.u32 $0x7FFFFFFF, v3;
	v9 =	vsub.f32 v9, v5;
	v6 =	vsub.f32 v6, v5;
	[tilespmem:s25+$0xFFFFFF90] =	vst v1;
	v1 =	vld [tilespmem:s7+$0x60]  }
0x203: {  	v3 =	vadd.f32 v7, v3;
	v0 =	vand.u32 $0x7FFFFFFF, v0;
	v7 =	vld [tilespmem:s17+$0xFFFFFFA0]  }
0x204: {  	v5 =	vsub.f32 v10, v5;
	v9 =	vand.u32 $0x7FFFFFFF, v9;
	v6 =	vand.u32 $0x7FFFFFFF, v6;
	v10 =	vld [tilespmem:s28+$0xFFFFFFA0]  }
0x205: {  	v0 =	vadd.f32 v0, v3;
	v3 =	vadd.f32 v6, v9;
	v6 =	vld [tilespmem:s30+$0xFFFFFFA0]  }
0x206: {  	v5 =	vand.u32 $0x7FFFFFFF, v5  }
0x207: {  	v9 =	vld [tilespmem:s14+$0xFFFFFFA0];
	v2 =	vsub.f32 v2, v4;
	v3 =	vadd.f32 v5, v3  }
0x208: {  	v8 =	vsub.f32 v8, v4;
	v0 =	vmul.f32 $3.333333430e-01, v0  }
0x209: {  	s21 =	simm.s32 $0xCF00;
	v2 =	vand.u32 $0x7FFFFFFF, v2;
	v1 =	vsub.f32 v1, v4;
	v4 =	vmul.f32 $3.333333430e-01, v3  }
0x20a: {  	s22 =	simm.s32 $0xF700;
	v37 =	vld [tilespmem:s21+$0x0];
	[tilespmem:s24+$0xFFFFFFD0] =	vst v0;
	v0 =	vand.u32 $0x7FFFFFFF, v8;
	v5 =	vsub.f32 v10, v7;
	v6 =	vsub.f32 v6, v7  }
0x20b: {  	v14 =	vld [tilespmem:s22+$0x0];
	v0 =	vadd.f32 v2, v0;
	v1 =	vand.u32 $0x7FFFFFFF, v1;
	[tilespmem:s25+$0x20] =	vst v4  }
0x20c: {  	v2 =	vand.u32 $0x7FFFFFFF, v5;
	v4 =	vsub.f32 v9, v7;
	v5 =	vld [tilespmem:s17+$0x30];
	v6 =	vand.u32 $0x7FFFFFFF, v6  }
0x20d: {  	v0 =	vadd.f32 v1, v0;
	v7 =	vld [tilespmem:s28+$0x30];
	v1 =	vadd.f32 v6, v2  }
0x20e: {  	s23 =	simm.s32 $0x11F00;
	v2 =	vand.u32 $0x7FFFFFFF, v4;
	v4 =	vld [tilespmem:s30+$0x30]  }
0x20f: {  	v15 =	vld [tilespmem:s23+$0x0];
	v1 =	vadd.f32 v2, v1  }
0x210: {  	v2 =	vld [tilespmem:s14+$0x30]  }
0x211: {  	v16 =	vld [tilespmem:s21+$0xFFFFFF80];
	v10 =	vmul.f32 $3.333333430e-01, v1  }
0x212: {  	s18 =	simm.s32 $0x14700;
	v39 =	vld [tilespmem:s22+$0xFFFFFF80]  }
0x213: {  	v40 =	vld [tilespmem:s18+$0xFFFFFF80];
	v7 =	vsub.f32 v7, v5;
	v4 =	vsub.f32 v4, v5;
	[tilespmem:s25+$0xFFFFFFA0] =	vst v10  }
0x214: {  	v10 =	vld [tilespmem:s17+$0xFFFFFFB0]  }
0x215: {  	v7 =	vand.u32 $0x7FFFFFFF, v7;
	v4 =	vand.u32 $0x7FFFFFFF, v4;
	v2 =	vsub.f32 v2, v5;
	v5 =	vld [tilespmem:s28+$0xFFFFFFB0]  }
0x216: {  	v4 =	vadd.f32 v4, v7;
	v7 =	vld [tilespmem:s30+$0xFFFFFFB0]  }
0x217: {  	v17 =	vld [tilespmem:s23+$0xFFFFFF80];
	v2 =	vand.u32 $0x7FFFFFFF, v2  }
0x218: {  	v11 =	vld [tilespmem:s14+$0xFFFFFFB0];
	v2 =	vadd.f32 v2, v4  }
0x219: {  	v3 =	vld [tilespmem:s6+$0xFFFFFFE0]  }
0x21a: {  	v4 =	vld [tilespmem:s18+$0x0];
	v38 =	vmul.f32 $3.333333430e-01, v2  }
0x21b: {  	v8 =	vld [tilespmem:s4+$0xFFFFFFE0];
	v5 =	vsub.f32 v5, v10;
	v7 =	vsub.f32 v7, v10  }
0x21c: {  	v9 =	vld [tilespmem:s7+$0xFFFFFFE0];
	[tilespmem:s25+$0x30] =	vst v38  }
0x21d: {  	v10 =	vsub.f32 v11, v10;
	v5 =	vand.u32 $0x7FFFFFFF, v5;
	v11 =	vld [tilespmem:s17+$0x40];
	v7 =	vand.u32 $0x7FFFFFFF, v7  }
0x21e: {  	v0 =	vmul.f32 $3.333333430e-01, v0;
	v13 =	vld [tilespmem:s28+$0x40];
	v5 =	vadd.f32 v7, v5  }
0x21f: {  	v6 =	vld [tilespmem:s2+$0xFFFFFFE0];
	v12 =	vsub.f32 v37, v4;
	v14 =	vsub.f32 v14, v4;
	v7 =	vand.u32 $0x7FFFFFFF, v10  }
0x220: {  	v10 =	vld [tilespmem:s30+$0x40];
	v5 =	vadd.f32 v7, v5  }
0x221: {  	[tilespmem:s24+$0x60] =	vst v0;
	v4 =	vsub.f32 v15, v4;
	v12 =	vand.u32 $0x7FFFFFFF, v12;
	v14 =	vand.u32 $0x7FFFFFFF, v14;
	v7 =	vld [tilespmem:s14+$0x40]  }
0x222: {  	v0 =	vld [tilespmem:s6+$0x70];
	v15 =	vsub.f32 v39, v40;
	v12 =	vadd.f32 v14, v12;
	v5 =	vmul.f32 $3.333333430e-01, v5  }
0x223: {  	v46 =	vld [tilespmem:s7+$0x70];
	v4 =	vand.u32 $0x7FFFFFFF, v4;
	v13 =	vsub.f32 v13, v11  }
0x224: {  	v43 =	vsub.f32 v16, v40;
	v1 =	vld [tilespmem:s4+$0x70];
	v15 =	vand.u32 $0x7FFFFFFF, v15;
	v4 =	vadd.f32 v4, v12;
	[tilespmem:s25+$0xFFFFFFB0] =	vst v5  }
0x225: {  	v14 =	vsub.f32 v17, v40;
	v10 =	vsub.f32 v10, v11;
	v41 =	vand.u32 $0x7FFFFFFF, v13;
	v5 =	vld [tilespmem:s17+$0xFFFFFFC0]  }
0x226: {  	v4 =	vmul.f32 $3.333333430e-01, v4;
	v13 =	vand.u32 $0x7FFFFFFF, v43;
	v7 =	vsub.f32 v7, v11;
	v11 =	vld [tilespmem:s28+$0xFFFFFFC0]  }
0x227: {  	s20 =	simm.s32 $0x16F00;
	v10 =	vand.u32 $0x7FFFFFFF, v10;
	v42 =	vld [tilespmem:s30+$0xFFFFFFC0];
	v13 =	vadd.f32 v15, v13  }
0x228: {  	v14 =	vand.u32 $0x7FFFFFFF, v14;
	v10 =	vadd.f32 v10, v41;
	[tilespmem:s20+$0x0] =	vst v4;
	v4 =	vld [tilespmem:s14+$0xFFFFFFC0]  }
0x229: {  	v7 =	vand.u32 $0x7FFFFFFF, v7;
	v44 =	vld [tilespmem:s21+$0x10];
	v13 =	vadd.f32 v14, v13  }
0x22a: {  	v45 =	vld [tilespmem:s22+$0x10];
	v7 =	vadd.f32 v7, v10  }
0x22b: {  	v10 =	vld [tilespmem:s18+$0x10];
	v48 =	vmul.f32 $3.333333430e-01, v13  }
0x22c: {  	v2 =	vld [tilespmem:s2+$0x70];
	v7 =	vmul.f32 $3.333333430e-01, v7;
	v11 =	vsub.f32 v11, v5;
	v12 =	vsub.f32 v42, v5  }
0x22d: {  	v47 =	vld [tilespmem:s23+$0x10];
	[tilespmem:s20+$0xFFFFFF80] =	vst v48  }
0x22e: {  	v4 =	vsub.f32 v4, v5;
	[tilespmem:s25+$0x40] =	vst v7;
	v7 =	vand.u32 $0x7FFFFFFF, v11;
	v11 =	vand.u32 $0x7FFFFFFF, v12;
	v12 =	vld [tilespmem:s18+$0xFFFFFF90]  }
0x22f: {  	v8 =	vsub.f32 v8, v3;
	v5 =	vld [tilespmem:s17+$0x50];
	v7 =	vadd.f32 v11, v7  }
0x230: {  	v49 =	vld [tilespmem:s28+$0x50];
	v4 =	vand.u32 $0x7FFFFFFF, v4;
	v16 =	vsub.f32 v44, v10;
	v15 =	vsub.f32 v45, v10  }
0x231: {  	v6 =	vsub.f32 v6, v3;
	v11 =	vld [tilespmem:s30+$0x50];
	v4 =	vadd.f32 v4, v7  }
0x232: {  	v51 =	vld [tilespmem:s21+$0xFFFFFF90];
	v10 =	vsub.f32 v47, v10;
	v50 =	vand.u32 $0x7FFFFFFF, v16;
	v15 =	vand.u32 $0x7FFFFFFF, v15  }
0x233: {  	v8 =	vand.u32 $0x7FFFFFFF, v8;
	v7 =	vld [tilespmem:s14+$0x50];
	v14 =	vadd.f32 v15, v50;
	v4 =	vmul.f32 $3.333333430e-01, v4  }
0x234: {  	v3 =	vsub.f32 v9, v3;
	v6 =	vand.u32 $0x7FFFFFFF, v6;
	v9 =	vld [tilespmem:s22+$0xFFFFFF90];
	v10 =	vand.u32 $0x7FFFFFFF, v10  }
0x235: {  	v6 =	vadd.f32 v6, v8;
	v8 =	vadd.f32 v10, v14;
	v10 =	vld [tilespmem:s23+$0xFFFFFF90];
	[tilespmem:s25+$0xFFFFFFC0] =	vst v4  }
0x236: {  	v3 =	vand.u32 $0x7FFFFFFF, v3;
	v11 =	vsub.f32 v11, v5;
	v4 =	vsub.f32 v49, v5;
	v52 =	vld [tilespmem:s17+$0xFFFFFFD0]  }
0x237: {  	v3 =	vadd.f32 v3, v6;
	v6 =	vmul.f32 $3.333333430e-01, v8;
	v8 =	vld [tilespmem:s28+$0xFFFFFFD0]  }
0x238: {  	v11 =	vand.u32 $0x7FFFFFFF, v11;
	v5 =	vsub.f32 v7, v5;
	v7 =	vld [tilespmem:s30+$0xFFFFFFD0];
	v4 =	vand.u32 $0x7FFFFFFF, v4  }
0x239: {  	v3 =	vmul.f32 $3.333333430e-01, v3;
	v4 =	vadd.f32 v11, v4;
	[tilespmem:s20+$0x10] =	vst v6;
	v6 =	vld [tilespmem:s14+$0xFFFFFFD0]  }
0x23a: {  	v9 =	vsub.f32 v9, v12;
	v11 =	vsub.f32 v51, v12;
	v5 =	vand.u32 $0x7FFFFFFF, v5;
	v53 =	vld [tilespmem:s18+$0x20]  }
0x23b: {  	[tilespmem:s24+$0xFFFFFFE0] =	vst v3;
	v3 =	vsub.f32 v10, v12;
	v10 =	vld [tilespmem:s22+$0x20];
	v4 =	vadd.f32 v5, v4  }
0x23c: {  	v5 =	vld [tilespmem:s21+$0x20]  }
0x23d: {  	v54 =	vld [tilespmem:s6+$0xFFFFFFF0];
	v9 =	vand.u32 $0x7FFFFFFF, v9;
	v11 =	vand.u32 $0x7FFFFFFF, v11;
	v4 =	vmul.f32 $3.333333430e-01, v4  }
0x23e: {  	v9 =	vadd.f32 v9, v11;
	v8 =	vsub.f32 v8, v52;
	v11 =	vld [tilespmem:s23+$0x20]  }
0x23f: {  	v56 =	vld [tilespmem:s2+$0xFFFFFFF0];
	v3 =	vand.u32 $0x7FFFFFFF, v3;
	v7 =	vsub.f32 v7, v52;
	[tilespmem:s25+$0x50] =	vst v4  }
0x240: {  	v3 =	vadd.f32 v3, v9;
	v8 =	vand.u32 $0x7FFFFFFF, v8;
	v6 =	vsub.f32 v6, v52;
	v9 =	vld [tilespmem:s17+$0x60]  }
0x241: {  	v7 =	vand.u32 $0x7FFFFFFF, v7;
	v10 =	vsub.f32 v10, v53;
	v55 =	vld [tilespmem:s28+$0x60];
	v5 =	vsub.f32 v5, v53  }
0x242: {  	v7 =	vadd.f32 v7, v8;
	v3 =	vmul.f32 $3.333333430e-01, v3;
	v6 =	vand.u32 $0x7FFFFFFF, v6;
	v8 =	vld [tilespmem:s30+$0x60]  }
0x243: {  	v4 =	vld [tilespmem:s4+$0xFFFFFFF0];
	v11 =	vsub.f32 v11, v53;
	v10 =	vand.u32 $0x7FFFFFFF, v10;
	v5 =	vand.u32 $0x7FFFFFFF, v5  }
0x244: {  	[tilespmem:s20+$0xFFFFFF90] =	vst v3;
	v3 =	vadd.f32 v6, v7;
	v6 =	vld [tilespmem:s14+$0x60];
	v5 =	vadd.f32 v10, v5  }
0x245: {  	v7 =	vld [tilespmem:s18+$0xFFFFFFA0];
	v10 =	vand.u32 $0x7FFFFFFF, v11  }
0x246: {  	v1 =	vsub.f32 v1, v0;
	v11 =	vld [tilespmem:s21+$0xFFFFFFA0];
	v3 =	vmul.f32 $3.333333430e-01, v3;
	v5 =	vadd.f32 v10, v5  }
0x247: {  	v10 =	vld [tilespmem:s22+$0xFFFFFFA0];
	v13 =	vsub.f32 v55, v9;
	v8 =	vsub.f32 v8, v9  }
0x248: {  	v1 =	vand.u32 $0x7FFFFFFF, v1;
	[tilespmem:s25+$0xFFFFFFD0] =	vst v3;
	v3 =	vld [tilespmem:s23+$0xFFFFFFA0]  }
0x249: {  	v6 =	vsub.f32 v6, v9;
	v9 =	vld [tilespmem:s17+$0xFFFFFFE0];
	v13 =	vand.u32 $0x7FFFFFFF, v13;
	v8 =	vand.u32 $0x7FFFFFFF, v8  }
0x24a: {  	v2 =	vsub.f32 v2, v0;
	v5 =	vmul.f32 $3.333333430e-01, v5;
	v57 =	vld [tilespmem:s28+$0xFFFFFFE0];
	v8 =	vadd.f32 v8, v13  }
0x24b: {  	v0 =	vsub.f32 v46, v0;
	v58 =	vld [tilespmem:s30+$0xFFFFFFE0];
	v11 =	vsub.f32 v11, v7;
	v6 =	vand.u32 $0x7FFFFFFF, v6  }
0x24c: {  	v2 =	vand.u32 $0x7FFFFFFF, v2;
	[tilespmem:s20+$0x20] =	vst v5;
	v5 =	vsub.f32 v10, v7;
	v6 =	vadd.f32 v6, v8;
	v8 =	vld [tilespmem:s14+$0xFFFFFFE0]  }
0x24d: {  	v0 =	vand.u32 $0x7FFFFFFF, v0;
	v1 =	vadd.f32 v2, v1;
	v2 =	vand.u32 $0x7FFFFFFF, v11;
	v10 =	vld [tilespmem:s18+$0x30]  }
0x24e: {  	v3 =	vsub.f32 v3, v7;
	v7 =	vld [tilespmem:s21+$0x30];
	v5 =	vand.u32 $0x7FFFFFFF, v5;
	v6 =	vmul.f32 $3.333333430e-01, v6  }
0x24f: {  	v0 =	vadd.f32 v0, v1;
	v1 =	vadd.f32 v5, v2;
	v5 =	vld [tilespmem:s22+$0x30]  }
0x250: {  	v11 =	vld [tilespmem:s23+$0x30];
	v59 =	vsub.f32 v58, v9;
	v2 =	vand.u32 $0x7FFFFFFF, v3;
	v3 =	vsub.f32 v57, v9;
	[tilespmem:s25+$0x60] =	vst v6  }
0x251: {  	v60 =	vsub.f32 v56, v54;
	v0 =	vmul.f32 $3.333333430e-01, v0;
	v1 =	vadd.f32 v2, v1;
	v2 =	vld [tilespmem:s17+$0x70]  }
0x252: {  	v3 =	vand.u32 $0x7FFFFFFF, v3;
	v6 =	vsub.f32 v8, v9;
	v8 =	vand.u32 $0x7FFFFFFF, v59;
	v9 =	vld [tilespmem:s28+$0x70]  }
0x253: {  	v61 =	vld [tilespmem:s30+$0x70];
	v3 =	vadd.f32 v8, v3;
	v7 =	vsub.f32 v7, v10;
	v1 =	vmul.f32 $3.333333430e-01, v1  }
0x254: {  	v62 =	vld [tilespmem:s7+$0xFFFFFFF0];
	v4 =	vsub.f32 v4, v54;
	v6 =	vand.u32 $0x7FFFFFFF, v6;
	v5 =	vsub.f32 v5, v10  }
0x255: {  	v8 =	vadd.f32 v6, v3;
	v3 =	vld [tilespmem:s14+$0x70];
	v10 =	vsub.f32 v11, v10;
	v11 =	vand.u32 $0x7FFFFFFF, v7;
	[tilespmem:s20+$0xFFFFFFA0] =	vst v1  }
0x256: {  	v1 =	vand.u32 $0x7FFFFFFF, v4;
	v4 =	vand.u32 $0x7FFFFFFF, v60;
	v6 =	vld [tilespmem:s18+$0xFFFFFFB0];
	v5 =	vand.u32 $0x7FFFFFFF, v5  }
0x257: {  	v1 =	vadd.f32 v4, v1;
	v7 =	vld [tilespmem:s21+$0xFFFFFFB0];
	v63 =	vmul.f32 $3.333333430e-01, v8;
	v11 =	vadd.f32 v5, v11  }
0x258: {  	s5 =	simm.s32 $0xCF00;
	s6 =	simm.s32 $0x4;
	[tilespmem:s24+$0x70] =	vst v0;
	v8 =	vld [tilespmem:s22+$0xFFFFFFB0];
	v0 =	vand.u32 $0x7FFFFFFF, v10;
	v4 =	vsub.f32 v61, v2;
	v5 =	vsub.f32 v9, v2  }
0x259: {  	s7 =	simm.s32 $0x14800;
	s2 =	simm.s32 $0x11F00;
	s4 =	simm.s32 $0xF700;
	v9 =	vld [tilespmem:s23+$0xFFFFFFB0];
	[tilespmem:s25+$0xFFFFFFE0] =	vst v63;
	v10 =	vadd.f32 v0, v11;
	v0 =	vsub.f32 v62, v54  }
.LBB2_4:
0x25a: {  	v11 =	vld [tilespmem:s7+$0x0];
	s21 =	sadd.s32 $0x100, s21;
	v5 =	vand.u32 $0x7FFFFFFF, v5;
	v4 =	vand.u32 $0x7FFFFFFF, v4;
	v2 =	vsub.f32 v3, v2  }
0x25b: {  	s22 =	sadd.s32 $0x100, s22;
	v3 =	vld [tilespmem:s21+$0x0];
	v10 =	vmul.f32 $3.333333430e-01, v10;
	v4 =	vadd.f32 v4, v5;
	v0 =	vand.u32 $0x7FFFFFFF, v0  }
0x25c: {  	s23 =	sadd.s32 $0x100, s23;
	v5 =	vld [tilespmem:s22+$0x0];
	v7 =	vsub.f32 v7, v6;
	v2 =	vand.u32 $0x7FFFFFFF, v2;
	v0 =	vadd.f32 v0, v1  }
0x25d: {  	v1 =	vld [tilespmem:s23+$0x0];
	v8 =	vsub.f32 v8, v6;
	[tilespmem:s20+$0x30] =	vst v10;
	v2 =	vadd.f32 v2, v4  }
0x25e: {  	v4 =	vand.u32 $0x7FFFFFFF, v7;
	v6 =	vsub.f32 v9, v6;
	v7 =	vld [tilespmem:s18+$0x40];
	v0 =	vmul.f32 $3.333333430e-01, v0  }
0x25f: {  	v8 =	vand.u32 $0x7FFFFFFF, v8;
	v9 =	vld [tilespmem:s5+$0x40];
	v2 =	vmul.f32 $3.333333430e-01, v2  }
0x260: {  	v4 =	vadd.f32 v8, v4;
	v6 =	vand.u32 $0x7FFFFFFF, v6;
	v8 =	vld [tilespmem:s4+$0x40];
	[tilespmem:s24+$0xFFFFFFF0] =	vst v0;
	s24 =	smov.u32 s25;
	s25 =	smov.u32 s20  }
0x261: {  	v0 =	vsub.f32 v3, v11;
	v10 =	vld [tilespmem:s21+$0xFFFFFF80];
	v3 =	vsub.f32 v5, v11;
	[tilespmem:s24+$0x70] =	vst v2  }
0x262: {  	v2 =	vadd.f32 v6, v4;
	v4 =	vld [tilespmem:s2+$0x40]  }
0x263: {  	v0 =	vand.u32 $0x7FFFFFFF, v0;
	v1 =	vsub.f32 v1, v11;
	v5 =	vld [tilespmem:s22+$0xFFFFFF80];
	v3 =	vand.u32 $0x7FFFFFFF, v3  }
0x264: {  	v6 =	vld [tilespmem:s7+$0xFFFFFF80];
	v0 =	vadd.f32 v3, v0;
	v2 =	vmul.f32 $3.333333430e-01, v2  }
0x265: {  	v1 =	vand.u32 $0x7FFFFFFF, v1;
	v9 =	vsub.f32 v9, v7;
	v3 =	vld [tilespmem:s23+$0xFFFFFF80];
	v8 =	vsub.f32 v8, v7  }
0x266: {  	v1 =	vadd.f32 v1, v0;
	[tilespmem:s20+$0xFFFFFFB0] =	vst v2;
	v0 =	vld [tilespmem:s17+$0xFFFFFFF0];
	s17 =	smov.u32 s18;
	s18 =	smov.u32 s7  }
0x267: {  	v9 =	vand.u32 $0x7FFFFFFF, v9;
	v2 =	vld [tilespmem:s17+$0xFFFFFFC0];
	v8 =	vand.u32 $0x7FFFFFFF, v8;
	v4 =	vsub.f32 v4, v7  }
0x268: {  	v1 =	vmul.f32 $3.333333430e-01, v1;
	v7 =	vld [tilespmem:s5+$0xFFFFFFC0];
	v8 =	vadd.f32 v8, v9  }
0x269: {  	s20 =	sadd.s32 $0x100, s20;
	v9 =	vsub.f32 v10, v6;
	v5 =	vsub.f32 v5, v6;
	v10 =	vld [tilespmem:s4+$0xFFFFFFC0];
	v4 =	vand.u32 $0x7FFFFFFF, v4  }
0x26a: {  	s6 =	sadd.s32 $0x2, s6;
	v3 =	vsub.f32 v3, v6;
	[tilespmem:s20+$0x0] =	vst v1;
	v1 =	vld [tilespmem:s2+$0xFFFFFFC0];
	v4 =	vadd.f32 v4, v8  }
0x26b: {  	p1 =	slt.u32 s6, $0x4E;
	v6 =	vand.u32 $0x7FFFFFFF, v9;
	v5 =	vand.u32 $0x7FFFFFFF, v5;
	v8 =	vld [tilespmem:s7+$0x10]  }
0x26c: {  	v5 =	vadd.f32 v5, v6;
	v3 =	vand.u32 $0x7FFFFFFF, v3;
	v6 =	vld [tilespmem:s21+$0x10];
	v4 =	vmul.f32 $3.333333430e-01, v4  }
0x26d: {  	v9 =	vld [tilespmem:s22+$0x10];
	v7 =	vsub.f32 v7, v2  }
0x26e: {  	v3 =	vadd.f32 v3, v5;
	v5 =	vld [tilespmem:s23+$0x10];
	v10 =	vsub.f32 v10, v2;
	[tilespmem:s25+$0x40] =	vst v4  }
0x26f: {  	v4 =	vand.u32 $0x7FFFFFFF, v7;
	v1 =	vsub.f32 v1, v2;
	v2 =	vld [tilespmem:s17+$0x50]  }
0x270: {  	v3 =	vmul.f32 $3.333333430e-01, v3;
	v7 =	vand.u32 $0x7FFFFFFF, v10;
	v10 =	vld [tilespmem:s5+$0x50]  }
0x271: {  	v4 =	vadd.f32 v7, v4;
	v1 =	vand.u32 $0x7FFFFFFF, v1;
	v7 =	vld [tilespmem:s4+$0x50]  }
0x272: {  	[tilespmem:s20+$0xFFFFFF80] =	vst v3;
	v3 =	vsub.f32 v6, v8;
	v6 =	vsub.f32 v9, v8;
	v9 =	vld [tilespmem:s28+$0xFFFFFFF0];
	s28 =	smov.u32 s5;
	s5 =	smov.u32 s21  }
0x273: {  	v1 =	vadd.f32 v1, v4;
	v4 =	vld [tilespmem:s2+$0x50]  }
0x274: {  	v5 =	vsub.f32 v5, v8;
	v11 =	vld [tilespmem:s7+$0xFFFFFF90];
	v3 =	vand.u32 $0x7FFFFFFF, v3;
	v6 =	vand.u32 $0x7FFFFFFF, v6  }
0x275: {  	v8 =	vld [tilespmem:s21+$0xFFFFFF90];
	v3 =	vadd.f32 v6, v3;
	v1 =	vmul.f32 $3.333333430e-01, v1  }
0x276: {  	v5 =	vand.u32 $0x7FFFFFFF, v5;
	v10 =	vsub.f32 v10, v2;
	v6 =	vld [tilespmem:s22+$0xFFFFFF90];
	v7 =	vsub.f32 v7, v2  }
0x277: {  	v12 =	vld [tilespmem:s23+$0xFFFFFF90];
	v3 =	vadd.f32 v5, v3;
	[tilespmem:s25+$0xFFFFFFC0] =	vst v1;
	v1 =	vsub.f32 v9, v0  }
0x278: {  	v9 =	vand.u32 $0x7FFFFFFF, v10;
	v5 =	vld [tilespmem:s17+$0xFFFFFFD0];
	v7 =	vand.u32 $0x7FFFFFFF, v7;
	v2 =	vsub.f32 v4, v2  }
0x279: {  	v3 =	vmul.f32 $3.333333430e-01, v3;
	v4 =	vld [tilespmem:s28+$0xFFFFFFD0];
	v7 =	vadd.f32 v7, v9;
	v1 =	vand.u32 $0x7FFFFFFF, v1  }
0x27a: {  	v8 =	vsub.f32 v8, v11;
	v9 =	vld [tilespmem:s4+$0xFFFFFFD0];
	v2 =	vand.u32 $0x7FFFFFFF, v2  }
0x27b: {  	v6 =	vsub.f32 v6, v11;
	[tilespmem:s20+$0x10] =	vst v3;
	v3 =	vld [tilespmem:s2+$0xFFFFFFD0];
	v2 =	vadd.f32 v2, v7  }
0x27c: {  	v7 =	vand.u32 $0x7FFFFFFF, v8;
	v8 =	vsub.f32 v12, v11;
	v10 =	vld [tilespmem:s7+$0x20]  }
0x27d: {  	v6 =	vand.u32 $0x7FFFFFFF, v6;
	v11 =	vld [tilespmem:s21+$0x20];
	v2 =	vmul.f32 $3.333333430e-01, v2  }
0x27e: {  	v6 =	vadd.f32 v6, v7;
	v7 =	vand.u32 $0x7FFFFFFF, v8;
	v8 =	vld [tilespmem:s22+$0x20];
	v4 =	vsub.f32 v4, v5  }
0x27f: {  	v12 =	vld [tilespmem:s23+$0x20];
	v9 =	vsub.f32 v9, v5;
	[tilespmem:s25+$0x50] =	vst v2  }
0x280: {  	v2 =	vadd.f32 v7, v6;
	v4 =	vand.u32 $0x7FFFFFFF, v4;
	v3 =	vsub.f32 v3, v5;
	v5 =	vld [tilespmem:s17+$0x60]  }
0x281: {  	v6 =	vand.u32 $0x7FFFFFFF, v9;
	v7 =	vld [tilespmem:s28+$0x60]  }
0x282: {  	v2 =	vmul.f32 $3.333333430e-01, v2;
	v4 =	vadd.f32 v6, v4;
	v3 =	vand.u32 $0x7FFFFFFF, v3;
	v6 =	vld [tilespmem:s4+$0x60]  }
0x283: {  	v9 =	vsub.f32 v11, v10;
	v8 =	vsub.f32 v8, v10;
	v11 =	vld [tilespmem:s30+$0xFFFFFFF0];
	s30 =	smov.u32 s4;
	s4 =	smov.u32 s22  }
0x284: {  	[tilespmem:s20+$0xFFFFFF90] =	vst v2;
	v2 =	vadd.f32 v3, v4;
	v3 =	vld [tilespmem:s2+$0x60]  }
0x285: {  	v9 =	vand.u32 $0x7FFFFFFF, v9;
	v10 =	vsub.f32 v12, v10;
	v4 =	vld [tilespmem:s7+$0xFFFFFFA0];
	v8 =	vand.u32 $0x7FFFFFFF, v8  }
0x286: {  	v12 =	vld [tilespmem:s21+$0xFFFFFFA0];
	v8 =	vadd.f32 v8, v9;
	v2 =	vmul.f32 $3.333333430e-01, v2  }
0x287: {  	v10 =	vand.u32 $0x7FFFFFFF, v10;
	v7 =	vsub.f32 v7, v5;
	v9 =	vld [tilespmem:s22+$0xFFFFFFA0];
	v6 =	vsub.f32 v6, v5  }
0x288: {  	v13 =	vld [tilespmem:s23+$0xFFFFFFA0];
	v8 =	vadd.f32 v10, v8;
	[tilespmem:s25+$0xFFFFFFD0] =	vst v2;
	v2 =	vsub.f32 v11, v0  }
0x289: {  	v7 =	vand.u32 $0x7FFFFFFF, v7;
	v10 =	vld [tilespmem:s17+$0xFFFFFFE0];
	v6 =	vand.u32 $0x7FFFFFFF, v6;
	v3 =	vsub.f32 v3, v5  }
0x28a: {  	v5 =	vmul.f32 $3.333333430e-01, v8;
	v8 =	vld [tilespmem:s28+$0xFFFFFFE0];
	v6 =	vadd.f32 v6, v7;
	v2 =	vand.u32 $0x7FFFFFFF, v2  }
0x28b: {  	v7 =	vsub.f32 v12, v4;
	v11 =	vld [tilespmem:s30+$0xFFFFFFE0];
	v3 =	vand.u32 $0x7FFFFFFF, v3;
	v1 =	vadd.f32 v2, v1  }
0x28c: {  	v2 =	vsub.f32 v9, v4;
	[tilespmem:s20+$0x20] =	vst v5;
	v5 =	vld [tilespmem:s2+$0xFFFFFFE0];
	v3 =	vadd.f32 v3, v6  }
0x28d: {  	v6 =	vand.u32 $0x7FFFFFFF, v7;
	v4 =	vsub.f32 v13, v4;
	v7 =	vld [tilespmem:s7+$0x30]  }
0x28e: {  	v2 =	vand.u32 $0x7FFFFFFF, v2;
	v9 =	vld [tilespmem:s21+$0x30];
	v3 =	vmul.f32 $3.333333430e-01, v3  }
0x28f: {  	v2 =	vadd.f32 v2, v6;
	v4 =	vand.u32 $0x7FFFFFFF, v4;
	v6 =	vld [tilespmem:s22+$0x30];
	v8 =	vsub.f32 v8, v10  }
0x290: {  	v12 =	vld [tilespmem:s23+$0x30];
	v11 =	vsub.f32 v11, v10;
	[tilespmem:s25+$0x60] =	vst v3  }
0x291: {  	v3 =	vadd.f32 v4, v2;
	v4 =	vand.u32 $0x7FFFFFFF, v8;
	v5 =	vsub.f32 v5, v10;
	v2 =	vld [tilespmem:s17+$0x70]  }
0x292: {  	v8 =	vand.u32 $0x7FFFFFFF, v11;
	v10 =	vld [tilespmem:s28+$0x70]  }
0x293: {  	v3 =	vmul.f32 $3.333333430e-01, v3;
	v4 =	vadd.f32 v8, v4;
	v5 =	vand.u32 $0x7FFFFFFF, v5;
	v11 =	vld [tilespmem:s30+$0x70]  }
0x294: {  	v8 =	vsub.f32 v9, v7;
	v9 =	vsub.f32 v6, v7;
	v13 =	vld [tilespmem:s14+$0xFFFFFFF0];
	s14 =	smov.u32 s2;
	s2 =	smov.u32 s23  }
.Ltmp3:
0x295: {  	[tilespmem:s20+$0xFFFFFFA0] =	vst v3;
	v4 =	vadd.f32 v5, v4;
	v3 =	vld [tilespmem:s14+$0x70];
	(pc) =	sbr.rel @p1 .LBB2_4-.Ltmp3, $4  }
0x296: {  	v5 =	vand.u32 $0x7FFFFFFF, v8;
	v6 =	vld [tilespmem:s7+$0xFFFFFFB0];
	v8 =	vand.u32 $0x7FFFFFFF, v9;
	v9 =	vsub.f32 v12, v7  }
0x297: {  	v7 =	vld [tilespmem:s21+$0xFFFFFFB0];
	v12 =	vadd.f32 v8, v5;
	v14 =	vmul.f32 $3.333333430e-01, v4  }
0x298: {  	v5 =	vsub.f32 v10, v2;
	v8 =	vld [tilespmem:s22+$0xFFFFFFB0];
	v15 =	vand.u32 $0x7FFFFFFF, v9;
	v4 =	vsub.f32 v11, v2  }
0x299: {  	s7 =	sadd.s32 $0x100, s7;
	v9 =	vld [tilespmem:s23+$0xFFFFFFB0];
	v10 =	vadd.f32 v15, v12;
	[tilespmem:s25+$0xFFFFFFE0] =	vst v14;
	v0 =	vsub.f32 v13, v0  }
0x29a: {  	_ =	sdelay $0x2  }
0x29b: {  	v7 =	vsub.f32 v7, v6;
	v8 =	vsub.f32 v8, v6;
	_ =	sdelay $0x1  }
0x29c: {  	v7 =	vand.u32 $0x7FFFFFFF, v7;
	v6 =	vsub.f32 v9, v6;
	v8 =	vand.u32 $0x7FFFFFFF, v8  }
0x29d: {  	v9 =	vmul.f32 $3.333333430e-01, v10;
	v7 =	vadd.f32 v8, v7  }
0x29e: {  	v6 =	vand.u32 $0x7FFFFFFF, v6  }
0x29f: {  	[tilespmem:s20+$0x30] =	vst v9;
	v6 =	vadd.f32 v6, v7  }
0x2a0: {  	v8 =	vld [tilespmem:s5+$0x40]  }
0x2a1: {  	v9 =	vld [tilespmem:s4+$0x40];
	v6 =	vmul.f32 $3.333333430e-01, v6  }
0x2a2: {  	v7 =	vld [tilespmem:s18+$0x40]  }
0x2a3: {  	v10 =	vld [tilespmem:s2+$0x40];
	[tilespmem:s20+$0xFFFFFFB0] =	vst v6  }
0x2a4: {  	v6 =	vld [tilespmem:s18+$0xFFFFFFC0]  }
0x2a5: {  	v11 =	vld [tilespmem:s5+$0xFFFFFFC0]  }
0x2a6: {  	v12 =	vld [tilespmem:s4+$0xFFFFFFC0]  }
0x2a7: {  	v8 =	vsub.f32 v8, v7;
	v9 =	vsub.f32 v9, v7  }
0x2a8: {  	v13 =	vld [tilespmem:s2+$0xFFFFFFC0]  }
0x2a9: {  	v7 =	vsub.f32 v10, v7;
	v8 =	vand.u32 $0x7FFFFFFF, v8;
	v9 =	vand.u32 $0x7FFFFFFF, v9  }
0x2aa: {  	v8 =	vadd.f32 v9, v8  }
0x2ab: {  	v7 =	vand.u32 $0x7FFFFFFF, v7;
	v9 =	vsub.f32 v11, v6;
	v10 =	vsub.f32 v12, v6  }
0x2ac: {  	v7 =	vadd.f32 v7, v8  }
0x2ad: {  	v6 =	vsub.f32 v13, v6;
	v8 =	vand.u32 $0x7FFFFFFF, v9;
	v9 =	vand.u32 $0x7FFFFFFF, v10  }
0x2ae: {  	v7 =	vmul.f32 $3.333333430e-01, v7;
	v8 =	vadd.f32 v9, v8  }
0x2af: {  	v6 =	vand.u32 $0x7FFFFFFF, v6  }
0x2b0: {  	[tilespmem:s20+$0x40] =	vst v7;
	v6 =	vadd.f32 v6, v8  }
0x2b1: {  	v7 =	vld [tilespmem:s18+$0x50]  }
0x2b2: {  	v8 =	vld [tilespmem:s5+$0x50];
	v6 =	vmul.f32 $3.333333430e-01, v6  }
0x2b3: {  	v9 =	vld [tilespmem:s4+$0x50]  }
0x2b4: {  	v10 =	vld [tilespmem:s2+$0x50];
	[tilespmem:s20+$0xFFFFFFC0] =	vst v6  }
0x2b5: {  	v6 =	vld [tilespmem:s18+$0xFFFFFFD0]  }
0x2b6: {  	v11 =	vld [tilespmem:s5+$0xFFFFFFD0]  }
0x2b7: {  	v31 =	vld [tilespmem:s4+$0xFFFFFFD0]  }
0x2b8: {  	v8 =	vsub.f32 v8, v7;
	v9 =	vsub.f32 v9, v7  }
0x2b9: {  	v32 =	vld [tilespmem:s2+$0xFFFFFFD0]  }
0x2ba: {  	v7 =	vsub.f32 v10, v7;
	v8 =	vand.u32 $0x7FFFFFFF, v8;
	v9 =	vand.u32 $0x7FFFFFFF, v9  }
0x2bb: {  	v8 =	vadd.f32 v9, v8  }
0x2bc: {  	v7 =	vand.u32 $0x7FFFFFFF, v7;
	v9 =	vsub.f32 v11, v6;
	v10 =	vsub.f32 v31, v6  }
0x2bd: {  	v7 =	vadd.f32 v7, v8  }
0x2be: {  	v6 =	vsub.f32 v32, v6;
	v8 =	vand.u32 $0x7FFFFFFF, v9;
	v9 =	vand.u32 $0x7FFFFFFF, v10  }
0x2bf: {  	v7 =	vmul.f32 $3.333333430e-01, v7;
	v8 =	vadd.f32 v9, v8  }
0x2c0: {  	v6 =	vand.u32 $0x7FFFFFFF, v6  }
0x2c1: {  	[tilespmem:s20+$0x50] =	vst v7;
	v6 =	vadd.f32 v6, v8  }
0x2c2: {  	v7 =	vld [tilespmem:s18+$0x60]  }
0x2c3: {  	v8 =	vld [tilespmem:s5+$0x60];
	v6 =	vmul.f32 $3.333333430e-01, v6  }
0x2c4: {  	v9 =	vld [tilespmem:s4+$0x60]  }
0x2c5: {  	v10 =	vld [tilespmem:s2+$0x60];
	[tilespmem:s20+$0xFFFFFFD0] =	vst v6  }
0x2c6: {  	v6 =	vld [tilespmem:s18+$0xFFFFFFE0]  }
0x2c7: {  	v11 =	vld [tilespmem:s5+$0xFFFFFFE0]  }
0x2c8: {  	v33 =	vld [tilespmem:s4+$0xFFFFFFE0]  }
0x2c9: {  	v8 =	vsub.f32 v8, v7;
	v9 =	vsub.f32 v9, v7  }
0x2ca: {  	v34 =	vld [tilespmem:s2+$0xFFFFFFE0]  }
0x2cb: {  	v7 =	vsub.f32 v10, v7;
	v8 =	vand.u32 $0x7FFFFFFF, v8;
	v9 =	vand.u32 $0x7FFFFFFF, v9  }
0x2cc: {  	v8 =	vadd.f32 v9, v8  }
0x2cd: {  	v7 =	vand.u32 $0x7FFFFFFF, v7;
	v9 =	vsub.f32 v11, v6;
	v10 =	vsub.f32 v33, v6  }
0x2ce: {  	v7 =	vadd.f32 v7, v8  }
0x2cf: {  	v6 =	vsub.f32 v34, v6;
	v8 =	vand.u32 $0x7FFFFFFF, v9;
	v9 =	vand.u32 $0x7FFFFFFF, v10  }
0x2d0: {  	v36 =	vld [tilespmem:s14+$0xFFFFFFF0];
	v8 =	vadd.f32 v9, v8  }
0x2d1: {  	v11 =	vld [tilespmem:s30+$0xFFFFFFF0];
	v7 =	vmul.f32 $3.333333430e-01, v7;
	v6 =	vand.u32 $0x7FFFFFFF, v6  }
0x2d2: {  	v10 =	vld [tilespmem:s17+$0xFFFFFFF0];
	v6 =	vadd.f32 v6, v8  }
0x2d3: {  	v9 =	vld [tilespmem:s28+$0xFFFFFFF0];
	[tilespmem:s20+$0x60] =	vst v7  }
0x2d4: {  	v7 =	vld [tilespmem:s18+$0x70];
	v6 =	vmul.f32 $3.333333430e-01, v6  }
0x2d5: {  	v8 =	vld [tilespmem:s5+$0x70]  }
0x2d6: {  	v35 =	vld [tilespmem:s4+$0x70];
	[tilespmem:s20+$0xFFFFFFE0] =	vst v6  }
0x2d7: {  	v5 =	vand.u32 $0x7FFFFFFF, v5;
	v6 =	vld [tilespmem:s18+$0xFFFFFFF0]  }
0x2d8: {  	v4 =	vand.u32 $0x7FFFFFFF, v4;
	v2 =	vsub.f32 v3, v2;
	v0 =	vand.u32 $0x7FFFFFFF, v0;
	v3 =	vld [tilespmem:s5+$0xFFFFFFF0]  }
0x2d9: {  	v4 =	vadd.f32 v4, v5;
	v0 =	vadd.f32 v0, v1;
	v1 =	vld [tilespmem:s4+$0xFFFFFFF0]  }
0x2da: {  	v2 =	vand.u32 $0x7FFFFFFF, v2;
	v5 =	vsub.f32 v9, v10;
	v9 =	vsub.f32 v11, v10;
	v11 =	vld [tilespmem:s2+$0x70]  }
0x2db: {  	v2 =	vadd.f32 v2, v4;
	v0 =	vmul.f32 $3.333333430e-01, v0;
	v4 =	vsub.f32 v8, v7;
	v8 =	vld [tilespmem:s2+$0xFFFFFFF0]  }
0x2dc: {  	v5 =	vand.u32 $0x7FFFFFFF, v5;
	v9 =	vand.u32 $0x7FFFFFFF, v9;
	v12 =	vsub.f32 v35, v7  }
0x2dd: {  	v5 =	vadd.f32 v9, v5;
	v9 =	vsub.f32 v36, v10;
	v4 =	vand.u32 $0x7FFFFFFF, v4  }
0x2de: {  	v10 =	vand.u32 $0x7FFFFFFF, v12;
	v3 =	vsub.f32 v3, v6;
	v1 =	vsub.f32 v1, v6  }
0x2df: {  	v7 =	vsub.f32 v11, v7;
	v4 =	vadd.f32 v10, v4;
	v9 =	vand.u32 $0x7FFFFFFF, v9  }
0x2e0: {  	v6 =	vsub.f32 v8, v6;
	v3 =	vand.u32 $0x7FFFFFFF, v3;
	v1 =	vand.u32 $0x7FFFFFFF, v1  }
0x2e1: {  	v5 =	vadd.f32 v9, v5;
	v7 =	vand.u32 $0x7FFFFFFF, v7;
	v1 =	vadd.f32 v1, v3  }
0x2e2: {  	v2 =	vmul.f32 $3.333333430e-01, v2;
	v3 =	vadd.f32 v7, v4;
	v4 =	vand.u32 $0x7FFFFFFF, v6  }
0x2e3: {  	[tilespmem:s24+$0xFFFFFFF0] =	vst v0;
	v0 =	vmul.f32 $3.333333430e-01, v5;
	v1 =	vadd.f32 v4, v1  }
0x2e4: {  	[tilespmem:s25+$0x70] =	vst v2;
	v2 =	vmul.f32 $3.333333430e-01, v3  }
0x2e5: {  	[tilespmem:s25+$0xFFFFFFF0] =	vst v0;
	v0 =	vmul.f32 $3.333333430e-01, v1  }
0x2e6: {  	[tilespmem:s20+$0x70] =	vst v2  }
0x2e7: {  	s25 =	simm.s32 $0x16C80;
	[tilespmem:s20+$0xFFFFFFF0] =	vst v0  }
0x2e8: {  	[hbm4b:s11+s3] =	stream.linear.scatter [tilespmem:s25], [sflag:$0x4], $0x2800, $0x38;
	[tilespmem:$0x19480] =	vst v63  }
0x2e9: {  	s2 =	simm.s32 @!p0 $0x50;
	s4 =	simm.s32 @!p0 $0xF0;
	s5 =	simm.s32 @!p0 $0xCC80  }
0x2ea: {  	[tilespmem:s5], [sflag:$0x2] =	stream.indirect.gather @!p0 [hbm4b:s1+s2], $0x80, s4, s2, $0xb8;
	[tilespmem:$0x19480] =	vst v63  }
0x2eb: {  	s4 =	simm.s32 @!p0 $0x270;
	s5 =	simm.s32 @!p0 $0xF480  }
0x2ec: {  	[tilespmem:s5], [sflag:$0x2] =	stream.indirect.gather @!p0 [hbm4b:s1+s2], $0x80, s4, s2, $0xb8;
	[tilespmem:$0x19480] =	vst v63  }
0x2ed: {  	s4 =	simm.s32 @!p0 $0x3F0;
	s5 =	simm.s32 @!p0 $0x11C80  }
0x2ee: {  	[tilespmem:s5], [sflag:$0x2] =	stream.indirect.gather @!p0 [hbm4b:s1+s2], $0x80, s4, s2, $0xb8;
	[tilespmem:$0x19480] =	vst v63  }
0x2ef: {  	s2 =	simm.s32 @!p0 $0x0;
	s4 =	simm.s32 @!p0 $0x14480  }
0x2f0: {  	[tilespmem:s4], [sflag:$0x2] =	stream.linear.gather @!p0 [hbm4b:s12+s2], $0x2800, $0x38;
	[tilespmem:$0x19480] =	vst v63  }
0x2f1: {  	_ =	swait.ge [sflag:s31], $0x2800  }
0x2f2: {  	[sflag:s31] =	ssyncset.done $0x0  }
0x2f3: {  	[sflag:s31] =	ssyncadd.s32 $0xFFFFD800  }
0x2f4: {  	_ =	swait.ge [sflag:s31], $0x2800  }
0x2f5: {  	[sflag:s31] =	ssyncset.done $0x0  }
0x2f6: {  	[sflag:s31] =	ssyncadd.s32 $0xFFFFD800  }
0x2f7: {  	_ =	swait.ge [sflag:s31], $0x2800  }
0x2f8: {  	[sflag:s31] =	ssyncset.done $0x0  }
0x2f9: {  	[sflag:s31] =	ssyncadd.s32 $0xFFFFD800  }
0x2fa: {  	_ =	swait.ge [sflag:s31], $0x2800  }
0x2fb: {  	[sflag:s31] =	ssyncset.done $0x0  }
0x2fc: {  	[sflag:s31] =	ssyncadd.s32 $0xFFFFD800  }
0x2fd: {  	_ =	swait.ge [sflag:s29], $0x2800  }
0x2fe: {  	[sflag:s29] =	ssyncset.done $0x0  }
0x2ff: {  	s6 =	simm.s32 $0x7D00;
	[sflag:s29] =	ssyncadd.s32 $0xFFFFD800  }
0x300: {  	s4 =	simm.s32 $0x500;
	v0 =	vld [tilespmem:s6+$0x0]  }
0x301: {  	s2 =	simm.s32 $0x2D00;
	v1 =	vld [tilespmem:s4+$0x0]  }
0x302: {  	v2 =	vld [tilespmem:s2+$0x0]  }
0x303: {  	s7 =	simm.s32 $0x5500  }
0x304: {  	v3 =	vld [tilespmem:s7+$0x0];
	_ =	sdelay $0x2  }
0x305: {  	v1 =	vsub.f32 v1, v0;
	v2 =	vsub.f32 v2, v0;
	_ =	sdelay $0x1  }
0x306: {  	v4 =	vld [tilespmem:s4+$0xFFFFFF80];
	v0 =	vsub.f32 v3, v0;
	v1 =	vand.u32 $0x7FFFFFFF, v1;
	v2 =	vand.u32 $0x7FFFFFFF, v2  }
0x307: {  	v3 =	vld [tilespmem:s2+$0xFFFFFF80];
	v1 =	vadd.f32 v2, v1  }
0x308: {  	v0 =	vand.u32 $0x7FFFFFFF, v0;
	v2 =	vld [tilespmem:s6+$0xFFFFFF80]  }
0x309: {  	v0 =	vadd.f32 v0, v1  }
0x30a: {  	v1 =	vld [tilespmem:s7+$0xFFFFFF80]  }
0x30b: {  	v0 =	vmul.f32 $3.333333430e-01, v0  }
0x30c: {  	s24 =	simm.s32 $0xA500  }
0x30d: {  	v4 =	vsub.f32 v4, v2;
	v3 =	vsub.f32 v3, v2;
	[tilespmem:s24+$0x0] =	vst v0  }
0x30e: {  	v0 =	vld [tilespmem:s6+$0x10]  }
0x30f: {  	v1 =	vsub.f32 v1, v2;
	v2 =	vand.u32 $0x7FFFFFFF, v4;
	v3 =	vand.u32 $0x7FFFFFFF, v3;
	v4 =	vld [tilespmem:s4+$0x10]  }
0x310: {  	v2 =	vadd.f32 v3, v2;
	v3 =	vld [tilespmem:s2+$0x10]  }
0x311: {  	v1 =	vand.u32 $0x7FFFFFFF, v1  }
0x312: {  	v1 =	vadd.f32 v1, v2;
	v2 =	vld [tilespmem:s7+$0x10];
	_ =	sdelay $0x1  }
0x313: {  	v1 =	vmul.f32 $3.333333430e-01, v1  }
0x314: {  	v4 =	vsub.f32 v4, v0;
	v3 =	vsub.f32 v3, v0  }
0x315: {  	[tilespmem:s24+$0xFFFFFF80] =	vst v1  }
0x316: {  	v4 =	vand.u32 $0x7FFFFFFF, v4;
	v1 =	vld [tilespmem:s6+$0xFFFFFF90];
	v3 =	vand.u32 $0x7FFFFFFF, v3;
	v0 =	vsub.f32 v2, v0  }
0x317: {  	v2 =	vld [tilespmem:s4+$0xFFFFFF90];
	v3 =	vadd.f32 v3, v4  }
0x318: {  	v4 =	vld [tilespmem:s2+$0xFFFFFF90];
	v0 =	vand.u32 $0x7FFFFFFF, v0  }
0x319: {  	v0 =	vadd.f32 v0, v3  }
0x31a: {  	v3 =	vld [tilespmem:s7+$0xFFFFFF90]  }
0x31b: {  	v0 =	vmul.f32 $3.333333430e-01, v0;
	_ =	sdelay $0x1  }
0x31c: {  	v2 =	vsub.f32 v2, v1;
	v4 =	vsub.f32 v4, v1;
	[tilespmem:s24+$0x10] =	vst v0  }
0x31d: {  	v0 =	vld [tilespmem:s6+$0x20]  }
0x31e: {  	v2 =	vand.u32 $0x7FFFFFFF, v2;
	v1 =	vsub.f32 v3, v1;
	v3 =	vand.u32 $0x7FFFFFFF, v4;
	v4 =	vld [tilespmem:s4+$0x20]  }
0x31f: {  	v2 =	vadd.f32 v3, v2;
	v3 =	vld [tilespmem:s2+$0x20]  }
0x320: {  	v1 =	vand.u32 $0x7FFFFFFF, v1  }
0x321: {  	v5 =	vld [tilespmem:s7+$0x20];
	v1 =	vadd.f32 v1, v2;
	_ =	sdelay $0x1  }
0x322: {  	v1 =	vmul.f32 $3.333333430e-01, v1  }
0x323: {  	v2 =	vsub.f32 v4, v0;
	v3 =	vsub.f32 v3, v0  }
0x324: {  	[tilespmem:s24+$0xFFFFFF90] =	vst v1  }
0x325: {  	v0 =	vsub.f32 v5, v0;
	v2 =	vand.u32 $0x7FFFFFFF, v2;
	v1 =	vld [tilespmem:s6+$0xFFFFFFA0];
	v3 =	vand.u32 $0x7FFFFFFF, v3  }
0x326: {  	v4 =	vld [tilespmem:s4+$0xFFFFFFA0];
	v2 =	vadd.f32 v3, v2  }
0x327: {  	v0 =	vand.u32 $0x7FFFFFFF, v0;
	v3 =	vld [tilespmem:s2+$0xFFFFFFA0]  }
0x328: {  	v0 =	vadd.f32 v0, v2  }
0x329: {  	v2 =	vld [tilespmem:s7+$0xFFFFFFA0]  }
0x32a: {  	v0 =	vmul.f32 $3.333333430e-01, v0;
	_ =	sdelay $0x1  }
0x32b: {  	v4 =	vsub.f32 v4, v1;
	v3 =	vsub.f32 v3, v1;
	[tilespmem:s24+$0x20] =	vst v0  }
0x32c: {  	v0 =	vld [tilespmem:s6+$0x30]  }
0x32d: {  	v4 =	vand.u32 $0x7FFFFFFF, v4;
	v1 =	vsub.f32 v2, v1;
	v2 =	vand.u32 $0x7FFFFFFF, v3;
	v3 =	vld [tilespmem:s4+$0x30]  }
0x32e: {  	v2 =	vadd.f32 v2, v4;
	v4 =	vld [tilespmem:s2+$0x30]  }
0x32f: {  	v1 =	vand.u32 $0x7FFFFFFF, v1  }
0x330: {  	v5 =	vld [tilespmem:s7+$0x30];
	v1 =	vadd.f32 v1, v2;
	_ =	sdelay $0x1  }
0x331: {  	v1 =	vmul.f32 $3.333333430e-01, v1  }
0x332: {  	v2 =	vsub.f32 v3, v0;
	v3 =	vsub.f32 v4, v0  }
0x333: {  	[tilespmem:s24+$0xFFFFFFA0] =	vst v1  }
0x334: {  	v0 =	vsub.f32 v5, v0;
	v2 =	vand.u32 $0x7FFFFFFF, v2;
	v1 =	vld [tilespmem:s6+$0xFFFFFFB0];
	v3 =	vand.u32 $0x7FFFFFFF, v3  }
0x335: {  	v4 =	vld [tilespmem:s4+$0xFFFFFFB0];
	v2 =	vadd.f32 v3, v2  }
0x336: {  	s17 =	simm.s32 $0x600;
	v0 =	vand.u32 $0x7FFFFFFF, v0;
	v3 =	vld [tilespmem:s2+$0xFFFFFFB0]  }
0x337: {  	v6 =	vld [tilespmem:s17+$0x0];
	v0 =	vadd.f32 v0, v2  }
0x338: {  	s28 =	simm.s32 $0x2E00;
	v5 =	vld [tilespmem:s7+$0xFFFFFFB0]  }
0x339: {  	s30 =	simm.s32 $0x7E00;
	v7 =	vld [tilespmem:s28+$0x0];
	v0 =	vmul.f32 $3.333333430e-01, v0  }
0x33a: {  	s14 =	simm.s32 $0x5600;
	v2 =	vld [tilespmem:s30+$0x0]  }
0x33b: {  	v8 =	vld [tilespmem:s14+$0x0];
	v4 =	vsub.f32 v4, v1;
	v3 =	vsub.f32 v3, v1;
	[tilespmem:s24+$0x30] =	vst v0  }
0x33c: {  	v0 =	vld [tilespmem:s6+$0x40]  }
0x33d: {  	v1 =	vsub.f32 v5, v1;
	v4 =	vand.u32 $0x7FFFFFFF, v4;
	v3 =	vand.u32 $0x7FFFFFFF, v3;
	v5 =	vld [tilespmem:s4+$0x40]  }
0x33e: {  	v3 =	vadd.f32 v3, v4;
	v4 =	vld [tilespmem:s2+$0x40]  }
0x33f: {  	v9 =	vld [tilespmem:s17+$0xFFFFFF80];
	v1 =	vand.u32 $0x7FFFFFFF, v1;
	v6 =	vsub.f32 v6, v2;
	v7 =	vsub.f32 v7, v2  }
0x340: {  	v1 =	vadd.f32 v1, v3;
	v3 =	vld [tilespmem:s7+$0x40]  }
0x341: {  	v10 =	vld [tilespmem:s28+$0xFFFFFF80];
	v2 =	vsub.f32 v8, v2;
	v6 =	vand.u32 $0x7FFFFFFF, v6;
	v7 =	vand.u32 $0x7FFFFFFF, v7  }
0x342: {  	v8 =	vld [tilespmem:s30+$0xFFFFFF80];
	v6 =	vadd.f32 v7, v6;
	v1 =	vmul.f32 $3.333333430e-01, v1  }
0x343: {  	v2 =	vand.u32 $0x7FFFFFFF, v2;
	v5 =	vsub.f32 v5, v0;
	v4 =	vsub.f32 v4, v0  }
0x344: {  	v7 =	vld [tilespmem:s14+$0xFFFFFF80];
	v2 =	vadd.f32 v2, v6;
	[tilespmem:s24+$0xFFFFFFB0] =	vst v1  }
0x345: {  	v5 =	vand.u32 $0x7FFFFFFF, v5;
	v1 =	vld [tilespmem:s6+$0xFFFFFFC0];
	v4 =	vand.u32 $0x7FFFFFFF, v4;
	v0 =	vsub.f32 v3, v0  }
0x346: {  	v2 =	vmul.f32 $3.333333430e-01, v2;
	v3 =	vld [tilespmem:s4+$0xFFFFFFC0];
	v4 =	vadd.f32 v4, v5  }
0x347: {  	s25 =	simm.s32 $0xA600;
	v6 =	vsub.f32 v10, v8;
	v5 =	vsub.f32 v9, v8;
	v9 =	vld [tilespmem:s2+$0xFFFFFFC0];
	v0 =	vand.u32 $0x7FFFFFFF, v0  }
0x348: {  	[tilespmem:s25+$0x0] =	vst v2;
	v2 =	vld [tilespmem:s7+$0xFFFFFFC0];
	v0 =	vadd.f32 v0, v4  }
0x349: {  	v6 =	vand.u32 $0x7FFFFFFF, v6;
	v4 =	vsub.f32 v7, v8;
	v5 =	vand.u32 $0x7FFFFFFF, v5;
	v7 =	vld [tilespmem:s30+$0x10]  }
0x34a: {  	v8 =	vld [tilespmem:s28+$0x10];
	v5 =	vadd.f32 v6, v5;
	v0 =	vmul.f32 $3.333333430e-01, v0  }
0x34b: {  	v6 =	vld [tilespmem:s17+$0x10];
	v4 =	vand.u32 $0x7FFFFFFF, v4;
	v3 =	vsub.f32 v3, v1  }
0x34c: {  	v4 =	vadd.f32 v4, v5;
	v5 =	vld [tilespmem:s14+$0x10];
	v9 =	vsub.f32 v9, v1;
	[tilespmem:s24+$0x40] =	vst v0  }
0x34d: {  	v0 =	vand.u32 $0x7FFFFFFF, v3;
	v3 =	vld [tilespmem:s6+$0x50]  }
0x34e: {  	v1 =	vsub.f32 v2, v1;
	v2 =	vmul.f32 $3.333333430e-01, v4;
	v4 =	vand.u32 $0x7FFFFFFF, v9;
	v9 =	vld [tilespmem:s4+$0x50]  }
0x34f: {  	v0 =	vadd.f32 v4, v0;
	v4 =	vld [tilespmem:s2+$0x50]  }
0x350: {  	v1 =	vand.u32 $0x7FFFFFFF, v1;
	[tilespmem:s25+$0xFFFFFF80] =	vst v2;
	v2 =	vsub.f32 v6, v7;
	v6 =	vsub.f32 v8, v7;
	v8 =	vld [tilespmem:s7+$0x50]  }
0x351: {  	v0 =	vadd.f32 v1, v0;
	v1 =	vld [tilespmem:s30+$0xFFFFFF90]  }
0x352: {  	v5 =	vsub.f32 v5, v7;
	v7 =	vld [tilespmem:s17+$0xFFFFFF90];
	v2 =	vand.u32 $0x7FFFFFFF, v2;
	v6 =	vand.u32 $0x7FFFFFFF, v6  }
0x353: {  	v2 =	vadd.f32 v6, v2;
	v0 =	vmul.f32 $3.333333430e-01, v0;
	v6 =	vld [tilespmem:s28+$0xFFFFFF90]  }
0x354: {  	v5 =	vand.u32 $0x7FFFFFFF, v5;
	v9 =	vsub.f32 v9, v3;
	v4 =	vsub.f32 v4, v3  }
0x355: {  	v10 =	vld [tilespmem:s14+$0xFFFFFF90];
	v2 =	vadd.f32 v5, v2;
	[tilespmem:s24+$0xFFFFFFC0] =	vst v0  }
0x356: {  	v5 =	vand.u32 $0x7FFFFFFF, v9;
	v3 =	vsub.f32 v8, v3;
	v0 =	vld [tilespmem:s6+$0xFFFFFFD0];
	v4 =	vand.u32 $0x7FFFFFFF, v4  }
0x357: {  	v8 =	vld [tilespmem:s4+$0xFFFFFFD0];
	v2 =	vmul.f32 $3.333333430e-01, v2;
	v4 =	vadd.f32 v4, v5  }
0x358: {  	v5 =	vsub.f32 v7, v1;
	v7 =	vld [tilespmem:s2+$0xFFFFFFD0];
	v3 =	vand.u32 $0x7FFFFFFF, v3;
	v6 =	vsub.f32 v6, v1  }
0x359: {  	[tilespmem:s25+$0x10] =	vst v2;
	v2 =	vld [tilespmem:s7+$0xFFFFFFD0];
	v3 =	vadd.f32 v3, v4  }
0x35a: {  	v1 =	vsub.f32 v10, v1;
	v4 =	vand.u32 $0x7FFFFFFF, v5;
	v5 =	vld [tilespmem:s30+$0x20];
	v6 =	vand.u32 $0x7FFFFFFF, v6  }
0x35b: {  	v9 =	vld [tilespmem:s17+$0x20];
	v3 =	vmul.f32 $3.333333430e-01, v3;
	v4 =	vadd.f32 v6, v4  }
0x35c: {  	v1 =	vand.u32 $0x7FFFFFFF, v1;
	v6 =	vld [tilespmem:s28+$0x20]  }
0x35d: {  	v10 =	vld [tilespmem:s14+$0x20];
	[tilespmem:s24+$0x50] =	vst v3;
	v1 =	vadd.f32 v1, v4  }
0x35e: {  	v7 =	vsub.f32 v7, v0;
	v4 =	vld [tilespmem:s6+$0x60]  }
0x35f: {  	v3 =	vsub.f32 v8, v0;
	v8 =	vld [tilespmem:s4+$0x60];
	v1 =	vmul.f32 $3.333333430e-01, v1  }
0x360: {  	v0 =	vsub.f32 v2, v0;
	v2 =	vld [tilespmem:s2+$0x60];
	v7 =	vand.u32 $0x7FFFFFFF, v7  }
0x361: {  	v3 =	vand.u32 $0x7FFFFFFF, v3;
	v9 =	vsub.f32 v9, v5;
	v6 =	vsub.f32 v6, v5;
	[tilespmem:s25+$0xFFFFFF90] =	vst v1;
	v1 =	vld [tilespmem:s7+$0x60]  }
0x362: {  	v3 =	vadd.f32 v7, v3;
	v0 =	vand.u32 $0x7FFFFFFF, v0;
	v7 =	vld [tilespmem:s30+$0xFFFFFFA0]  }
0x363: {  	v5 =	vsub.f32 v10, v5;
	v9 =	vand.u32 $0x7FFFFFFF, v9;
	v6 =	vand.u32 $0x7FFFFFFF, v6;
	v10 =	vld [tilespmem:s17+$0xFFFFFFA0]  }
0x364: {  	v0 =	vadd.f32 v0, v3;
	v3 =	vadd.f32 v6, v9;
	v6 =	vld [tilespmem:s28+$0xFFFFFFA0]  }
0x365: {  	v5 =	vand.u32 $0x7FFFFFFF, v5  }
0x366: {  	v9 =	vld [tilespmem:s14+$0xFFFFFFA0];
	v2 =	vsub.f32 v2, v4;
	v3 =	vadd.f32 v5, v3  }
0x367: {  	v8 =	vsub.f32 v8, v4;
	v0 =	vmul.f32 $3.333333430e-01, v0  }
0x368: {  	s21 =	simm.s32 $0x700;
	v2 =	vand.u32 $0x7FFFFFFF, v2;
	v1 =	vsub.f32 v1, v4;
	v4 =	vmul.f32 $3.333333430e-01, v3  }
0x369: {  	s22 =	simm.s32 $0x2F00;
	v37 =	vld [tilespmem:s21+$0x0];
	[tilespmem:s24+$0xFFFFFFD0] =	vst v0;
	v0 =	vand.u32 $0x7FFFFFFF, v8;
	v5 =	vsub.f32 v10, v7;
	v6 =	vsub.f32 v6, v7  }
0x36a: {  	v14 =	vld [tilespmem:s22+$0x0];
	v0 =	vadd.f32 v2, v0;
	v1 =	vand.u32 $0x7FFFFFFF, v1;
	[tilespmem:s25+$0x20] =	vst v4  }
0x36b: {  	v2 =	vand.u32 $0x7FFFFFFF, v5;
	v4 =	vsub.f32 v9, v7;
	v5 =	vld [tilespmem:s30+$0x30];
	v6 =	vand.u32 $0x7FFFFFFF, v6  }
0x36c: {  	v0 =	vadd.f32 v1, v0;
	v7 =	vld [tilespmem:s17+$0x30];
	v1 =	vadd.f32 v6, v2  }
0x36d: {  	s23 =	simm.s32 $0x5700;
	v2 =	vand.u32 $0x7FFFFFFF, v4;
	v4 =	vld [tilespmem:s28+$0x30]  }
0x36e: {  	v15 =	vld [tilespmem:s23+$0x0];
	v1 =	vadd.f32 v2, v1  }
0x36f: {  	v2 =	vld [tilespmem:s14+$0x30]  }
0x370: {  	v16 =	vld [tilespmem:s21+$0xFFFFFF80];
	v10 =	vmul.f32 $3.333333430e-01, v1  }
0x371: {  	s18 =	simm.s32 $0x7F00;
	v39 =	vld [tilespmem:s22+$0xFFFFFF80]  }
0x372: {  	v40 =	vld [tilespmem:s18+$0xFFFFFF80];
	v7 =	vsub.f32 v7, v5;
	v4 =	vsub.f32 v4, v5;
	[tilespmem:s25+$0xFFFFFFA0] =	vst v10  }
0x373: {  	v10 =	vld [tilespmem:s30+$0xFFFFFFB0]  }
0x374: {  	v7 =	vand.u32 $0x7FFFFFFF, v7;
	v4 =	vand.u32 $0x7FFFFFFF, v4;
	v2 =	vsub.f32 v2, v5;
	v5 =	vld [tilespmem:s17+$0xFFFFFFB0]  }
0x375: {  	v4 =	vadd.f32 v4, v7;
	v7 =	vld [tilespmem:s28+$0xFFFFFFB0]  }
0x376: {  	v17 =	vld [tilespmem:s23+$0xFFFFFF80];
	v2 =	vand.u32 $0x7FFFFFFF, v2  }
0x377: {  	v11 =	vld [tilespmem:s14+$0xFFFFFFB0];
	v2 =	vadd.f32 v2, v4  }
0x378: {  	v3 =	vld [tilespmem:s6+$0xFFFFFFE0]  }
0x379: {  	v4 =	vld [tilespmem:s18+$0x0];
	v38 =	vmul.f32 $3.333333430e-01, v2  }
0x37a: {  	v8 =	vld [tilespmem:s4+$0xFFFFFFE0];
	v5 =	vsub.f32 v5, v10;
	v7 =	vsub.f32 v7, v10  }
0x37b: {  	v9 =	vld [tilespmem:s7+$0xFFFFFFE0];
	[tilespmem:s25+$0x30] =	vst v38  }
0x37c: {  	v10 =	vsub.f32 v11, v10;
	v5 =	vand.u32 $0x7FFFFFFF, v5;
	v11 =	vld [tilespmem:s30+$0x40];
	v7 =	vand.u32 $0x7FFFFFFF, v7  }
0x37d: {  	v0 =	vmul.f32 $3.333333430e-01, v0;
	v13 =	vld [tilespmem:s17+$0x40];
	v5 =	vadd.f32 v7, v5  }
0x37e: {  	v6 =	vld [tilespmem:s2+$0xFFFFFFE0];
	v12 =	vsub.f32 v37, v4;
	v14 =	vsub.f32 v14, v4;
	v7 =	vand.u32 $0x7FFFFFFF, v10  }
0x37f: {  	v10 =	vld [tilespmem:s28+$0x40];
	v5 =	vadd.f32 v7, v5  }
0x380: {  	[tilespmem:s24+$0x60] =	vst v0;
	v4 =	vsub.f32 v15, v4;
	v12 =	vand.u32 $0x7FFFFFFF, v12;
	v14 =	vand.u32 $0x7FFFFFFF, v14;
	v7 =	vld [tilespmem:s14+$0x40]  }
0x381: {  	v0 =	vld [tilespmem:s6+$0x70];
	v15 =	vsub.f32 v39, v40;
	v12 =	vadd.f32 v14, v12;
	v5 =	vmul.f32 $3.333333430e-01, v5  }
0x382: {  	v46 =	vld [tilespmem:s7+$0x70];
	v4 =	vand.u32 $0x7FFFFFFF, v4;
	v13 =	vsub.f32 v13, v11  }
0x383: {  	v43 =	vsub.f32 v16, v40;
	v1 =	vld [tilespmem:s4+$0x70];
	v15 =	vand.u32 $0x7FFFFFFF, v15;
	v4 =	vadd.f32 v4, v12;
	[tilespmem:s25+$0xFFFFFFB0] =	vst v5  }
0x384: {  	v14 =	vsub.f32 v17, v40;
	v10 =	vsub.f32 v10, v11;
	v41 =	vand.u32 $0x7FFFFFFF, v13;
	v5 =	vld [tilespmem:s30+$0xFFFFFFC0]  }
0x385: {  	v4 =	vmul.f32 $3.333333430e-01, v4;
	v13 =	vand.u32 $0x7FFFFFFF, v43;
	v7 =	vsub.f32 v7, v11;
	v11 =	vld [tilespmem:s17+$0xFFFFFFC0]  }
0x386: {  	s20 =	simm.s32 $0xA700;
	v10 =	vand.u32 $0x7FFFFFFF, v10;
	v42 =	vld [tilespmem:s28+$0xFFFFFFC0];
	v13 =	vadd.f32 v15, v13  }
0x387: {  	v14 =	vand.u32 $0x7FFFFFFF, v14;
	v10 =	vadd.f32 v10, v41;
	[tilespmem:s20+$0x0] =	vst v4;
	v4 =	vld [tilespmem:s14+$0xFFFFFFC0]  }
0x388: {  	v7 =	vand.u32 $0x7FFFFFFF, v7;
	v44 =	vld [tilespmem:s21+$0x10];
	v13 =	vadd.f32 v14, v13  }
0x389: {  	v45 =	vld [tilespmem:s22+$0x10];
	v7 =	vadd.f32 v7, v10  }
0x38a: {  	v10 =	vld [tilespmem:s18+$0x10];
	v48 =	vmul.f32 $3.333333430e-01, v13  }
0x38b: {  	v2 =	vld [tilespmem:s2+$0x70];
	v7 =	vmul.f32 $3.333333430e-01, v7;
	v11 =	vsub.f32 v11, v5;
	v12 =	vsub.f32 v42, v5  }
0x38c: {  	v47 =	vld [tilespmem:s23+$0x10];
	[tilespmem:s20+$0xFFFFFF80] =	vst v48  }
0x38d: {  	v4 =	vsub.f32 v4, v5;
	[tilespmem:s25+$0x40] =	vst v7;
	v7 =	vand.u32 $0x7FFFFFFF, v11;
	v11 =	vand.u32 $0x7FFFFFFF, v12;
	v12 =	vld [tilespmem:s18+$0xFFFFFF90]  }
0x38e: {  	v8 =	vsub.f32 v8, v3;
	v5 =	vld [tilespmem:s30+$0x50];
	v7 =	vadd.f32 v11, v7  }
0x38f: {  	v49 =	vld [tilespmem:s17+$0x50];
	v4 =	vand.u32 $0x7FFFFFFF, v4;
	v16 =	vsub.f32 v44, v10;
	v15 =	vsub.f32 v45, v10  }
0x390: {  	v6 =	vsub.f32 v6, v3;
	v11 =	vld [tilespmem:s28+$0x50];
	v4 =	vadd.f32 v4, v7  }
0x391: {  	v51 =	vld [tilespmem:s21+$0xFFFFFF90];
	v10 =	vsub.f32 v47, v10;
	v50 =	vand.u32 $0x7FFFFFFF, v16;
	v15 =	vand.u32 $0x7FFFFFFF, v15  }
0x392: {  	v8 =	vand.u32 $0x7FFFFFFF, v8;
	v7 =	vld [tilespmem:s14+$0x50];
	v14 =	vadd.f32 v15, v50;
	v4 =	vmul.f32 $3.333333430e-01, v4  }
0x393: {  	v3 =	vsub.f32 v9, v3;
	v6 =	vand.u32 $0x7FFFFFFF, v6;
	v9 =	vld [tilespmem:s22+$0xFFFFFF90];
	v10 =	vand.u32 $0x7FFFFFFF, v10  }
0x394: {  	v6 =	vadd.f32 v6, v8;
	v8 =	vadd.f32 v10, v14;
	v10 =	vld [tilespmem:s23+$0xFFFFFF90];
	[tilespmem:s25+$0xFFFFFFC0] =	vst v4  }
0x395: {  	v3 =	vand.u32 $0x7FFFFFFF, v3;
	v11 =	vsub.f32 v11, v5;
	v4 =	vsub.f32 v49, v5;
	v52 =	vld [tilespmem:s30+$0xFFFFFFD0]  }
0x396: {  	v3 =	vadd.f32 v3, v6;
	v6 =	vmul.f32 $3.333333430e-01, v8;
	v8 =	vld [tilespmem:s17+$0xFFFFFFD0]  }
0x397: {  	v11 =	vand.u32 $0x7FFFFFFF, v11;
	v5 =	vsub.f32 v7, v5;
	v7 =	vld [tilespmem:s28+$0xFFFFFFD0];
	v4 =	vand.u32 $0x7FFFFFFF, v4  }
0x398: {  	v3 =	vmul.f32 $3.333333430e-01, v3;
	v4 =	vadd.f32 v11, v4;
	[tilespmem:s20+$0x10] =	vst v6;
	v6 =	vld [tilespmem:s14+$0xFFFFFFD0]  }
0x399: {  	v9 =	vsub.f32 v9, v12;
	v11 =	vsub.f32 v51, v12;
	v5 =	vand.u32 $0x7FFFFFFF, v5;
	v53 =	vld [tilespmem:s18+$0x20]  }
0x39a: {  	[tilespmem:s24+$0xFFFFFFE0] =	vst v3;
	v3 =	vsub.f32 v10, v12;
	v10 =	vld [tilespmem:s22+$0x20];
	v4 =	vadd.f32 v5, v4  }
0x39b: {  	v5 =	vld [tilespmem:s21+$0x20]  }
0x39c: {  	v54 =	vld [tilespmem:s6+$0xFFFFFFF0];
	v9 =	vand.u32 $0x7FFFFFFF, v9;
	v11 =	vand.u32 $0x7FFFFFFF, v11;
	v4 =	vmul.f32 $3.333333430e-01, v4  }
0x39d: {  	v9 =	vadd.f32 v9, v11;
	v8 =	vsub.f32 v8, v52;
	v11 =	vld [tilespmem:s23+$0x20]  }
0x39e: {  	v56 =	vld [tilespmem:s2+$0xFFFFFFF0];
	v3 =	vand.u32 $0x7FFFFFFF, v3;
	v7 =	vsub.f32 v7, v52;
	[tilespmem:s25+$0x50] =	vst v4  }
0x39f: {  	v3 =	vadd.f32 v3, v9;
	v8 =	vand.u32 $0x7FFFFFFF, v8;
	v6 =	vsub.f32 v6, v52;
	v9 =	vld [tilespmem:s30+$0x60]  }
0x3a0: {  	v7 =	vand.u32 $0x7FFFFFFF, v7;
	v10 =	vsub.f32 v10, v53;
	v55 =	vld [tilespmem:s17+$0x60];
	v5 =	vsub.f32 v5, v53  }
0x3a1: {  	v7 =	vadd.f32 v7, v8;
	v3 =	vmul.f32 $3.333333430e-01, v3;
	v6 =	vand.u32 $0x7FFFFFFF, v6;
	v8 =	vld [tilespmem:s28+$0x60]  }
0x3a2: {  	v4 =	vld [tilespmem:s4+$0xFFFFFFF0];
	v11 =	vsub.f32 v11, v53;
	v10 =	vand.u32 $0x7FFFFFFF, v10;
	v5 =	vand.u32 $0x7FFFFFFF, v5  }
0x3a3: {  	[tilespmem:s20+$0xFFFFFF90] =	vst v3;
	v3 =	vadd.f32 v6, v7;
	v6 =	vld [tilespmem:s14+$0x60];
	v5 =	vadd.f32 v10, v5  }
0x3a4: {  	v7 =	vld [tilespmem:s18+$0xFFFFFFA0];
	v10 =	vand.u32 $0x7FFFFFFF, v11  }
0x3a5: {  	v1 =	vsub.f32 v1, v0;
	v11 =	vld [tilespmem:s21+$0xFFFFFFA0];
	v3 =	vmul.f32 $3.333333430e-01, v3;
	v5 =	vadd.f32 v10, v5  }
0x3a6: {  	v10 =	vld [tilespmem:s22+$0xFFFFFFA0];
	v13 =	vsub.f32 v55, v9;
	v8 =	vsub.f32 v8, v9  }
0x3a7: {  	v1 =	vand.u32 $0x7FFFFFFF, v1;
	[tilespmem:s25+$0xFFFFFFD0] =	vst v3;
	v3 =	vld [tilespmem:s23+$0xFFFFFFA0]  }
0x3a8: {  	v6 =	vsub.f32 v6, v9;
	v9 =	vld [tilespmem:s30+$0xFFFFFFE0];
	v13 =	vand.u32 $0x7FFFFFFF, v13;
	v8 =	vand.u32 $0x7FFFFFFF, v8  }
0x3a9: {  	v2 =	vsub.f32 v2, v0;
	v5 =	vmul.f32 $3.333333430e-01, v5;
	v57 =	vld [tilespmem:s17+$0xFFFFFFE0];
	v8 =	vadd.f32 v8, v13  }
0x3aa: {  	v0 =	vsub.f32 v46, v0;
	v58 =	vld [tilespmem:s28+$0xFFFFFFE0];
	v11 =	vsub.f32 v11, v7;
	v6 =	vand.u32 $0x7FFFFFFF, v6  }
0x3ab: {  	v2 =	vand.u32 $0x7FFFFFFF, v2;
	[tilespmem:s20+$0x20] =	vst v5;
	v5 =	vsub.f32 v10, v7;
	v6 =	vadd.f32 v6, v8;
	v8 =	vld [tilespmem:s14+$0xFFFFFFE0]  }
0x3ac: {  	v0 =	vand.u32 $0x7FFFFFFF, v0;
	v1 =	vadd.f32 v2, v1;
	v2 =	vand.u32 $0x7FFFFFFF, v11;
	v10 =	vld [tilespmem:s18+$0x30]  }
0x3ad: {  	v3 =	vsub.f32 v3, v7;
	v7 =	vld [tilespmem:s21+$0x30];
	v5 =	vand.u32 $0x7FFFFFFF, v5;
	v6 =	vmul.f32 $3.333333430e-01, v6  }
0x3ae: {  	v0 =	vadd.f32 v0, v1;
	v1 =	vadd.f32 v5, v2;
	v5 =	vld [tilespmem:s22+$0x30]  }
0x3af: {  	v11 =	vld [tilespmem:s23+$0x30];
	v59 =	vsub.f32 v58, v9;
	v2 =	vand.u32 $0x7FFFFFFF, v3;
	v3 =	vsub.f32 v57, v9;
	[tilespmem:s25+$0x60] =	vst v6  }
0x3b0: {  	v60 =	vsub.f32 v56, v54;
	v0 =	vmul.f32 $3.333333430e-01, v0;
	v1 =	vadd.f32 v2, v1;
	v2 =	vld [tilespmem:s30+$0x70]  }
0x3b1: {  	v3 =	vand.u32 $0x7FFFFFFF, v3;
	v6 =	vsub.f32 v8, v9;
	v8 =	vand.u32 $0x7FFFFFFF, v59;
	v9 =	vld [tilespmem:s17+$0x70]  }
0x3b2: {  	v61 =	vld [tilespmem:s28+$0x70];
	v3 =	vadd.f32 v8, v3;
	v7 =	vsub.f32 v7, v10;
	v1 =	vmul.f32 $3.333333430e-01, v1  }
0x3b3: {  	v62 =	vld [tilespmem:s7+$0xFFFFFFF0];
	v4 =	vsub.f32 v4, v54;
	v6 =	vand.u32 $0x7FFFFFFF, v6;
	v5 =	vsub.f32 v5, v10  }
0x3b4: {  	v8 =	vadd.f32 v6, v3;
	v3 =	vld [tilespmem:s14+$0x70];
	v10 =	vsub.f32 v11, v10;
	v11 =	vand.u32 $0x7FFFFFFF, v7;
	[tilespmem:s20+$0xFFFFFFA0] =	vst v1  }
0x3b5: {  	v1 =	vand.u32 $0x7FFFFFFF, v4;
	v4 =	vand.u32 $0x7FFFFFFF, v60;
	v6 =	vld [tilespmem:s18+$0xFFFFFFB0];
	v5 =	vand.u32 $0x7FFFFFFF, v5  }
0x3b6: {  	v1 =	vadd.f32 v4, v1;
	v7 =	vld [tilespmem:s21+$0xFFFFFFB0];
	v63 =	vmul.f32 $3.333333430e-01, v8;
	v11 =	vadd.f32 v5, v11  }
0x3b7: {  	s5 =	simm.s32 $0x700;
	s6 =	simm.s32 $0x4;
	[tilespmem:s24+$0x70] =	vst v0;
	v8 =	vld [tilespmem:s22+$0xFFFFFFB0];
	v0 =	vand.u32 $0x7FFFFFFF, v10;
	v4 =	vsub.f32 v9, v2;
	v5 =	vsub.f32 v61, v2  }
0x3b8: {  	s7 =	simm.s32 $0x8000;
	s2 =	simm.s32 $0x5700;
	s4 =	simm.s32 $0x2F00;
	v9 =	vld [tilespmem:s23+$0xFFFFFFB0];
	[tilespmem:s25+$0xFFFFFFE0] =	vst v63;
	v10 =	vadd.f32 v0, v11;
	v0 =	vsub.f32 v62, v54  }
.LBB2_6:
0x3b9: {  	v11 =	vld [tilespmem:s7+$0x0];
	s21 =	sadd.s32 $0x100, s21;
	v4 =	vand.u32 $0x7FFFFFFF, v4;
	v5 =	vand.u32 $0x7FFFFFFF, v5;
	v2 =	vsub.f32 v3, v2  }
0x3ba: {  	s22 =	sadd.s32 $0x100, s22;
	v3 =	vld [tilespmem:s21+$0x0];
	v10 =	vmul.f32 $3.333333430e-01, v10;
	v4 =	vadd.f32 v5, v4;
	v0 =	vand.u32 $0x7FFFFFFF, v0  }
0x3bb: {  	s23 =	sadd.s32 $0x100, s23;
	v5 =	vld [tilespmem:s22+$0x0];
	v7 =	vsub.f32 v7, v6;
	v2 =	vand.u32 $0x7FFFFFFF, v2;
	v0 =	vadd.f32 v0, v1  }
0x3bc: {  	v1 =	vld [tilespmem:s23+$0x0];
	v8 =	vsub.f32 v8, v6;
	[tilespmem:s20+$0x30] =	vst v10;
	v2 =	vadd.f32 v2, v4  }
0x3bd: {  	v4 =	vand.u32 $0x7FFFFFFF, v7;
	v6 =	vsub.f32 v9, v6;
	v7 =	vld [tilespmem:s18+$0x40];
	v0 =	vmul.f32 $3.333333430e-01, v0  }
0x3be: {  	v8 =	vand.u32 $0x7FFFFFFF, v8;
	v9 =	vld [tilespmem:s5+$0x40];
	v2 =	vmul.f32 $3.333333430e-01, v2  }
0x3bf: {  	v4 =	vadd.f32 v8, v4;
	v6 =	vand.u32 $0x7FFFFFFF, v6;
	v8 =	vld [tilespmem:s4+$0x40];
	[tilespmem:s24+$0xFFFFFFF0] =	vst v0;
	s24 =	smov.u32 s25;
	s25 =	smov.u32 s20  }
0x3c0: {  	v0 =	vsub.f32 v3, v11;
	v10 =	vld [tilespmem:s21+$0xFFFFFF80];
	v3 =	vsub.f32 v5, v11;
	[tilespmem:s24+$0x70] =	vst v2  }
0x3c1: {  	v2 =	vadd.f32 v6, v4;
	v4 =	vld [tilespmem:s2+$0x40]  }
0x3c2: {  	v0 =	vand.u32 $0x7FFFFFFF, v0;
	v1 =	vsub.f32 v1, v11;
	v5 =	vld [tilespmem:s22+$0xFFFFFF80];
	v3 =	vand.u32 $0x7FFFFFFF, v3  }
0x3c3: {  	v6 =	vld [tilespmem:s7+$0xFFFFFF80];
	v0 =	vadd.f32 v3, v0;
	v2 =	vmul.f32 $3.333333430e-01, v2  }
0x3c4: {  	v1 =	vand.u32 $0x7FFFFFFF, v1;
	v9 =	vsub.f32 v9, v7;
	v3 =	vld [tilespmem:s23+$0xFFFFFF80];
	v8 =	vsub.f32 v8, v7  }
0x3c5: {  	v1 =	vadd.f32 v1, v0;
	[tilespmem:s20+$0xFFFFFFB0] =	vst v2;
	v0 =	vld [tilespmem:s30+$0xFFFFFFF0];
	s30 =	smov.u32 s18;
	s18 =	smov.u32 s7  }
0x3c6: {  	v9 =	vand.u32 $0x7FFFFFFF, v9;
	v2 =	vld [tilespmem:s30+$0xFFFFFFC0];
	v8 =	vand.u32 $0x7FFFFFFF, v8;
	v4 =	vsub.f32 v4, v7  }
0x3c7: {  	v1 =	vmul.f32 $3.333333430e-01, v1;
	v7 =	vld [tilespmem:s5+$0xFFFFFFC0];
	v8 =	vadd.f32 v8, v9  }
0x3c8: {  	s20 =	sadd.s32 $0x100, s20;
	v9 =	vsub.f32 v10, v6;
	v5 =	vsub.f32 v5, v6;
	v10 =	vld [tilespmem:s4+$0xFFFFFFC0];
	v4 =	vand.u32 $0x7FFFFFFF, v4  }
0x3c9: {  	s6 =	sadd.s32 $0x2, s6;
	v3 =	vsub.f32 v3, v6;
	[tilespmem:s20+$0x0] =	vst v1;
	v1 =	vld [tilespmem:s2+$0xFFFFFFC0];
	v4 =	vadd.f32 v4, v8  }
0x3ca: {  	p1 =	slt.u32 s6, $0x4E;
	v6 =	vand.u32 $0x7FFFFFFF, v9;
	v5 =	vand.u32 $0x7FFFFFFF, v5;
	v8 =	vld [tilespmem:s7+$0x10]  }
0x3cb: {  	v5 =	vadd.f32 v5, v6;
	v3 =	vand.u32 $0x7FFFFFFF, v3;
	v6 =	vld [tilespmem:s21+$0x10];
	v4 =	vmul.f32 $3.333333430e-01, v4  }
0x3cc: {  	v9 =	vld [tilespmem:s22+$0x10];
	v7 =	vsub.f32 v7, v2  }
0x3cd: {  	v3 =	vadd.f32 v3, v5;
	v5 =	vld [tilespmem:s23+$0x10];
	v10 =	vsub.f32 v10, v2;
	[tilespmem:s25+$0x40] =	vst v4  }
0x3ce: {  	v4 =	vand.u32 $0x7FFFFFFF, v7;
	v1 =	vsub.f32 v1, v2;
	v2 =	vld [tilespmem:s30+$0x50]  }
0x3cf: {  	v3 =	vmul.f32 $3.333333430e-01, v3;
	v7 =	vand.u32 $0x7FFFFFFF, v10;
	v10 =	vld [tilespmem:s5+$0x50]  }
0x3d0: {  	v4 =	vadd.f32 v7, v4;
	v1 =	vand.u32 $0x7FFFFFFF, v1;
	v7 =	vld [tilespmem:s4+$0x50]  }
0x3d1: {  	[tilespmem:s20+$0xFFFFFF80] =	vst v3;
	v3 =	vsub.f32 v6, v8;
	v6 =	vsub.f32 v9, v8;
	v9 =	vld [tilespmem:s17+$0xFFFFFFF0];
	s17 =	smov.u32 s5;
	s5 =	smov.u32 s21  }
0x3d2: {  	v1 =	vadd.f32 v1, v4;
	v4 =	vld [tilespmem:s2+$0x50]  }
0x3d3: {  	v5 =	vsub.f32 v5, v8;
	v11 =	vld [tilespmem:s7+$0xFFFFFF90];
	v3 =	vand.u32 $0x7FFFFFFF, v3;
	v6 =	vand.u32 $0x7FFFFFFF, v6  }
0x3d4: {  	v8 =	vld [tilespmem:s21+$0xFFFFFF90];
	v3 =	vadd.f32 v6, v3;
	v1 =	vmul.f32 $3.333333430e-01, v1  }
0x3d5: {  	v5 =	vand.u32 $0x7FFFFFFF, v5;
	v10 =	vsub.f32 v10, v2;
	v6 =	vld [tilespmem:s22+$0xFFFFFF90];
	v7 =	vsub.f32 v7, v2  }
0x3d6: {  	v12 =	vld [tilespmem:s23+$0xFFFFFF90];
	v3 =	vadd.f32 v5, v3;
	[tilespmem:s25+$0xFFFFFFC0] =	vst v1;
	v1 =	vsub.f32 v9, v0  }
0x3d7: {  	v9 =	vand.u32 $0x7FFFFFFF, v10;
	v5 =	vld [tilespmem:s30+$0xFFFFFFD0];
	v7 =	vand.u32 $0x7FFFFFFF, v7;
	v2 =	vsub.f32 v4, v2  }
0x3d8: {  	v3 =	vmul.f32 $3.333333430e-01, v3;
	v4 =	vld [tilespmem:s17+$0xFFFFFFD0];
	v7 =	vadd.f32 v7, v9;
	v1 =	vand.u32 $0x7FFFFFFF, v1  }
0x3d9: {  	v8 =	vsub.f32 v8, v11;
	v9 =	vld [tilespmem:s4+$0xFFFFFFD0];
	v2 =	vand.u32 $0x7FFFFFFF, v2  }
0x3da: {  	v6 =	vsub.f32 v6, v11;
	[tilespmem:s20+$0x10] =	vst v3;
	v3 =	vld [tilespmem:s2+$0xFFFFFFD0];
	v2 =	vadd.f32 v2, v7  }
0x3db: {  	v7 =	vand.u32 $0x7FFFFFFF, v8;
	v8 =	vsub.f32 v12, v11;
	v10 =	vld [tilespmem:s7+$0x20]  }
0x3dc: {  	v6 =	vand.u32 $0x7FFFFFFF, v6;
	v11 =	vld [tilespmem:s21+$0x20];
	v2 =	vmul.f32 $3.333333430e-01, v2  }
0x3dd: {  	v6 =	vadd.f32 v6, v7;
	v7 =	vand.u32 $0x7FFFFFFF, v8;
	v8 =	vld [tilespmem:s22+$0x20];
	v4 =	vsub.f32 v4, v5  }
0x3de: {  	v12 =	vld [tilespmem:s23+$0x20];
	v9 =	vsub.f32 v9, v5;
	[tilespmem:s25+$0x50] =	vst v2  }
0x3df: {  	v2 =	vadd.f32 v7, v6;
	v4 =	vand.u32 $0x7FFFFFFF, v4;
	v3 =	vsub.f32 v3, v5;
	v5 =	vld [tilespmem:s30+$0x60]  }
0x3e0: {  	v6 =	vand.u32 $0x7FFFFFFF, v9;
	v7 =	vld [tilespmem:s17+$0x60]  }
0x3e1: {  	v2 =	vmul.f32 $3.333333430e-01, v2;
	v4 =	vadd.f32 v6, v4;
	v3 =	vand.u32 $0x7FFFFFFF, v3;
	v6 =	vld [tilespmem:s4+$0x60]  }
0x3e2: {  	v9 =	vsub.f32 v11, v10;
	v8 =	vsub.f32 v8, v10;
	v11 =	vld [tilespmem:s28+$0xFFFFFFF0];
	s28 =	smov.u32 s4;
	s4 =	smov.u32 s22  }
0x3e3: {  	[tilespmem:s20+$0xFFFFFF90] =	vst v2;
	v2 =	vadd.f32 v3, v4;
	v3 =	vld [tilespmem:s2+$0x60]  }
0x3e4: {  	v9 =	vand.u32 $0x7FFFFFFF, v9;
	v10 =	vsub.f32 v12, v10;
	v4 =	vld [tilespmem:s7+$0xFFFFFFA0];
	v8 =	vand.u32 $0x7FFFFFFF, v8  }
0x3e5: {  	v12 =	vld [tilespmem:s21+$0xFFFFFFA0];
	v8 =	vadd.f32 v8, v9;
	v2 =	vmul.f32 $3.333333430e-01, v2  }
0x3e6: {  	v10 =	vand.u32 $0x7FFFFFFF, v10;
	v7 =	vsub.f32 v7, v5;
	v9 =	vld [tilespmem:s22+$0xFFFFFFA0];
	v6 =	vsub.f32 v6, v5  }
0x3e7: {  	v13 =	vld [tilespmem:s23+$0xFFFFFFA0];
	v8 =	vadd.f32 v10, v8;
	[tilespmem:s25+$0xFFFFFFD0] =	vst v2;
	v2 =	vsub.f32 v11, v0  }
0x3e8: {  	v7 =	vand.u32 $0x7FFFFFFF, v7;
	v10 =	vld [tilespmem:s30+$0xFFFFFFE0];
	v6 =	vand.u32 $0x7FFFFFFF, v6;
	v3 =	vsub.f32 v3, v5  }
0x3e9: {  	v5 =	vmul.f32 $3.333333430e-01, v8;
	v8 =	vld [tilespmem:s17+$0xFFFFFFE0];
	v6 =	vadd.f32 v6, v7;
	v2 =	vand.u32 $0x7FFFFFFF, v2  }
0x3ea: {  	v7 =	vsub.f32 v12, v4;
	v11 =	vld [tilespmem:s28+$0xFFFFFFE0];
	v3 =	vand.u32 $0x7FFFFFFF, v3;
	v1 =	vadd.f32 v2, v1  }
0x3eb: {  	v2 =	vsub.f32 v9, v4;
	[tilespmem:s20+$0x20] =	vst v5;
	v5 =	vld [tilespmem:s2+$0xFFFFFFE0];
	v3 =	vadd.f32 v3, v6  }
0x3ec: {  	v6 =	vand.u32 $0x7FFFFFFF, v7;
	v4 =	vsub.f32 v13, v4;
	v7 =	vld [tilespmem:s7+$0x30]  }
0x3ed: {  	v2 =	vand.u32 $0x7FFFFFFF, v2;
	v9 =	vld [tilespmem:s21+$0x30];
	v3 =	vmul.f32 $3.333333430e-01, v3  }
0x3ee: {  	v2 =	vadd.f32 v2, v6;
	v4 =	vand.u32 $0x7FFFFFFF, v4;
	v6 =	vld [tilespmem:s22+$0x30];
	v8 =	vsub.f32 v8, v10  }
0x3ef: {  	v12 =	vld [tilespmem:s23+$0x30];
	v11 =	vsub.f32 v11, v10;
	[tilespmem:s25+$0x60] =	vst v3  }
0x3f0: {  	v3 =	vadd.f32 v4, v2;
	v4 =	vand.u32 $0x7FFFFFFF, v8;
	v5 =	vsub.f32 v5, v10;
	v2 =	vld [tilespmem:s30+$0x70]  }
0x3f1: {  	v8 =	vand.u32 $0x7FFFFFFF, v11;
	v10 =	vld [tilespmem:s17+$0x70]  }
0x3f2: {  	v3 =	vmul.f32 $3.333333430e-01, v3;
	v4 =	vadd.f32 v8, v4;
	v5 =	vand.u32 $0x7FFFFFFF, v5;
	v11 =	vld [tilespmem:s28+$0x70]  }
0x3f3: {  	v8 =	vsub.f32 v9, v7;
	v9 =	vsub.f32 v6, v7;
	v13 =	vld [tilespmem:s14+$0xFFFFFFF0];
	s14 =	smov.u32 s2;
	s2 =	smov.u32 s23  }
.Ltmp4:
0x3f4: {  	[tilespmem:s20+$0xFFFFFFA0] =	vst v3;
	v4 =	vadd.f32 v5, v4;
	v3 =	vld [tilespmem:s14+$0x70];
	(pc) =	sbr.rel @p1 .LBB2_6-.Ltmp4, $4  }
0x3f5: {  	v5 =	vand.u32 $0x7FFFFFFF, v8;
	v6 =	vld [tilespmem:s7+$0xFFFFFFB0];
	v8 =	vand.u32 $0x7FFFFFFF, v9;
	v9 =	vsub.f32 v12, v7  }
0x3f6: {  	v7 =	vld [tilespmem:s21+$0xFFFFFFB0];
	v12 =	vadd.f32 v8, v5;
	v14 =	vmul.f32 $3.333333430e-01, v4  }
0x3f7: {  	v4 =	vsub.f32 v10, v2;
	v8 =	vld [tilespmem:s22+$0xFFFFFFB0];
	v15 =	vand.u32 $0x7FFFFFFF, v9;
	v5 =	vsub.f32 v11, v2  }
0x3f8: {  	s7 =	sadd.s32 $0x100, s7;
	v9 =	vld [tilespmem:s23+$0xFFFFFFB0];
	v10 =	vadd.f32 v15, v12;
	[tilespmem:s25+$0xFFFFFFE0] =	vst v14;
	v0 =	vsub.f32 v13, v0  }
0x3f9: {  	_ =	sdelay $0x2  }
0x3fa: {  	v7 =	vsub.f32 v7, v6;
	v8 =	vsub.f32 v8, v6;
	_ =	sdelay $0x1  }
0x3fb: {  	v7 =	vand.u32 $0x7FFFFFFF, v7;
	v62 =	vsub.f32 v9, v6;
	v8 =	vand.u32 $0x7FFFFFFF, v8  }
0x3fc: {  	v10 =	vmul.f32 $3.333333430e-01, v10;
	v7 =	vadd.f32 v8, v7  }
0x3fd: {  	v6 =	vand.u32 $0x7FFFFFFF, v62  }
0x3fe: {  	[tilespmem:s20+$0x30] =	vst v10;
	v6 =	vadd.f32 v6, v7  }
0x3ff: {  	v63 =	vld [tilespmem:s18+$0x40]  }
0x400: {  	v14 =	vld [tilespmem:s5+$0x40];
	v6 =	vmul.f32 $3.333333430e-01, v6  }
0x401: {  	v15 =	vld [tilespmem:s4+$0x40]  }
0x402: {  	v10 =	vld [tilespmem:s2+$0x40];
	[tilespmem:s20+$0xFFFFFFB0] =	vst v6  }
0x403: {  	v6 =	vld [tilespmem:s18+$0xFFFFFFC0]  }
0x404: {  	v11 =	vld [tilespmem:s5+$0xFFFFFFC0]  }
0x405: {  	v12 =	vld [tilespmem:s4+$0xFFFFFFC0]  }
0x406: {  	v9 =	vsub.f32 v14, v63;
	v7 =	vsub.f32 v15, v63  }
0x407: {  	v16 =	vld [tilespmem:s2+$0xFFFFFFC0]  }
0x408: {  	v8 =	vsub.f32 v10, v63;
	v9 =	vand.u32 $0x7FFFFFFF, v9;
	v7 =	vand.u32 $0x7FFFFFFF, v7  }
0x409: {  	v7 =	vadd.f32 v7, v9  }
0x40a: {  	v8 =	vand.u32 $0x7FFFFFFF, v8;
	v17 =	vsub.f32 v11, v6;
	v18 =	vsub.f32 v12, v6  }
0x40b: {  	v7 =	vadd.f32 v8, v7  }
0x40c: {  	v6 =	vsub.f32 v16, v6;
	v8 =	vand.u32 $0x7FFFFFFF, v17;
	v19 =	vand.u32 $0x7FFFFFFF, v18  }
0x40d: {  	v7 =	vmul.f32 $3.333333430e-01, v7;
	v20 =	vadd.f32 v19, v8  }
0x40e: {  	v6 =	vand.u32 $0x7FFFFFFF, v6  }
0x40f: {  	[tilespmem:s20+$0x40] =	vst v7;
	v6 =	vadd.f32 v6, v20  }
0x410: {  	v21 =	vld [tilespmem:s18+$0x50]  }
0x411: {  	v22 =	vld [tilespmem:s5+$0x50];
	v6 =	vmul.f32 $3.333333430e-01, v6  }
0x412: {  	v23 =	vld [tilespmem:s4+$0x50]  }
0x413: {  	v24 =	vld [tilespmem:s2+$0x50];
	[tilespmem:s20+$0xFFFFFFC0] =	vst v6  }
0x414: {  	v6 =	vld [tilespmem:s18+$0xFFFFFFD0]  }
0x415: {  	v25 =	vld [tilespmem:s5+$0xFFFFFFD0]  }
0x416: {  	v26 =	vld [tilespmem:s4+$0xFFFFFFD0]  }
0x417: {  	v9 =	vsub.f32 v22, v21;
	v7 =	vsub.f32 v23, v21  }
0x418: {  	v27 =	vld [tilespmem:s2+$0xFFFFFFD0]  }
0x419: {  	v8 =	vsub.f32 v24, v21;
	v9 =	vand.u32 $0x7FFFFFFF, v9;
	v7 =	vand.u32 $0x7FFFFFFF, v7  }
0x41a: {  	v7 =	vadd.f32 v7, v9  }
0x41b: {  	v8 =	vand.u32 $0x7FFFFFFF, v8;
	v28 =	vsub.f32 v25, v6;
	v29 =	vsub.f32 v26, v6  }
0x41c: {  	v7 =	vadd.f32 v8, v7  }
0x41d: {  	v6 =	vsub.f32 v27, v6;
	v8 =	vand.u32 $0x7FFFFFFF, v28;
	v30 =	vand.u32 $0x7FFFFFFF, v29  }
0x41e: {  	v7 =	vmul.f32 $3.333333430e-01, v7;
	v31 =	vadd.f32 v30, v8  }
0x41f: {  	v6 =	vand.u32 $0x7FFFFFFF, v6  }
0x420: {  	[tilespmem:s20+$0x50] =	vst v7;
	v6 =	vadd.f32 v6, v31  }
0x421: {  	v32 =	vld [tilespmem:s18+$0x60]  }
0x422: {  	v33 =	vld [tilespmem:s5+$0x60];
	v6 =	vmul.f32 $3.333333430e-01, v6  }
0x423: {  	v34 =	vld [tilespmem:s4+$0x60]  }
0x424: {  	v35 =	vld [tilespmem:s2+$0x60];
	[tilespmem:s20+$0xFFFFFFD0] =	vst v6  }
0x425: {  	v6 =	vld [tilespmem:s18+$0xFFFFFFE0]  }
0x426: {  	v36 =	vld [tilespmem:s5+$0xFFFFFFE0]  }
0x427: {  	v37 =	vld [tilespmem:s4+$0xFFFFFFE0]  }
0x428: {  	v9 =	vsub.f32 v33, v32;
	v7 =	vsub.f32 v34, v32  }
0x429: {  	v38 =	vld [tilespmem:s2+$0xFFFFFFE0]  }
0x42a: {  	v8 =	vsub.f32 v35, v32;
	v9 =	vand.u32 $0x7FFFFFFF, v9;
	v7 =	vand.u32 $0x7FFFFFFF, v7  }
0x42b: {  	v7 =	vadd.f32 v7, v9  }
0x42c: {  	v8 =	vand.u32 $0x7FFFFFFF, v8;
	v39 =	vsub.f32 v36, v6;
	v40 =	vsub.f32 v37, v6  }
0x42d: {  	v7 =	vadd.f32 v8, v7  }
0x42e: {  	v6 =	vsub.f32 v38, v6;
	v8 =	vand.u32 $0x7FFFFFFF, v39;
	v42 =	vand.u32 $0x7FFFFFFF, v40  }
0x42f: {  	v41 =	vld [tilespmem:s30+$0xFFFFFFF0];
	v8 =	vadd.f32 v42, v8  }
0x430: {  	v43 =	vld [tilespmem:s17+$0xFFFFFFF0];
	v7 =	vmul.f32 $3.333333430e-01, v7;
	v6 =	vand.u32 $0x7FFFFFFF, v6  }
0x431: {  	v44 =	vld [tilespmem:s28+$0xFFFFFFF0];
	v6 =	vadd.f32 v6, v8  }
0x432: {  	v13 =	vld [tilespmem:s14+$0xFFFFFFF0];
	[tilespmem:s20+$0x60] =	vst v7  }
0x433: {  	v7 =	vld [tilespmem:s18+$0x70];
	v6 =	vmul.f32 $3.333333430e-01, v6  }
0x434: {  	v45 =	vld [tilespmem:s5+$0x70]  }
0x435: {  	v46 =	vld [tilespmem:s4+$0x70];
	[tilespmem:s20+$0xFFFFFFE0] =	vst v6  }
0x436: {  	v4 =	vand.u32 $0x7FFFFFFF, v4;
	v47 =	vld [tilespmem:s18+$0xFFFFFFF0]  }
0x437: {  	v5 =	vand.u32 $0x7FFFFFFF, v5;
	v2 =	vsub.f32 v3, v2;
	v0 =	vand.u32 $0x7FFFFFFF, v0;
	v48 =	vld [tilespmem:s5+$0xFFFFFFF0]  }
0x438: {  	v4 =	vadd.f32 v5, v4;
	v0 =	vadd.f32 v0, v1;
	v50 =	vld [tilespmem:s4+$0xFFFFFFF0]  }
0x439: {  	v2 =	vand.u32 $0x7FFFFFFF, v2;
	v49 =	vsub.f32 v43, v41;
	v9 =	vsub.f32 v44, v41;
	v14 =	vld [tilespmem:s2+$0x70]  }
0x43a: {  	v51 =	vadd.f32 v2, v4;
	v0 =	vmul.f32 $3.333333430e-01, v0;
	v56 =	vsub.f32 v46, v7;
	v55 =	vld [tilespmem:s2+$0xFFFFFFF0]  }
0x43b: {  	v52 =	vand.u32 $0x7FFFFFFF, v49;
	v53 =	vand.u32 $0x7FFFFFFF, v9;
	v54 =	vsub.f32 v45, v7  }
0x43c: {  	v57 =	vsub.f32 v13, v41;
	v2 =	vadd.f32 v53, v52;
	v4 =	vand.u32 $0x7FFFFFFF, v56  }
0x43d: {  	v6 =	vand.u32 $0x7FFFFFFF, v54;
	v5 =	vsub.f32 v48, v47;
	v10 =	vsub.f32 v50, v47  }
0x43e: {  	v58 =	vand.u32 $0x7FFFFFFF, v57;
	v7 =	vsub.f32 v14, v7;
	v4 =	vadd.f32 v4, v6  }
0x43f: {  	v3 =	vsub.f32 v55, v47;
	v5 =	vand.u32 $0x7FFFFFFF, v5;
	v59 =	vand.u32 $0x7FFFFFFF, v10  }
0x440: {  	v2 =	vadd.f32 v58, v2;
	v7 =	vand.u32 $0x7FFFFFFF, v7;
	v5 =	vadd.f32 v59, v5  }
0x441: {  	v1 =	vmul.f32 $3.333333430e-01, v51;
	v4 =	vadd.f32 v7, v4;
	v3 =	vand.u32 $0x7FFFFFFF, v3  }
0x442: {  	[tilespmem:s24+$0xFFFFFFF0] =	vst v0;
	v60 =	vmul.f32 $3.333333430e-01, v2;
	v61 =	vadd.f32 v3, v5  }
.Ltmp5:
0x443: {  	[tilespmem:s25+$0x70] =	vst v1;
	v62 =	vmul.f32 $3.333333430e-01, v4;
	(pc) =	sbr.rel @p0 .LBB2_8-.Ltmp5, $4  }
0x444: {  	[tilespmem:s25+$0xFFFFFFF0] =	vst v60;
	v63 =	vmul.f32 $3.333333430e-01, v61  }
0x445: {  	[tilespmem:s20+$0x70] =	vst v62  }
0x446: {  	s30 =	simm.s32 $0xA480;
	[tilespmem:s20+$0xFFFFFFF0] =	vst v63  }
0x447: {  	[hbm4b:s13+s3] =	stream.linear.scatter [tilespmem:s30], [sflag:$0x3], $0x2800, $0x38;
	[tilespmem:$0x19480] =	vst v63  }
0x448: {  	_ =	swait.ge [sflag:s26], $0x2800  }
0x449: {  	[sflag:s26] =	ssyncset.done $0x0  }
0x44a: {  	[sflag:s26] =	ssyncadd.s32 $0xFFFFD800  }
0x44b: {  	_ =	swait.ge [sflag:s26], $0x2800  }
0x44c: {  	[sflag:s26] =	ssyncset.done $0x0  }
0x44d: {  	[sflag:s26] =	ssyncadd.s32 $0xFFFFD800  }
0x44e: {  	_ =	swait.ge [sflag:s26], $0x2800  }
0x44f: {  	[sflag:s26] =	ssyncset.done $0x0  }
0x450: {  	[sflag:s26] =	ssyncadd.s32 $0xFFFFD800  }
0x451: {  	_ =	swait.ge [sflag:s26], $0x2800  }
0x452: {  	[sflag:s26] =	ssyncset.done $0x0  }
0x453: {  	s2 =	simm.s32 $0x4;
	[sflag:s26] =	ssyncadd.s32 $0xFFFFD800  }
0x454: {  	_ =	swait.ge [sflag:s2], $0x2800  }
0x455: {  	[sflag:s2] =	ssyncset.done $0x0  }
0x456: {  	s6 =	simm.s32 $0x14500;
	[sflag:s2] =	ssyncadd.s32 $0xFFFFD800  }
0x457: {  	s5 =	simm.s32 $0xCD00;
	v0 =	vld [tilespmem:s6+$0x0]  }
0x458: {  	s4 =	simm.s32 $0xF500;
	v1 =	vld [tilespmem:s5+$0x0]  }
0x459: {  	v2 =	vld [tilespmem:s4+$0x0]  }
0x45a: {  	s7 =	simm.s32 $0x11D00  }
0x45b: {  	v3 =	vld [tilespmem:s7+$0x0];
	_ =	sdelay $0x2  }
0x45c: {  	v1 =	vsub.f32 v1, v0;
	v2 =	vsub.f32 v2, v0;
	_ =	sdelay $0x1  }
0x45d: {  	v4 =	vld [tilespmem:s5+$0xFFFFFF80];
	v0 =	vsub.f32 v3, v0;
	v1 =	vand.u32 $0x7FFFFFFF, v1;
	v2 =	vand.u32 $0x7FFFFFFF, v2  }
0x45e: {  	v3 =	vld [tilespmem:s4+$0xFFFFFF80];
	v1 =	vadd.f32 v2, v1  }
0x45f: {  	v0 =	vand.u32 $0x7FFFFFFF, v0;
	v2 =	vld [tilespmem:s6+$0xFFFFFF80]  }
0x460: {  	v0 =	vadd.f32 v0, v1  }
0x461: {  	v1 =	vld [tilespmem:s7+$0xFFFFFF80]  }
0x462: {  	v0 =	vmul.f32 $3.333333430e-01, v0  }
0x463: {  	s24 =	simm.s32 $0x16D00  }
0x464: {  	v4 =	vsub.f32 v4, v2;
	v3 =	vsub.f32 v3, v2;
	[tilespmem:s24+$0x0] =	vst v0  }
0x465: {  	v0 =	vld [tilespmem:s6+$0x10]  }
0x466: {  	v1 =	vsub.f32 v1, v2;
	v2 =	vand.u32 $0x7FFFFFFF, v4;
	v3 =	vand.u32 $0x7FFFFFFF, v3;
	v4 =	vld [tilespmem:s5+$0x10]  }
0x467: {  	v2 =	vadd.f32 v3, v2;
	v3 =	vld [tilespmem:s4+$0x10]  }
0x468: {  	v1 =	vand.u32 $0x7FFFFFFF, v1  }
0x469: {  	v1 =	vadd.f32 v1, v2;
	v2 =	vld [tilespmem:s7+$0x10];
	_ =	sdelay $0x1  }
0x46a: {  	v1 =	vmul.f32 $3.333333430e-01, v1  }
0x46b: {  	v4 =	vsub.f32 v4, v0;
	v3 =	vsub.f32 v3, v0  }
0x46c: {  	[tilespmem:s24+$0xFFFFFF80] =	vst v1  }
0x46d: {  	v4 =	vand.u32 $0x7FFFFFFF, v4;
	v1 =	vld [tilespmem:s6+$0xFFFFFF90];
	v3 =	vand.u32 $0x7FFFFFFF, v3;
	v0 =	vsub.f32 v2, v0  }
0x46e: {  	v2 =	vld [tilespmem:s5+$0xFFFFFF90];
	v3 =	vadd.f32 v3, v4  }
0x46f: {  	v4 =	vld [tilespmem:s4+$0xFFFFFF90];
	v0 =	vand.u32 $0x7FFFFFFF, v0  }
0x470: {  	v0 =	vadd.f32 v0, v3  }
0x471: {  	v3 =	vld [tilespmem:s7+$0xFFFFFF90]  }
0x472: {  	v0 =	vmul.f32 $3.333333430e-01, v0;
	_ =	sdelay $0x1  }
0x473: {  	v2 =	vsub.f32 v2, v1;
	v4 =	vsub.f32 v4, v1;
	[tilespmem:s24+$0x10] =	vst v0  }
0x474: {  	v0 =	vld [tilespmem:s6+$0x20]  }
0x475: {  	v2 =	vand.u32 $0x7FFFFFFF, v2;
	v1 =	vsub.f32 v3, v1;
	v3 =	vand.u32 $0x7FFFFFFF, v4;
	v4 =	vld [tilespmem:s5+$0x20]  }
0x476: {  	v2 =	vadd.f32 v3, v2;
	v3 =	vld [tilespmem:s4+$0x20]  }
0x477: {  	v1 =	vand.u32 $0x7FFFFFFF, v1  }
0x478: {  	v5 =	vld [tilespmem:s7+$0x20];
	v1 =	vadd.f32 v1, v2;
	_ =	sdelay $0x1  }
0x479: {  	v1 =	vmul.f32 $3.333333430e-01, v1  }
0x47a: {  	v2 =	vsub.f32 v4, v0;
	v3 =	vsub.f32 v3, v0  }
0x47b: {  	[tilespmem:s24+$0xFFFFFF90] =	vst v1  }
0x47c: {  	v0 =	vsub.f32 v5, v0;
	v2 =	vand.u32 $0x7FFFFFFF, v2;
	v1 =	vld [tilespmem:s6+$0xFFFFFFA0];
	v3 =	vand.u32 $0x7FFFFFFF, v3  }
0x47d: {  	v4 =	vld [tilespmem:s5+$0xFFFFFFA0];
	v2 =	vadd.f32 v3, v2  }
0x47e: {  	v0 =	vand.u32 $0x7FFFFFFF, v0;
	v3 =	vld [tilespmem:s4+$0xFFFFFFA0]  }
0x47f: {  	v0 =	vadd.f32 v0, v2  }
0x480: {  	v2 =	vld [tilespmem:s7+$0xFFFFFFA0]  }
0x481: {  	v0 =	vmul.f32 $3.333333430e-01, v0;
	_ =	sdelay $0x1  }
0x482: {  	v4 =	vsub.f32 v4, v1;
	v3 =	vsub.f32 v3, v1;
	[tilespmem:s24+$0x20] =	vst v0  }
0x483: {  	v0 =	vld [tilespmem:s6+$0x30]  }
0x484: {  	v4 =	vand.u32 $0x7FFFFFFF, v4;
	v1 =	vsub.f32 v2, v1;
	v2 =	vand.u32 $0x7FFFFFFF, v3;
	v3 =	vld [tilespmem:s5+$0x30]  }
0x485: {  	v2 =	vadd.f32 v2, v4;
	v4 =	vld [tilespmem:s4+$0x30]  }
0x486: {  	v1 =	vand.u32 $0x7FFFFFFF, v1  }
0x487: {  	v5 =	vld [tilespmem:s7+$0x30];
	v1 =	vadd.f32 v1, v2;
	_ =	sdelay $0x1  }
0x488: {  	v1 =	vmul.f32 $3.333333430e-01, v1  }
0x489: {  	v2 =	vsub.f32 v3, v0;
	v3 =	vsub.f32 v4, v0  }
0x48a: {  	[tilespmem:s24+$0xFFFFFFA0] =	vst v1  }
0x48b: {  	v0 =	vsub.f32 v5, v0;
	v2 =	vand.u32 $0x7FFFFFFF, v2;
	v1 =	vld [tilespmem:s6+$0xFFFFFFB0];
	v3 =	vand.u32 $0x7FFFFFFF, v3  }
0x48c: {  	v4 =	vld [tilespmem:s5+$0xFFFFFFB0];
	v2 =	vadd.f32 v3, v2  }
0x48d: {  	s17 =	simm.s32 $0xCE00;
	v0 =	vand.u32 $0x7FFFFFFF, v0;
	v3 =	vld [tilespmem:s4+$0xFFFFFFB0]  }
0x48e: {  	v6 =	vld [tilespmem:s17+$0x0];
	v0 =	vadd.f32 v0, v2  }
0x48f: {  	s28 =	simm.s32 $0xF600;
	v5 =	vld [tilespmem:s7+$0xFFFFFFB0]  }
0x490: {  	s30 =	simm.s32 $0x14600;
	v7 =	vld [tilespmem:s28+$0x0];
	v0 =	vmul.f32 $3.333333430e-01, v0  }
0x491: {  	s14 =	simm.s32 $0x11E00;
	v2 =	vld [tilespmem:s30+$0x0]  }
0x492: {  	v8 =	vld [tilespmem:s14+$0x0];
	v4 =	vsub.f32 v4, v1;
	v3 =	vsub.f32 v3, v1;
	[tilespmem:s24+$0x30] =	vst v0  }
0x493: {  	v0 =	vld [tilespmem:s6+$0x40]  }
0x494: {  	v1 =	vsub.f32 v5, v1;
	v4 =	vand.u32 $0x7FFFFFFF, v4;
	v3 =	vand.u32 $0x7FFFFFFF, v3;
	v5 =	vld [tilespmem:s5+$0x40]  }
0x495: {  	v3 =	vadd.f32 v3, v4;
	v4 =	vld [tilespmem:s4+$0x40]  }
0x496: {  	v9 =	vld [tilespmem:s17+$0xFFFFFF80];
	v1 =	vand.u32 $0x7FFFFFFF, v1;
	v6 =	vsub.f32 v6, v2;
	v7 =	vsub.f32 v7, v2  }
0x497: {  	v1 =	vadd.f32 v1, v3;
	v3 =	vld [tilespmem:s7+$0x40]  }
0x498: {  	v10 =	vld [tilespmem:s28+$0xFFFFFF80];
	v2 =	vsub.f32 v8, v2;
	v6 =	vand.u32 $0x7FFFFFFF, v6;
	v7 =	vand.u32 $0x7FFFFFFF, v7  }
0x499: {  	v8 =	vld [tilespmem:s30+$0xFFFFFF80];
	v6 =	vadd.f32 v7, v6;
	v1 =	vmul.f32 $3.333333430e-01, v1  }
0x49a: {  	v2 =	vand.u32 $0x7FFFFFFF, v2;
	v5 =	vsub.f32 v5, v0;
	v4 =	vsub.f32 v4, v0  }
0x49b: {  	v7 =	vld [tilespmem:s14+$0xFFFFFF80];
	v2 =	vadd.f32 v2, v6;
	[tilespmem:s24+$0xFFFFFFB0] =	vst v1  }
0x49c: {  	v5 =	vand.u32 $0x7FFFFFFF, v5;
	v1 =	vld [tilespmem:s6+$0xFFFFFFC0];
	v4 =	vand.u32 $0x7FFFFFFF, v4;
	v0 =	vsub.f32 v3, v0  }
0x49d: {  	v2 =	vmul.f32 $3.333333430e-01, v2;
	v3 =	vld [tilespmem:s5+$0xFFFFFFC0];
	v4 =	vadd.f32 v4, v5  }
0x49e: {  	s25 =	simm.s32 $0x16E00;
	v6 =	vsub.f32 v10, v8;
	v5 =	vsub.f32 v9, v8;
	v9 =	vld [tilespmem:s4+$0xFFFFFFC0];
	v0 =	vand.u32 $0x7FFFFFFF, v0  }
0x49f: {  	[tilespmem:s25+$0x0] =	vst v2;
	v2 =	vld [tilespmem:s7+$0xFFFFFFC0];
	v0 =	vadd.f32 v0, v4  }
0x4a0: {  	v6 =	vand.u32 $0x7FFFFFFF, v6;
	v4 =	vsub.f32 v7, v8;
	v5 =	vand.u32 $0x7FFFFFFF, v5;
	v7 =	vld [tilespmem:s30+$0x10]  }
0x4a1: {  	v8 =	vld [tilespmem:s28+$0x10];
	v5 =	vadd.f32 v6, v5;
	v0 =	vmul.f32 $3.333333430e-01, v0  }
0x4a2: {  	v6 =	vld [tilespmem:s17+$0x10];
	v4 =	vand.u32 $0x7FFFFFFF, v4;
	v3 =	vsub.f32 v3, v1  }
0x4a3: {  	v4 =	vadd.f32 v4, v5;
	v5 =	vld [tilespmem:s14+$0x10];
	v9 =	vsub.f32 v9, v1;
	[tilespmem:s24+$0x40] =	vst v0  }
0x4a4: {  	v0 =	vand.u32 $0x7FFFFFFF, v3;
	v3 =	vld [tilespmem:s6+$0x50]  }
0x4a5: {  	v1 =	vsub.f32 v2, v1;
	v2 =	vmul.f32 $3.333333430e-01, v4;
	v4 =	vand.u32 $0x7FFFFFFF, v9;
	v9 =	vld [tilespmem:s5+$0x50]  }
0x4a6: {  	v0 =	vadd.f32 v4, v0;
	v4 =	vld [tilespmem:s4+$0x50]  }
0x4a7: {  	v1 =	vand.u32 $0x7FFFFFFF, v1;
	[tilespmem:s25+$0xFFFFFF80] =	vst v2;
	v2 =	vsub.f32 v6, v7;
	v6 =	vsub.f32 v8, v7;
	v8 =	vld [tilespmem:s7+$0x50]  }
0x4a8: {  	v0 =	vadd.f32 v1, v0;
	v1 =	vld [tilespmem:s30+$0xFFFFFF90]  }
0x4a9: {  	v5 =	vsub.f32 v5, v7;
	v7 =	vld [tilespmem:s17+$0xFFFFFF90];
	v2 =	vand.u32 $0x7FFFFFFF, v2;
	v6 =	vand.u32 $0x7FFFFFFF, v6  }
0x4aa: {  	v2 =	vadd.f32 v6, v2;
	v0 =	vmul.f32 $3.333333430e-01, v0;
	v6 =	vld [tilespmem:s28+$0xFFFFFF90]  }
0x4ab: {  	v5 =	vand.u32 $0x7FFFFFFF, v5;
	v9 =	vsub.f32 v9, v3;
	v4 =	vsub.f32 v4, v3  }
0x4ac: {  	v10 =	vld [tilespmem:s14+$0xFFFFFF90];
	v2 =	vadd.f32 v5, v2;
	[tilespmem:s24+$0xFFFFFFC0] =	vst v0  }
0x4ad: {  	v5 =	vand.u32 $0x7FFFFFFF, v9;
	v3 =	vsub.f32 v8, v3;
	v0 =	vld [tilespmem:s6+$0xFFFFFFD0];
	v4 =	vand.u32 $0x7FFFFFFF, v4  }
0x4ae: {  	v8 =	vld [tilespmem:s5+$0xFFFFFFD0];
	v2 =	vmul.f32 $3.333333430e-01, v2;
	v4 =	vadd.f32 v4, v5  }
0x4af: {  	v5 =	vsub.f32 v7, v1;
	v7 =	vld [tilespmem:s4+$0xFFFFFFD0];
	v3 =	vand.u32 $0x7FFFFFFF, v3;
	v6 =	vsub.f32 v6, v1  }
0x4b0: {  	[tilespmem:s25+$0x10] =	vst v2;
	v2 =	vld [tilespmem:s7+$0xFFFFFFD0];
	v3 =	vadd.f32 v3, v4  }
0x4b1: {  	v1 =	vsub.f32 v10, v1;
	v4 =	vand.u32 $0x7FFFFFFF, v5;
	v5 =	vld [tilespmem:s30+$0x20];
	v6 =	vand.u32 $0x7FFFFFFF, v6  }
0x4b2: {  	v9 =	vld [tilespmem:s17+$0x20];
	v3 =	vmul.f32 $3.333333430e-01, v3;
	v4 =	vadd.f32 v6, v4  }
0x4b3: {  	v1 =	vand.u32 $0x7FFFFFFF, v1;
	v6 =	vld [tilespmem:s28+$0x20]  }
0x4b4: {  	v10 =	vld [tilespmem:s14+$0x20];
	[tilespmem:s24+$0x50] =	vst v3;
	v1 =	vadd.f32 v1, v4  }
0x4b5: {  	v7 =	vsub.f32 v7, v0;
	v4 =	vld [tilespmem:s6+$0x60]  }
0x4b6: {  	v3 =	vsub.f32 v8, v0;
	v8 =	vld [tilespmem:s5+$0x60];
	v1 =	vmul.f32 $3.333333430e-01, v1  }
0x4b7: {  	v0 =	vsub.f32 v2, v0;
	v2 =	vld [tilespmem:s4+$0x60];
	v7 =	vand.u32 $0x7FFFFFFF, v7  }
0x4b8: {  	v3 =	vand.u32 $0x7FFFFFFF, v3;
	v9 =	vsub.f32 v9, v5;
	v6 =	vsub.f32 v6, v5;
	[tilespmem:s25+$0xFFFFFF90] =	vst v1;
	v1 =	vld [tilespmem:s7+$0x60]  }
0x4b9: {  	v3 =	vadd.f32 v7, v3;
	v0 =	vand.u32 $0x7FFFFFFF, v0;
	v7 =	vld [tilespmem:s30+$0xFFFFFFA0]  }
0x4ba: {  	v5 =	vsub.f32 v10, v5;
	v9 =	vand.u32 $0x7FFFFFFF, v9;
	v6 =	vand.u32 $0x7FFFFFFF, v6;
	v10 =	vld [tilespmem:s17+$0xFFFFFFA0]  }
0x4bb: {  	v0 =	vadd.f32 v0, v3;
	v3 =	vadd.f32 v6, v9;
	v6 =	vld [tilespmem:s28+$0xFFFFFFA0]  }
0x4bc: {  	v5 =	vand.u32 $0x7FFFFFFF, v5  }
0x4bd: {  	v9 =	vld [tilespmem:s14+$0xFFFFFFA0];
	v2 =	vsub.f32 v2, v4;
	v3 =	vadd.f32 v5, v3  }
0x4be: {  	v8 =	vsub.f32 v8, v4;
	v0 =	vmul.f32 $3.333333430e-01, v0  }
0x4bf: {  	s21 =	simm.s32 $0xCF00;
	v2 =	vand.u32 $0x7FFFFFFF, v2;
	v1 =	vsub.f32 v1, v4;
	v4 =	vmul.f32 $3.333333430e-01, v3  }
0x4c0: {  	s22 =	simm.s32 $0xF700;
	v12 =	vld [tilespmem:s21+$0x0];
	[tilespmem:s24+$0xFFFFFFD0] =	vst v0;
	v0 =	vand.u32 $0x7FFFFFFF, v8;
	v5 =	vsub.f32 v10, v7;
	v6 =	vsub.f32 v6, v7  }
0x4c1: {  	v14 =	vld [tilespmem:s22+$0x0];
	v0 =	vadd.f32 v2, v0;
	v1 =	vand.u32 $0x7FFFFFFF, v1;
	[tilespmem:s25+$0x20] =	vst v4  }
0x4c2: {  	v2 =	vand.u32 $0x7FFFFFFF, v5;
	v4 =	vsub.f32 v9, v7;
	v5 =	vld [tilespmem:s30+$0x30];
	v6 =	vand.u32 $0x7FFFFFFF, v6  }
0x4c3: {  	v0 =	vadd.f32 v1, v0;
	v7 =	vld [tilespmem:s17+$0x30];
	v1 =	vadd.f32 v6, v2  }
0x4c4: {  	s23 =	simm.s32 $0x11F00;
	v2 =	vand.u32 $0x7FFFFFFF, v4;
	v4 =	vld [tilespmem:s28+$0x30]  }
0x4c5: {  	v15 =	vld [tilespmem:s23+$0x0];
	v1 =	vadd.f32 v2, v1  }
0x4c6: {  	v2 =	vld [tilespmem:s14+$0x30]  }
0x4c7: {  	v16 =	vld [tilespmem:s21+$0xFFFFFF80];
	v10 =	vmul.f32 $3.333333430e-01, v1  }
0x4c8: {  	s18 =	simm.s32 $0x14700;
	v39 =	vld [tilespmem:s22+$0xFFFFFF80]  }
0x4c9: {  	v40 =	vld [tilespmem:s18+$0xFFFFFF80];
	v7 =	vsub.f32 v7, v5;
	v4 =	vsub.f32 v4, v5;
	[tilespmem:s25+$0xFFFFFFA0] =	vst v10  }
0x4ca: {  	v10 =	vld [tilespmem:s30+$0xFFFFFFB0]  }
0x4cb: {  	v7 =	vand.u32 $0x7FFFFFFF, v7;
	v4 =	vand.u32 $0x7FFFFFFF, v4;
	v2 =	vsub.f32 v2, v5;
	v5 =	vld [tilespmem:s17+$0xFFFFFFB0]  }
0x4cc: {  	v4 =	vadd.f32 v4, v7;
	v7 =	vld [tilespmem:s28+$0xFFFFFFB0]  }
0x4cd: {  	v17 =	vld [tilespmem:s23+$0xFFFFFF80];
	v2 =	vand.u32 $0x7FFFFFFF, v2  }
0x4ce: {  	v11 =	vld [tilespmem:s14+$0xFFFFFFB0];
	v2 =	vadd.f32 v2, v4  }
0x4cf: {  	v3 =	vld [tilespmem:s6+$0xFFFFFFE0]  }
0x4d0: {  	v4 =	vld [tilespmem:s18+$0x0];
	v13 =	vmul.f32 $3.333333430e-01, v2  }
0x4d1: {  	v8 =	vld [tilespmem:s5+$0xFFFFFFE0];
	v5 =	vsub.f32 v5, v10;
	v7 =	vsub.f32 v7, v10  }
0x4d2: {  	v9 =	vld [tilespmem:s7+$0xFFFFFFE0];
	[tilespmem:s25+$0x30] =	vst v13  }
0x4d3: {  	v10 =	vsub.f32 v11, v10;
	v5 =	vand.u32 $0x7FFFFFFF, v5;
	v11 =	vld [tilespmem:s30+$0x40];
	v7 =	vand.u32 $0x7FFFFFFF, v7  }
0x4d4: {  	v0 =	vmul.f32 $3.333333430e-01, v0;
	v13 =	vld [tilespmem:s17+$0x40];
	v5 =	vadd.f32 v7, v5  }
0x4d5: {  	v6 =	vld [tilespmem:s4+$0xFFFFFFE0];
	v12 =	vsub.f32 v12, v4;
	v14 =	vsub.f32 v14, v4;
	v7 =	vand.u32 $0x7FFFFFFF, v10  }
0x4d6: {  	v10 =	vld [tilespmem:s28+$0x40];
	v5 =	vadd.f32 v7, v5  }
0x4d7: {  	[tilespmem:s24+$0x60] =	vst v0;
	v4 =	vsub.f32 v15, v4;
	v12 =	vand.u32 $0x7FFFFFFF, v12;
	v14 =	vand.u32 $0x7FFFFFFF, v14;
	v7 =	vld [tilespmem:s14+$0x40]  }
0x4d8: {  	v0 =	vld [tilespmem:s6+$0x70];
	v15 =	vsub.f32 v39, v40;
	v12 =	vadd.f32 v14, v12;
	v5 =	vmul.f32 $3.333333430e-01, v5  }
0x4d9: {  	v46 =	vld [tilespmem:s7+$0x70];
	v4 =	vand.u32 $0x7FFFFFFF, v4;
	v13 =	vsub.f32 v13, v11  }
0x4da: {  	v43 =	vsub.f32 v16, v40;
	v1 =	vld [tilespmem:s5+$0x70];
	v15 =	vand.u32 $0x7FFFFFFF, v15;
	v4 =	vadd.f32 v4, v12;
	[tilespmem:s25+$0xFFFFFFB0] =	vst v5  }
0x4db: {  	v14 =	vsub.f32 v17, v40;
	v10 =	vsub.f32 v10, v11;
	v41 =	vand.u32 $0x7FFFFFFF, v13;
	v5 =	vld [tilespmem:s30+$0xFFFFFFC0]  }
0x4dc: {  	v4 =	vmul.f32 $3.333333430e-01, v4;
	v13 =	vand.u32 $0x7FFFFFFF, v43;
	v7 =	vsub.f32 v7, v11;
	v11 =	vld [tilespmem:s17+$0xFFFFFFC0]  }
0x4dd: {  	s20 =	simm.s32 $0x16F00;
	v10 =	vand.u32 $0x7FFFFFFF, v10;
	v42 =	vld [tilespmem:s28+$0xFFFFFFC0];
	v13 =	vadd.f32 v15, v13  }
0x4de: {  	v14 =	vand.u32 $0x7FFFFFFF, v14;
	v10 =	vadd.f32 v10, v41;
	[tilespmem:s20+$0x0] =	vst v4;
	v4 =	vld [tilespmem:s14+$0xFFFFFFC0]  }
0x4df: {  	v7 =	vand.u32 $0x7FFFFFFF, v7;
	v44 =	vld [tilespmem:s21+$0x10];
	v13 =	vadd.f32 v14, v13  }
0x4e0: {  	v45 =	vld [tilespmem:s22+$0x10];
	v7 =	vadd.f32 v7, v10  }
0x4e1: {  	v10 =	vld [tilespmem:s18+$0x10];
	v48 =	vmul.f32 $3.333333430e-01, v13  }
0x4e2: {  	v2 =	vld [tilespmem:s4+$0x70];
	v7 =	vmul.f32 $3.333333430e-01, v7;
	v11 =	vsub.f32 v11, v5;
	v12 =	vsub.f32 v42, v5  }
0x4e3: {  	v47 =	vld [tilespmem:s23+$0x10];
	[tilespmem:s20+$0xFFFFFF80] =	vst v48  }
0x4e4: {  	v4 =	vsub.f32 v4, v5;
	[tilespmem:s25+$0x40] =	vst v7;
	v7 =	vand.u32 $0x7FFFFFFF, v11;
	v11 =	vand.u32 $0x7FFFFFFF, v12;
	v12 =	vld [tilespmem:s18+$0xFFFFFF90]  }
0x4e5: {  	v8 =	vsub.f32 v8, v3;
	v5 =	vld [tilespmem:s30+$0x50];
	v7 =	vadd.f32 v11, v7  }
0x4e6: {  	v49 =	vld [tilespmem:s17+$0x50];
	v4 =	vand.u32 $0x7FFFFFFF, v4;
	v16 =	vsub.f32 v44, v10;
	v15 =	vsub.f32 v45, v10  }
0x4e7: {  	v6 =	vsub.f32 v6, v3;
	v11 =	vld [tilespmem:s28+$0x50];
	v4 =	vadd.f32 v4, v7  }
0x4e8: {  	v51 =	vld [tilespmem:s21+$0xFFFFFF90];
	v10 =	vsub.f32 v47, v10;
	v50 =	vand.u32 $0x7FFFFFFF, v16;
	v15 =	vand.u32 $0x7FFFFFFF, v15  }
0x4e9: {  	v8 =	vand.u32 $0x7FFFFFFF, v8;
	v7 =	vld [tilespmem:s14+$0x50];
	v14 =	vadd.f32 v15, v50;
	v4 =	vmul.f32 $3.333333430e-01, v4  }
0x4ea: {  	v3 =	vsub.f32 v9, v3;
	v6 =	vand.u32 $0x7FFFFFFF, v6;
	v9 =	vld [tilespmem:s22+$0xFFFFFF90];
	v10 =	vand.u32 $0x7FFFFFFF, v10  }
0x4eb: {  	v6 =	vadd.f32 v6, v8;
	v8 =	vadd.f32 v10, v14;
	v10 =	vld [tilespmem:s23+$0xFFFFFF90];
	[tilespmem:s25+$0xFFFFFFC0] =	vst v4  }
0x4ec: {  	v3 =	vand.u32 $0x7FFFFFFF, v3;
	v11 =	vsub.f32 v11, v5;
	v4 =	vsub.f32 v49, v5;
	v52 =	vld [tilespmem:s30+$0xFFFFFFD0]  }
0x4ed: {  	v3 =	vadd.f32 v3, v6;
	v6 =	vmul.f32 $3.333333430e-01, v8;
	v8 =	vld [tilespmem:s17+$0xFFFFFFD0]  }
0x4ee: {  	v11 =	vand.u32 $0x7FFFFFFF, v11;
	v5 =	vsub.f32 v7, v5;
	v7 =	vld [tilespmem:s28+$0xFFFFFFD0];
	v4 =	vand.u32 $0x7FFFFFFF, v4  }
0x4ef: {  	v3 =	vmul.f32 $3.333333430e-01, v3;
	v4 =	vadd.f32 v11, v4;
	[tilespmem:s20+$0x10] =	vst v6;
	v6 =	vld [tilespmem:s14+$0xFFFFFFD0]  }
0x4f0: {  	v9 =	vsub.f32 v9, v12;
	v11 =	vsub.f32 v51, v12;
	v5 =	vand.u32 $0x7FFFFFFF, v5;
	v53 =	vld [tilespmem:s18+$0x20]  }
0x4f1: {  	[tilespmem:s24+$0xFFFFFFE0] =	vst v3;
	v3 =	vsub.f32 v10, v12;
	v10 =	vld [tilespmem:s22+$0x20];
	v4 =	vadd.f32 v5, v4  }
0x4f2: {  	v5 =	vld [tilespmem:s21+$0x20]  }
0x4f3: {  	v54 =	vld [tilespmem:s6+$0xFFFFFFF0];
	v9 =	vand.u32 $0x7FFFFFFF, v9;
	v11 =	vand.u32 $0x7FFFFFFF, v11;
	v4 =	vmul.f32 $3.333333430e-01, v4  }
0x4f4: {  	v9 =	vadd.f32 v9, v11;
	v8 =	vsub.f32 v8, v52;
	v11 =	vld [tilespmem:s23+$0x20]  }
0x4f5: {  	v56 =	vld [tilespmem:s4+$0xFFFFFFF0];
	v3 =	vand.u32 $0x7FFFFFFF, v3;
	v7 =	vsub.f32 v7, v52;
	[tilespmem:s25+$0x50] =	vst v4  }
0x4f6: {  	v3 =	vadd.f32 v3, v9;
	v8 =	vand.u32 $0x7FFFFFFF, v8;
	v6 =	vsub.f32 v6, v52;
	v9 =	vld [tilespmem:s30+$0x60]  }
0x4f7: {  	v7 =	vand.u32 $0x7FFFFFFF, v7;
	v10 =	vsub.f32 v10, v53;
	v55 =	vld [tilespmem:s17+$0x60];
	v5 =	vsub.f32 v5, v53  }
0x4f8: {  	v7 =	vadd.f32 v7, v8;
	v3 =	vmul.f32 $3.333333430e-01, v3;
	v6 =	vand.u32 $0x7FFFFFFF, v6;
	v8 =	vld [tilespmem:s28+$0x60]  }
0x4f9: {  	v4 =	vld [tilespmem:s5+$0xFFFFFFF0];
	v11 =	vsub.f32 v11, v53;
	v10 =	vand.u32 $0x7FFFFFFF, v10;
	v5 =	vand.u32 $0x7FFFFFFF, v5  }
0x4fa: {  	[tilespmem:s20+$0xFFFFFF90] =	vst v3;
	v3 =	vadd.f32 v6, v7;
	v6 =	vld [tilespmem:s14+$0x60];
	v5 =	vadd.f32 v10, v5  }
0x4fb: {  	v7 =	vld [tilespmem:s18+$0xFFFFFFA0];
	v10 =	vand.u32 $0x7FFFFFFF, v11  }
0x4fc: {  	v1 =	vsub.f32 v1, v0;
	v11 =	vld [tilespmem:s21+$0xFFFFFFA0];
	v3 =	vmul.f32 $3.333333430e-01, v3;
	v5 =	vadd.f32 v10, v5  }
0x4fd: {  	v10 =	vld [tilespmem:s22+$0xFFFFFFA0];
	v13 =	vsub.f32 v55, v9;
	v8 =	vsub.f32 v8, v9  }
0x4fe: {  	v1 =	vand.u32 $0x7FFFFFFF, v1;
	[tilespmem:s25+$0xFFFFFFD0] =	vst v3;
	v3 =	vld [tilespmem:s23+$0xFFFFFFA0]  }
0x4ff: {  	v6 =	vsub.f32 v6, v9;
	v9 =	vld [tilespmem:s30+$0xFFFFFFE0];
	v13 =	vand.u32 $0x7FFFFFFF, v13;
	v8 =	vand.u32 $0x7FFFFFFF, v8  }
0x500: {  	v2 =	vsub.f32 v2, v0;
	v5 =	vmul.f32 $3.333333430e-01, v5;
	v57 =	vld [tilespmem:s17+$0xFFFFFFE0];
	v8 =	vadd.f32 v8, v13  }
0x501: {  	v0 =	vsub.f32 v46, v0;
	v58 =	vld [tilespmem:s28+$0xFFFFFFE0];
	v11 =	vsub.f32 v11, v7;
	v6 =	vand.u32 $0x7FFFFFFF, v6  }
0x502: {  	v2 =	vand.u32 $0x7FFFFFFF, v2;
	[tilespmem:s20+$0x20] =	vst v5;
	v5 =	vsub.f32 v10, v7;
	v6 =	vadd.f32 v6, v8;
	v8 =	vld [tilespmem:s14+$0xFFFFFFE0]  }
0x503: {  	v0 =	vand.u32 $0x7FFFFFFF, v0;
	v1 =	vadd.f32 v2, v1;
	v2 =	vand.u32 $0x7FFFFFFF, v11;
	v10 =	vld [tilespmem:s18+$0x30]  }
0x504: {  	v3 =	vsub.f32 v3, v7;
	v7 =	vld [tilespmem:s21+$0x30];
	v5 =	vand.u32 $0x7FFFFFFF, v5;
	v6 =	vmul.f32 $3.333333430e-01, v6  }
0x505: {  	v0 =	vadd.f32 v0, v1;
	v1 =	vadd.f32 v5, v2;
	v5 =	vld [tilespmem:s22+$0x30]  }
0x506: {  	v11 =	vld [tilespmem:s23+$0x30];
	v59 =	vsub.f32 v58, v9;
	v2 =	vand.u32 $0x7FFFFFFF, v3;
	v3 =	vsub.f32 v57, v9;
	[tilespmem:s25+$0x60] =	vst v6  }
0x507: {  	v60 =	vsub.f32 v56, v54;
	v0 =	vmul.f32 $3.333333430e-01, v0;
	v1 =	vadd.f32 v2, v1;
	v2 =	vld [tilespmem:s30+$0x70]  }
0x508: {  	v3 =	vand.u32 $0x7FFFFFFF, v3;
	v6 =	vsub.f32 v8, v9;
	v8 =	vand.u32 $0x7FFFFFFF, v59;
	v9 =	vld [tilespmem:s17+$0x70]  }
0x509: {  	v61 =	vld [tilespmem:s28+$0x70];
	v3 =	vadd.f32 v8, v3;
	v7 =	vsub.f32 v7, v10;
	v1 =	vmul.f32 $3.333333430e-01, v1  }
0x50a: {  	v62 =	vld [tilespmem:s7+$0xFFFFFFF0];
	v4 =	vsub.f32 v4, v54;
	v6 =	vand.u32 $0x7FFFFFFF, v6;
	v5 =	vsub.f32 v5, v10  }
0x50b: {  	v8 =	vadd.f32 v6, v3;
	v3 =	vld [tilespmem:s14+$0x70];
	v10 =	vsub.f32 v11, v10;
	v11 =	vand.u32 $0x7FFFFFFF, v7;
	[tilespmem:s20+$0xFFFFFFA0] =	vst v1  }
0x50c: {  	v1 =	vand.u32 $0x7FFFFFFF, v4;
	v4 =	vand.u32 $0x7FFFFFFF, v60;
	v6 =	vld [tilespmem:s18+$0xFFFFFFB0];
	v5 =	vand.u32 $0x7FFFFFFF, v5  }
0x50d: {  	v1 =	vadd.f32 v4, v1;
	v7 =	vld [tilespmem:s21+$0xFFFFFFB0];
	v63 =	vmul.f32 $3.333333430e-01, v8;
	v11 =	vadd.f32 v5, v11  }
0x50e: {  	s2 =	simm.s32 $0x11F00;
	s6 =	simm.s32 $0x4;
	[tilespmem:s24+$0x70] =	vst v0;
	v8 =	vld [tilespmem:s22+$0xFFFFFFB0];
	v0 =	vand.u32 $0x7FFFFFFF, v10;
	v4 =	vsub.f32 v9, v2;
	v5 =	vsub.f32 v61, v2  }
0x50f: {  	s7 =	simm.s32 $0x14800;
	s4 =	simm.s32 $0xF700;
	s5 =	simm.s32 $0xCF00;
	v9 =	vld [tilespmem:s23+$0xFFFFFFB0];
	[tilespmem:s25+$0xFFFFFFE0] =	vst v63;
	v10 =	vadd.f32 v0, v11;
	v0 =	vsub.f32 v62, v54  }
.LBB2_10:
0x510: {  	v11 =	vld [tilespmem:s7+$0x0];
	s21 =	sadd.s32 $0x100, s21;
	v4 =	vand.u32 $0x7FFFFFFF, v4;
	v5 =	vand.u32 $0x7FFFFFFF, v5;
	v2 =	vsub.f32 v3, v2  }
0x511: {  	s22 =	sadd.s32 $0x100, s22;
	v3 =	vld [tilespmem:s21+$0x0];
	v10 =	vmul.f32 $3.333333430e-01, v10;
	v4 =	vadd.f32 v5, v4;
	v0 =	vand.u32 $0x7FFFFFFF, v0  }
0x512: {  	s23 =	sadd.s32 $0x100, s23;
	v5 =	vld [tilespmem:s22+$0x0];
	v7 =	vsub.f32 v7, v6;
	v2 =	vand.u32 $0x7FFFFFFF, v2;
	v0 =	vadd.f32 v0, v1  }
0x513: {  	v1 =	vld [tilespmem:s23+$0x0];
	v8 =	vsub.f32 v8, v6;
	[tilespmem:s20+$0x30] =	vst v10;
	v2 =	vadd.f32 v2, v4  }
0x514: {  	v4 =	vand.u32 $0x7FFFFFFF, v7;
	v6 =	vsub.f32 v9, v6;
	v7 =	vld [tilespmem:s18+$0x40];
	v0 =	vmul.f32 $3.333333430e-01, v0  }
0x515: {  	v8 =	vand.u32 $0x7FFFFFFF, v8;
	v9 =	vld [tilespmem:s5+$0x40];
	v2 =	vmul.f32 $3.333333430e-01, v2  }
0x516: {  	v4 =	vadd.f32 v8, v4;
	v6 =	vand.u32 $0x7FFFFFFF, v6;
	v8 =	vld [tilespmem:s4+$0x40];
	[tilespmem:s24+$0xFFFFFFF0] =	vst v0;
	s24 =	smov.u32 s25;
	s25 =	smov.u32 s20  }
0x517: {  	v0 =	vsub.f32 v3, v11;
	v10 =	vld [tilespmem:s21+$0xFFFFFF80];
	v3 =	vsub.f32 v5, v11;
	[tilespmem:s24+$0x70] =	vst v2  }
0x518: {  	v2 =	vadd.f32 v6, v4;
	v4 =	vld [tilespmem:s2+$0x40]  }
0x519: {  	v0 =	vand.u32 $0x7FFFFFFF, v0;
	v1 =	vsub.f32 v1, v11;
	v5 =	vld [tilespmem:s22+$0xFFFFFF80];
	v3 =	vand.u32 $0x7FFFFFFF, v3  }
0x51a: {  	v6 =	vld [tilespmem:s7+$0xFFFFFF80];
	v0 =	vadd.f32 v3, v0;
	v2 =	vmul.f32 $3.333333430e-01, v2  }
0x51b: {  	v1 =	vand.u32 $0x7FFFFFFF, v1;
	v9 =	vsub.f32 v9, v7;
	v3 =	vld [tilespmem:s23+$0xFFFFFF80];
	v8 =	vsub.f32 v8, v7  }
0x51c: {  	v1 =	vadd.f32 v1, v0;
	[tilespmem:s20+$0xFFFFFFB0] =	vst v2;
	v0 =	vld [tilespmem:s30+$0xFFFFFFF0];
	s30 =	smov.u32 s18;
	s18 =	smov.u32 s7  }
0x51d: {  	v9 =	vand.u32 $0x7FFFFFFF, v9;
	v2 =	vld [tilespmem:s30+$0xFFFFFFC0];
	v8 =	vand.u32 $0x7FFFFFFF, v8;
	v4 =	vsub.f32 v4, v7  }
0x51e: {  	v1 =	vmul.f32 $3.333333430e-01, v1;
	v7 =	vld [tilespmem:s5+$0xFFFFFFC0];
	v8 =	vadd.f32 v8, v9  }
0x51f: {  	s20 =	sadd.s32 $0x100, s20;
	v9 =	vsub.f32 v10, v6;
	v5 =	vsub.f32 v5, v6;
	v10 =	vld [tilespmem:s4+$0xFFFFFFC0];
	v4 =	vand.u32 $0x7FFFFFFF, v4  }
0x520: {  	s6 =	sadd.s32 $0x2, s6;
	v3 =	vsub.f32 v3, v6;
	[tilespmem:s20+$0x0] =	vst v1;
	v1 =	vld [tilespmem:s2+$0xFFFFFFC0];
	v4 =	vadd.f32 v4, v8  }
0x521: {  	p1 =	slt.u32 s6, $0x4E;
	v6 =	vand.u32 $0x7FFFFFFF, v9;
	v5 =	vand.u32 $0x7FFFFFFF, v5;
	v8 =	vld [tilespmem:s7+$0x10]  }
0x522: {  	v5 =	vadd.f32 v5, v6;
	v3 =	vand.u32 $0x7FFFFFFF, v3;
	v6 =	vld [tilespmem:s21+$0x10];
	v4 =	vmul.f32 $3.333333430e-01, v4  }
0x523: {  	v9 =	vld [tilespmem:s22+$0x10];
	v7 =	vsub.f32 v7, v2  }
0x524: {  	v3 =	vadd.f32 v3, v5;
	v5 =	vld [tilespmem:s23+$0x10];
	v10 =	vsub.f32 v10, v2;
	[tilespmem:s25+$0x40] =	vst v4  }
0x525: {  	v4 =	vand.u32 $0x7FFFFFFF, v7;
	v1 =	vsub.f32 v1, v2;
	v2 =	vld [tilespmem:s30+$0x50]  }
0x526: {  	v3 =	vmul.f32 $3.333333430e-01, v3;
	v7 =	vand.u32 $0x7FFFFFFF, v10;
	v10 =	vld [tilespmem:s5+$0x50]  }
0x527: {  	v4 =	vadd.f32 v7, v4;
	v1 =	vand.u32 $0x7FFFFFFF, v1;
	v7 =	vld [tilespmem:s4+$0x50]  }
0x528: {  	[tilespmem:s20+$0xFFFFFF80] =	vst v3;
	v3 =	vsub.f32 v6, v8;
	v6 =	vsub.f32 v9, v8;
	v9 =	vld [tilespmem:s17+$0xFFFFFFF0];
	s17 =	smov.u32 s5;
	s5 =	smov.u32 s21  }
0x529: {  	v1 =	vadd.f32 v1, v4;
	v4 =	vld [tilespmem:s2+$0x50]  }
0x52a: {  	v5 =	vsub.f32 v5, v8;
	v11 =	vld [tilespmem:s7+$0xFFFFFF90];
	v3 =	vand.u32 $0x7FFFFFFF, v3;
	v6 =	vand.u32 $0x7FFFFFFF, v6  }
0x52b: {  	v8 =	vld [tilespmem:s21+$0xFFFFFF90];
	v3 =	vadd.f32 v6, v3;
	v1 =	vmul.f32 $3.333333430e-01, v1  }
0x52c: {  	v5 =	vand.u32 $0x7FFFFFFF, v5;
	v10 =	vsub.f32 v10, v2;
	v6 =	vld [tilespmem:s22+$0xFFFFFF90];
	v7 =	vsub.f32 v7, v2  }
0x52d: {  	v12 =	vld [tilespmem:s23+$0xFFFFFF90];
	v3 =	vadd.f32 v5, v3;
	[tilespmem:s25+$0xFFFFFFC0] =	vst v1;
	v1 =	vsub.f32 v9, v0  }
0x52e: {  	v9 =	vand.u32 $0x7FFFFFFF, v10;
	v5 =	vld [tilespmem:s30+$0xFFFFFFD0];
	v7 =	vand.u32 $0x7FFFFFFF, v7;
	v2 =	vsub.f32 v4, v2  }
0x52f: {  	v3 =	vmul.f32 $3.333333430e-01, v3;
	v4 =	vld [tilespmem:s17+$0xFFFFFFD0];
	v7 =	vadd.f32 v7, v9;
	v1 =	vand.u32 $0x7FFFFFFF, v1  }
0x530: {  	v8 =	vsub.f32 v8, v11;
	v9 =	vld [tilespmem:s4+$0xFFFFFFD0];
	v2 =	vand.u32 $0x7FFFFFFF, v2  }
0x531: {  	v6 =	vsub.f32 v6, v11;
	[tilespmem:s20+$0x10] =	vst v3;
	v3 =	vld [tilespmem:s2+$0xFFFFFFD0];
	v2 =	vadd.f32 v2, v7  }
0x532: {  	v7 =	vand.u32 $0x7FFFFFFF, v8;
	v8 =	vsub.f32 v12, v11;
	v10 =	vld [tilespmem:s7+$0x20]  }
0x533: {  	v6 =	vand.u32 $0x7FFFFFFF, v6;
	v11 =	vld [tilespmem:s21+$0x20];
	v2 =	vmul.f32 $3.333333430e-01, v2  }
0x534: {  	v6 =	vadd.f32 v6, v7;
	v7 =	vand.u32 $0x7FFFFFFF, v8;
	v8 =	vld [tilespmem:s22+$0x20];
	v4 =	vsub.f32 v4, v5  }
0x535: {  	v12 =	vld [tilespmem:s23+$0x20];
	v9 =	vsub.f32 v9, v5;
	[tilespmem:s25+$0x50] =	vst v2  }
0x536: {  	v2 =	vadd.f32 v7, v6;
	v4 =	vand.u32 $0x7FFFFFFF, v4;
	v3 =	vsub.f32 v3, v5;
	v5 =	vld [tilespmem:s30+$0x60]  }
0x537: {  	v6 =	vand.u32 $0x7FFFFFFF, v9;
	v7 =	vld [tilespmem:s17+$0x60]  }
0x538: {  	v2 =	vmul.f32 $3.333333430e-01, v2;
	v4 =	vadd.f32 v6, v4;
	v3 =	vand.u32 $0x7FFFFFFF, v3;
	v6 =	vld [tilespmem:s4+$0x60]  }
0x539: {  	v9 =	vsub.f32 v11, v10;
	v8 =	vsub.f32 v8, v10;
	v11 =	vld [tilespmem:s28+$0xFFFFFFF0];
	s28 =	smov.u32 s4;
	s4 =	smov.u32 s22  }
0x53a: {  	[tilespmem:s20+$0xFFFFFF90] =	vst v2;
	v2 =	vadd.f32 v3, v4;
	v3 =	vld [tilespmem:s2+$0x60]  }
0x53b: {  	v9 =	vand.u32 $0x7FFFFFFF, v9;
	v10 =	vsub.f32 v12, v10;
	v4 =	vld [tilespmem:s7+$0xFFFFFFA0];
	v8 =	vand.u32 $0x7FFFFFFF, v8  }
0x53c: {  	v12 =	vld [tilespmem:s21+$0xFFFFFFA0];
	v8 =	vadd.f32 v8, v9;
	v2 =	vmul.f32 $3.333333430e-01, v2  }
0x53d: {  	v10 =	vand.u32 $0x7FFFFFFF, v10;
	v7 =	vsub.f32 v7, v5;
	v9 =	vld [tilespmem:s22+$0xFFFFFFA0];
	v6 =	vsub.f32 v6, v5  }
0x53e: {  	v13 =	vld [tilespmem:s23+$0xFFFFFFA0];
	v8 =	vadd.f32 v10, v8;
	[tilespmem:s25+$0xFFFFFFD0] =	vst v2;
	v2 =	vsub.f32 v11, v0  }
0x53f: {  	v7 =	vand.u32 $0x7FFFFFFF, v7;
	v10 =	vld [tilespmem:s30+$0xFFFFFFE0];
	v6 =	vand.u32 $0x7FFFFFFF, v6;
	v3 =	vsub.f32 v3, v5  }
0x540: {  	v5 =	vmul.f32 $3.333333430e-01, v8;
	v8 =	vld [tilespmem:s17+$0xFFFFFFE0];
	v6 =	vadd.f32 v6, v7;
	v2 =	vand.u32 $0x7FFFFFFF, v2  }
0x541: {  	v7 =	vsub.f32 v12, v4;
	v11 =	vld [tilespmem:s28+$0xFFFFFFE0];
	v3 =	vand.u32 $0x7FFFFFFF, v3;
	v1 =	vadd.f32 v2, v1  }
0x542: {  	v2 =	vsub.f32 v9, v4;
	[tilespmem:s20+$0x20] =	vst v5;
	v5 =	vld [tilespmem:s2+$0xFFFFFFE0];
	v3 =	vadd.f32 v3, v6  }
0x543: {  	v6 =	vand.u32 $0x7FFFFFFF, v7;
	v4 =	vsub.f32 v13, v4;
	v7 =	vld [tilespmem:s7+$0x30]  }
0x544: {  	v2 =	vand.u32 $0x7FFFFFFF, v2;
	v9 =	vld [tilespmem:s21+$0x30];
	v3 =	vmul.f32 $3.333333430e-01, v3  }
0x545: {  	v2 =	vadd.f32 v2, v6;
	v4 =	vand.u32 $0x7FFFFFFF, v4;
	v6 =	vld [tilespmem:s22+$0x30];
	v8 =	vsub.f32 v8, v10  }
0x546: {  	v12 =	vld [tilespmem:s23+$0x30];
	v11 =	vsub.f32 v11, v10;
	[tilespmem:s25+$0x60] =	vst v3  }
0x547: {  	v3 =	vadd.f32 v4, v2;
	v4 =	vand.u32 $0x7FFFFFFF, v8;
	v5 =	vsub.f32 v5, v10;
	v2 =	vld [tilespmem:s30+$0x70]  }
0x548: {  	v8 =	vand.u32 $0x7FFFFFFF, v11;
	v10 =	vld [tilespmem:s17+$0x70]  }
0x549: {  	v3 =	vmul.f32 $3.333333430e-01, v3;
	v4 =	vadd.f32 v8, v4;
	v5 =	vand.u32 $0x7FFFFFFF, v5;
	v11 =	vld [tilespmem:s28+$0x70]  }
0x54a: {  	v8 =	vsub.f32 v9, v7;
	v9 =	vsub.f32 v6, v7;
	v13 =	vld [tilespmem:s14+$0xFFFFFFF0];
	s14 =	smov.u32 s2;
	s2 =	smov.u32 s23  }
.Ltmp6:
0x54b: {  	[tilespmem:s20+$0xFFFFFFA0] =	vst v3;
	v4 =	vadd.f32 v5, v4;
	v3 =	vld [tilespmem:s14+$0x70];
	(pc) =	sbr.rel @p1 .LBB2_10-.Ltmp6, $4  }
0x54c: {  	v5 =	vand.u32 $0x7FFFFFFF, v8;
	v6 =	vld [tilespmem:s7+$0xFFFFFFB0];
	v8 =	vand.u32 $0x7FFFFFFF, v9;
	v9 =	vsub.f32 v12, v7  }
0x54d: {  	v7 =	vld [tilespmem:s21+$0xFFFFFFB0];
	v12 =	vadd.f32 v8, v5;
	v14 =	vmul.f32 $3.333333430e-01, v4  }
0x54e: {  	v4 =	vsub.f32 v10, v2;
	v8 =	vld [tilespmem:s22+$0xFFFFFFB0];
	v15 =	vand.u32 $0x7FFFFFFF, v9;
	v5 =	vsub.f32 v11, v2  }
0x54f: {  	s7 =	sadd.s32 $0x100, s7;
	v9 =	vld [tilespmem:s23+$0xFFFFFFB0];
	v10 =	vadd.f32 v15, v12;
	[tilespmem:s25+$0xFFFFFFE0] =	vst v14;
	v0 =	vsub.f32 v13, v0  }
0x550: {  	_ =	sdelay $0x2  }
0x551: {  	v7 =	vsub.f32 v7, v6;
	v8 =	vsub.f32 v8, v6;
	_ =	sdelay $0x1  }
0x552: {  	v7 =	vand.u32 $0x7FFFFFFF, v7;
	v62 =	vsub.f32 v9, v6;
	v8 =	vand.u32 $0x7FFFFFFF, v8  }
0x553: {  	v10 =	vmul.f32 $3.333333430e-01, v10;
	v7 =	vadd.f32 v8, v7  }
0x554: {  	v6 =	vand.u32 $0x7FFFFFFF, v62  }
0x555: {  	[tilespmem:s20+$0x30] =	vst v10;
	v6 =	vadd.f32 v6, v7  }
0x556: {  	v63 =	vld [tilespmem:s18+$0x40]  }
0x557: {  	v14 =	vld [tilespmem:s5+$0x40];
	v6 =	vmul.f32 $3.333333430e-01, v6  }
0x558: {  	v15 =	vld [tilespmem:s4+$0x40]  }
0x559: {  	v10 =	vld [tilespmem:s2+$0x40];
	[tilespmem:s20+$0xFFFFFFB0] =	vst v6  }
0x55a: {  	v6 =	vld [tilespmem:s18+$0xFFFFFFC0]  }
0x55b: {  	v11 =	vld [tilespmem:s5+$0xFFFFFFC0]  }
0x55c: {  	v12 =	vld [tilespmem:s4+$0xFFFFFFC0]  }
0x55d: {  	v9 =	vsub.f32 v14, v63;
	v7 =	vsub.f32 v15, v63  }
0x55e: {  	v16 =	vld [tilespmem:s2+$0xFFFFFFC0]  }
0x55f: {  	v8 =	vsub.f32 v10, v63;
	v9 =	vand.u32 $0x7FFFFFFF, v9;
	v7 =	vand.u32 $0x7FFFFFFF, v7  }
0x560: {  	v7 =	vadd.f32 v7, v9  }
0x561: {  	v8 =	vand.u32 $0x7FFFFFFF, v8;
	v17 =	vsub.f32 v11, v6;
	v18 =	vsub.f32 v12, v6  }
0x562: {  	v7 =	vadd.f32 v8, v7  }
0x563: {  	v6 =	vsub.f32 v16, v6;
	v8 =	vand.u32 $0x7FFFFFFF, v17;
	v19 =	vand.u32 $0x7FFFFFFF, v18  }
0x564: {  	v7 =	vmul.f32 $3.333333430e-01, v7;
	v20 =	vadd.f32 v19, v8  }
0x565: {  	v6 =	vand.u32 $0x7FFFFFFF, v6  }
0x566: {  	[tilespmem:s20+$0x40] =	vst v7;
	v6 =	vadd.f32 v6, v20  }
0x567: {  	v21 =	vld [tilespmem:s18+$0x50]  }
0x568: {  	v22 =	vld [tilespmem:s5+$0x50];
	v6 =	vmul.f32 $3.333333430e-01, v6  }
0x569: {  	v23 =	vld [tilespmem:s4+$0x50]  }
0x56a: {  	v24 =	vld [tilespmem:s2+$0x50];
	[tilespmem:s20+$0xFFFFFFC0] =	vst v6  }
0x56b: {  	v6 =	vld [tilespmem:s18+$0xFFFFFFD0]  }
0x56c: {  	v25 =	vld [tilespmem:s5+$0xFFFFFFD0]  }
0x56d: {  	v26 =	vld [tilespmem:s4+$0xFFFFFFD0]  }
0x56e: {  	v9 =	vsub.f32 v22, v21;
	v7 =	vsub.f32 v23, v21  }
0x56f: {  	v27 =	vld [tilespmem:s2+$0xFFFFFFD0]  }
0x570: {  	v8 =	vsub.f32 v24, v21;
	v9 =	vand.u32 $0x7FFFFFFF, v9;
	v7 =	vand.u32 $0x7FFFFFFF, v7  }
0x571: {  	v7 =	vadd.f32 v7, v9  }
0x572: {  	v8 =	vand.u32 $0x7FFFFFFF, v8;
	v28 =	vsub.f32 v25, v6;
	v29 =	vsub.f32 v26, v6  }
0x573: {  	v7 =	vadd.f32 v8, v7  }
0x574: {  	v6 =	vsub.f32 v27, v6;
	v8 =	vand.u32 $0x7FFFFFFF, v28;
	v30 =	vand.u32 $0x7FFFFFFF, v29  }
0x575: {  	v7 =	vmul.f32 $3.333333430e-01, v7;
	v31 =	vadd.f32 v30, v8  }
0x576: {  	v6 =	vand.u32 $0x7FFFFFFF, v6  }
0x577: {  	[tilespmem:s20+$0x50] =	vst v7;
	v6 =	vadd.f32 v6, v31  }
0x578: {  	v32 =	vld [tilespmem:s18+$0x60]  }
0x579: {  	v33 =	vld [tilespmem:s5+$0x60];
	v6 =	vmul.f32 $3.333333430e-01, v6  }
0x57a: {  	v34 =	vld [tilespmem:s4+$0x60]  }
0x57b: {  	v35 =	vld [tilespmem:s2+$0x60];
	[tilespmem:s20+$0xFFFFFFD0] =	vst v6  }
0x57c: {  	v6 =	vld [tilespmem:s18+$0xFFFFFFE0]  }
0x57d: {  	v36 =	vld [tilespmem:s5+$0xFFFFFFE0]  }
0x57e: {  	v37 =	vld [tilespmem:s4+$0xFFFFFFE0]  }
0x57f: {  	v9 =	vsub.f32 v33, v32;
	v7 =	vsub.f32 v34, v32  }
0x580: {  	v38 =	vld [tilespmem:s2+$0xFFFFFFE0]  }
0x581: {  	v8 =	vsub.f32 v35, v32;
	v9 =	vand.u32 $0x7FFFFFFF, v9;
	v7 =	vand.u32 $0x7FFFFFFF, v7  }
0x582: {  	v7 =	vadd.f32 v7, v9  }
0x583: {  	v8 =	vand.u32 $0x7FFFFFFF, v8;
	v39 =	vsub.f32 v36, v6;
	v40 =	vsub.f32 v37, v6  }
0x584: {  	v7 =	vadd.f32 v8, v7  }
0x585: {  	v6 =	vsub.f32 v38, v6;
	v8 =	vand.u32 $0x7FFFFFFF, v39;
	v42 =	vand.u32 $0x7FFFFFFF, v40  }
0x586: {  	v41 =	vld [tilespmem:s30+$0xFFFFFFF0];
	v8 =	vadd.f32 v42, v8  }
0x587: {  	v43 =	vld [tilespmem:s17+$0xFFFFFFF0];
	v7 =	vmul.f32 $3.333333430e-01, v7;
	v6 =	vand.u32 $0x7FFFFFFF, v6  }
0x588: {  	v44 =	vld [tilespmem:s28+$0xFFFFFFF0];
	v6 =	vadd.f32 v6, v8  }
0x589: {  	v13 =	vld [tilespmem:s14+$0xFFFFFFF0];
	[tilespmem:s20+$0x60] =	vst v7  }
0x58a: {  	v7 =	vld [tilespmem:s18+$0x70];
	v6 =	vmul.f32 $3.333333430e-01, v6  }
0x58b: {  	v45 =	vld [tilespmem:s5+$0x70]  }
0x58c: {  	v46 =	vld [tilespmem:s4+$0x70];
	[tilespmem:s20+$0xFFFFFFE0] =	vst v6  }
0x58d: {  	v4 =	vand.u32 $0x7FFFFFFF, v4;
	v47 =	vld [tilespmem:s18+$0xFFFFFFF0]  }
0x58e: {  	v5 =	vand.u32 $0x7FFFFFFF, v5;
	v2 =	vsub.f32 v3, v2;
	v0 =	vand.u32 $0x7FFFFFFF, v0;
	v48 =	vld [tilespmem:s5+$0xFFFFFFF0]  }
0x58f: {  	v4 =	vadd.f32 v5, v4;
	v0 =	vadd.f32 v0, v1;
	v50 =	vld [tilespmem:s4+$0xFFFFFFF0]  }
0x590: {  	v2 =	vand.u32 $0x7FFFFFFF, v2;
	v49 =	vsub.f32 v43, v41;
	v9 =	vsub.f32 v44, v41;
	v14 =	vld [tilespmem:s2+$0x70]  }
0x591: {  	v51 =	vadd.f32 v2, v4;
	v0 =	vmul.f32 $3.333333430e-01, v0;
	v56 =	vsub.f32 v46, v7;
	v55 =	vld [tilespmem:s2+$0xFFFFFFF0]  }
0x592: {  	v52 =	vand.u32 $0x7FFFFFFF, v49;
	v53 =	vand.u32 $0x7FFFFFFF, v9;
	v54 =	vsub.f32 v45, v7  }
0x593: {  	v57 =	vsub.f32 v13, v41;
	v2 =	vadd.f32 v53, v52;
	v4 =	vand.u32 $0x7FFFFFFF, v56  }
0x594: {  	v6 =	vand.u32 $0x7FFFFFFF, v54;
	v5 =	vsub.f32 v48, v47;
	v10 =	vsub.f32 v50, v47  }
0x595: {  	v58 =	vand.u32 $0x7FFFFFFF, v57;
	v7 =	vsub.f32 v14, v7;
	v4 =	vadd.f32 v4, v6  }
0x596: {  	v3 =	vsub.f32 v55, v47;
	v5 =	vand.u32 $0x7FFFFFFF, v5;
	v59 =	vand.u32 $0x7FFFFFFF, v10  }
0x597: {  	v2 =	vadd.f32 v58, v2;
	v7 =	vand.u32 $0x7FFFFFFF, v7;
	v5 =	vadd.f32 v59, v5  }
0x598: {  	v1 =	vmul.f32 $3.333333430e-01, v51;
	v4 =	vadd.f32 v7, v4;
	v3 =	vand.u32 $0x7FFFFFFF, v3  }
0x599: {  	[tilespmem:s24+$0xFFFFFFF0] =	vst v0;
	v60 =	vmul.f32 $3.333333430e-01, v2;
	v61 =	vadd.f32 v3, v5  }
0x59a: {  	[tilespmem:s25+$0x70] =	vst v1;
	v62 =	vmul.f32 $3.333333430e-01, v4  }
.Ltmp7:
0x59b: {  	[tilespmem:s25+$0xFFFFFFF0] =	vst v60;
	v63 =	vmul.f32 $3.333333430e-01, v61;
	(pc) =	sbr.rel .LBB2_12-.Ltmp7, $4  }
0x59c: {  	[tilespmem:s20+$0x70] =	vst v62  }
0x59d: {  	s30 =	simm.s32 $0x16C80;
	[tilespmem:s20+$0xFFFFFFF0] =	vst v63  }
0x59e: {  	s2 =	simm.s32 $0x4;
	s4 =	simm.s32 $0x3;
	s28 =	rddreg [dreg:$0xa]  }
0x59f: {  	[hbm4b:s28+s3] =	stream.linear.scatter [tilespmem:s30], [sflag:$0x4], $0x2800, $0x38;
	[tilespmem:$0x19480] =	vst v63  }
.LBB2_13:
0x5a0: {  	_ =	sfence.sel $0x180000  }
0x5a1: {  	[bflag:$0x0] =	sbarrier.arrive $0xFFFF  }
0x5a2: {  	_ =	strace $0x90000047  }
0x5a3: {  	s0 =	stileid.u32;
	[bflag:$0x2] =	sbarrier.arrive $0xFFFF  }
0x5a4: {  	p0 =	sne.s32 s0, $0x0;
	s0 =	rddreg [dreg:$0x5]  }
0x5a5: {  	s0 =	sadd.s32 @!p0 $0x100000, s0  }
0x5a6: {  	[sflag:s0] =	ssyncadd.tile.s32 @!p0 $0x1;
	_ =	shalt  }
.Lfunc_end2:
_tile_overlayer_lowered:
.L_overlay_start_2:
0x5a7: {  	(tag) =	ssettag $0x2  }
0x5a8: {  	s0 =	rddreg [dreg:$0x0];
	s2 =	stileid.u32  }
0x5a9: {  	s1 =	rddreg [dreg:$0x1];
	p0 =	sne.s32 s2, $0x0  }
0x5aa: {  	s3 =	rddreg [dreg:$0x2];
	[bflag:$0x3] =	sbarrier.arrive $0xFFFF;
	s2 =	simm.s32 @!p0 $0x1C05  }
0x5ab: {  	[timem:s3], [sflag:s2] =	dma.local @!p0 [hbm:s0], s1  }
0x5ac: {  	s0 =	simm.s32 @!p0 $0x5  }
0x5ad: {  	_ =	swait.ge @!p0 [sflag:s0], s1  }
0x5ae: {  	s1 =	ssub.s32 @!p0 $0x0, s1;
	[sflag:s0] =	ssyncset.done @!p0 $0x0  }
0x5af: {  	[sflag:s0] =	ssyncadd.s32 @!p0 s1  }
0x5b0: {  	[bflag:$0x3] =	sbarrier.arrive $0xFFFF  }
0x5b1: {  	_ =	shalt  }

</sc_bundles>
